<compile_context>
chip_gen: v7x
topology: tpu7x:2x2x1
jax: 0.10.2.dev20260603
libtpu: 0.0.44.dev20260713+nightly
codegen_flags: <defaults>
</compile_context>

<pallas_src>
import functools

import jax
import jax.numpy as jnp
from jax import lax
from jax.experimental import pallas as pl
from jax.experimental.pallas import tpu as pltpu
from jax.experimental.pallas import tpu_sc as plsc

_NC = 2
_NS = 16


def _lrelu(v):
    return jnp.where(v >= 0, v, 0.2 * v)


def _proj_body(x_ref, p4_ref, wd_ref, ws_ref, t_ref):
    x = x_ref[...]
    p4 = p4_ref[...]
    nb = x.shape[0]
    t_ref[...] = jnp.concatenate(
        [jnp.dot(x, wd_ref[...], preferred_element_type=jnp.float32),
         jnp.dot(x, ws_ref[...], preferred_element_type=jnp.float32),
         p4, jnp.zeros((nb, 60), jnp.float32)], axis=1)


def _node_table(x, pos4, wd, ws, nb):
    n, d = x.shape
    h = wd.shape[1]
    return pl.pallas_call(
        _proj_body,
        grid=(n // nb,),
        in_specs=[
            pl.BlockSpec((nb, d), lambda i: (i, 0)),
            pl.BlockSpec((nb, 4), lambda i: (i, 0)),
            pl.BlockSpec((d, h), lambda i: (0, 0)),
            pl.BlockSpec((d, h), lambda i: (0, 0)),
        ],
        out_specs=pl.BlockSpec((nb, 128), lambda i: (i, 0)),
        out_shape=jax.ShapeDtypeStruct((n, 128), jnp.float32),
    )(x, pos4, wd, ws)


def _sc_gather(tbl, src, dst, lo, hi):
    e = hi - lo
    k = 40
    per_w = e // (_NC * _NS)
    chunks = per_w // k
    mesh = plsc.VectorSubcoreMesh(
        core_axis_name="c", subcore_axis_name="s",
        num_cores=_NC, num_subcores=_NS)

    nbuf = 3
    nob = 2

    @functools.partial(
        pl.kernel,
        out_type=jax.ShapeDtypeStruct((e, 128), jnp.float32),
        mesh=mesh,
        scratch_types=[
            pltpu.VMEM((nbuf, k), jnp.int32),
            pltpu.VMEM((nbuf, k), jnp.int32),
            pltpu.VMEM((nbuf, k, 128), jnp.float32),
            pltpu.VMEM((nbuf, k, 128), jnp.float32),
            pltpu.VMEM((nob, k, 128), jnp.float32),
            pltpu.SemaphoreType.DMA((nbuf,)),
            pltpu.SemaphoreType.DMA((nbuf,)),
            pltpu.SemaphoreType.DMA((nob,)),
        ],
    )
    def kern(tbl_hbm, src_hbm, dst_hbm, out_hbm,
             isrc, idst, bufd, bufs, bufo, isem, gsem, osem):
        wid = lax.axis_index("s") * _NC + lax.axis_index("c")
        base = lo + wid * per_w
        zero = jnp.zeros((16,), jnp.float32)

        def zrow(r, carry):
            for b in range(nob):
                for cc in range(5):
                    bufo[b, r, pl.ds(48 + cc * 16, 16)] = zero
            return carry

        lax.fori_loop(0, k, zrow, 0)

        def fetch_idx(j):
            p = lax.rem(j, nbuf)
            off = base + j * k
            pltpu.async_copy(dst_hbm.at[pl.ds(off, k)], idst.at[p],
                             isem.at[p])
            pltpu.async_copy(src_hbm.at[pl.ds(off, k)], isrc.at[p],
                             isem.at[p])

        def wait_idx(j):
            p = lax.rem(j, nbuf)
            pltpu.make_async_copy(dst_hbm.at[pl.ds(0, k)], idst.at[p],
                                  isem.at[p]).wait()
            pltpu.make_async_copy(src_hbm.at[pl.ds(0, k)], isrc.at[p],
                                  isem.at[p]).wait()

        def gathers(j):
            p = lax.rem(j, nbuf)
            pltpu.async_copy(tbl_hbm.at[idst.at[p]], bufd.at[p], gsem.at[p])
            pltpu.async_copy(tbl_hbm.at[isrc.at[p]], bufs.at[p], gsem.at[p])

        def wait_gathers(j):
            p = lax.rem(j, nbuf)
            pltpu.make_async_copy(tbl_hbm.at[idst.at[p]], bufd.at[p],
                                  gsem.at[p]).wait()
            pltpu.make_async_copy(tbl_hbm.at[isrc.at[p]], bufs.at[p],
                                  gsem.at[p]).wait()

        def wait_wo(j):
            po = lax.rem(j, nob)
            pltpu.make_async_copy(bufo.at[po], out_hbm.at[pl.ds(0, k)],
                                  osem.at[po]).wait()

        fetch_idx(0)
        fetch_idx(1)
        wait_idx(0)
        gathers(0)

        def body(j, carry):
            p = lax.rem(j, nbuf)
            po = lax.rem(j, nob)

            @pl.when(j + 2 < chunks)
            def _():
                fetch_idx(j + 2)

            @pl.when(j + 1 < chunks)
            def _():
                wait_idx(j + 1)
                gathers(j + 1)

            wait_gathers(j)

            @pl.when(j >= nob)
            def _():
                wait_wo(j - nob)

            def row(rr, c2):
                for u in range(4):
                    r = rr * 4 + u
                    bufo[po, r, pl.ds(0, 16)] = (bufd[p, r, pl.ds(0, 16)]
                                                 + bufs[p, r, pl.ds(32, 16)])
                    bufo[po, r, pl.ds(16, 16)] = (bufd[p, r, pl.ds(16, 16)]
                                                  + bufs[p, r, pl.ds(48, 16)])
                    bufo[po, r, pl.ds(32, 16)] = (bufd[p, r, pl.ds(64, 16)]
                                                  - bufs[p, r, pl.ds(64, 16)])
                return c2

            lax.fori_loop(0, k // 4, row, 0)
            off_out = base - lo + j * k
            pltpu.async_copy(bufo.at[po], out_hbm.at[pl.ds(off_out, k)],
                             osem.at[po])
            return carry

        lax.fori_loop(0, chunks, body, 0)
        wait_wo(chunks - 2)
        wait_wo(chunks - 1)

    return kern(tbl, src, dst)


def _edge_body(gp_ref, ea_ref, wsm_ref, wea_ref, b0_ref, w1_ref,
               b1_ref, w2_ref, b2_ref, cw_ref, cb_ref, offs_ref, s_ref,
               ones4_ref, w0b_ref, oh4_ref, out_ref):
    gp = gp_ref[...]
    d4 = gp[:, 32:36]
    dd32 = jnp.dot(d4 * d4, ones4_ref[...],
                   preferred_element_type=jnp.float32)
    dist32 = dd32 * lax.rsqrt(dd32 + 1e-30)
    s = s_ref[0, 0]
    t = dist32 * s - offs_ref[...]
    sm = jnp.exp(-(t * t))
    pre0 = (gp[:, :32]
            + jnp.dot(sm, wsm_ref[...], preferred_element_type=jnp.float32)
            + jnp.dot(ea_ref[...], wea_ref[...], preferred_element_type=jnp.float32)
            + b0_ref[...])
    h1 = _lrelu(pre0)
    h2 = _lrelu(jnp.dot(h1, w1_ref[...], preferred_element_type=jnp.float32)
                + b1_ref[...])
    z = jnp.dot(h2, w2_ref[...], preferred_element_type=jnp.float32) + b2_ref[...]
    msg = _lrelu(z)
    m32 = jnp.dot(msg, w0b_ref[...], preferred_element_type=jnp.float32)
    ew = jnp.dot(msg, cw_ref[...], preferred_element_type=jnp.float32) \
        + cb_ref[0, 0]
    q = ew / (dist32[:, 0:1] + 1e-6)
    out_ref[:, 0:32] = m32
    out_ref[:, 32:36] = d4 * q + oh4_ref[...]


def _edge_mlp(gp, ea, wsm, wea, b0, w1, b1, w2, b2, cw, cb, offs, s,
              ones4, w0b, oh4, eb):
    e = gp.shape[0]
    de = ea.shape[1]
    g = offs.shape[1]
    dout = w2.shape[1]
    const = lambda i: (0, 0)
    return pl.pallas_call(
        _edge_body,
        grid=(e // eb,),
        in_specs=[
            pl.BlockSpec((eb, 128), lambda i: (i, 0)),
            pl.BlockSpec((eb, de), lambda i: (i, 0)),
            pl.BlockSpec((g, 32), const),
            pl.BlockSpec((de, 32), const),
            pl.BlockSpec((1, 32), const),
            pl.BlockSpec((32, 32), const),
            pl.BlockSpec((1, 32), const),
            pl.BlockSpec((32, dout), const),
            pl.BlockSpec((1, dout), const),
            pl.BlockSpec((dout, 1), const),
            pl.BlockSpec((1, 1), const),
            pl.BlockSpec((1, g), const),
            pl.BlockSpec((1, 1), const),
            pl.BlockSpec((4, g), const),
            pl.BlockSpec((dout, 32), const),
            pl.BlockSpec((1, 4), const),
        ],
        out_specs=pl.BlockSpec((eb, 128), lambda i: (i, 0)),
        out_shape=jax.ShapeDtypeStruct((e, 128), jnp.float32),
    )(gp, ea, wsm, wea, b0, w1, b1, w2, b2, cw, cb, offs, s, ones4, w0b, oh4)


def _sc_scatter(rows0_in, rows1_in, dst, n):
    half = rows0_in.shape[0]
    e = 2 * half
    k = 80
    per_w = e // (_NC * _NS)
    chunks = per_w // k
    zrows = 80
    nblk = n // zrows
    mesh = plsc.VectorSubcoreMesh(
        core_axis_name="c", subcore_axis_name="s",
        num_cores=_NC, num_subcores=_NS)

    nbuf = 3

    @functools.partial(
        pl.kernel,
        out_type=jax.ShapeDtypeStruct((_NC, n, 128), jnp.float32),
        mesh=mesh,
        scratch_types=[
            pltpu.VMEM((nbuf, k), jnp.int32),
            pltpu.VMEM((nbuf, k, 128), jnp.float32),
            pltpu.VMEM((zrows, 128), jnp.float32),
            pltpu.VMEM_SHARED((n, 128), jnp.float32),
            pltpu.SemaphoreType.DMA((nbuf,)),
            pltpu.SemaphoreType.DMA((nbuf,)),
        ],
    )
    def kern(rows0_hbm, rows1_hbm, dst_hbm, out_hbm, idx, rows, zbuf, acc,
             fsem, ssem):
        c = lax.axis_index("c")
        s = lax.axis_index("s")
        wid = s * _NC + c
        zero = jnp.zeros((16,), jnp.float32)

        def zr(r, carry):
            for cc in range(8):
                zbuf[r, pl.ds(cc * 16, 16)] = zero
            return carry

        lax.fori_loop(0, zrows, zr, 0)

        def zc(i, carry):
            blk = i * _NS + s

            @pl.when(blk < nblk)
            def _():
                pltpu.sync_copy(zbuf, acc.at[pl.ds(blk * zrows, zrows)])

            return carry

        lax.fori_loop(0, (nblk + _NS - 1) // _NS, zc, 0)
        plsc.subcore_barrier()

        base = wid * per_w

        lo_half = wid < _NS

        def fetch(j):
            p = lax.rem(j, nbuf)
            off = base + j * k
            pltpu.async_copy(dst_hbm.at[pl.ds(off, k)], idx.at[p], fsem.at[p])

            @pl.when(lo_half)
            def _():
                pltpu.async_copy(rows0_hbm.at[pl.ds(off, k)], rows.at[p],
                                 fsem.at[p])

            @pl.when(jnp.logical_not(lo_half))
            def _():
                pltpu.async_copy(rows1_hbm.at[pl.ds(off - half, k)],
                                 rows.at[p], fsem.at[p])

        def wait_fetch(j):
            p = lax.rem(j, nbuf)
            pltpu.make_async_copy(dst_hbm.at[pl.ds(0, k)], idx.at[p],
                                  fsem.at[p]).wait()
            pltpu.make_async_copy(rows0_hbm.at[pl.ds(0, k)], rows.at[p],
                                  fsem.at[p]).wait()

        def scat(j):
            p = lax.rem(j, nbuf)
            pltpu.async_copy(rows.at[p], acc.at[idx.at[p]], ssem.at[p],
                             add=True)

        def wait_scat(j):
            p = lax.rem(j, nbuf)
            pltpu.make_async_copy(rows.at[p], acc.at[idx.at[p]],
                                  ssem.at[p]).wait()

        fetch(0)
        fetch(1)

        def body(j, carry):
            @pl.when(j >= 1)
            def _():
                wait_scat(j - 1)

            @pl.when(j + 2 < chunks)
            def _():
                fetch(j + 2)

            wait_fetch(j)
            scat(j)
            return carry

        lax.fori_loop(0, chunks, body, 0)
        wait_scat(chunks - 1)
        plsc.subcore_barrier()

        def wb(i, carry):
            blk = i * _NS + s

            @pl.when(blk < nblk)
            def _():
                pltpu.sync_copy(acc.at[pl.ds(blk * zrows, zrows)],
                                out_hbm.at[c].at[pl.ds(blk * zrows, zrows)])

            return carry

        lax.fori_loop(0, (nblk + _NS - 1) // _NS, wb, 0)

    return kern(rows0_in, rows1_in, dst)


def _final_body(x_ref, pm_ref, w0a_ref, b0_ref, w1_ref,
                b1_ref, w2_ref, b2_ref, wo_ref, bo_ref, xu_ref, pu_ref):
    agg = pm_ref[0] + pm_ref[1]
    m32 = agg[:, 0:32]
    num = agg[:, 32:35]
    cnt = agg[:, 35:36]
    pu_ref[...] = num / jnp.maximum(cnt, 1.0)
    h = _lrelu(jnp.dot(x_ref[...], w0a_ref[...], preferred_element_type=jnp.float32)
               + m32 + b0_ref[...])
    h = _lrelu(jnp.dot(h, w1_ref[...], preferred_element_type=jnp.float32)
               + b1_ref[...])
    h = _lrelu(jnp.dot(h, w2_ref[...], preferred_element_type=jnp.float32)
               + b2_ref[...])
    xu_ref[...] = (jnp.dot(h, wo_ref[...], preferred_element_type=jnp.float32)
                   + bo_ref[...])


def _node_update(x, pm, w0a, b0, w1, b1, w2, b2, wo, bo, nb):
    n, d = x.shape
    hh = w0a.shape[1]
    const = lambda i: (0, 0)
    return pl.pallas_call(
        _final_body,
        grid=(n // nb,),
        in_specs=[
            pl.BlockSpec((nb, d), lambda i: (i, 0)),
            pl.BlockSpec((2, nb, 128), lambda i: (0, i, 0)),
            pl.BlockSpec((d, hh), const),
            pl.BlockSpec((1, hh), const),
            pl.BlockSpec((hh, hh), const),
            pl.BlockSpec((1, hh), const),
            pl.BlockSpec((hh, d), const),
            pl.BlockSpec((1, d), const),
            pl.BlockSpec((d, d), const),
            pl.BlockSpec((1, d), const),
        ],
        out_specs=[
            pl.BlockSpec((nb, d), lambda i: (i, 0)),
            pl.BlockSpec((nb, 3), lambda i: (i, 0)),
        ],
        out_shape=[
            jax.ShapeDtypeStruct((n, d), jnp.float32),
            jax.ShapeDtypeStruct((n, 3), jnp.float32),
        ],
    )(x, pm, w0a, b0, w1, b1, w2, b2, wo, bo)


def kernel(x, pos, edge_index, batch, edge_attr, msg_W0, msg_b0, msg_W1,
           msg_b1, msg_W2, msg_b2, coord_W, coord_b, node_W0, node_b0,
           node_W1, node_b1, node_W2, node_b2, out_W, out_b):
    n, d = x.shape
    g = msg_W0.shape[0] - 2 * d - edge_attr.shape[1]
    src = edge_index[0]
    dst = edge_index[1]

    pos4 = jnp.pad(pos, ((0, 0), (0, 1)))
    tbl = _node_table(x, pos4, msg_W0[:d], msg_W0[d:2 * d], nb=2000)

    e = edge_index.shape[1]
    half = e // 2
    gp0 = _sc_gather(tbl, src, dst, 0, half)
    gp1 = _sc_gather(tbl, src, dst, half, e)

    step = 16.0 / (g - 1)
    s = (0.5 ** 0.5) / step
    offs = (jnp.linspace(0.0, 16.0, g) * s).reshape(1, g).astype(jnp.float32)
    s_arr = jnp.full((1, 1), s, jnp.float32)

    ones4 = jnp.ones((4, g), jnp.float32)
    oh4 = jnp.array([[0.0, 0.0, 0.0, 1.0]], jnp.float32)

    def mlp_half(gp_i, ea_i):
        return _edge_mlp(
            gp_i, ea_i,
            msg_W0[2 * d:2 * d + g], msg_W0[2 * d + g:], msg_b0.reshape(1, -1),
            msg_W1, msg_b1.reshape(1, -1), msg_W2, msg_b2.reshape(1, -1),
            coord_W.reshape(d, 1), coord_b.reshape(1, 1), offs, s_arr,
            ones4, node_W0[d:], oh4, eb=8000)

    packed0 = mlp_half(gp0, edge_attr[:half])
    packed1 = mlp_half(gp1, edge_attr[half:])

    pm = _sc_scatter(packed0, packed1, dst, n)

    x_update, pos_update = _node_update(
        x, pm, node_W0[:d], node_b0.reshape(1, -1),
        node_W1, node_b1.reshape(1, -1), node_W2, node_b2.reshape(1, -1),
        out_W, out_b.reshape(1, -1), nb=2000)
    return (x_update, pos_update)

# --- scband reference (transcript-rebuilt; emitter-appended) ---
"""Pipeline reference for scband-egnn-2946347565279 (READ-ONLY COPY).

The authoritative reference and input builder live on the scoring server;
editing this copy changes nothing except your own understanding.
"""

import jax, jax.numpy as jnp
import numpy as np

N = 10000
E = 320000
D = 128
DE = 16
H = 32
G = 32

def _lin_init(key, i, o):
    k1, k2 = jax.random.split(key)
    W = jax.random.normal(k1, (i, o), jnp.float32) * (1.0 / np.sqrt(i))
    b = jax.random.normal(k2, (o,), jnp.float32) * 0.01
    return W, b

def setup_inputs(seed: int = 0):
    key = jax.random.key(seed)
    ks = jax.random.split(key, 12)
    x = jax.random.normal(ks[0], (N, D), jnp.float32)
    pos = jax.random.normal(ks[1], (N, 3), jnp.float32)
    edge_index = jax.random.randint(ks[2], (2, E), 0, N, dtype=jnp.int32)
    batch = jnp.zeros((N,), jnp.int32)
    edge_attr = jax.random.normal(ks[3], (E, DE), jnp.float32)
    msg_in = D + D + G + DE
    msg_W0, msg_b0 = _lin_init(ks[4], msg_in, H)
    msg_W1, msg_b1 = _lin_init(ks[5], H, H)
    msg_W2, msg_b2 = _lin_init(ks[6], H, D)
    coord_W, coord_b = _lin_init(ks[7], D, 1)
    node_W0, node_b0 = _lin_init(ks[8], D + D, H)
    node_W1, node_b1 = _lin_init(ks[9], H, H)
    node_W2, node_b2 = _lin_init(ks[10], H, D)
    out_W, out_b = _lin_init(ks[11], D, D)
    return {"x": x, "pos": pos, "edge_index": edge_index, "batch": batch, "edge_attr": edge_attr,
            "msg_W0": msg_W0, "msg_b0": msg_b0, "msg_W1": msg_W1, "msg_b1": msg_b1,
            "msg_W2": msg_W2, "msg_b2": msg_b2, "coord_W": coord_W, "coord_b": coord_b,
            "node_W0": node_W0, "node_b0": node_b0, "node_W1": node_W1, "node_b1": node_b1,
            "node_W2": node_W2, "node_b2": node_b2, "out_W": out_W, "out_b": out_b}

def _lrelu(v):
    return jax.nn.leaky_relu(v, 0.2)

def _mlp(v, W0, b0, W1, b1, W2, b2):
    v = _lrelu(v @ W0 + b0)
    v = _lrelu(v @ W1 + b1)
    v = _lrelu(v @ W2 + b2)
    return v

def _smear(dist):
    offset = jnp.linspace(0.0, 16.0, G)
    step = 16.0 / (G - 1)
    coeff = -0.5 / step ** 2
    d = dist[:, None] - offset[None, :]
    return jnp.exp(coeff * d * d)

def reference(x, pos, edge_index, batch, edge_attr, msg_W0, msg_b0, msg_W1, msg_b1, msg_W2, msg_b2, coord_W, coord_b, node_W0, node_b0, node_W1, node_b1, node_W2, node_b2, out_W, out_b):
    src = edge_index[0]
    dst = edge_index[1]
    diff = pos[dst] - pos[src]
    dist = jnp.linalg.norm(diff, axis=-1)
    feat = jnp.concatenate([x[dst], x[src], _smear(dist), edge_attr], axis=-1)
    messages = _mlp(feat, msg_W0, msg_b0, msg_W1, msg_b1, msg_W2, msg_b2)
    messages_agg = jax.ops.segment_sum(messages, dst, num_segments=x.shape[0])
    vec = diff / (jnp.linalg.norm(diff, axis=-1, keepdims=True) + 1e-06)
    ew = messages @ coord_W + coord_b
    num = jax.ops.segment_sum(vec * ew, dst, num_segments=x.shape[0])
    cnt = jax.ops.segment_sum(jnp.ones((vec.shape[0], 1), jnp.float32), dst, num_segments=x.shape[0])
    pos_update = num / jnp.maximum(cnt, 1.0)
    h = _mlp(jnp.concatenate([x, messages_agg], axis=-1), node_W0, node_b0, node_W1, node_b1, node_W2, node_b2)
    x_update = h @ out_W + out_b
    return (x_update, pos_update)

if __name__ == "__main__":
    import jax
    _d = setup_inputs()
    print(jax.jit(kernel)(*tuple(_d.values())))

</pallas_src>

<mosaic_0001>
#map = affine_map<(d0, d1) -> (0, 0)>
#map1 = affine_map<(d0, d1) -> (0)>
module attributes {stable_mosaic.version = 14 : i64} {
  func.func @kern(%arg0: i32, %arg1: i32, %arg2: memref<10000x128xf32, #tpu.memory_space<hbm>>, %arg3: memref<320000xi32, #tpu.memory_space<hbm>>, %arg4: memref<320000xi32, #tpu.memory_space<hbm>>, %arg5: memref<160000x128xf32, #tpu.memory_space<hbm>>, %arg6: memref<3x40xi32, #tpu.memory_space<vmem>>, %arg7: memref<3x40xi32, #tpu.memory_space<vmem>>, %arg8: memref<3x40x128xf32, #tpu.memory_space<vmem>>, %arg9: memref<3x40x128xf32, #tpu.memory_space<vmem>>, %arg10: memref<2x40x128xf32, #tpu.memory_space<vmem>>, %arg11: memref<3x!tpu.dma_semaphore, #tpu.memory_space<semaphore_mem>>, %arg12: memref<3x!tpu.dma_semaphore, #tpu.memory_space<semaphore_mem>>, %arg13: memref<2x!tpu.dma_semaphore, #tpu.memory_space<semaphore_mem>>) attributes {dimension_semantics = [#tpu.dimension_semantics<core_parallel>, #tpu.dimension_semantics<subcore_parallel>], iteration_bounds = array<i64: 2, 16>, scalar_prefetch = 0 : i64, scratch_operands = 8 : i64, tpu.core_type = #tpu.core_type<sc_vector_subcore>, window_params = [{transform_indices = #map}, {transform_indices = #map1}, {transform_indices = #map1}, {transform_indices = #map}]} {
    %mul3A = arith.constant 2 : i32
    %mul3A_0 = arith.muli %arg1, %mul3A : i32
    %add3A = arith.addi %mul3A_0, %arg0 : i32
    %mul3A_1 = arith.constant 5000 : i32
    %mul3A_2 = arith.muli %add3A, %mul3A_1 : i32
    %add3A_3 = arith.constant 0 : i32
    %add3A_4 = arith.addi %add3A_3, %mul3A_2 : i32
    %broadcast_in_dim3A = arith.constant 0.000000e+00 : f32
    %broadcast_in_dim3A_5 = vector.broadcast %broadcast_in_dim3A : f32 to vector<16xf32>
    %scan3A = arith.constant 0 : i32
    %scan3A_6 = arith.constant 0 : i32
    %scan3A_7 = arith.constant 40 : i32
    %scan3A_8 = arith.addi %scan3A_6, %scan3A_7 : i32
    %scan3A_9 = arith.constant 1 : i32
    scf.for %scan3A_156 = %scan3A_6 to %scan3A_8 step %scan3A_9  : i32 {
      %swap3A = arith.constant 0 : i32
      %swap3A_157 = arith.index_cast %swap3A : i32 to index
      %swap3A_158 = arith.index_cast %scan3A_156 : i32 to index
      %swap3A_159 = arith.constant 48 : index
      %swap3A_160 = tpu.vector_load %arg10[%swap3A_157, %swap3A_158, %swap3A_159] {strides = array<i32>} : memref<2x40x128xf32, #tpu.memory_space<vmem>>, vector<1x1x16xf32>,
      %swap3A_161 = vector.shape_cast %swap3A_160 : vector<1x1x16xf32> to vector<16xf32>
      %swap3A_162 = vector.shape_cast %broadcast_in_dim3A_5 : vector<16xf32> to vector<1x1x16xf32>
      tpu.vector_store %arg10[%swap3A_157, %swap3A_158, %swap3A_159], %swap3A_162 {strides = array<i32>} : memref<2x40x128xf32, #tpu.memory_space<vmem>>, vector<1x1x16xf32>,
      %swap3A_163 = arith.constant 0 : i32
      %swap3A_164 = arith.index_cast %swap3A_163 : i32 to index
      %swap3A_165 = arith.index_cast %scan3A_156 : i32 to index
      %swap3A_166 = arith.constant 64 : index
      %swap3A_167 = tpu.vector_load %arg10[%swap3A_164, %swap3A_165, %swap3A_166] {strides = array<i32>} : memref<2x40x128xf32, #tpu.memory_space<vmem>>, vector<1x1x16xf32>,
      %swap3A_168 = vector.shape_cast %swap3A_167 : vector<1x1x16xf32> to vector<16xf32>
      %swap3A_169 = vector.shape_cast %broadcast_in_dim3A_5 : vector<16xf32> to vector<1x1x16xf32>
      tpu.vector_store %arg10[%swap3A_164, %swap3A_165, %swap3A_166], %swap3A_169 {strides = array<i32>} : memref<2x40x128xf32, #tpu.memory_space<vmem>>, vector<1x1x16xf32>,
      %swap3A_170 = arith.constant 0 : i32
      %swap3A_171 = arith.index_cast %swap3A_170 : i32 to index
      %swap3A_172 = arith.index_cast %scan3A_156 : i32 to index
      %swap3A_173 = arith.constant 80 : index
      %swap3A_174 = tpu.vector_load %arg10[%swap3A_171, %swap3A_172, %swap3A_173] {strides = array<i32>} : memref<2x40x128xf32, #tpu.memory_space<vmem>>, vector<1x1x16xf32>,
      %swap3A_175 = vector.shape_cast %swap3A_174 : vector<1x1x16xf32> to vector<16xf32>
      %swap3A_176 = vector.shape_cast %broadcast_in_dim3A_5 : vector<16xf32> to vector<1x1x16xf32>
      tpu.vector_store %arg10[%swap3A_171, %swap3A_172, %swap3A_173], %swap3A_176 {strides = array<i32>} : memref<2x40x128xf32, #tpu.memory_space<vmem>>, vector<1x1x16xf32>,
      %swap3A_177 = arith.constant 0 : i32
      %swap3A_178 = arith.index_cast %swap3A_177 : i32 to index
      %swap3A_179 = arith.index_cast %scan3A_156 : i32 to index
      %swap3A_180 = arith.constant 96 : index
      %swap3A_181 = tpu.vector_load %arg10[%swap3A_178, %swap3A_179, %swap3A_180] {strides = array<i32>} : memref<2x40x128xf32, #tpu.memory_space<vmem>>, vector<1x1x16xf32>,
      %swap3A_182 = vector.shape_cast %swap3A_181 : vector<1x1x16xf32> to vector<16xf32>
      %swap3A_183 = vector.shape_cast %broadcast_in_dim3A_5 : vector<16xf32> to vector<1x1x16xf32>
      tpu.vector_store %arg10[%swap3A_178, %swap3A_179, %swap3A_180], %swap3A_183 {strides = array<i32>} : memref<2x40x128xf32, #tpu.memory_space<vmem>>, vector<1x1x16xf32>,
      %swap3A_184 = arith.constant 0 : i32
      %swap3A_185 = arith.index_cast %swap3A_184 : i32 to index
      %swap3A_186 = arith.index_cast %scan3A_156 : i32 to index
      %swap3A_187 = arith.constant 112 : index
      %swap3A_188 = tpu.vector_load %arg10[%swap3A_185, %swap3A_186, %swap3A_187] {strides = array<i32>} : memref<2x40x128xf32, #tpu.memory_space<vmem>>, vector<1x1x16xf32>,
      %swap3A_189 = vector.shape_cast %swap3A_188 : vector<1x1x16xf32> to vector<16xf32>
      %swap3A_190 = vector.shape_cast %broadcast_in_dim3A_5 : vector<16xf32> to vector<1x1x16xf32>
      tpu.vector_store %arg10[%swap3A_185, %swap3A_186, %swap3A_187], %swap3A_190 {strides = array<i32>} : memref<2x40x128xf32, #tpu.memory_space<vmem>>, vector<1x1x16xf32>,
      %swap3A_191 = arith.constant 1 : i32
      %swap3A_192 = arith.index_cast %swap3A_191 : i32 to index
      %swap3A_193 = arith.index_cast %scan3A_156 : i32 to index
      %swap3A_194 = arith.constant 48 : index
      %swap3A_195 = tpu.vector_load %arg10[%swap3A_192, %swap3A_193, %swap3A_194] {strides = array<i32>} : memref<2x40x128xf32, #tpu.memory_space<vmem>>, vector<1x1x16xf32>,
      %swap3A_196 = vector.shape_cast %swap3A_195 : vector<1x1x16xf32> to vector<16xf32>
      %swap3A_197 = vector.shape_cast %broadcast_in_dim3A_5 : vector<16xf32> to vector<1x1x16xf32>
      tpu.vector_store %arg10[%swap3A_192, %swap3A_193, %swap3A_194], %swap3A_197 {strides = array<i32>} : memref<2x40x128xf32, #tpu.memory_space<vmem>>, vector<1x1x16xf32>,
      %swap3A_198 = arith.constant 1 : i32
      %swap3A_199 = arith.index_cast %swap3A_198 : i32 to index
      %swap3A_200 = arith.index_cast %scan3A_156 : i32 to index
      %swap3A_201 = arith.constant 64 : index
      %swap3A_202 = tpu.vector_load %arg10[%swap3A_199, %swap3A_200, %swap3A_201] {strides = array<i32>} : memref<2x40x128xf32, #tpu.memory_space<vmem>>, vector<1x1x16xf32>,
      %swap3A_203 = vector.shape_cast %swap3A_202 : vector<1x1x16xf32> to vector<16xf32>
      %swap3A_204 = vector.shape_cast %broadcast_in_dim3A_5 : vector<16xf32> to vector<1x1x16xf32>
      tpu.vector_store %arg10[%swap3A_199, %swap3A_200, %swap3A_201], %swap3A_204 {strides = array<i32>} : memref<2x40x128xf32, #tpu.memory_space<vmem>>, vector<1x1x16xf32>,
      %swap3A_205 = arith.constant 1 : i32
      %swap3A_206 = arith.index_cast %swap3A_205 : i32 to index
      %swap3A_207 = arith.index_cast %scan3A_156 : i32 to index
      %swap3A_208 = arith.constant 80 : index
      %swap3A_209 = tpu.vector_load %arg10[%swap3A_206, %swap3A_207, %swap3A_208] {strides = array<i32>} : memref<2x40x128xf32, #tpu.memory_space<vmem>>, vector<1x1x16xf32>,
      %swap3A_210 = vector.shape_cast %swap3A_209 : vector<1x1x16xf32> to vector<16xf32>
      %swap3A_211 = vector.shape_cast %broadcast_in_dim3A_5 : vector<16xf32> to vector<1x1x16xf32>
      tpu.vector_store %arg10[%swap3A_206, %swap3A_207, %swap3A_208], %swap3A_211 {strides = array<i32>} : memref<2x40x128xf32, #tpu.memory_space<vmem>>, vector<1x1x16xf32>,
      %swap3A_212 = arith.constant 1 : i32
      %swap3A_213 = arith.index_cast %swap3A_212 : i32 to index
      %swap3A_214 = arith.index_cast %scan3A_156 : i32 to index
      %swap3A_215 = arith.constant 96 : index
      %swap3A_216 = tpu.vector_load %arg10[%swap3A_213, %swap3A_214, %swap3A_215] {strides = array<i32>} : memref<2x40x128xf32, #tpu.memory_space<vmem>>, vector<1x1x16xf32>,
      %swap3A_217 = vector.shape_cast %swap3A_216 : vector<1x1x16xf32> to vector<16xf32>
      %swap3A_218 = vector.shape_cast %broadcast_in_dim3A_5 : vector<16xf32> to vector<1x1x16xf32>
      tpu.vector_store %arg10[%swap3A_213, %swap3A_214, %swap3A_215], %swap3A_218 {strides = array<i32>} : memref<2x40x128xf32, #tpu.memory_space<vmem>>, vector<1x1x16xf32>,
      %swap3A_219 = arith.constant 1 : i32
      %swap3A_220 = arith.index_cast %swap3A_219 : i32 to index
      %swap3A_221 = arith.index_cast %scan3A_156 : i32 to index
      %swap3A_222 = arith.constant 112 : index
      %swap3A_223 = tpu.vector_load %arg10[%swap3A_220, %swap3A_221, %swap3A_222] {strides = array<i32>} : memref<2x40x128xf32, #tpu.memory_space<vmem>>, vector<1x1x16xf32>,
      %swap3A_224 = vector.shape_cast %swap3A_223 : vector<1x1x16xf32> to vector<16xf32>
      %swap3A_225 = vector.shape_cast %broadcast_in_dim3A_5 : vector<16xf32> to vector<1x1x16xf32>
      tpu.vector_store %arg10[%swap3A_220, %swap3A_221, %swap3A_222], %swap3A_225 {strides = array<i32>} : memref<2x40x128xf32, #tpu.memory_space<vmem>>, vector<1x1x16xf32>,
    }
    %scan3A_10 = arith.constant 40 : i32
    %rem3A = arith.constant 0 : i32
    %rem3A_11 = arith.constant 3 : i32
    %rem3A_12 = arith.remsi %rem3A, %rem3A_11 : i32
    %add3A_13 = arith.constant 0 : i32
    %add3A_14 = arith.addi %add3A_4, %add3A_13 : i32
    %dma_start3A = arith.constant 0 : i32
    %dma_start3A_15 = tpu.memref_slice %arg7[%rem3A_12, %dma_start3A] : memref<3x40xi32, #tpu.memory_space<vmem>> -> memref<1x40xi32, #tpu.memory_space<vmem>>
    %dma_start3A_16 = tpu.memref_squeeze %dma_start3A_15 : memref<1x40xi32, #tpu.memory_space<vmem>> -> memref<40xi32, #tpu.memory_space<vmem>>
    %dma_start3A_17 = tpu.memref_slice %arg4[%add3A_14] : memref<320000xi32, #tpu.memory_space<hbm>> -> memref<40xi32, #tpu.memory_space<hbm>>
    %dma_start3A_18 = tpu.memref_slice %arg11[%rem3A_12] : memref<3x!tpu.dma_semaphore, #tpu.memory_space<semaphore_mem>> -> memref<1x!tpu.dma_semaphore, #tpu.memory_space<semaphore_mem>>
    %dma_start3A_19 = tpu.memref_squeeze %dma_start3A_18 : memref<1x!tpu.dma_semaphore, #tpu.memory_space<semaphore_mem>> -> memref<!tpu.dma_semaphore, #tpu.memory_space<semaphore_mem>>
    %dma_start3A_20 = arith.constant 0 : i32
    %dma_start3A_21 = tpu.memref_slice %arg7[%rem3A_12, %dma_start3A_20] : memref<3x40xi32, #tpu.memory_space<vmem>> -> memref<1x40xi32, #tpu.memory_space<vmem>>
    %dma_start3A_22 = tpu.memref_squeeze %dma_start3A_21 : memref<1x40xi32, #tpu.memory_space<vmem>> -> memref<40xi32, #tpu.memory_space<vmem>>
    %dma_start3A_23 = tpu.memref_slice %arg4[%add3A_14] : memref<320000xi32, #tpu.memory_space<hbm>> -> memref<40xi32, #tpu.memory_space<hbm>>
    tpu.enqueue_dma source(%dma_start3A_23 : memref<40xi32, #tpu.memory_space<hbm>>) target(%dma_start3A_22 : memref<40xi32, #tpu.memory_space<vmem>>) target_semaphore(%dma_start3A_19 : memref<!tpu.dma_semaphore, #tpu.memory_space<semaphore_mem>>)
    %dma_start3A_24 = arith.constant 0 : i32
    %dma_start3A_25 = tpu.memref_slice %arg6[%rem3A_12, %dma_start3A_24] : memref<3x40xi32, #tpu.memory_space<vmem>> -> memref<1x40xi32, #tpu.memory_space<vmem>>
    %dma_start3A_26 = tpu.memref_squeeze %dma_start3A_25 : memref<1x40xi32, #tpu.memory_space<vmem>> -> memref<40xi32, #tpu.memory_space<vmem>>
    %dma_start3A_27 = tpu.memref_slice %arg3[%add3A_14] : memref<320000xi32, #tpu.memory_space<hbm>> -> memref<40xi32, #tpu.memory_space<hbm>>
    %dma_start3A_28 = tpu.memref_slice %arg11[%rem3A_12] : memref<3x!tpu.dma_semaphore, #tpu.memory_space<semaphore_mem>> -> memref<1x!tpu.dma_semaphore, #tpu.memory_space<semaphore_mem>>
    %dma_start3A_29 = tpu.memref_squeeze %dma_start3A_28 : memref<1x!tpu.dma_semaphore, #tpu.memory_space<semaphore_mem>> -> memref<!tpu.dma_semaphore, #tpu.memory_space<semaphore_mem>>
    %dma_start3A_30 = arith.constant 0 : i32
    %dma_start3A_31 = tpu.memref_slice %arg6[%rem3A_12, %dma_start3A_30] : memref<3x40xi32, #tpu.memory_space<vmem>> -> memref<1x40xi32, #tpu.memory_space<vmem>>
    %dma_start3A_32 = tpu.memref_squeeze %dma_start3A_31 : memref<1x40xi32, #tpu.memory_space<vmem>> -> memref<40xi32, #tpu.memory_space<vmem>>
    %dma_start3A_33 = tpu.memref_slice %arg3[%add3A_14] : memref<320000xi32, #tpu.memory_space<hbm>> -> memref<40xi32, #tpu.memory_space<hbm>>
    tpu.enqueue_dma source(%dma_start3A_33 : memref<40xi32, #tpu.memory_space<hbm>>) target(%dma_start3A_32 : memref<40xi32, #tpu.memory_space<vmem>>) target_semaphore(%dma_start3A_29 : memref<!tpu.dma_semaphore, #tpu.memory_space<semaphore_mem>>)
    %rem3A_34 = arith.constant 1 : i32
    %rem3A_35 = arith.constant 3 : i32
    %rem3A_36 = arith.remsi %rem3A_34, %rem3A_35 : i32
    %add3A_37 = arith.constant 40 : i32
    %add3A_38 = arith.addi %add3A_4, %add3A_37 : i32
    %dma_start3A_39 = arith.constant 0 : i32
    %dma_start3A_40 = tpu.memref_slice %arg7[%rem3A_36, %dma_start3A_39] : memref<3x40xi32, #tpu.memory_space<vmem>> -> memref<1x40xi32, #tpu.memory_space<vmem>>
    %dma_start3A_41 = tpu.memref_squeeze %dma_start3A_40 : memref<1x40xi32, #tpu.memory_space<vmem>> -> memref<40xi32, #tpu.memory_space<vmem>>
    %dma_start3A_42 = tpu.memref_slice %arg4[%add3A_38] : memref<320000xi32, #tpu.memory_space<hbm>> -> memref<40xi32, #tpu.memory_space<hbm>>
    %dma_start3A_43 = tpu.memref_slice %arg11[%rem3A_36] : memref<3x!tpu.dma_semaphore, #tpu.memory_space<semaphore_mem>> -> memref<1x!tpu.dma_semaphore, #tpu.memory_space<semaphore_mem>>
    %dma_start3A_44 = tpu.memref_squeeze %dma_start3A_43 : memref<1x!tpu.dma_semaphore, #tpu.memory_space<semaphore_mem>> -> memref<!tpu.dma_semaphore, #tpu.memory_space<semaphore_mem>>
    %dma_start3A_45 = arith.constant 0 : i32
    %dma_start3A_46 = tpu.memref_slice %arg7[%rem3A_36, %dma_start3A_45] : memref<3x40xi32, #tpu.memory_space<vmem>> -> memref<1x40xi32, #tpu.memory_space<vmem>>
    %dma_start3A_47 = tpu.memref_squeeze %dma_start3A_46 : memref<1x40xi32, #tpu.memory_space<vmem>> -> memref<40xi32, #tpu.memory_space<vmem>>
    %dma_start3A_48 = tpu.memref_slice %arg4[%add3A_38] : memref<320000xi32, #tpu.memory_space<hbm>> -> memref<40xi32, #tpu.memory_space<hbm>>
    tpu.enqueue_dma source(%dma_start3A_48 : memref<40xi32, #tpu.memory_space<hbm>>) target(%dma_start3A_47 : memref<40xi32, #tpu.memory_space<vmem>>) target_semaphore(%dma_start3A_44 : memref<!tpu.dma_semaphore, #tpu.memory_space<semaphore_mem>>)
    %dma_start3A_49 = arith.constant 0 : i32
    %dma_start3A_50 = tpu.memref_slice %arg6[%rem3A_36, %dma_start3A_49] : memref<3x40xi32, #tpu.memory_space<vmem>> -> memref<1x40xi32, #tpu.memory_space<vmem>>
    %dma_start3A_51 = tpu.memref_squeeze %dma_start3A_50 : memref<1x40xi32, #tpu.memory_space<vmem>> -> memref<40xi32, #tpu.memory_space<vmem>>
    %dma_start3A_52 = tpu.memref_slice %arg3[%add3A_38] : memref<320000xi32, #tpu.memory_space<hbm>> -> memref<40xi32, #tpu.memory_space<hbm>>
    %dma_start3A_53 = tpu.memref_slice %arg11[%rem3A_36] : memref<3x!tpu.dma_semaphore, #tpu.memory_space<semaphore_mem>> -> memref<1x!tpu.dma_semaphore, #tpu.memory_space<semaphore_mem>>
    %dma_start3A_54 = tpu.memref_squeeze %dma_start3A_53 : memref<1x!tpu.dma_semaphore, #tpu.memory_space<semaphore_mem>> -> memref<!tpu.dma_semaphore, #tpu.memory_space<semaphore_mem>>
    %dma_start3A_55 = arith.constant 0 : i32
    %dma_start3A_56 = tpu.memref_slice %arg6[%rem3A_36, %dma_start3A_55] : memref<3x40xi32, #tpu.memory_space<vmem>> -> memref<1x40xi32, #tpu.memory_space<vmem>>
    %dma_start3A_57 = tpu.memref_squeeze %dma_start3A_56 : memref<1x40xi32, #tpu.memory_space<vmem>> -> memref<40xi32, #tpu.memory_space<vmem>>
    %dma_start3A_58 = tpu.memref_slice %arg3[%add3A_38] : memref<320000xi32, #tpu.memory_space<hbm>> -> memref<40xi32, #tpu.memory_space<hbm>>
    tpu.enqueue_dma source(%dma_start3A_58 : memref<40xi32, #tpu.memory_space<hbm>>) target(%dma_start3A_57 : memref<40xi32, #tpu.memory_space<vmem>>) target_semaphore(%dma_start3A_54 : memref<!tpu.dma_semaphore, #tpu.memory_space<semaphore_mem>>)
    %rem3A_59 = arith.constant 0 : i32
    %rem3A_60 = arith.constant 3 : i32
    %rem3A_61 = arith.remsi %rem3A_59, %rem3A_60 : i32
    %dma_wait3A = arith.constant 0 : i32
    %dma_wait3A_62 = tpu.memref_slice %arg7[%rem3A_61, %dma_wait3A] : memref<3x40xi32, #tpu.memory_space<vmem>> -> memref<1x40xi32, #tpu.memory_space<vmem>>
    %dma_wait3A_63 = tpu.memref_squeeze %dma_wait3A_62 : memref<1x40xi32, #tpu.memory_space<vmem>> -> memref<40xi32, #tpu.memory_space<vmem>>
    %dma_wait3A_64 = arith.constant 0 : i32
    %dma_wait3A_65 = tpu.memref_slice %arg4[%dma_wait3A_64] : memref<320000xi32, #tpu.memory_space<hbm>> -> memref<40xi32, #tpu.memory_space<hbm>>
    %dma_wait3A_66 = tpu.memref_slice %arg11[%rem3A_61] : memref<3x!tpu.dma_semaphore, #tpu.memory_space<semaphore_mem>> -> memref<1x!tpu.dma_semaphore, #tpu.memory_space<semaphore_mem>>
    %dma_wait3A_67 = tpu.memref_squeeze %dma_wait3A_66 : memref<1x!tpu.dma_semaphore, #tpu.memory_space<semaphore_mem>> -> memref<!tpu.dma_semaphore, #tpu.memory_space<semaphore_mem>>
    %dma_wait3A_68 = arith.constant 0 : i32
    %dma_wait3A_69 = tpu.memref_slice %arg7[%rem3A_61, %dma_wait3A_68] : memref<3x40xi32, #tpu.memory_space<vmem>> -> memref<1x40xi32, #tpu.memory_space<vmem>>
    %dma_wait3A_70 = tpu.memref_squeeze %dma_wait3A_69 : memref<1x40xi32, #tpu.memory_space<vmem>> -> memref<40xi32, #tpu.memory_space<vmem>>
    %dma_wait3A_71 = arith.constant 0 : i32
    %dma_wait3A_72 = tpu.memref_slice %arg4[%dma_wait3A_71] : memref<320000xi32, #tpu.memory_space<hbm>> -> memref<40xi32, #tpu.memory_space<hbm>>
    tpu.wait_dma2 semaphore(%dma_wait3A_67 : memref<!tpu.dma_semaphore, #tpu.memory_space<semaphore_mem>>) src(%dma_wait3A_72 : memref<40xi32, #tpu.memory_space<hbm>>) dst(%dma_wait3A_70 : memref<40xi32, #tpu.memory_space<vmem>>)
    %dma_wait3A_73 = arith.constant 0 : i32
    %dma_wait3A_74 = tpu.memref_slice %arg6[%rem3A_61, %dma_wait3A_73] : memref<3x40xi32, #tpu.memory_space<vmem>> -> memref<1x40xi32, #tpu.memory_space<vmem>>
    %dma_wait3A_75 = tpu.memref_squeeze %dma_wait3A_74 : memref<1x40xi32, #tpu.memory_space<vmem>> -> memref<40xi32, #tpu.memory_space<vmem>>
    %dma_wait3A_76 = arith.constant 0 : i32
    %dma_wait3A_77 = tpu.memref_slice %arg3[%dma_wait3A_76] : memref<320000xi32, #tpu.memory_space<hbm>> -> memref<40xi32, #tpu.memory_space<hbm>>
    %dma_wait3A_78 = tpu.memref_slice %arg11[%rem3A_61] : memref<3x!tpu.dma_semaphore, #tpu.memory_space<semaphore_mem>> -> memref<1x!tpu.dma_semaphore, #tpu.memory_space<semaphore_mem>>
    %dma_wait3A_79 = tpu.memref_squeeze %dma_wait3A_78 : memref<1x!tpu.dma_semaphore, #tpu.memory_space<semaphore_mem>> -> memref<!tpu.dma_semaphore, #tpu.memory_space<semaphore_mem>>
    %dma_wait3A_80 = arith.constant 0 : i32
    %dma_wait3A_81 = tpu.memref_slice %arg6[%rem3A_61, %dma_wait3A_80] : memref<3x40xi32, #tpu.memory_space<vmem>> -> memref<1x40xi32, #tpu.memory_space<vmem>>
    %dma_wait3A_82 = tpu.memref_squeeze %dma_wait3A_81 : memref<1x40xi32, #tpu.memory_space<vmem>> -> memref<40xi32, #tpu.memory_space<vmem>>
    %dma_wait3A_83 = arith.constant 0 : i32
    %dma_wait3A_84 = tpu.memref_slice %arg3[%dma_wait3A_83] : memref<320000xi32, #tpu.memory_space<hbm>> -> memref<40xi32, #tpu.memory_space<hbm>>
    tpu.wait_dma2 semaphore(%dma_wait3A_79 : memref<!tpu.dma_semaphore, #tpu.memory_space<semaphore_mem>>) src(%dma_wait3A_84 : memref<40xi32, #tpu.memory_space<hbm>>) dst(%dma_wait3A_82 : memref<40xi32, #tpu.memory_space<vmem>>)
    %rem3A_85 = arith.constant 0 : i32
    %rem3A_86 = arith.constant 3 : i32
    %rem3A_87 = arith.remsi %rem3A_85, %rem3A_86 : i32
    %dma_start3A_88 = arith.constant 0 : i32
    %dma_start3A_89 = arith.constant 0 : i32
    %dma_start3A_90 = tpu.memref_slice %arg8[%rem3A_87, %dma_start3A_88, %dma_start3A_89] : memref<3x40x128xf32, #tpu.memory_space<vmem>> -> memref<1x40x128xf32, #tpu.memory_space<vmem>>
    %dma_start3A_91 = tpu.memref_squeeze %dma_start3A_90 : memref<1x40x128xf32, #tpu.memory_space<vmem>> -> memref<40x128xf32, #tpu.memory_space<vmem>>
    %dma_start3A_92 = arith.constant 0 : i32
    %dma_start3A_93 = tpu.memref_slice %arg7[%rem3A_87, %dma_start3A_92] : memref<3x40xi32, #tpu.memory_space<vmem>> -> memref<1x40xi32, #tpu.memory_space<vmem>>
    %dma_start3A_94 = tpu.memref_squeeze %dma_start3A_93 : memref<1x40xi32, #tpu.memory_space<vmem>> -> memref<40xi32, #tpu.memory_space<vmem>>
    %dma_start3A_95 = arith.constant 0 : i32
    %dma_start3A_96 = arith.constant 0 : i32
    %dma_start3A_97 = tpu.memref_slice %arg2[%dma_start3A_95, %dma_start3A_96] : memref<10000x128xf32, #tpu.memory_space<hbm>> -> memref<10000x128xf32, #tpu.memory_space<hbm>>
    %dma_start3A_98 = tpu.memref_slice %arg12[%rem3A_87] : memref<3x!tpu.dma_semaphore, #tpu.memory_space<semaphore_mem>> -> memref<1x!tpu.dma_semaphore, #tpu.memory_space<semaphore_mem>>
    %dma_start3A_99 = tpu.memref_squeeze %dma_start3A_98 : memref<1x!tpu.dma_semaphore, #tpu.memory_space<semaphore_mem>> -> memref<!tpu.dma_semaphore, #tpu.memory_space<semaphore_mem>>
    tpu.enqueue_indirect_dma source(%dma_start3A_97 : memref<10000x128xf32, #tpu.memory_space<hbm>>) target(%dma_start3A_91 : memref<40x128xf32, #tpu.memory_space<vmem>>) offsets(%dma_start3A_94 : memref<40xi32, #tpu.memory_space<vmem>>) semaphore(%dma_start3A_99 : memref<!tpu.dma_semaphore, #tpu.memory_space<semaphore_mem>>)
    %dma_start3A_100 = arith.constant 0 : i32
    %dma_start3A_101 = arith.constant 0 : i32
    %dma_start3A_102 = tpu.memref_slice %arg9[%rem3A_87, %dma_start3A_100, %dma_start3A_101] : memref<3x40x128xf32, #tpu.memory_space<vmem>> -> memref<1x40x128xf32, #tpu.memory_space<vmem>>
    %dma_start3A_103 = tpu.memref_squeeze %dma_start3A_102 : memref<1x40x128xf32, #tpu.memory_space<vmem>> -> memref<40x128xf32, #tpu.memory_space<vmem>>
    %dma_start3A_104 = arith.constant 0 : i32
    %dma_start3A_105 = tpu.memref_slice %arg6[%rem3A_87, %dma_start3A_104] : memref<3x40xi32, #tpu.memory_space<vmem>> -> memref<1x40xi32, #tpu.memory_space<vmem>>
    %dma_start3A_106 = tpu.memref_squeeze %dma_start3A_105 : memref<1x40xi32, #tpu.memory_space<vmem>> -> memref<40xi32, #tpu.memory_space<vmem>>
    %dma_start3A_107 = arith.constant 0 : i32
    %dma_start3A_108 = arith.constant 0 : i32
    %dma_start3A_109 = tpu.memref_slice %arg2[%dma_start3A_107, %dma_start3A_108] : memref<10000x128xf32, #tpu.memory_space<hbm>> -> memref<10000x128xf32, #tpu.memory_space<hbm>>
    %dma_start3A_110 = tpu.memref_slice %arg12[%rem3A_87] : memref<3x!tpu.dma_semaphore, #tpu.memory_space<semaphore_mem>> -> memref<1x!tpu.dma_semaphore, #tpu.memory_space<semaphore_mem>>
    %dma_start3A_111 = tpu.memref_squeeze %dma_start3A_110 : memref<1x!tpu.dma_semaphore, #tpu.memory_space<semaphore_mem>> -> memref<!tpu.dma_semaphore, #tpu.memory_space<semaphore_mem>>
    tpu.enqueue_indirect_dma source(%dma_start3A_109 : memref<10000x128xf32, #tpu.memory_space<hbm>>) target(%dma_start3A_103 : memref<40x128xf32, #tpu.memory_space<vmem>>) offsets(%dma_start3A_106 : memref<40xi32, #tpu.memory_space<vmem>>) semaphore(%dma_start3A_111 : memref<!tpu.dma_semaphore, #tpu.memory_space<semaphore_mem>>)
    %scan3A_112 = arith.constant 0 : i32
    %scan3A_113 = arith.constant 0 : i32
    %scan3A_114 = arith.constant 125 : i32
    %scan3A_115 = arith.addi %scan3A_113, %scan3A_114 : i32
    %scan3A_116 = arith.constant 1 : i32
    scf.for %scan3A_156 = %scan3A_113 to %scan3A_115 step %scan3A_116  : i32 {
      %rem3A_157 = arith.constant 3 : i32
      %rem3A_158 = arith.remsi %scan3A_156, %rem3A_157 : i32
      %rem3A_159 = arith.constant 2 : i32
      %rem3A_160 = arith.remsi %scan3A_156, %rem3A_159 : i32
      %add3A_161 = arith.constant 2 : i32
      %add3A_162 = arith.addi %scan3A_156, %add3A_161 : i32
      %lt3A = arith.constant 125 : i32
      %lt3A_163 = arith.cmpi slt, %add3A_162, %lt3A : i32
      %convert_element_type3A = arith.extui %lt3A_163 : i1 to i32
      %cond3A = arith.constant 0 : i32
      %cond3A_164 = arith.cmpi ne, %convert_element_type3A, %cond3A : i32
      scf.if %cond3A_164 {
        %add3A_226 = arith.constant 2 : i32
        %add3A_227 = arith.addi %scan3A_156, %add3A_226 : i32
        %rem3A_228 = arith.constant 3 : i32
        %rem3A_229 = arith.remsi %add3A_227, %rem3A_228 : i32
        %mul3A_230 = arith.constant 40 : i32
        %mul3A_231 = arith.muli %add3A_227, %mul3A_230 : i32
        %add3A_232 = arith.addi %add3A_4, %mul3A_231 : i32
        %dma_start3A_233 = arith.constant 0 : i32
        %dma_start3A_234 = tpu.memref_slice %arg7[%rem3A_229, %dma_start3A_233] : memref<3x40xi32, #tpu.memory_space<vmem>> -> memref<1x40xi32, #tpu.memory_space<vmem>>
        %dma_start3A_235 = tpu.memref_squeeze %dma_start3A_234 : memref<1x40xi32, #tpu.memory_space<vmem>> -> memref<40xi32, #tpu.memory_space<vmem>>
        %dma_start3A_236 = tpu.memref_slice %arg4[%add3A_232] : memref<320000xi32, #tpu.memory_space<hbm>> -> memref<40xi32, #tpu.memory_space<hbm>>
        %dma_start3A_237 = tpu.memref_slice %arg11[%rem3A_229] : memref<3x!tpu.dma_semaphore, #tpu.memory_space<semaphore_mem>> -> memref<1x!tpu.dma_semaphore, #tpu.memory_space<semaphore_mem>>
        %dma_start3A_238 = tpu.memref_squeeze %dma_start3A_237 : memref<1x!tpu.dma_semaphore, #tpu.memory_space<semaphore_mem>> -> memref<!tpu.dma_semaphore, #tpu.memory_space<semaphore_mem>>
        %dma_start3A_239 = arith.constant 0 : i32
        %dma_start3A_240 = tpu.memref_slice %arg7[%rem3A_229, %dma_start3A_239] : memref<3x40xi32, #tpu.memory_space<vmem>> -> memref<1x40xi32, #tpu.memory_space<vmem>>
        %dma_start3A_241 = tpu.memref_squeeze %dma_start3A_240 : memref<1x40xi32, #tpu.memory_space<vmem>> -> memref<40xi32, #tpu.memory_space<vmem>>
        %dma_start3A_242 = tpu.memref_slice %arg4[%add3A_232] : memref<320000xi32, #tpu.memory_space<hbm>> -> memref<40xi32, #tpu.memory_space<hbm>>
        tpu.enqueue_dma source(%dma_start3A_242 : memref<40xi32, #tpu.memory_space<hbm>>) target(%dma_start3A_241 : memref<40xi32, #tpu.memory_space<vmem>>) target_semaphore(%dma_start3A_238 : memref<!tpu.dma_semaphore, #tpu.memory_space<semaphore_mem>>)
        %dma_start3A_243 = arith.constant 0 : i32
        %dma_start3A_244 = tpu.memref_slice %arg6[%rem3A_229, %dma_start3A_243] : memref<3x40xi32, #tpu.memory_space<vmem>> -> memref<1x40xi32, #tpu.memory_space<vmem>>
        %dma_start3A_245 = tpu.memref_squeeze %dma_start3A_244 : memref<1x40xi32, #tpu.memory_space<vmem>> -> memref<40xi32, #tpu.memory_space<vmem>>
        %dma_start3A_246 = tpu.memref_slice %arg3[%add3A_232] : memref<320000xi32, #tpu.memory_space<hbm>> -> memref<40xi32, #tpu.memory_space<hbm>>
        %dma_start3A_247 = tpu.memref_slice %arg11[%rem3A_229] : memref<3x!tpu.dma_semaphore, #tpu.memory_space<semaphore_mem>> -> memref<1x!tpu.dma_semaphore, #tpu.memory_space<semaphore_mem>>
        %dma_start3A_248 = tpu.memref_squeeze %dma_start3A_247 : memref<1x!tpu.dma_semaphore, #tpu.memory_space<semaphore_mem>> -> memref<!tpu.dma_semaphore, #tpu.memory_space<semaphore_mem>>
        %dma_start3A_249 = arith.constant 0 : i32
        %dma_start3A_250 = tpu.memref_slice %arg6[%rem3A_229, %dma_start3A_249] : memref<3x40xi32, #tpu.memory_space<vmem>> -> memref<1x40xi32, #tpu.memory_space<vmem>>
        %dma_start3A_251 = tpu.memref_squeeze %dma_start3A_250 : memref<1x40xi32, #tpu.memory_space<vmem>> -> memref<40xi32, #tpu.memory_space<vmem>>
        %dma_start3A_252 = tpu.memref_slice %arg3[%add3A_232] : memref<320000xi32, #tpu.memory_space<hbm>> -> memref<40xi32, #tpu.memory_space<hbm>>
        tpu.enqueue_dma source(%dma_start3A_252 : memref<40xi32, #tpu.memory_space<hbm>>) target(%dma_start3A_251 : memref<40xi32, #tpu.memory_space<vmem>>) target_semaphore(%dma_start3A_248 : memref<!tpu.dma_semaphore, #tpu.memory_space<semaphore_mem>>)
      } else {
      }
      %add3A_165 = arith.constant 1 : i32
      %add3A_166 = arith.addi %scan3A_156, %add3A_165 : i32
      %lt3A_167 = arith.constant 125 : i32
      %lt3A_168 = arith.cmpi slt, %add3A_166, %lt3A_167 : i32
      %convert_element_type3A_169 = arith.extui %lt3A_168 : i1 to i32
      %cond3A_170 = arith.constant 0 : i32
      %cond3A_171 = arith.cmpi ne, %convert_element_type3A_169, %cond3A_170 : i32
      scf.if %cond3A_171 {
        %add3A_226 = arith.constant 1 : i32
        %add3A_227 = arith.addi %scan3A_156, %add3A_226 : i32
        %rem3A_228 = arith.constant 3 : i32
        %rem3A_229 = arith.remsi %add3A_227, %rem3A_228 : i32
        %dma_wait3A_230 = arith.constant 0 : i32
        %dma_wait3A_231 = tpu.memref_slice %arg7[%rem3A_229, %dma_wait3A_230] : memref<3x40xi32, #tpu.memory_space<vmem>> -> memref<1x40xi32, #tpu.memory_space<vmem>>
        %dma_wait3A_232 = tpu.memref_squeeze %dma_wait3A_231 : memref<1x40xi32, #tpu.memory_space<vmem>> -> memref<40xi32, #tpu.memory_space<vmem>>
        %dma_wait3A_233 = arith.constant 0 : i32
        %dma_wait3A_234 = tpu.memref_slice %arg4[%dma_wait3A_233] : memref<320000xi32, #tpu.memory_space<hbm>> -> memref<40xi32, #tpu.memory_space<hbm>>
        %dma_wait3A_235 = tpu.memref_slice %arg11[%rem3A_229] : memref<3x!tpu.dma_semaphore, #tpu.memory_space<semaphore_mem>> -> memref<1x!tpu.dma_semaphore, #tpu.memory_space<semaphore_mem>>
        %dma_wait3A_236 = tpu.memref_squeeze %dma_wait3A_235 : memref<1x!tpu.dma_semaphore, #tpu.memory_space<semaphore_mem>> -> memref<!tpu.dma_semaphore, #tpu.memory_space<semaphore_mem>>
        %dma_wait3A_237 = arith.constant 0 : i32
        %dma_wait3A_238 = tpu.memref_slice %arg7[%rem3A_229, %dma_wait3A_237] : memref<3x40xi32, #tpu.memory_space<vmem>> -> memref<1x40xi32, #tpu.memory_space<vmem>>
        %dma_wait3A_239 = tpu.memref_squeeze %dma_wait3A_238 : memref<1x40xi32, #tpu.memory_space<vmem>> -> memref<40xi32, #tpu.memory_space<vmem>>
        %dma_wait3A_240 = arith.constant 0 : i32
        %dma_wait3A_241 = tpu.memref_slice %arg4[%dma_wait3A_240] : memref<320000xi32, #tpu.memory_space<hbm>> -> memref<40xi32, #tpu.memory_space<hbm>>
        tpu.wait_dma2 semaphore(%dma_wait3A_236 : memref<!tpu.dma_semaphore, #tpu.memory_space<semaphore_mem>>) src(%dma_wait3A_241 : memref<40xi32, #tpu.memory_space<hbm>>) dst(%dma_wait3A_239 : memref<40xi32, #tpu.memory_space<vmem>>)
        %dma_wait3A_242 = arith.constant 0 : i32
        %dma_wait3A_243 = tpu.memref_slice %arg6[%rem3A_229, %dma_wait3A_242] : memref<3x40xi32, #tpu.memory_space<vmem>> -> memref<1x40xi32, #tpu.memory_space<vmem>>
        %dma_wait3A_244 = tpu.memref_squeeze %dma_wait3A_243 : memref<1x40xi32, #tpu.memory_space<vmem>> -> memref<40xi32, #tpu.memory_space<vmem>>
        %dma_wait3A_245 = arith.constant 0 : i32
        %dma_wait3A_246 = tpu.memref_slice %arg3[%dma_wait3A_245] : memref<320000xi32, #tpu.memory_space<hbm>> -> memref<40xi32, #tpu.memory_space<hbm>>
        %dma_wait3A_247 = tpu.memref_slice %arg11[%rem3A_229] : memref<3x!tpu.dma_semaphore, #tpu.memory_space<semaphore_mem>> -> memref<1x!tpu.dma_semaphore, #tpu.memory_space<semaphore_mem>>
        %dma_wait3A_248 = tpu.memref_squeeze %dma_wait3A_247 : memref<1x!tpu.dma_semaphore, #tpu.memory_space<semaphore_mem>> -> memref<!tpu.dma_semaphore, #tpu.memory_space<semaphore_mem>>
        %dma_wait3A_249 = arith.constant 0 : i32
        %dma_wait3A_250 = tpu.memref_slice %arg6[%rem3A_229, %dma_wait3A_249] : memref<3x40xi32, #tpu.memory_space<vmem>> -> memref<1x40xi32, #tpu.memory_space<vmem>>
        %dma_wait3A_251 = tpu.memref_squeeze %dma_wait3A_250 : memref<1x40xi32, #tpu.memory_space<vmem>> -> memref<40xi32, #tpu.memory_space<vmem>>
        %dma_wait3A_252 = arith.constant 0 : i32
        %dma_wait3A_253 = tpu.memref_slice %arg3[%dma_wait3A_252] : memref<320000xi32, #tpu.memory_space<hbm>> -> memref<40xi32, #tpu.memory_space<hbm>>
        tpu.wait_dma2 semaphore(%dma_wait3A_248 : memref<!tpu.dma_semaphore, #tpu.memory_space<semaphore_mem>>) src(%dma_wait3A_253 : memref<40xi32, #tpu.memory_space<hbm>>) dst(%dma_wait3A_251 : memref<40xi32, #tpu.memory_space<vmem>>)
        %add3A_254 = arith.constant 1 : i32
        %add3A_255 = arith.addi %scan3A_156, %add3A_254 : i32
        %rem3A_256 = arith.constant 3 : i32
        %rem3A_257 = arith.remsi %add3A_255, %rem3A_256 : i32
        %dma_start3A_258 = arith.constant 0 : i32
        %dma_start3A_259 = arith.constant 0 : i32
        %dma_start3A_260 = tpu.memref_slice %arg8[%rem3A_257, %dma_start3A_258, %dma_start3A_259] : memref<3x40x128xf32, #tpu.memory_space<vmem>> -> memref<1x40x128xf32, #tpu.memory_space<vmem>>
        %dma_start3A_261 = tpu.memref_squeeze %dma_start3A_260 : memref<1x40x128xf32, #tpu.memory_space<vmem>> -> memref<40x128xf32, #tpu.memory_space<vmem>>
        %dma_start3A_262 = arith.constant 0 : i32
        %dma_start3A_263 = tpu.memref_slice %arg7[%rem3A_257, %dma_start3A_262] : memref<3x40xi32, #tpu.memory_space<vmem>> -> memref<1x40xi32, #tpu.memory_space<vmem>>
        %dma_start3A_264 = tpu.memref_squeeze %dma_start3A_263 : memref<1x40xi32, #tpu.memory_space<vmem>> -> memref<40xi32, #tpu.memory_space<vmem>>
        %dma_start3A_265 = arith.constant 0 : i32
        %dma_start3A_266 = arith.constant 0 : i32
        %dma_start3A_267 = tpu.memref_slice %arg2[%dma_start3A_265, %dma_start3A_266] : memref<10000x128xf32, #tpu.memory_space<hbm>> -> memref<10000x128xf32, #tpu.memory_space<hbm>>
        %dma_start3A_268 = tpu.memref_slice %arg12[%rem3A_257] : memref<3x!tpu.dma_semaphore, #tpu.memory_space<semaphore_mem>> -> memref<1x!tpu.dma_semaphore, #tpu.memory_space<semaphore_mem>>
        %dma_start3A_269 = tpu.memref_squeeze %dma_start3A_268 : memref<1x!tpu.dma_semaphore, #tpu.memory_space<semaphore_mem>> -> memref<!tpu.dma_semaphore, #tpu.memory_space<semaphore_mem>>
        tpu.enqueue_indirect_dma source(%dma_start3A_267 : memref<10000x128xf32, #tpu.memory_space<hbm>>) target(%dma_start3A_261 : memref<40x128xf32, #tpu.memory_space<vmem>>) offsets(%dma_start3A_264 : memref<40xi32, #tpu.memory_space<vmem>>) semaphore(%dma_start3A_269 : memref<!tpu.dma_semaphore, #tpu.memory_space<semaphore_mem>>)
        %dma_start3A_270 = arith.constant 0 : i32
        %dma_start3A_271 = arith.constant 0 : i32
        %dma_start3A_272 = tpu.memref_slice %arg9[%rem3A_257, %dma_start3A_270, %dma_start3A_271] : memref<3x40x128xf32, #tpu.memory_space<vmem>> -> memref<1x40x128xf32, #tpu.memory_space<vmem>>
        %dma_start3A_273 = tpu.memref_squeeze %dma_start3A_272 : memref<1x40x128xf32, #tpu.memory_space<vmem>> -> memref<40x128xf32, #tpu.memory_space<vmem>>
        %dma_start3A_274 = arith.constant 0 : i32
        %dma_start3A_275 = tpu.memref_slice %arg6[%rem3A_257, %dma_start3A_274] : memref<3x40xi32, #tpu.memory_space<vmem>> -> memref<1x40xi32, #tpu.memory_space<vmem>>
        %dma_start3A_276 = tpu.memref_squeeze %dma_start3A_275 : memref<1x40xi32, #tpu.memory_space<vmem>> -> memref<40xi32, #tpu.memory_space<vmem>>
        %dma_start3A_277 = arith.constant 0 : i32
        %dma_start3A_278 = arith.constant 0 : i32
        %dma_start3A_279 = tpu.memref_slice %arg2[%dma_start3A_277, %dma_start3A_278] : memref<10000x128xf32, #tpu.memory_space<hbm>> -> memref<10000x128xf32, #tpu.memory_space<hbm>>
        %dma_start3A_280 = tpu.memref_slice %arg12[%rem3A_257] : memref<3x!tpu.dma_semaphore, #tpu.memory_space<semaphore_mem>> -> memref<1x!tpu.dma_semaphore, #tpu.memory_space<semaphore_mem>>
        %dma_start3A_281 = tpu.memref_squeeze %dma_start3A_280 : memref<1x!tpu.dma_semaphore, #tpu.memory_space<semaphore_mem>> -> memref<!tpu.dma_semaphore, #tpu.memory_space<semaphore_mem>>
        tpu.enqueue_indirect_dma source(%dma_start3A_279 : memref<10000x128xf32, #tpu.memory_space<hbm>>) target(%dma_start3A_273 : memref<40x128xf32, #tpu.memory_space<vmem>>) offsets(%dma_start3A_276 : memref<40xi32, #tpu.memory_space<vmem>>) semaphore(%dma_start3A_281 : memref<!tpu.dma_semaphore, #tpu.memory_space<semaphore_mem>>)
      } else {
      }
      %rem3A_172 = arith.constant 3 : i32
      %rem3A_173 = arith.remsi %scan3A_156, %rem3A_172 : i32
      %dma_wait3A_174 = arith.constant 0 : i32
      %dma_wait3A_175 = arith.constant 0 : i32
      %dma_wait3A_176 = tpu.memref_slice %arg8[%rem3A_173, %dma_wait3A_174, %dma_wait3A_175] : memref<3x40x128xf32, #tpu.memory_space<vmem>> -> memref<1x40x128xf32, #tpu.memory_space<vmem>>
      %dma_wait3A_177 = tpu.memref_squeeze %dma_wait3A_176 : memref<1x40x128xf32, #tpu.memory_space<vmem>> -> memref<40x128xf32, #tpu.memory_space<vmem>>
      %dma_wait3A_178 = arith.constant 0 : i32
      %dma_wait3A_179 = tpu.memref_slice %arg7[%rem3A_173, %dma_wait3A_178] : memref<3x40xi32, #tpu.memory_space<vmem>> -> memref<1x40xi32, #tpu.memory_space<vmem>>
      %dma_wait3A_180 = tpu.memref_squeeze %dma_wait3A_179 : memref<1x40xi32, #tpu.memory_space<vmem>> -> memref<40xi32, #tpu.memory_space<vmem>>
      %dma_wait3A_181 = arith.constant 0 : i32
      %dma_wait3A_182 = arith.constant 0 : i32
      %dma_wait3A_183 = tpu.memref_slice %arg2[%dma_wait3A_181, %dma_wait3A_182] : memref<10000x128xf32, #tpu.memory_space<hbm>> -> memref<10000x128xf32, #tpu.memory_space<hbm>>
      %dma_wait3A_184 = tpu.memref_slice %arg12[%rem3A_173] : memref<3x!tpu.dma_semaphore, #tpu.memory_space<semaphore_mem>> -> memref<1x!tpu.dma_semaphore, #tpu.memory_space<semaphore_mem>>
      %dma_wait3A_185 = tpu.memref_squeeze %dma_wait3A_184 : memref<1x!tpu.dma_semaphore, #tpu.memory_space<semaphore_mem>> -> memref<!tpu.dma_semaphore, #tpu.memory_space<semaphore_mem>>
      tpu.wait_indirect_dma semaphore(%dma_wait3A_185 : memref<!tpu.dma_semaphore, #tpu.memory_space<semaphore_mem>>) src(%dma_wait3A_183 : memref<10000x128xf32, #tpu.memory_space<hbm>>) dst(%dma_wait3A_177 : memref<40x128xf32, #tpu.memory_space<vmem>>)
      %dma_wait3A_186 = arith.constant 0 : i32
      %dma_wait3A_187 = arith.constant 0 : i32
      %dma_wait3A_188 = tpu.memref_slice %arg9[%rem3A_173, %dma_wait3A_186, %dma_wait3A_187] : memref<3x40x128xf32, #tpu.memory_space<vmem>> -> memref<1x40x128xf32, #tpu.memory_space<vmem>>
      %dma_wait3A_189 = tpu.memref_squeeze %dma_wait3A_188 : memref<1x40x128xf32, #tpu.memory_space<vmem>> -> memref<40x128xf32, #tpu.memory_space<vmem>>
      %dma_wait3A_190 = arith.constant 0 : i32
      %dma_wait3A_191 = tpu.memref_slice %arg6[%rem3A_173, %dma_wait3A_190] : memref<3x40xi32, #tpu.memory_space<vmem>> -> memref<1x40xi32, #tpu.memory_space<vmem>>
      %dma_wait3A_192 = tpu.memref_squeeze %dma_wait3A_191 : memref<1x40xi32, #tpu.memory_space<vmem>> -> memref<40xi32, #tpu.memory_space<vmem>>
      %dma_wait3A_193 = arith.constant 0 : i32
      %dma_wait3A_194 = arith.constant 0 : i32
      %dma_wait3A_195 = tpu.memref_slice %arg2[%dma_wait3A_193, %dma_wait3A_194] : memref<10000x128xf32, #tpu.memory_space<hbm>> -> memref<10000x128xf32, #tpu.memory_space<hbm>>
      %dma_wait3A_196 = tpu.memref_slice %arg12[%rem3A_173] : memref<3x!tpu.dma_semaphore, #tpu.memory_space<semaphore_mem>> -> memref<1x!tpu.dma_semaphore, #tpu.memory_space<semaphore_mem>>
      %dma_wait3A_197 = tpu.memref_squeeze %dma_wait3A_196 : memref<1x!tpu.dma_semaphore, #tpu.memory_space<semaphore_mem>> -> memref<!tpu.dma_semaphore, #tpu.memory_space<semaphore_mem>>
      tpu.wait_indirect_dma semaphore(%dma_wait3A_197 : memref<!tpu.dma_semaphore, #tpu.memory_space<semaphore_mem>>) src(%dma_wait3A_195 : memref<10000x128xf32, #tpu.memory_space<hbm>>) dst(%dma_wait3A_189 : memref<40x128xf32, #tpu.memory_space<vmem>>)
      %ge3A = arith.constant 2 : i32
      %ge3A_198 = arith.cmpi sge, %scan3A_156, %ge3A : i32
      %convert_element_type3A_199 = arith.extui %ge3A_198 : i1 to i32
      %cond3A_200 = arith.constant 0 : i32
      %cond3A_201 = arith.cmpi ne, %convert_element_type3A_199, %cond3A_200 : i32
      scf.if %cond3A_201 {
        %sub3A_226 = arith.constant 2 : i32
        %sub3A_227 = arith.subi %scan3A_156, %sub3A_226 : i32
        %rem3A_228 = arith.constant 2 : i32
        %rem3A_229 = arith.remsi %sub3A_227, %rem3A_228 : i32
        %dma_wait3A_230 = arith.constant 0 : i32
        %dma_wait3A_231 = arith.constant 0 : i32
        %dma_wait3A_232 = tpu.memref_slice %arg10[%rem3A_229, %dma_wait3A_230, %dma_wait3A_231] : memref<2x40x128xf32, #tpu.memory_space<vmem>> -> memref<1x40x128xf32, #tpu.memory_space<vmem>>
        %dma_wait3A_233 = tpu.memref_squeeze %dma_wait3A_232 : memref<1x40x128xf32, #tpu.memory_space<vmem>> -> memref<40x128xf32, #tpu.memory_space<vmem>>
        %dma_wait3A_234 = arith.constant 0 : i32
        %dma_wait3A_235 = arith.constant 0 : i32
        %dma_wait3A_236 = tpu.memref_slice %arg5[%dma_wait3A_234, %dma_wait3A_235] : memref<160000x128xf32, #tpu.memory_space<hbm>> -> memref<40x128xf32, #tpu.memory_space<hbm>>
        %dma_wait3A_237 = tpu.memref_slice %arg13[%rem3A_229] : memref<2x!tpu.dma_semaphore, #tpu.memory_space<semaphore_mem>> -> memref<1x!tpu.dma_semaphore, #tpu.memory_space<semaphore_mem>>
        %dma_wait3A_238 = tpu.memref_squeeze %dma_wait3A_237 : memref<1x!tpu.dma_semaphore, #tpu.memory_space<semaphore_mem>> -> memref<!tpu.dma_semaphore, #tpu.memory_space<semaphore_mem>>
        %dma_wait3A_239 = arith.constant 0 : i32
        %dma_wait3A_240 = arith.constant 0 : i32
        %dma_wait3A_241 = tpu.memref_slice %arg5[%dma_wait3A_239, %dma_wait3A_240] : memref<160000x128xf32, #tpu.memory_space<hbm>> -> memref<40x128xf32, #tpu.memory_space<hbm>>
        %dma_wait3A_242 = arith.constant 0 : i32
        %dma_wait3A_243 = arith.constant 0 : i32
        %dma_wait3A_244 = tpu.memref_slice %arg10[%rem3A_229, %dma_wait3A_242, %dma_wait3A_243] : memref<2x40x128xf32, #tpu.memory_space<vmem>> -> memref<1x40x128xf32, #tpu.memory_space<vmem>>
        %dma_wait3A_245 = tpu.memref_squeeze %dma_wait3A_244 : memref<1x40x128xf32, #tpu.memory_space<vmem>> -> memref<40x128xf32, #tpu.memory_space<vmem>>
        tpu.wait_dma2 semaphore(%dma_wait3A_238 : memref<!tpu.dma_semaphore, #tpu.memory_space<semaphore_mem>>) src(%dma_wait3A_245 : memref<40x128xf32, #tpu.memory_space<vmem>>) dst(%dma_wait3A_241 : memref<40x128xf32, #tpu.memory_space<hbm>>)
      } else {
      }
      %scan3A_202 = arith.constant 0 : i32
      %scan3A_203 = arith.constant 0 : i32
      %scan3A_204 = arith.constant 10 : i32
      %scan3A_205 = arith.addi %scan3A_203, %scan3A_204 : i32
      %scan3A_206 = arith.constant 1 : i32
      scf.for %scan3A_226 = %scan3A_203 to %scan3A_205 step %scan3A_206  : i32 {
        %mul3A_227 = arith.constant 4 : i32
        %mul3A_228 = arith.muli %scan3A_226, %mul3A_227 : i32
        %add3A_229 = arith.constant 0 : i32
        %add3A_230 = arith.addi %mul3A_228, %add3A_229 : i32
        %get3A = arith.index_cast %rem3A_158 : i32 to index
        %get3A_231 = arith.index_cast %add3A_230 : i32 to index
        %get3A_232 = arith.constant 0 : index
        %get3A_233 = tpu.vector_load %arg8[%get3A, %get3A_231, %get3A_232] {strides = array<i32>} : memref<3x40x128xf32, #tpu.memory_space<vmem>>, vector<1x1x16xf32>,
        %get3A_234 = vector.shape_cast %get3A_233 : vector<1x1x16xf32> to vector<16xf32>
        %get3A_235 = arith.index_cast %rem3A_158 : i32 to index
        %get3A_236 = arith.index_cast %add3A_230 : i32 to index
        %get3A_237 = arith.constant 32 : index
        %get3A_238 = tpu.vector_load %arg9[%get3A_235, %get3A_236, %get3A_237] {strides = array<i32>} : memref<3x40x128xf32, #tpu.memory_space<vmem>>, vector<1x1x16xf32>,
        %get3A_239 = vector.shape_cast %get3A_238 : vector<1x1x16xf32> to vector<16xf32>
        %add3A_240 = arith.addf %get3A_234, %get3A_239 : vector<16xf32>
        %swap3A = arith.index_cast %rem3A_160 : i32 to index
        %swap3A_241 = arith.index_cast %add3A_230 : i32 to index
        %swap3A_242 = arith.constant 0 : index
        %swap3A_243 = tpu.vector_load %arg10[%swap3A, %swap3A_241, %swap3A_242] {strides = array<i32>} : memref<2x40x128xf32, #tpu.memory_space<vmem>>, vector<1x1x16xf32>,
        %swap3A_244 = vector.shape_cast %swap3A_243 : vector<1x1x16xf32> to vector<16xf32>
        %swap3A_245 = vector.shape_cast %add3A_240 : vector<16xf32> to vector<1x1x16xf32>
        tpu.vector_store %arg10[%swap3A, %swap3A_241, %swap3A_242], %swap3A_245 {strides = array<i32>} : memref<2x40x128xf32, #tpu.memory_space<vmem>>, vector<1x1x16xf32>,
        %get3A_246 = arith.index_cast %rem3A_158 : i32 to index
        %get3A_247 = arith.index_cast %add3A_230 : i32 to index
        %get3A_248 = arith.constant 16 : index
        %get3A_249 = tpu.vector_load %arg8[%get3A_246, %get3A_247, %get3A_248] {strides = array<i32>} : memref<3x40x128xf32, #tpu.memory_space<vmem>>, vector<1x1x16xf32>,
        %get3A_250 = vector.shape_cast %get3A_249 : vector<1x1x16xf32> to vector<16xf32>
        %get3A_251 = arith.index_cast %rem3A_158 : i32 to index
        %get3A_252 = arith.index_cast %add3A_230 : i32 to index
        %get3A_253 = arith.constant 48 : index
        %get3A_254 = tpu.vector_load %arg9[%get3A_251, %get3A_252, %get3A_253] {strides = array<i32>} : memref<3x40x128xf32, #tpu.memory_space<vmem>>, vector<1x1x16xf32>,
        %get3A_255 = vector.shape_cast %get3A_254 : vector<1x1x16xf32> to vector<16xf32>
        %add3A_256 = arith.addf %get3A_250, %get3A_255 : vector<16xf32>
        %swap3A_257 = arith.index_cast %rem3A_160 : i32 to index
        %swap3A_258 = arith.index_cast %add3A_230 : i32 to index
        %swap3A_259 = arith.constant 16 : index
        %swap3A_260 = tpu.vector_load %arg10[%swap3A_257, %swap3A_258, %swap3A_259] {strides = array<i32>} : memref<2x40x128xf32, #tpu.memory_space<vmem>>, vector<1x1x16xf32>,
        %swap3A_261 = vector.shape_cast %swap3A_260 : vector<1x1x16xf32> to vector<16xf32>
        %swap3A_262 = vector.shape_cast %add3A_256 : vector<16xf32> to vector<1x1x16xf32>
        tpu.vector_store %arg10[%swap3A_257, %swap3A_258, %swap3A_259], %swap3A_262 {strides = array<i32>} : memref<2x40x128xf32, #tpu.memory_space<vmem>>, vector<1x1x16xf32>,
        %get3A_263 = arith.index_cast %rem3A_158 : i32 to index
        %get3A_264 = arith.index_cast %add3A_230 : i32 to index
        %get3A_265 = arith.constant 64 : index
        %get3A_266 = tpu.vector_load %arg8[%get3A_263, %get3A_264, %get3A_265] {strides = array<i32>} : memref<3x40x128xf32, #tpu.memory_space<vmem>>, vector<1x1x16xf32>,
        %get3A_267 = vector.shape_cast %get3A_266 : vector<1x1x16xf32> to vector<16xf32>
        %get3A_268 = arith.index_cast %rem3A_158 : i32 to index
        %get3A_269 = arith.index_cast %add3A_230 : i32 to index
        %get3A_270 = arith.constant 64 : index
        %get3A_271 = tpu.vector_load %arg9[%get3A_268, %get3A_269, %get3A_270] {strides = array<i32>} : memref<3x40x128xf32, #tpu.memory_space<vmem>>, vector<1x1x16xf32>,
        %get3A_272 = vector.shape_cast %get3A_271 : vector<1x1x16xf32> to vector<16xf32>
        %sub3A_273 = arith.subf %get3A_267, %get3A_272 : vector<16xf32>
        %swap3A_274 = arith.index_cast %rem3A_160 : i32 to index
        %swap3A_275 = arith.index_cast %add3A_230 : i32 to index
        %swap3A_276 = arith.constant 32 : index
        %swap3A_277 = tpu.vector_load %arg10[%swap3A_274, %swap3A_275, %swap3A_276] {strides = array<i32>} : memref<2x40x128xf32, #tpu.memory_space<vmem>>, vector<1x1x16xf32>,
        %swap3A_278 = vector.shape_cast %swap3A_277 : vector<1x1x16xf32> to vector<16xf32>
        %swap3A_279 = vector.shape_cast %sub3A_273 : vector<16xf32> to vector<1x1x16xf32>
        tpu.vector_store %arg10[%swap3A_274, %swap3A_275, %swap3A_276], %swap3A_279 {strides = array<i32>} : memref<2x40x128xf32, #tpu.memory_space<vmem>>, vector<1x1x16xf32>,
        %mul3A_280 = arith.constant 4 : i32
        %mul3A_281 = arith.muli %scan3A_226, %mul3A_280 : i32
        %add3A_282 = arith.constant 1 : i32
        %add3A_283 = arith.addi %mul3A_281, %add3A_282 : i32
        %get3A_284 = arith.index_cast %rem3A_158 : i32 to index
        %get3A_285 = arith.index_cast %add3A_283 : i32 to index
        %get3A_286 = arith.constant 0 : index
        %get3A_287 = tpu.vector_load %arg8[%get3A_284, %get3A_285, %get3A_286] {strides = array<i32>} : memref<3x40x128xf32, #tpu.memory_space<vmem>>, vector<1x1x16xf32>,
        %get3A_288 = vector.shape_cast %get3A_287 : vector<1x1x16xf32> to vector<16xf32>
        %get3A_289 = arith.index_cast %rem3A_158 : i32 to index
        %get3A_290 = arith.index_cast %add3A_283 : i32 to index
        %get3A_291 = arith.constant 32 : index
        %get3A_292 = tpu.vector_load %arg9[%get3A_289, %get3A_290, %get3A_291] {strides = array<i32>} : memref<3x40x128xf32, #tpu.memory_space<vmem>>, vector<1x1x16xf32>,
        %get3A_293 = vector.shape_cast %get3A_292 : vector<1x1x16xf32> to vector<16xf32>
        %add3A_294 = arith.addf %get3A_288, %get3A_293 : vector<16xf32>
        %swap3A_295 = arith.index_cast %rem3A_160 : i32 to index
        %swap3A_296 = arith.index_cast %add3A_283 : i32 to index
        %swap3A_297 = arith.constant 0 : index
        %swap3A_298 = tpu.vector_load %arg10[%swap3A_295, %swap3A_296, %swap3A_297] {strides = array<i32>} : memref<2x40x128xf32, #tpu.memory_space<vmem>>, vector<1x1x16xf32>,
        %swap3A_299 = vector.shape_cast %swap3A_298 : vector<1x1x16xf32> to vector<16xf32>
        %swap3A_300 = vector.shape_cast %add3A_294 : vector<16xf32> to vector<1x1x16xf32>
        tpu.vector_store %arg10[%swap3A_295, %swap3A_296, %swap3A_297], %swap3A_300 {strides = array<i32>} : memref<2x40x128xf32, #tpu.memory_space<vmem>>, vector<1x1x16xf32>,
        %get3A_301 = arith.index_cast %rem3A_158 : i32 to index
        %get3A_302 = arith.index_cast %add3A_283 : i32 to index
        %get3A_303 = arith.constant 16 : index
        %get3A_304 = tpu.vector_load %arg8[%get3A_301, %get3A_302, %get3A_303] {strides = array<i32>} : memref<3x40x128xf32, #tpu.memory_space<vmem>>, vector<1x1x16xf32>,
        %get3A_305 = vector.shape_cast %get3A_304 : vector<1x1x16xf32> to vector<16xf32>
        %get3A_306 = arith.index_cast %rem3A_158 : i32 to index
        %get3A_307 = arith.index_cast %add3A_283 : i32 to index
        %get3A_308 = arith.constant 48 : index
        %get3A_309 = tpu.vector_load %arg9[%get3A_306, %get3A_307, %get3A_308] {strides = array<i32>} : memref<3x40x128xf32, #tpu.memory_space<vmem>>, vector<1x1x16xf32>,
        %get3A_310 = vector.shape_cast %get3A_309 : vector<1x1x16xf32> to vector<16xf32>
        %add3A_311 = arith.addf %get3A_305, %get3A_310 : vector<16xf32>
        %swap3A_312 = arith.index_cast %rem3A_160 : i32 to index
        %swap3A_313 = arith.index_cast %add3A_283 : i32 to index
        %swap3A_314 = arith.constant 16 : index
        %swap3A_315 = tpu.vector_load %arg10[%swap3A_312, %swap3A_313, %swap3A_314] {strides = array<i32>} : memref<2x40x128xf32, #tpu.memory_space<vmem>>, vector<1x1x16xf32>,
        %swap3A_316 = vector.shape_cast %swap3A_315 : vector<1x1x16xf32> to vector<16xf32>
        %swap3A_317 = vector.shape_cast %add3A_311 : vector<16xf32> to vector<1x1x16xf32>
        tpu.vector_store %arg10[%swap3A_312, %swap3A_313, %swap3A_314], %swap3A_317 {strides = array<i32>} : memref<2x40x128xf32, #tpu.memory_space<vmem>>, vector<1x1x16xf32>,
        %get3A_318 = arith.index_cast %rem3A_158 : i32 to index
        %get3A_319 = arith.index_cast %add3A_283 : i32 to index
        %get3A_320 = arith.constant 64 : index
        %get3A_321 = tpu.vector_load %arg8[%get3A_318, %get3A_319, %get3A_320] {strides = array<i32>} : memref<3x40x128xf32, #tpu.memory_space<vmem>>, vector<1x1x16xf32>,
        %get3A_322 = vector.shape_cast %get3A_321 : vector<1x1x16xf32> to vector<16xf32>
        %get3A_323 = arith.index_cast %rem3A_158 : i32 to index
        %get3A_324 = arith.index_cast %add3A_283 : i32 to index
        %get3A_325 = arith.constant 64 : index
        %get3A_326 = tpu.vector_load %arg9[%get3A_323, %get3A_324, %get3A_325] {strides = array<i32>} : memref<3x40x128xf32, #tpu.memory_space<vmem>>, vector<1x1x16xf32>,
        %get3A_327 = vector.shape_cast %get3A_326 : vector<1x1x16xf32> to vector<16xf32>
        %sub3A_328 = arith.subf %get3A_322, %get3A_327 : vector<16xf32>
        %swap3A_329 = arith.index_cast %rem3A_160 : i32 to index
        %swap3A_330 = arith.index_cast %add3A_283 : i32 to index
        %swap3A_331 = arith.constant 32 : index
        %swap3A_332 = tpu.vector_load %arg10[%swap3A_329, %swap3A_330, %swap3A_331] {strides = array<i32>} : memref<2x40x128xf32, #tpu.memory_space<vmem>>, vector<1x1x16xf32>,
        %swap3A_333 = vector.shape_cast %swap3A_332 : vector<1x1x16xf32> to vector<16xf32>
        %swap3A_334 = vector.shape_cast %sub3A_328 : vector<16xf32> to vector<1x1x16xf32>
        tpu.vector_store %arg10[%swap3A_329, %swap3A_330, %swap3A_331], %swap3A_334 {strides = array<i32>} : memref<2x40x128xf32, #tpu.memory_space<vmem>>, vector<1x1x16xf32>,
        %mul3A_335 = arith.constant 4 : i32
        %mul3A_336 = arith.muli %scan3A_226, %mul3A_335 : i32
        %add3A_337 = arith.constant 2 : i32
        %add3A_338 = arith.addi %mul3A_336, %add3A_337 : i32
        %get3A_339 = arith.index_cast %rem3A_158 : i32 to index
        %get3A_340 = arith.index_cast %add3A_338 : i32 to index
        %get3A_341 = arith.constant 0 : index
        %get3A_342 = tpu.vector_load %arg8[%get3A_339, %get3A_340, %get3A_341] {strides = array<i32>} : memref<3x40x128xf32, #tpu.memory_space<vmem>>, vector<1x1x16xf32>,
        %get3A_343 = vector.shape_cast %get3A_342 : vector<1x1x16xf32> to vector<16xf32>
        %get3A_344 = arith.index_cast %rem3A_158 : i32 to index
        %get3A_345 = arith.index_cast %add3A_338 : i32 to index
        %get3A_346 = arith.constant 32 : index
        %get3A_347 = tpu.vector_load %arg9[%get3A_344, %get3A_345, %get3A_346] {strides = array<i32>} : memref<3x40x128xf32, #tpu.memory_space<vmem>>, vector<1x1x16xf32>,
        %get3A_348 = vector.shape_cast %get3A_347 : vector<1x1x16xf32> to vector<16xf32>
        %add3A_349 = arith.addf %get3A_343, %get3A_348 : vector<16xf32>
        %swap3A_350 = arith.index_cast %rem3A_160 : i32 to index
        %swap3A_351 = arith.index_cast %add3A_338 : i32 to index
        %swap3A_352 = arith.constant 0 : index
        %swap3A_353 = tpu.vector_load %arg10[%swap3A_350, %swap3A_351, %swap3A_352] {strides = array<i32>} : memref<2x40x128xf32, #tpu.memory_space<vmem>>, vector<1x1x16xf32>,
        %swap3A_354 = vector.shape_cast %swap3A_353 : vector<1x1x16xf32> to vector<16xf32>
        %swap3A_355 = vector.shape_cast %add3A_349 : vector<16xf32> to vector<1x1x16xf32>
        tpu.vector_store %arg10[%swap3A_350, %swap3A_351, %swap3A_352], %swap3A_355 {strides = array<i32>} : memref<2x40x128xf32, #tpu.memory_space<vmem>>, vector<1x1x16xf32>,
        %get3A_356 = arith.index_cast %rem3A_158 : i32 to index
        %get3A_357 = arith.index_cast %add3A_338 : i32 to index
        %get3A_358 = arith.constant 16 : index
        %get3A_359 = tpu.vector_load %arg8[%get3A_356, %get3A_357, %get3A_358] {strides = array<i32>} : memref<3x40x128xf32, #tpu.memory_space<vmem>>, vector<1x1x16xf32>,
        %get3A_360 = vector.shape_cast %get3A_359 : vector<1x1x16xf32> to vector<16xf32>
        %get3A_361 = arith.index_cast %rem3A_158 : i32 to index
        %get3A_362 = arith.index_cast %add3A_338 : i32 to index
        %get3A_363 = arith.constant 48 : index
        %get3A_364 = tpu.vector_load %arg9[%get3A_361, %get3A_362, %get3A_363] {strides = array<i32>} : memref<3x40x128xf32, #tpu.memory_space<vmem>>, vector<1x1x16xf32>,
        %get3A_365 = vector.shape_cast %get3A_364 : vector<1x1x16xf32> to vector<16xf32>
        %add3A_366 = arith.addf %get3A_360, %get3A_365 : vector<16xf32>
        %swap3A_367 = arith.index_cast %rem3A_160 : i32 to index
        %swap3A_368 = arith.index_cast %add3A_338 : i32 to index
        %swap3A_369 = arith.constant 16 : index
        %swap3A_370 = tpu.vector_load %arg10[%swap3A_367, %swap3A_368, %swap3A_369] {strides = array<i32>} : memref<2x40x128xf32, #tpu.memory_space<vmem>>, vector<1x1x16xf32>,
        %swap3A_371 = vector.shape_cast %swap3A_370 : vector<1x1x16xf32> to vector<16xf32>
        %swap3A_372 = vector.shape_cast %add3A_366 : vector<16xf32> to vector<1x1x16xf32>
        tpu.vector_store %arg10[%swap3A_367, %swap3A_368, %swap3A_369], %swap3A_372 {strides = array<i32>} : memref<2x40x128xf32, #tpu.memory_space<vmem>>, vector<1x1x16xf32>,
        %get3A_373 = arith.index_cast %rem3A_158 : i32 to index
        %get3A_374 = arith.index_cast %add3A_338 : i32 to index
        %get3A_375 = arith.constant 64 : index
        %get3A_376 = tpu.vector_load %arg8[%get3A_373, %get3A_374, %get3A_375] {strides = array<i32>} : memref<3x40x128xf32, #tpu.memory_space<vmem>>, vector<1x1x16xf32>,
        %get3A_377 = vector.shape_cast %get3A_376 : vector<1x1x16xf32> to vector<16xf32>
        %get3A_378 = arith.index_cast %rem3A_158 : i32 to index
        %get3A_379 = arith.index_cast %add3A_338 : i32 to index
        %get3A_380 = arith.constant 64 : index
        %get3A_381 = tpu.vector_load %arg9[%get3A_378, %get3A_379, %get3A_380] {strides = array<i32>} : memref<3x40x128xf32, #tpu.memory_space<vmem>>, vector<1x1x16xf32>,
        %get3A_382 = vector.shape_cast %get3A_381 : vector<1x1x16xf32> to vector<16xf32>
        %sub3A_383 = arith.subf %get3A_377, %get3A_382 : vector<16xf32>
        %swap3A_384 = arith.index_cast %rem3A_160 : i32 to index
        %swap3A_385 = arith.index_cast %add3A_338 : i32 to index
        %swap3A_386 = arith.constant 32 : index
        %swap3A_387 = tpu.vector_load %arg10[%swap3A_384, %swap3A_385, %swap3A_386] {strides = array<i32>} : memref<2x40x128xf32, #tpu.memory_space<vmem>>, vector<1x1x16xf32>,
        %swap3A_388 = vector.shape_cast %swap3A_387 : vector<1x1x16xf32> to vector<16xf32>
        %swap3A_389 = vector.shape_cast %sub3A_383 : vector<16xf32> to vector<1x1x16xf32>
        tpu.vector_store %arg10[%swap3A_384, %swap3A_385, %swap3A_386], %swap3A_389 {strides = array<i32>} : memref<2x40x128xf32, #tpu.memory_space<vmem>>, vector<1x1x16xf32>,
        %mul3A_390 = arith.constant 4 : i32
        %mul3A_391 = arith.muli %scan3A_226, %mul3A_390 : i32
        %add3A_392 = arith.constant 3 : i32
        %add3A_393 = arith.addi %mul3A_391, %add3A_392 : i32
        %get3A_394 = arith.index_cast %rem3A_158 : i32 to index
        %get3A_395 = arith.index_cast %add3A_393 : i32 to index
        %get3A_396 = arith.constant 0 : index
        %get3A_397 = tpu.vector_load %arg8[%get3A_394, %get3A_395, %get3A_396] {strides = array<i32>} : memref<3x40x128xf32, #tpu.memory_space<vmem>>, vector<1x1x16xf32>,
        %get3A_398 = vector.shape_cast %get3A_397 : vector<1x1x16xf32> to vector<16xf32>
        %get3A_399 = arith.index_cast %rem3A_158 : i32 to index
        %get3A_400 = arith.index_cast %add3A_393 : i32 to index
        %get3A_401 = arith.constant 32 : index
        %get3A_402 = tpu.vector_load %arg9[%get3A_399, %get3A_400, %get3A_401] {strides = array<i32>} : memref<3x40x128xf32, #tpu.memory_space<vmem>>, vector<1x1x16xf32>,
        %get3A_403 = vector.shape_cast %get3A_402 : vector<1x1x16xf32> to vector<16xf32>
        %add3A_404 = arith.addf %get3A_398, %get3A_403 : vector<16xf32>
        %swap3A_405 = arith.index_cast %rem3A_160 : i32 to index
        %swap3A_406 = arith.index_cast %add3A_393 : i32 to index
        %swap3A_407 = arith.constant 0 : index
        %swap3A_408 = tpu.vector_load %arg10[%swap3A_405, %swap3A_406, %swap3A_407] {strides = array<i32>} : memref<2x40x128xf32, #tpu.memory_space<vmem>>, vector<1x1x16xf32>,
        %swap3A_409 = vector.shape_cast %swap3A_408 : vector<1x1x16xf32> to vector<16xf32>
        %swap3A_410 = vector.shape_cast %add3A_404 : vector<16xf32> to vector<1x1x16xf32>
        tpu.vector_store %arg10[%swap3A_405, %swap3A_406, %swap3A_407], %swap3A_410 {strides = array<i32>} : memref<2x40x128xf32, #tpu.memory_space<vmem>>, vector<1x1x16xf32>,
        %get3A_411 = arith.index_cast %rem3A_158 : i32 to index
        %get3A_412 = arith.index_cast %add3A_393 : i32 to index
        %get3A_413 = arith.constant 16 : index
        %get3A_414 = tpu.vector_load %arg8[%get3A_411, %get3A_412, %get3A_413] {strides = array<i32>} : memref<3x40x128xf32, #tpu.memory_space<vmem>>, vector<1x1x16xf32>,
        %get3A_415 = vector.shape_cast %get3A_414 : vector<1x1x16xf32> to vector<16xf32>
        %get3A_416 = arith.index_cast %rem3A_158 : i32 to index
        %get3A_417 = arith.index_cast %add3A_393 : i32 to index
        %get3A_418 = arith.constant 48 : index
        %get3A_419 = tpu.vector_load %arg9[%get3A_416, %get3A_417, %get3A_418] {strides = array<i32>} : memref<3x40x128xf32, #tpu.memory_space<vmem>>, vector<1x1x16xf32>,
        %get3A_420 = vector.shape_cast %get3A_419 : vector<1x1x16xf32> to vector<16xf32>
        %add3A_421 = arith.addf %get3A_415, %get3A_420 : vector<16xf32>
        %swap3A_422 = arith.index_cast %rem3A_160 : i32 to index
        %swap3A_423 = arith.index_cast %add3A_393 : i32 to index
        %swap3A_424 = arith.constant 16 : index
        %swap3A_425 = tpu.vector_load %arg10[%swap3A_422, %swap3A_423, %swap3A_424] {strides = array<i32>} : memref<2x40x128xf32, #tpu.memory_space<vmem>>, vector<1x1x16xf32>,
        %swap3A_426 = vector.shape_cast %swap3A_425 : vector<1x1x16xf32> to vector<16xf32>
        %swap3A_427 = vector.shape_cast %add3A_421 : vector<16xf32> to vector<1x1x16xf32>
        tpu.vector_store %arg10[%swap3A_422, %swap3A_423, %swap3A_424], %swap3A_427 {strides = array<i32>} : memref<2x40x128xf32, #tpu.memory_space<vmem>>, vector<1x1x16xf32>,
        %get3A_428 = arith.index_cast %rem3A_158 : i32 to index
        %get3A_429 = arith.index_cast %add3A_393 : i32 to index
        %get3A_430 = arith.constant 64 : index
        %get3A_431 = tpu.vector_load %arg8[%get3A_428, %get3A_429, %get3A_430] {strides = array<i32>} : memref<3x40x128xf32, #tpu.memory_space<vmem>>, vector<1x1x16xf32>,
        %get3A_432 = vector.shape_cast %get3A_431 : vector<1x1x16xf32> to vector<16xf32>
        %get3A_433 = arith.index_cast %rem3A_158 : i32 to index
        %get3A_434 = arith.index_cast %add3A_393 : i32 to index
        %get3A_435 = arith.constant 64 : index
        %get3A_436 = tpu.vector_load %arg9[%get3A_433, %get3A_434, %get3A_435] {strides = array<i32>} : memref<3x40x128xf32, #tpu.memory_space<vmem>>, vector<1x1x16xf32>,
        %get3A_437 = vector.shape_cast %get3A_436 : vector<1x1x16xf32> to vector<16xf32>
        %sub3A_438 = arith.subf %get3A_432, %get3A_437 : vector<16xf32>
        %swap3A_439 = arith.index_cast %rem3A_160 : i32 to index
        %swap3A_440 = arith.index_cast %add3A_393 : i32 to index
        %swap3A_441 = arith.constant 32 : index
        %swap3A_442 = tpu.vector_load %arg10[%swap3A_439, %swap3A_440, %swap3A_441] {strides = array<i32>} : memref<2x40x128xf32, #tpu.memory_space<vmem>>, vector<1x1x16xf32>,
        %swap3A_443 = vector.shape_cast %swap3A_442 : vector<1x1x16xf32> to vector<16xf32>
        %swap3A_444 = vector.shape_cast %sub3A_438 : vector<16xf32> to vector<1x1x16xf32>
        tpu.vector_store %arg10[%swap3A_439, %swap3A_440, %swap3A_441], %swap3A_444 {strides = array<i32>} : memref<2x40x128xf32, #tpu.memory_space<vmem>>, vector<1x1x16xf32>,
      }
      %scan3A_207 = arith.constant 10 : i32
      %sub3A = arith.constant 0 : i32
      %sub3A_208 = arith.subi %add3A_4, %sub3A : i32
      %mul3A_209 = arith.constant 40 : i32
      %mul3A_210 = arith.muli %scan3A_156, %mul3A_209 : i32
      %add3A_211 = arith.addi %sub3A_208, %mul3A_210 : i32
      %dma_start3A_212 = arith.constant 0 : i32
      %dma_start3A_213 = arith.constant 0 : i32
      %dma_start3A_214 = tpu.memref_slice %arg10[%rem3A_160, %dma_start3A_212, %dma_start3A_213] : memref<2x40x128xf32, #tpu.memory_space<vmem>> -> memref<1x40x128xf32, #tpu.memory_space<vmem>>
      %dma_start3A_215 = tpu.memref_squeeze %dma_start3A_214 : memref<1x40x128xf32, #tpu.memory_space<vmem>> -> memref<40x128xf32, #tpu.memory_space<vmem>>
      %dma_start3A_216 = arith.constant 0 : i32
      %dma_start3A_217 = tpu.memref_slice %arg5[%add3A_211, %dma_start3A_216] : memref<160000x128xf32, #tpu.memory_space<hbm>> -> memref<40x128xf32, #tpu.memory_space<hbm>>
      %dma_start3A_218 = tpu.memref_slice %arg13[%rem3A_160] : memref<2x!tpu.dma_semaphore, #tpu.memory_space<semaphore_mem>> -> memref<1x!tpu.dma_semaphore, #tpu.memory_space<semaphore_mem>>
      %dma_start3A_219 = tpu.memref_squeeze %dma_start3A_218 : memref<1x!tpu.dma_semaphore, #tpu.memory_space<semaphore_mem>> -> memref<!tpu.dma_semaphore, #tpu.memory_space<semaphore_mem>>
      %dma_start3A_220 = arith.constant 0 : i32
      %dma_start3A_221 = tpu.memref_slice %arg5[%add3A_211, %dma_start3A_220] : memref<160000x128xf32, #tpu.memory_space<hbm>> -> memref<40x128xf32, #tpu.memory_space<hbm>>
      %dma_start3A_222 = arith.constant 0 : i32
      %dma_start3A_223 = arith.constant 0 : i32
      %dma_start3A_224 = tpu.memref_slice %arg10[%rem3A_160, %dma_start3A_222, %dma_start3A_223] : memref<2x40x128xf32, #tpu.memory_space<vmem>> -> memref<1x40x128xf32, #tpu.memory_space<vmem>>
      %dma_start3A_225 = tpu.memref_squeeze %dma_start3A_224 : memref<1x40x128xf32, #tpu.memory_space<vmem>> -> memref<40x128xf32, #tpu.memory_space<vmem>>
      tpu.enqueue_dma source(%dma_start3A_225 : memref<40x128xf32, #tpu.memory_space<vmem>>) target(%dma_start3A_221 : memref<40x128xf32, #tpu.memory_space<hbm>>) target_semaphore(%dma_start3A_219 : memref<!tpu.dma_semaphore, #tpu.memory_space<semaphore_mem>>)
    }
    %scan3A_117 = arith.constant 125 : i32
    %rem3A_118 = arith.constant 123 : i32
    %rem3A_119 = arith.constant 2 : i32
    %rem3A_120 = arith.remsi %rem3A_118, %rem3A_119 : i32
    %dma_wait3A_121 = arith.constant 0 : i32
    %dma_wait3A_122 = arith.constant 0 : i32
    %dma_wait3A_123 = tpu.memref_slice %arg10[%rem3A_120, %dma_wait3A_121, %dma_wait3A_122] : memref<2x40x128xf32, #tpu.memory_space<vmem>> -> memref<1x40x128xf32, #tpu.memory_space<vmem>>
    %dma_wait3A_124 = tpu.memref_squeeze %dma_wait3A_123 : memref<1x40x128xf32, #tpu.memory_space<vmem>> -> memref<40x128xf32, #tpu.memory_space<vmem>>
    %dma_wait3A_125 = arith.constant 0 : i32
    %dma_wait3A_126 = arith.constant 0 : i32
    %dma_wait3A_127 = tpu.memref_slice %arg5[%dma_wait3A_125, %dma_wait3A_126] : memref<160000x128xf32, #tpu.memory_space<hbm>> -> memref<40x128xf32, #tpu.memory_space<hbm>>
    %dma_wait3A_128 = tpu.memref_slice %arg13[%rem3A_120] : memref<2x!tpu.dma_semaphore, #tpu.memory_space<semaphore_mem>> -> memref<1x!tpu.dma_semaphore, #tpu.memory_space<semaphore_mem>>
    %dma_wait3A_129 = tpu.memref_squeeze %dma_wait3A_128 : memref<1x!tpu.dma_semaphore, #tpu.memory_space<semaphore_mem>> -> memref<!tpu.dma_semaphore, #tpu.memory_space<semaphore_mem>>
    %dma_wait3A_130 = arith.constant 0 : i32
    %dma_wait3A_131 = arith.constant 0 : i32
    %dma_wait3A_132 = tpu.memref_slice %arg5[%dma_wait3A_130, %dma_wait3A_131] : memref<160000x128xf32, #tpu.memory_space<hbm>> -> memref<40x128xf32, #tpu.memory_space<hbm>>
    %dma_wait3A_133 = arith.constant 0 : i32
    %dma_wait3A_134 = arith.constant 0 : i32
    %dma_wait3A_135 = tpu.memref_slice %arg10[%rem3A_120, %dma_wait3A_133, %dma_wait3A_134] : memref<2x40x128xf32, #tpu.memory_space<vmem>> -> memref<1x40x128xf32, #tpu.memory_space<vmem>>
    %dma_wait3A_136 = tpu.memref_squeeze %dma_wait3A_135 : memref<1x40x128xf32, #tpu.memory_space<vmem>> -> memref<40x128xf32, #tpu.memory_space<vmem>>
    tpu.wait_dma2 semaphore(%dma_wait3A_129 : memref<!tpu.dma_semaphore, #tpu.memory_space<semaphore_mem>>) src(%dma_wait3A_136 : memref<40x128xf32, #tpu.memory_space<vmem>>) dst(%dma_wait3A_132 : memref<40x128xf32, #tpu.memory_space<hbm>>)
    %rem3A_137 = arith.constant 124 : i32
    %rem3A_138 = arith.constant 2 : i32
    %rem3A_139 = arith.remsi %rem3A_137, %rem3A_138 : i32
    %dma_wait3A_140 = arith.constant 0 : i32
    %dma_wait3A_141 = arith.constant 0 : i32
    %dma_wait3A_142 = tpu.memref_slice %arg10[%rem3A_139, %dma_wait3A_140, %dma_wait3A_141] : memref<2x40x128xf32, #tpu.memory_space<vmem>> -> memref<1x40x128xf32, #tpu.memory_space<vmem>>
    %dma_wait3A_143 = tpu.memref_squeeze %dma_wait3A_142 : memref<1x40x128xf32, #tpu.memory_space<vmem>> -> memref<40x128xf32, #tpu.memory_space<vmem>>
    %dma_wait3A_144 = arith.constant 0 : i32
    %dma_wait3A_145 = arith.constant 0 : i32
    %dma_wait3A_146 = tpu.memref_slice %arg5[%dma_wait3A_144, %dma_wait3A_145] : memref<160000x128xf32, #tpu.memory_space<hbm>> -> memref<40x128xf32, #tpu.memory_space<hbm>>
    %dma_wait3A_147 = tpu.memref_slice %arg13[%rem3A_139] : memref<2x!tpu.dma_semaphore, #tpu.memory_space<semaphore_mem>> -> memref<1x!tpu.dma_semaphore, #tpu.memory_space<semaphore_mem>>
    %dma_wait3A_148 = tpu.memref_squeeze %dma_wait3A_147 : memref<1x!tpu.dma_semaphore, #tpu.memory_space<semaphore_mem>> -> memref<!tpu.dma_semaphore, #tpu.memory_space<semaphore_mem>>
    %dma_wait3A_149 = arith.constant 0 : i32
    %dma_wait3A_150 = arith.constant 0 : i32
    %dma_wait3A_151 = tpu.memref_slice %arg5[%dma_wait3A_149, %dma_wait3A_150] : memref<160000x128xf32, #tpu.memory_space<hbm>> -> memref<40x128xf32, #tpu.memory_space<hbm>>
    %dma_wait3A_152 = arith.constant 0 : i32
    %dma_wait3A_153 = arith.constant 0 : i32
    %dma_wait3A_154 = tpu.memref_slice %arg10[%rem3A_139, %dma_wait3A_152, %dma_wait3A_153] : memref<2x40x128xf32, #tpu.memory_space<vmem>> -> memref<1x40x128xf32, #tpu.memory_space<vmem>>
    %dma_wait3A_155 = tpu.memref_squeeze %dma_wait3A_154 : memref<1x40x128xf32, #tpu.memory_space<vmem>> -> memref<40x128xf32, #tpu.memory_space<vmem>>
    tpu.wait_dma2 semaphore(%dma_wait3A_148 : memref<!tpu.dma_semaphore, #tpu.memory_space<semaphore_mem>>) src(%dma_wait3A_155 : memref<40x128xf32, #tpu.memory_space<vmem>>) dst(%dma_wait3A_151 : memref<40x128xf32, #tpu.memory_space<hbm>>)
    return
  }
}

#map = affine_map<(d0, d1) -> (0, 0)>
#map1 = affine_map<(d0, d1) -> (0)>
module attributes {stable_mosaic.version = 14 : i64} {
  func.func @kern(%arg0: i32, %arg1: i32, %arg2: memref<10000x128xf32, #tpu.memory_space<hbm>>, %arg3: memref<320000xi32, #tpu.memory_space<hbm>>, %arg4: memref<320000xi32, #tpu.memory_space<hbm>>, %arg5: memref<160000x128xf32, #tpu.memory_space<hbm>>, %arg6: memref<3x40xi32, #tpu.memory_space<vmem>>, %arg7: memref<3x40xi32, #tpu.memory_space<vmem>>, %arg8: memref<3x40x128xf32, #tpu.memory_space<vmem>>, %arg9: memref<3x40x128xf32, #tpu.memory_space<vmem>>, %arg10: memref<2x40x128xf32, #tpu.memory_space<vmem>>, %arg11: memref<3x!tpu.dma_semaphore, #tpu.memory_space<semaphore_mem>>, %arg12: memref<3x!tpu.dma_semaphore, #tpu.memory_space<semaphore_mem>>, %arg13: memref<2x!tpu.dma_semaphore, #tpu.memory_space<semaphore_mem>>) attributes {dimension_semantics = [#tpu.dimension_semantics<core_parallel>, #tpu.dimension_semantics<subcore_parallel>], iteration_bounds = array<i64: 2, 16>, scalar_prefetch = 0 : i64, scratch_operands = 8 : i64, tpu.core_type = #tpu.core_type<sc_vector_subcore>, window_params = [{transform_indices = #map}, {transform_indices = #map1}, {transform_indices = #map1}, {transform_indices = #map}]} {
    %mul3A = arith.constant 2 : i32
    %mul3A_0 = arith.muli %arg1, %mul3A : i32
    %add3A = arith.addi %mul3A_0, %arg0 : i32
    %mul3A_1 = arith.constant 5000 : i32
    %mul3A_2 = arith.muli %add3A, %mul3A_1 : i32
    %add3A_3 = arith.constant 160000 : i32
    %add3A_4 = arith.addi %add3A_3, %mul3A_2 : i32
    %broadcast_in_dim3A = arith.constant 0.000000e+00 : f32
    %broadcast_in_dim3A_5 = vector.broadcast %broadcast_in_dim3A : f32 to vector<16xf32>
    %scan3A = arith.constant 0 : i32
    %scan3A_6 = arith.constant 0 : i32
    %scan3A_7 = arith.constant 40 : i32
    %scan3A_8 = arith.addi %scan3A_6, %scan3A_7 : i32
    %scan3A_9 = arith.constant 1 : i32
    scf.for %scan3A_156 = %scan3A_6 to %scan3A_8 step %scan3A_9  : i32 {
      %swap3A = arith.constant 0 : i32
      %swap3A_157 = arith.index_cast %swap3A : i32 to index
      %swap3A_158 = arith.index_cast %scan3A_156 : i32 to index
      %swap3A_159 = arith.constant 48 : index
      %swap3A_160 = tpu.vector_load %arg10[%swap3A_157, %swap3A_158, %swap3A_159] {strides = array<i32>} : memref<2x40x128xf32, #tpu.memory_space<vmem>>, vector<1x1x16xf32>,
      %swap3A_161 = vector.shape_cast %swap3A_160 : vector<1x1x16xf32> to vector<16xf32>
      %swap3A_162 = vector.shape_cast %broadcast_in_dim3A_5 : vector<16xf32> to vector<1x1x16xf32>
      tpu.vector_store %arg10[%swap3A_157, %swap3A_158, %swap3A_159], %swap3A_162 {strides = array<i32>} : memref<2x40x128xf32, #tpu.memory_space<vmem>>, vector<1x1x16xf32>,
      %swap3A_163 = arith.constant 0 : i32
      %swap3A_164 = arith.index_cast %swap3A_163 : i32 to index
      %swap3A_165 = arith.index_cast %scan3A_156 : i32 to index
      %swap3A_166 = arith.constant 64 : index
      %swap3A_167 = tpu.vector_load %arg10[%swap3A_164, %swap3A_165, %swap3A_166] {strides = array<i32>} : memref<2x40x128xf32, #tpu.memory_space<vmem>>, vector<1x1x16xf32>,
      %swap3A_168 = vector.shape_cast %swap3A_167 : vector<1x1x16xf32> to vector<16xf32>
      %swap3A_169 = vector.shape_cast %broadcast_in_dim3A_5 : vector<16xf32> to vector<1x1x16xf32>
      tpu.vector_store %arg10[%swap3A_164, %swap3A_165, %swap3A_166], %swap3A_169 {strides = array<i32>} : memref<2x40x128xf32, #tpu.memory_space<vmem>>, vector<1x1x16xf32>,
      %swap3A_170 = arith.constant 0 : i32
      %swap3A_171 = arith.index_cast %swap3A_170 : i32 to index
      %swap3A_172 = arith.index_cast %scan3A_156 : i32 to index
      %swap3A_173 = arith.constant 80 : index
      %swap3A_174 = tpu.vector_load %arg10[%swap3A_171, %swap3A_172, %swap3A_173] {strides = array<i32>} : memref<2x40x128xf32, #tpu.memory_space<vmem>>, vector<1x1x16xf32>,
      %swap3A_175 = vector.shape_cast %swap3A_174 : vector<1x1x16xf32> to vector<16xf32>
      %swap3A_176 = vector.shape_cast %broadcast_in_dim3A_5 : vector<16xf32> to vector<1x1x16xf32>
      tpu.vector_store %arg10[%swap3A_171, %swap3A_172, %swap3A_173], %swap3A_176 {strides = array<i32>} : memref<2x40x128xf32, #tpu.memory_space<vmem>>, vector<1x1x16xf32>,
      %swap3A_177 = arith.constant 0 : i32
      %swap3A_178 = arith.index_cast %swap3A_177 : i32 to index
      %swap3A_179 = arith.index_cast %scan3A_156 : i32 to index
      %swap3A_180 = arith.constant 96 : index
      %swap3A_181 = tpu.vector_load %arg10[%swap3A_178, %swap3A_179, %swap3A_180] {strides = array<i32>} : memref<2x40x128xf32, #tpu.memory_space<vmem>>, vector<1x1x16xf32>,
      %swap3A_182 = vector.shape_cast %swap3A_181 : vector<1x1x16xf32> to vector<16xf32>
      %swap3A_183 = vector.shape_cast %broadcast_in_dim3A_5 : vector<16xf32> to vector<1x1x16xf32>
      tpu.vector_store %arg10[%swap3A_178, %swap3A_179, %swap3A_180], %swap3A_183 {strides = array<i32>} : memref<2x40x128xf32, #tpu.memory_space<vmem>>, vector<1x1x16xf32>,
      %swap3A_184 = arith.constant 0 : i32
      %swap3A_185 = arith.index_cast %swap3A_184 : i32 to index
      %swap3A_186 = arith.index_cast %scan3A_156 : i32 to index
      %swap3A_187 = arith.constant 112 : index
      %swap3A_188 = tpu.vector_load %arg10[%swap3A_185, %swap3A_186, %swap3A_187] {strides = array<i32>} : memref<2x40x128xf32, #tpu.memory_space<vmem>>, vector<1x1x16xf32>,
      %swap3A_189 = vector.shape_cast %swap3A_188 : vector<1x1x16xf32> to vector<16xf32>
      %swap3A_190 = vector.shape_cast %broadcast_in_dim3A_5 : vector<16xf32> to vector<1x1x16xf32>
      tpu.vector_store %arg10[%swap3A_185, %swap3A_186, %swap3A_187], %swap3A_190 {strides = array<i32>} : memref<2x40x128xf32, #tpu.memory_space<vmem>>, vector<1x1x16xf32>,
      %swap3A_191 = arith.constant 1 : i32
      %swap3A_192 = arith.index_cast %swap3A_191 : i32 to index
      %swap3A_193 = arith.index_cast %scan3A_156 : i32 to index
      %swap3A_194 = arith.constant 48 : index
      %swap3A_195 = tpu.vector_load %arg10[%swap3A_192, %swap3A_193, %swap3A_194] {strides = array<i32>} : memref<2x40x128xf32, #tpu.memory_space<vmem>>, vector<1x1x16xf32>,
      %swap3A_196 = vector.shape_cast %swap3A_195 : vector<1x1x16xf32> to vector<16xf32>
      %swap3A_197 = vector.shape_cast %broadcast_in_dim3A_5 : vector<16xf32> to vector<1x1x16xf32>
      tpu.vector_store %arg10[%swap3A_192, %swap3A_193, %swap3A_194], %swap3A_197 {strides = array<i32>} : memref<2x40x128xf32, #tpu.memory_space<vmem>>, vector<1x1x16xf32>,
      %swap3A_198 = arith.constant 1 : i32
      %swap3A_199 = arith.index_cast %swap3A_198 : i32 to index
      %swap3A_200 = arith.index_cast %scan3A_156 : i32 to index
      %swap3A_201 = arith.constant 64 : index
      %swap3A_202 = tpu.vector_load %arg10[%swap3A_199, %swap3A_200, %swap3A_201] {strides = array<i32>} : memref<2x40x128xf32, #tpu.memory_space<vmem>>, vector<1x1x16xf32>,
      %swap3A_203 = vector.shape_cast %swap3A_202 : vector<1x1x16xf32> to vector<16xf32>
      %swap3A_204 = vector.shape_cast %broadcast_in_dim3A_5 : vector<16xf32> to vector<1x1x16xf32>
      tpu.vector_store %arg10[%swap3A_199, %swap3A_200, %swap3A_201], %swap3A_204 {strides = array<i32>} : memref<2x40x128xf32, #tpu.memory_space<vmem>>, vector<1x1x16xf32>,
      %swap3A_205 = arith.constant 1 : i32
      %swap3A_206 = arith.index_cast %swap3A_205 : i32 to index
      %swap3A_207 = arith.index_cast %scan3A_156 : i32 to index
      %swap3A_208 = arith.constant 80 : index
      %swap3A_209 = tpu.vector_load %arg10[%swap3A_206, %swap3A_207, %swap3A_208] {strides = array<i32>} : memref<2x40x128xf32, #tpu.memory_space<vmem>>, vector<1x1x16xf32>,
      %swap3A_210 = vector.shape_cast %swap3A_209 : vector<1x1x16xf32> to vector<16xf32>
      %swap3A_211 = vector.shape_cast %broadcast_in_dim3A_5 : vector<16xf32> to vector<1x1x16xf32>
      tpu.vector_store %arg10[%swap3A_206, %swap3A_207, %swap3A_208], %swap3A_211 {strides = array<i32>} : memref<2x40x128xf32, #tpu.memory_space<vmem>>, vector<1x1x16xf32>,
      %swap3A_212 = arith.constant 1 : i32
      %swap3A_213 = arith.index_cast %swap3A_212 : i32 to index
      %swap3A_214 = arith.index_cast %scan3A_156 : i32 to index
      %swap3A_215 = arith.constant 96 : index
      %swap3A_216 = tpu.vector_load %arg10[%swap3A_213, %swap3A_214, %swap3A_215] {strides = array<i32>} : memref<2x40x128xf32, #tpu.memory_space<vmem>>, vector<1x1x16xf32>,
      %swap3A_217 = vector.shape_cast %swap3A_216 : vector<1x1x16xf32> to vector<16xf32>
      %swap3A_218 = vector.shape_cast %broadcast_in_dim3A_5 : vector<16xf32> to vector<1x1x16xf32>
      tpu.vector_store %arg10[%swap3A_213, %swap3A_214, %swap3A_215], %swap3A_218 {strides = array<i32>} : memref<2x40x128xf32, #tpu.memory_space<vmem>>, vector<1x1x16xf32>,
      %swap3A_219 = arith.constant 1 : i32
      %swap3A_220 = arith.index_cast %swap3A_219 : i32 to index
      %swap3A_221 = arith.index_cast %scan3A_156 : i32 to index
      %swap3A_222 = arith.constant 112 : index
      %swap3A_223 = tpu.vector_load %arg10[%swap3A_220, %swap3A_221, %swap3A_222] {strides = array<i32>} : memref<2x40x128xf32, #tpu.memory_space<vmem>>, vector<1x1x16xf32>,
      %swap3A_224 = vector.shape_cast %swap3A_223 : vector<1x1x16xf32> to vector<16xf32>
      %swap3A_225 = vector.shape_cast %broadcast_in_dim3A_5 : vector<16xf32> to vector<1x1x16xf32>
      tpu.vector_store %arg10[%swap3A_220, %swap3A_221, %swap3A_222], %swap3A_225 {strides = array<i32>} : memref<2x40x128xf32, #tpu.memory_space<vmem>>, vector<1x1x16xf32>,
    }
    %scan3A_10 = arith.constant 40 : i32
    %rem3A = arith.constant 0 : i32
    %rem3A_11 = arith.constant 3 : i32
    %rem3A_12 = arith.remsi %rem3A, %rem3A_11 : i32
    %add3A_13 = arith.constant 0 : i32
    %add3A_14 = arith.addi %add3A_4, %add3A_13 : i32
    %dma_start3A = arith.constant 0 : i32
    %dma_start3A_15 = tpu.memref_slice %arg7[%rem3A_12, %dma_start3A] : memref<3x40xi32, #tpu.memory_space<vmem>> -> memref<1x40xi32, #tpu.memory_space<vmem>>
    %dma_start3A_16 = tpu.memref_squeeze %dma_start3A_15 : memref<1x40xi32, #tpu.memory_space<vmem>> -> memref<40xi32, #tpu.memory_space<vmem>>
    %dma_start3A_17 = tpu.memref_slice %arg4[%add3A_14] : memref<320000xi32, #tpu.memory_space<hbm>> -> memref<40xi32, #tpu.memory_space<hbm>>
    %dma_start3A_18 = tpu.memref_slice %arg11[%rem3A_12] : memref<3x!tpu.dma_semaphore, #tpu.memory_space<semaphore_mem>> -> memref<1x!tpu.dma_semaphore, #tpu.memory_space<semaphore_mem>>
    %dma_start3A_19 = tpu.memref_squeeze %dma_start3A_18 : memref<1x!tpu.dma_semaphore, #tpu.memory_space<semaphore_mem>> -> memref<!tpu.dma_semaphore, #tpu.memory_space<semaphore_mem>>
    %dma_start3A_20 = arith.constant 0 : i32
    %dma_start3A_21 = tpu.memref_slice %arg7[%rem3A_12, %dma_start3A_20] : memref<3x40xi32, #tpu.memory_space<vmem>> -> memref<1x40xi32, #tpu.memory_space<vmem>>
    %dma_start3A_22 = tpu.memref_squeeze %dma_start3A_21 : memref<1x40xi32, #tpu.memory_space<vmem>> -> memref<40xi32, #tpu.memory_space<vmem>>
    %dma_start3A_23 = tpu.memref_slice %arg4[%add3A_14] : memref<320000xi32, #tpu.memory_space<hbm>> -> memref<40xi32, #tpu.memory_space<hbm>>
    tpu.enqueue_dma source(%dma_start3A_23 : memref<40xi32, #tpu.memory_space<hbm>>) target(%dma_start3A_22 : memref<40xi32, #tpu.memory_space<vmem>>) target_semaphore(%dma_start3A_19 : memref<!tpu.dma_semaphore, #tpu.memory_space<semaphore_mem>>)
    %dma_start3A_24 = arith.constant 0 : i32
    %dma_start3A_25 = tpu.memref_slice %arg6[%rem3A_12, %dma_start3A_24] : memref<3x40xi32, #tpu.memory_space<vmem>> -> memref<1x40xi32, #tpu.memory_space<vmem>>
    %dma_start3A_26 = tpu.memref_squeeze %dma_start3A_25 : memref<1x40xi32, #tpu.memory_space<vmem>> -> memref<40xi32, #tpu.memory_space<vmem>>
    %dma_start3A_27 = tpu.memref_slice %arg3[%add3A_14] : memref<320000xi32, #tpu.memory_space<hbm>> -> memref<40xi32, #tpu.memory_space<hbm>>
    %dma_start3A_28 = tpu.memref_slice %arg11[%rem3A_12] : memref<3x!tpu.dma_semaphore, #tpu.memory_space<semaphore_mem>> -> memref<1x!tpu.dma_semaphore, #tpu.memory_space<semaphore_mem>>
    %dma_start3A_29 = tpu.memref_squeeze %dma_start3A_28 : memref<1x!tpu.dma_semaphore, #tpu.memory_space<semaphore_mem>> -> memref<!tpu.dma_semaphore, #tpu.memory_space<semaphore_mem>>
    %dma_start3A_30 = arith.constant 0 : i32
    %dma_start3A_31 = tpu.memref_slice %arg6[%rem3A_12, %dma_start3A_30] : memref<3x40xi32, #tpu.memory_space<vmem>> -> memref<1x40xi32, #tpu.memory_space<vmem>>
    %dma_start3A_32 = tpu.memref_squeeze %dma_start3A_31 : memref<1x40xi32, #tpu.memory_space<vmem>> -> memref<40xi32, #tpu.memory_space<vmem>>
    %dma_start3A_33 = tpu.memref_slice %arg3[%add3A_14] : memref<320000xi32, #tpu.memory_space<hbm>> -> memref<40xi32, #tpu.memory_space<hbm>>
    tpu.enqueue_dma source(%dma_start3A_33 : memref<40xi32, #tpu.memory_space<hbm>>) target(%dma_start3A_32 : memref<40xi32, #tpu.memory_space<vmem>>) target_semaphore(%dma_start3A_29 : memref<!tpu.dma_semaphore, #tpu.memory_space<semaphore_mem>>)
    %rem3A_34 = arith.constant 1 : i32
    %rem3A_35 = arith.constant 3 : i32
    %rem3A_36 = arith.remsi %rem3A_34, %rem3A_35 : i32
    %add3A_37 = arith.constant 40 : i32
    %add3A_38 = arith.addi %add3A_4, %add3A_37 : i32
    %dma_start3A_39 = arith.constant 0 : i32
    %dma_start3A_40 = tpu.memref_slice %arg7[%rem3A_36, %dma_start3A_39] : memref<3x40xi32, #tpu.memory_space<vmem>> -> memref<1x40xi32, #tpu.memory_space<vmem>>
    %dma_start3A_41 = tpu.memref_squeeze %dma_start3A_40 : memref<1x40xi32, #tpu.memory_space<vmem>> -> memref<40xi32, #tpu.memory_space<vmem>>
    %dma_start3A_42 = tpu.memref_slice %arg4[%add3A_38] : memref<320000xi32, #tpu.memory_space<hbm>> -> memref<40xi32, #tpu.memory_space<hbm>>
    %dma_start3A_43 = tpu.memref_slice %arg11[%rem3A_36] : memref<3x!tpu.dma_semaphore, #tpu.memory_space<semaphore_mem>> -> memref<1x!tpu.dma_semaphore, #tpu.memory_space<semaphore_mem>>
    %dma_start3A_44 = tpu.memref_squeeze %dma_start3A_43 : memref<1x!tpu.dma_semaphore, #tpu.memory_space<semaphore_mem>> -> memref<!tpu.dma_semaphore, #tpu.memory_space<semaphore_mem>>
    %dma_start3A_45 = arith.constant 0 : i32
    %dma_start3A_46 = tpu.memref_slice %arg7[%rem3A_36, %dma_start3A_45] : memref<3x40xi32, #tpu.memory_space<vmem>> -> memref<1x40xi32, #tpu.memory_space<vmem>>
    %dma_start3A_47 = tpu.memref_squeeze %dma_start3A_46 : memref<1x40xi32, #tpu.memory_space<vmem>> -> memref<40xi32, #tpu.memory_space<vmem>>
    %dma_start3A_48 = tpu.memref_slice %arg4[%add3A_38] : memref<320000xi32, #tpu.memory_space<hbm>> -> memref<40xi32, #tpu.memory_space<hbm>>
    tpu.enqueue_dma source(%dma_start3A_48 : memref<40xi32, #tpu.memory_space<hbm>>) target(%dma_start3A_47 : memref<40xi32, #tpu.memory_space<vmem>>) target_semaphore(%dma_start3A_44 : memref<!tpu.dma_semaphore, #tpu.memory_space<semaphore_mem>>)
    %dma_start3A_49 = arith.constant 0 : i32
    %dma_start3A_50 = tpu.memref_slice %arg6[%rem3A_36, %dma_start3A_49] : memref<3x40xi32, #tpu.memory_space<vmem>> -> memref<1x40xi32, #tpu.memory_space<vmem>>
    %dma_start3A_51 = tpu.memref_squeeze %dma_start3A_50 : memref<1x40xi32, #tpu.memory_space<vmem>> -> memref<40xi32, #tpu.memory_space<vmem>>
    %dma_start3A_52 = tpu.memref_slice %arg3[%add3A_38] : memref<320000xi32, #tpu.memory_space<hbm>> -> memref<40xi32, #tpu.memory_space<hbm>>
    %dma_start3A_53 = tpu.memref_slice %arg11[%rem3A_36] : memref<3x!tpu.dma_semaphore, #tpu.memory_space<semaphore_mem>> -> memref<1x!tpu.dma_semaphore, #tpu.memory_space<semaphore_mem>>
    %dma_start3A_54 = tpu.memref_squeeze %dma_start3A_53 : memref<1x!tpu.dma_semaphore, #tpu.memory_space<semaphore_mem>> -> memref<!tpu.dma_semaphore, #tpu.memory_space<semaphore_mem>>
    %dma_start3A_55 = arith.constant 0 : i32
    %dma_start3A_56 = tpu.memref_slice %arg6[%rem3A_36, %dma_start3A_55] : memref<3x40xi32, #tpu.memory_space<vmem>> -> memref<1x40xi32, #tpu.memory_space<vmem>>
    %dma_start3A_57 = tpu.memref_squeeze %dma_start3A_56 : memref<1x40xi32, #tpu.memory_space<vmem>> -> memref<40xi32, #tpu.memory_space<vmem>>
    %dma_start3A_58 = tpu.memref_slice %arg3[%add3A_38] : memref<320000xi32, #tpu.memory_space<hbm>> -> memref<40xi32, #tpu.memory_space<hbm>>
    tpu.enqueue_dma source(%dma_start3A_58 : memref<40xi32, #tpu.memory_space<hbm>>) target(%dma_start3A_57 : memref<40xi32, #tpu.memory_space<vmem>>) target_semaphore(%dma_start3A_54 : memref<!tpu.dma_semaphore, #tpu.memory_space<semaphore_mem>>)
    %rem3A_59 = arith.constant 0 : i32
    %rem3A_60 = arith.constant 3 : i32
    %rem3A_61 = arith.remsi %rem3A_59, %rem3A_60 : i32
    %dma_wait3A = arith.constant 0 : i32
    %dma_wait3A_62 = tpu.memref_slice %arg7[%rem3A_61, %dma_wait3A] : memref<3x40xi32, #tpu.memory_space<vmem>> -> memref<1x40xi32, #tpu.memory_space<vmem>>
    %dma_wait3A_63 = tpu.memref_squeeze %dma_wait3A_62 : memref<1x40xi32, #tpu.memory_space<vmem>> -> memref<40xi32, #tpu.memory_space<vmem>>
    %dma_wait3A_64 = arith.constant 0 : i32
    %dma_wait3A_65 = tpu.memref_slice %arg4[%dma_wait3A_64] : memref<320000xi32, #tpu.memory_space<hbm>> -> memref<40xi32, #tpu.memory_space<hbm>>
    %dma_wait3A_66 = tpu.memref_slice %arg11[%rem3A_61] : memref<3x!tpu.dma_semaphore, #tpu.memory_space<semaphore_mem>> -> memref<1x!tpu.dma_semaphore, #tpu.memory_space<semaphore_mem>>
    %dma_wait3A_67 = tpu.memref_squeeze %dma_wait3A_66 : memref<1x!tpu.dma_semaphore, #tpu.memory_space<semaphore_mem>> -> memref<!tpu.dma_semaphore, #tpu.memory_space<semaphore_mem>>
    %dma_wait3A_68 = arith.constant 0 : i32
    %dma_wait3A_69 = tpu.memref_slice %arg7[%rem3A_61, %dma_wait3A_68] : memref<3x40xi32, #tpu.memory_space<vmem>> -> memref<1x40xi32, #tpu.memory_space<vmem>>
    %dma_wait3A_70 = tpu.memref_squeeze %dma_wait3A_69 : memref<1x40xi32, #tpu.memory_space<vmem>> -> memref<40xi32, #tpu.memory_space<vmem>>
    %dma_wait3A_71 = arith.constant 0 : i32
    %dma_wait3A_72 = tpu.memref_slice %arg4[%dma_wait3A_71] : memref<320000xi32, #tpu.memory_space<hbm>> -> memref<40xi32, #tpu.memory_space<hbm>>
    tpu.wait_dma2 semaphore(%dma_wait3A_67 : memref<!tpu.dma_semaphore, #tpu.memory_space<semaphore_mem>>) src(%dma_wait3A_72 : memref<40xi32, #tpu.memory_space<hbm>>) dst(%dma_wait3A_70 : memref<40xi32, #tpu.memory_space<vmem>>)
    %dma_wait3A_73 = arith.constant 0 : i32
    %dma_wait3A_74 = tpu.memref_slice %arg6[%rem3A_61, %dma_wait3A_73] : memref<3x40xi32, #tpu.memory_space<vmem>> -> memref<1x40xi32, #tpu.memory_space<vmem>>
    %dma_wait3A_75 = tpu.memref_squeeze %dma_wait3A_74 : memref<1x40xi32, #tpu.memory_space<vmem>> -> memref<40xi32, #tpu.memory_space<vmem>>
    %dma_wait3A_76 = arith.constant 0 : i32
    %dma_wait3A_77 = tpu.memref_slice %arg3[%dma_wait3A_76] : memref<320000xi32, #tpu.memory_space<hbm>> -> memref<40xi32, #tpu.memory_space<hbm>>
    %dma_wait3A_78 = tpu.memref_slice %arg11[%rem3A_61] : memref<3x!tpu.dma_semaphore, #tpu.memory_space<semaphore_mem>> -> memref<1x!tpu.dma_semaphore, #tpu.memory_space<semaphore_mem>>
    %dma_wait3A_79 = tpu.memref_squeeze %dma_wait3A_78 : memref<1x!tpu.dma_semaphore, #tpu.memory_space<semaphore_mem>> -> memref<!tpu.dma_semaphore, #tpu.memory_space<semaphore_mem>>
    %dma_wait3A_80 = arith.constant 0 : i32
    %dma_wait3A_81 = tpu.memref_slice %arg6[%rem3A_61, %dma_wait3A_80] : memref<3x40xi32, #tpu.memory_space<vmem>> -> memref<1x40xi32, #tpu.memory_space<vmem>>
    %dma_wait3A_82 = tpu.memref_squeeze %dma_wait3A_81 : memref<1x40xi32, #tpu.memory_space<vmem>> -> memref<40xi32, #tpu.memory_space<vmem>>
    %dma_wait3A_83 = arith.constant 0 : i32
    %dma_wait3A_84 = tpu.memref_slice %arg3[%dma_wait3A_83] : memref<320000xi32, #tpu.memory_space<hbm>> -> memref<40xi32, #tpu.memory_space<hbm>>
    tpu.wait_dma2 semaphore(%dma_wait3A_79 : memref<!tpu.dma_semaphore, #tpu.memory_space<semaphore_mem>>) src(%dma_wait3A_84 : memref<40xi32, #tpu.memory_space<hbm>>) dst(%dma_wait3A_82 : memref<40xi32, #tpu.memory_space<vmem>>)
    %rem3A_85 = arith.constant 0 : i32
    %rem3A_86 = arith.constant 3 : i32
    %rem3A_87 = arith.remsi %rem3A_85, %rem3A_86 : i32
    %dma_start3A_88 = arith.constant 0 : i32
    %dma_start3A_89 = arith.constant 0 : i32
    %dma_start3A_90 = tpu.memref_slice %arg8[%rem3A_87, %dma_start3A_88, %dma_start3A_89] : memref<3x40x128xf32, #tpu.memory_space<vmem>> -> memref<1x40x128xf32, #tpu.memory_space<vmem>>
    %dma_start3A_91 = tpu.memref_squeeze %dma_start3A_90 : memref<1x40x128xf32, #tpu.memory_space<vmem>> -> memref<40x128xf32, #tpu.memory_space<vmem>>
    %dma_start3A_92 = arith.constant 0 : i32
    %dma_start3A_93 = tpu.memref_slice %arg7[%rem3A_87, %dma_start3A_92] : memref<3x40xi32, #tpu.memory_space<vmem>> -> memref<1x40xi32, #tpu.memory_space<vmem>>
    %dma_start3A_94 = tpu.memref_squeeze %dma_start3A_93 : memref<1x40xi32, #tpu.memory_space<vmem>> -> memref<40xi32, #tpu.memory_space<vmem>>
    %dma_start3A_95 = arith.constant 0 : i32
    %dma_start3A_96 = arith.constant 0 : i32
    %dma_start3A_97 = tpu.memref_slice %arg2[%dma_start3A_95, %dma_start3A_96] : memref<10000x128xf32, #tpu.memory_space<hbm>> -> memref<10000x128xf32, #tpu.memory_space<hbm>>
    %dma_start3A_98 = tpu.memref_slice %arg12[%rem3A_87] : memref<3x!tpu.dma_semaphore, #tpu.memory_space<semaphore_mem>> -> memref<1x!tpu.dma_semaphore, #tpu.memory_space<semaphore_mem>>
    %dma_start3A_99 = tpu.memref_squeeze %dma_start3A_98 : memref<1x!tpu.dma_semaphore, #tpu.memory_space<semaphore_mem>> -> memref<!tpu.dma_semaphore, #tpu.memory_space<semaphore_mem>>
    tpu.enqueue_indirect_dma source(%dma_start3A_97 : memref<10000x128xf32, #tpu.memory_space<hbm>>) target(%dma_start3A_91 : memref<40x128xf32, #tpu.memory_space<vmem>>) offsets(%dma_start3A_94 : memref<40xi32, #tpu.memory_space<vmem>>) semaphore(%dma_start3A_99 : memref<!tpu.dma_semaphore, #tpu.memory_space<semaphore_mem>>)
    %dma_start3A_100 = arith.constant 0 : i32
    %dma_start3A_101 = arith.constant 0 : i32
    %dma_start3A_102 = tpu.memref_slice %arg9[%rem3A_87, %dma_start3A_100, %dma_start3A_101] : memref<3x40x128xf32, #tpu.memory_space<vmem>> -> memref<1x40x128xf32, #tpu.memory_space<vmem>>
    %dma_start3A_103 = tpu.memref_squeeze %dma_start3A_102 : memref<1x40x128xf32, #tpu.memory_space<vmem>> -> memref<40x128xf32, #tpu.memory_space<vmem>>
    %dma_start3A_104 = arith.constant 0 : i32
    %dma_start3A_105 = tpu.memref_slice %arg6[%rem3A_87, %dma_start3A_104] : memref<3x40xi32, #tpu.memory_space<vmem>> -> memref<1x40xi32, #tpu.memory_space<vmem>>
    %dma_start3A_106 = tpu.memref_squeeze %dma_start3A_105 : memref<1x40xi32, #tpu.memory_space<vmem>> -> memref<40xi32, #tpu.memory_space<vmem>>
    %dma_start3A_107 = arith.constant 0 : i32
    %dma_start3A_108 = arith.constant 0 : i32
    %dma_start3A_109 = tpu.memref_slice %arg2[%dma_start3A_107, %dma_start3A_108] : memref<10000x128xf32, #tpu.memory_space<hbm>> -> memref<10000x128xf32, #tpu.memory_space<hbm>>
    %dma_start3A_110 = tpu.memref_slice %arg12[%rem3A_87] : memref<3x!tpu.dma_semaphore, #tpu.memory_space<semaphore_mem>> -> memref<1x!tpu.dma_semaphore, #tpu.memory_space<semaphore_mem>>
    %dma_start3A_111 = tpu.memref_squeeze %dma_start3A_110 : memref<1x!tpu.dma_semaphore, #tpu.memory_space<semaphore_mem>> -> memref<!tpu.dma_semaphore, #tpu.memory_space<semaphore_mem>>
    tpu.enqueue_indirect_dma source(%dma_start3A_109 : memref<10000x128xf32, #tpu.memory_space<hbm>>) target(%dma_start3A_103 : memref<40x128xf32, #tpu.memory_space<vmem>>) offsets(%dma_start3A_106 : memref<40xi32, #tpu.memory_space<vmem>>) semaphore(%dma_start3A_111 : memref<!tpu.dma_semaphore, #tpu.memory_space<semaphore_mem>>)
    %scan3A_112 = arith.constant 0 : i32
    %scan3A_113 = arith.constant 0 : i32
    %scan3A_114 = arith.constant 125 : i32
    %scan3A_115 = arith.addi %scan3A_113, %scan3A_114 : i32
    %scan3A_116 = arith.constant 1 : i32
    scf.for %scan3A_156 = %scan3A_113 to %scan3A_115 step %scan3A_116  : i32 {
      %rem3A_157 = arith.constant 3 : i32
      %rem3A_158 = arith.remsi %scan3A_156, %rem3A_157 : i32
      %rem3A_159 = arith.constant 2 : i32
      %rem3A_160 = arith.remsi %scan3A_156, %rem3A_159 : i32
      %add3A_161 = arith.constant 2 : i32
      %add3A_162 = arith.addi %scan3A_156, %add3A_161 : i32
      %lt3A = arith.constant 125 : i32
      %lt3A_163 = arith.cmpi slt, %add3A_162, %lt3A : i32
      %convert_element_type3A = arith.extui %lt3A_163 : i1 to i32
      %cond3A = arith.constant 0 : i32
      %cond3A_164 = arith.cmpi ne, %convert_element_type3A, %cond3A : i32
      scf.if %cond3A_164 {
        %add3A_226 = arith.constant 2 : i32
        %add3A_227 = arith.addi %scan3A_156, %add3A_226 : i32
        %rem3A_228 = arith.constant 3 : i32
        %rem3A_229 = arith.remsi %add3A_227, %rem3A_228 : i32
        %mul3A_230 = arith.constant 40 : i32
        %mul3A_231 = arith.muli %add3A_227, %mul3A_230 : i32
        %add3A_232 = arith.addi %add3A_4, %mul3A_231 : i32
        %dma_start3A_233 = arith.constant 0 : i32
        %dma_start3A_234 = tpu.memref_slice %arg7[%rem3A_229, %dma_start3A_233] : memref<3x40xi32, #tpu.memory_space<vmem>> -> memref<1x40xi32, #tpu.memory_space<vmem>>
        %dma_start3A_235 = tpu.memref_squeeze %dma_start3A_234 : memref<1x40xi32, #tpu.memory_space<vmem>> -> memref<40xi32, #tpu.memory_space<vmem>>
        %dma_start3A_236 = tpu.memref_slice %arg4[%add3A_232] : memref<320000xi32, #tpu.memory_space<hbm>> -> memref<40xi32, #tpu.memory_space<hbm>>
        %dma_start3A_237 = tpu.memref_slice %arg11[%rem3A_229] : memref<3x!tpu.dma_semaphore, #tpu.memory_space<semaphore_mem>> -> memref<1x!tpu.dma_semaphore, #tpu.memory_space<semaphore_mem>>
        %dma_start3A_238 = tpu.memref_squeeze %dma_start3A_237 : memref<1x!tpu.dma_semaphore, #tpu.memory_space<semaphore_mem>> -> memref<!tpu.dma_semaphore, #tpu.memory_space<semaphore_mem>>
        %dma_start3A_239 = arith.constant 0 : i32
        %dma_start3A_240 = tpu.memref_slice %arg7[%rem3A_229, %dma_start3A_239] : memref<3x40xi32, #tpu.memory_space<vmem>> -> memref<1x40xi32, #tpu.memory_space<vmem>>
        %dma_start3A_241 = tpu.memref_squeeze %dma_start3A_240 : memref<1x40xi32, #tpu.memory_space<vmem>> -> memref<40xi32, #tpu.memory_space<vmem>>
        %dma_start3A_242 = tpu.memref_slice %arg4[%add3A_232] : memref<320000xi32, #tpu.memory_space<hbm>> -> memref<40xi32, #tpu.memory_space<hbm>>
        tpu.enqueue_dma source(%dma_start3A_242 : memref<40xi32, #tpu.memory_space<hbm>>) target(%dma_start3A_241 : memref<40xi32, #tpu.memory_space<vmem>>) target_semaphore(%dma_start3A_238 : memref<!tpu.dma_semaphore, #tpu.memory_space<semaphore_mem>>)
        %dma_start3A_243 = arith.constant 0 : i32
        %dma_start3A_244 = tpu.memref_slice %arg6[%rem3A_229, %dma_start3A_243] : memref<3x40xi32, #tpu.memory_space<vmem>> -> memref<1x40xi32, #tpu.memory_space<vmem>>
        %dma_start3A_245 = tpu.memref_squeeze %dma_start3A_244 : memref<1x40xi32, #tpu.memory_space<vmem>> -> memref<40xi32, #tpu.memory_space<vmem>>
        %dma_start3A_246 = tpu.memref_slice %arg3[%add3A_232] : memref<320000xi32, #tpu.memory_space<hbm>> -> memref<40xi32, #tpu.memory_space<hbm>>
        %dma_start3A_247 = tpu.memref_slice %arg11[%rem3A_229] : memref<3x!tpu.dma_semaphore, #tpu.memory_space<semaphore_mem>> -> memref<1x!tpu.dma_semaphore, #tpu.memory_space<semaphore_mem>>
        %dma_start3A_248 = tpu.memref_squeeze %dma_start3A_247 : memref<1x!tpu.dma_semaphore, #tpu.memory_space<semaphore_mem>> -> memref<!tpu.dma_semaphore, #tpu.memory_space<semaphore_mem>>
        %dma_start3A_249 = arith.constant 0 : i32
        %dma_start3A_250 = tpu.memref_slice %arg6[%rem3A_229, %dma_start3A_249] : memref<3x40xi32, #tpu.memory_space<vmem>> -> memref<1x40xi32, #tpu.memory_space<vmem>>
        %dma_start3A_251 = tpu.memref_squeeze %dma_start3A_250 : memref<1x40xi32, #tpu.memory_space<vmem>> -> memref<40xi32, #tpu.memory_space<vmem>>
        %dma_start3A_252 = tpu.memref_slice %arg3[%add3A_232] : memref<320000xi32, #tpu.memory_space<hbm>> -> memref<40xi32, #tpu.memory_space<hbm>>
        tpu.enqueue_dma source(%dma_start3A_252 : memref<40xi32, #tpu.memory_space<hbm>>) target(%dma_start3A_251 : memref<40xi32, #tpu.memory_space<vmem>>) target_semaphore(%dma_start3A_248 : memref<!tpu.dma_semaphore, #tpu.memory_space<semaphore_mem>>)
      } else {
      }
      %add3A_165 = arith.constant 1 : i32
      %add3A_166 = arith.addi %scan3A_156, %add3A_165 : i32
      %lt3A_167 = arith.constant 125 : i32
      %lt3A_168 = arith.cmpi slt, %add3A_166, %lt3A_167 : i32
      %convert_element_type3A_169 = arith.extui %lt3A_168 : i1 to i32
      %cond3A_170 = arith.constant 0 : i32
      %cond3A_171 = arith.cmpi ne, %convert_element_type3A_169, %cond3A_170 : i32
      scf.if %cond3A_171 {
        %add3A_226 = arith.constant 1 : i32
        %add3A_227 = arith.addi %scan3A_156, %add3A_226 : i32
        %rem3A_228 = arith.constant 3 : i32
        %rem3A_229 = arith.remsi %add3A_227, %rem3A_228 : i32
        %dma_wait3A_230 = arith.constant 0 : i32
        %dma_wait3A_231 = tpu.memref_slice %arg7[%rem3A_229, %dma_wait3A_230] : memref<3x40xi32, #tpu.memory_space<vmem>> -> memref<1x40xi32, #tpu.memory_space<vmem>>
        %dma_wait3A_232 = tpu.memref_squeeze %dma_wait3A_231 : memref<1x40xi32, #tpu.memory_space<vmem>> -> memref<40xi32, #tpu.memory_space<vmem>>
        %dma_wait3A_233 = arith.constant 0 : i32
        %dma_wait3A_234 = tpu.memref_slice %arg4[%dma_wait3A_233] : memref<320000xi32, #tpu.memory_space<hbm>> -> memref<40xi32, #tpu.memory_space<hbm>>
        %dma_wait3A_235 = tpu.memref_slice %arg11[%rem3A_229] : memref<3x!tpu.dma_semaphore, #tpu.memory_space<semaphore_mem>> -> memref<1x!tpu.dma_semaphore, #tpu.memory_space<semaphore_mem>>
        %dma_wait3A_236 = tpu.memref_squeeze %dma_wait3A_235 : memref<1x!tpu.dma_semaphore, #tpu.memory_space<semaphore_mem>> -> memref<!tpu.dma_semaphore, #tpu.memory_space<semaphore_mem>>
        %dma_wait3A_237 = arith.constant 0 : i32
        %dma_wait3A_238 = tpu.memref_slice %arg7[%rem3A_229, %dma_wait3A_237] : memref<3x40xi32, #tpu.memory_space<vmem>> -> memref<1x40xi32, #tpu.memory_space<vmem>>
        %dma_wait3A_239 = tpu.memref_squeeze %dma_wait3A_238 : memref<1x40xi32, #tpu.memory_space<vmem>> -> memref<40xi32, #tpu.memory_space<vmem>>
        %dma_wait3A_240 = arith.constant 0 : i32
        %dma_wait3A_241 = tpu.memref_slice %arg4[%dma_wait3A_240] : memref<320000xi32, #tpu.memory_space<hbm>> -> memref<40xi32, #tpu.memory_space<hbm>>
        tpu.wait_dma2 semaphore(%dma_wait3A_236 : memref<!tpu.dma_semaphore, #tpu.memory_space<semaphore_mem>>) src(%dma_wait3A_241 : memref<40xi32, #tpu.memory_space<hbm>>) dst(%dma_wait3A_239 : memref<40xi32, #tpu.memory_space<vmem>>)
        %dma_wait3A_242 = arith.constant 0 : i32
        %dma_wait3A_243 = tpu.memref_slice %arg6[%rem3A_229, %dma_wait3A_242] : memref<3x40xi32, #tpu.memory_space<vmem>> -> memref<1x40xi32, #tpu.memory_space<vmem>>
        %dma_wait3A_244 = tpu.memref_squeeze %dma_wait3A_243 : memref<1x40xi32, #tpu.memory_space<vmem>> -> memref<40xi32, #tpu.memory_space<vmem>>
        %dma_wait3A_245 = arith.constant 0 : i32
        %dma_wait3A_246 = tpu.memref_slice %arg3[%dma_wait3A_245] : memref<320000xi32, #tpu.memory_space<hbm>> -> memref<40xi32, #tpu.memory_space<hbm>>
        %dma_wait3A_247 = tpu.memref_slice %arg11[%rem3A_229] : memref<3x!tpu.dma_semaphore, #tpu.memory_space<semaphore_mem>> -> memref<1x!tpu.dma_semaphore, #tpu.memory_space<semaphore_mem>>
        %dma_wait3A_248 = tpu.memref_squeeze %dma_wait3A_247 : memref<1x!tpu.dma_semaphore, #tpu.memory_space<semaphore_mem>> -> memref<!tpu.dma_semaphore, #tpu.memory_space<semaphore_mem>>
        %dma_wait3A_249 = arith.constant 0 : i32
        %dma_wait3A_250 = tpu.memref_slice %arg6[%rem3A_229, %dma_wait3A_249] : memref<3x40xi32, #tpu.memory_space<vmem>> -> memref<1x40xi32, #tpu.memory_space<vmem>>
        %dma_wait3A_251 = tpu.memref_squeeze %dma_wait3A_250 : memref<1x40xi32, #tpu.memory_space<vmem>> -> memref<40xi32, #tpu.memory_space<vmem>>
        %dma_wait3A_252 = arith.constant 0 : i32
        %dma_wait3A_253 = tpu.memref_slice %arg3[%dma_wait3A_252] : memref<320000xi32, #tpu.memory_space<hbm>> -> memref<40xi32, #tpu.memory_space<hbm>>
        tpu.wait_dma2 semaphore(%dma_wait3A_248 : memref<!tpu.dma_semaphore, #tpu.memory_space<semaphore_mem>>) src(%dma_wait3A_253 : memref<40xi32, #tpu.memory_space<hbm>>) dst(%dma_wait3A_251 : memref<40xi32, #tpu.memory_space<vmem>>)
        %add3A_254 = arith.constant 1 : i32
        %add3A_255 = arith.addi %scan3A_156, %add3A_254 : i32
        %rem3A_256 = arith.constant 3 : i32
        %rem3A_257 = arith.remsi %add3A_255, %rem3A_256 : i32
        %dma_start3A_258 = arith.constant 0 : i32
        %dma_start3A_259 = arith.constant 0 : i32
        %dma_start3A_260 = tpu.memref_slice %arg8[%rem3A_257, %dma_start3A_258, %dma_start3A_259] : memref<3x40x128xf32, #tpu.memory_space<vmem>> -> memref<1x40x128xf32, #tpu.memory_space<vmem>>
        %dma_start3A_261 = tpu.memref_squeeze %dma_start3A_260 : memref<1x40x128xf32, #tpu.memory_space<vmem>> -> memref<40x128xf32, #tpu.memory_space<vmem>>
        %dma_start3A_262 = arith.constant 0 : i32
        %dma_start3A_263 = tpu.memref_slice %arg7[%rem3A_257, %dma_start3A_262] : memref<3x40xi32, #tpu.memory_space<vmem>> -> memref<1x40xi32, #tpu.memory_space<vmem>>
        %dma_start3A_264 = tpu.memref_squeeze %dma_start3A_263 : memref<1x40xi32, #tpu.memory_space<vmem>> -> memref<40xi32, #tpu.memory_space<vmem>>
        %dma_start3A_265 = arith.constant 0 : i32
        %dma_start3A_266 = arith.constant 0 : i32
        %dma_start3A_267 = tpu.memref_slice %arg2[%dma_start3A_265, %dma_start3A_266] : memref<10000x128xf32, #tpu.memory_space<hbm>> -> memref<10000x128xf32, #tpu.memory_space<hbm>>
        %dma_start3A_268 = tpu.memref_slice %arg12[%rem3A_257] : memref<3x!tpu.dma_semaphore, #tpu.memory_space<semaphore_mem>> -> memref<1x!tpu.dma_semaphore, #tpu.memory_space<semaphore_mem>>
        %dma_start3A_269 = tpu.memref_squeeze %dma_start3A_268 : memref<1x!tpu.dma_semaphore, #tpu.memory_space<semaphore_mem>> -> memref<!tpu.dma_semaphore, #tpu.memory_space<semaphore_mem>>
        tpu.enqueue_indirect_dma source(%dma_start3A_267 : memref<10000x128xf32, #tpu.memory_space<hbm>>) target(%dma_start3A_261 : memref<40x128xf32, #tpu.memory_space<vmem>>) offsets(%dma_start3A_264 : memref<40xi32, #tpu.memory_space<vmem>>) semaphore(%dma_start3A_269 : memref<!tpu.dma_semaphore, #tpu.memory_space<semaphore_mem>>)
        %dma_start3A_270 = arith.constant 0 : i32
        %dma_start3A_271 = arith.constant 0 : i32
        %dma_start3A_272 = tpu.memref_slice %arg9[%rem3A_257, %dma_start3A_270, %dma_start3A_271] : memref<3x40x128xf32, #tpu.memory_space<vmem>> -> memref<1x40x128xf32, #tpu.memory_space<vmem>>
        %dma_start3A_273 = tpu.memref_squeeze %dma_start3A_272 : memref<1x40x128xf32, #tpu.memory_space<vmem>> -> memref<40x128xf32, #tpu.memory_space<vmem>>
        %dma_start3A_274 = arith.constant 0 : i32
        %dma_start3A_275 = tpu.memref_slice %arg6[%rem3A_257, %dma_start3A_274] : memref<3x40xi32, #tpu.memory_space<vmem>> -> memref<1x40xi32, #tpu.memory_space<vmem>>
        %dma_start3A_276 = tpu.memref_squeeze %dma_start3A_275 : memref<1x40xi32, #tpu.memory_space<vmem>> -> memref<40xi32, #tpu.memory_space<vmem>>
        %dma_start3A_277 = arith.constant 0 : i32
        %dma_start3A_278 = arith.constant 0 : i32
        %dma_start3A_279 = tpu.memref_slice %arg2[%dma_start3A_277, %dma_start3A_278] : memref<10000x128xf32, #tpu.memory_space<hbm>> -> memref<10000x128xf32, #tpu.memory_space<hbm>>
        %dma_start3A_280 = tpu.memref_slice %arg12[%rem3A_257] : memref<3x!tpu.dma_semaphore, #tpu.memory_space<semaphore_mem>> -> memref<1x!tpu.dma_semaphore, #tpu.memory_space<semaphore_mem>>
        %dma_start3A_281 = tpu.memref_squeeze %dma_start3A_280 : memref<1x!tpu.dma_semaphore, #tpu.memory_space<semaphore_mem>> -> memref<!tpu.dma_semaphore, #tpu.memory_space<semaphore_mem>>
        tpu.enqueue_indirect_dma source(%dma_start3A_279 : memref<10000x128xf32, #tpu.memory_space<hbm>>) target(%dma_start3A_273 : memref<40x128xf32, #tpu.memory_space<vmem>>) offsets(%dma_start3A_276 : memref<40xi32, #tpu.memory_space<vmem>>) semaphore(%dma_start3A_281 : memref<!tpu.dma_semaphore, #tpu.memory_space<semaphore_mem>>)
      } else {
      }
      %rem3A_172 = arith.constant 3 : i32
      %rem3A_173 = arith.remsi %scan3A_156, %rem3A_172 : i32
      %dma_wait3A_174 = arith.constant 0 : i32
      %dma_wait3A_175 = arith.constant 0 : i32
      %dma_wait3A_176 = tpu.memref_slice %arg8[%rem3A_173, %dma_wait3A_174, %dma_wait3A_175] : memref<3x40x128xf32, #tpu.memory_space<vmem>> -> memref<1x40x128xf32, #tpu.memory_space<vmem>>
      %dma_wait3A_177 = tpu.memref_squeeze %dma_wait3A_176 : memref<1x40x128xf32, #tpu.memory_space<vmem>> -> memref<40x128xf32, #tpu.memory_space<vmem>>
      %dma_wait3A_178 = arith.constant 0 : i32
      %dma_wait3A_179 = tpu.memref_slice %arg7[%rem3A_173, %dma_wait3A_178] : memref<3x40xi32, #tpu.memory_space<vmem>> -> memref<1x40xi32, #tpu.memory_space<vmem>>
      %dma_wait3A_180 = tpu.memref_squeeze %dma_wait3A_179 : memref<1x40xi32, #tpu.memory_space<vmem>> -> memref<40xi32, #tpu.memory_space<vmem>>
      %dma_wait3A_181 = arith.constant 0 : i32
      %dma_wait3A_182 = arith.constant 0 : i32
      %dma_wait3A_183 = tpu.memref_slice %arg2[%dma_wait3A_181, %dma_wait3A_182] : memref<10000x128xf32, #tpu.memory_space<hbm>> -> memref<10000x128xf32, #tpu.memory_space<hbm>>
      %dma_wait3A_184 = tpu.memref_slice %arg12[%rem3A_173] : memref<3x!tpu.dma_semaphore, #tpu.memory_space<semaphore_mem>> -> memref<1x!tpu.dma_semaphore, #tpu.memory_space<semaphore_mem>>
      %dma_wait3A_185 = tpu.memref_squeeze %dma_wait3A_184 : memref<1x!tpu.dma_semaphore, #tpu.memory_space<semaphore_mem>> -> memref<!tpu.dma_semaphore, #tpu.memory_space<semaphore_mem>>
      tpu.wait_indirect_dma semaphore(%dma_wait3A_185 : memref<!tpu.dma_semaphore, #tpu.memory_space<semaphore_mem>>) src(%dma_wait3A_183 : memref<10000x128xf32, #tpu.memory_space<hbm>>) dst(%dma_wait3A_177 : memref<40x128xf32, #tpu.memory_space<vmem>>)
      %dma_wait3A_186 = arith.constant 0 : i32
      %dma_wait3A_187 = arith.constant 0 : i32
      %dma_wait3A_188 = tpu.memref_slice %arg9[%rem3A_173, %dma_wait3A_186, %dma_wait3A_187] : memref<3x40x128xf32, #tpu.memory_space<vmem>> -> memref<1x40x128xf32, #tpu.memory_space<vmem>>
      %dma_wait3A_189 = tpu.memref_squeeze %dma_wait3A_188 : memref<1x40x128xf32, #tpu.memory_space<vmem>> -> memref<40x128xf32, #tpu.memory_space<vmem>>
      %dma_wait3A_190 = arith.constant 0 : i32
      %dma_wait3A_191 = tpu.memref_slice %arg6[%rem3A_173, %dma_wait3A_190] : memref<3x40xi32, #tpu.memory_space<vmem>> -> memref<1x40xi32, #tpu.memory_space<vmem>>
      %dma_wait3A_192 = tpu.memref_squeeze %dma_wait3A_191 : memref<1x40xi32, #tpu.memory_space<vmem>> -> memref<40xi32, #tpu.memory_space<vmem>>
      %dma_wait3A_193 = arith.constant 0 : i32
      %dma_wait3A_194 = arith.constant 0 : i32
      %dma_wait3A_195 = tpu.memref_slice %arg2[%dma_wait3A_193, %dma_wait3A_194] : memref<10000x128xf32, #tpu.memory_space<hbm>> -> memref<10000x128xf32, #tpu.memory_space<hbm>>
      %dma_wait3A_196 = tpu.memref_slice %arg12[%rem3A_173] : memref<3x!tpu.dma_semaphore, #tpu.memory_space<semaphore_mem>> -> memref<1x!tpu.dma_semaphore, #tpu.memory_space<semaphore_mem>>
      %dma_wait3A_197 = tpu.memref_squeeze %dma_wait3A_196 : memref<1x!tpu.dma_semaphore, #tpu.memory_space<semaphore_mem>> -> memref<!tpu.dma_semaphore, #tpu.memory_space<semaphore_mem>>
      tpu.wait_indirect_dma semaphore(%dma_wait3A_197 : memref<!tpu.dma_semaphore, #tpu.memory_space<semaphore_mem>>) src(%dma_wait3A_195 : memref<10000x128xf32, #tpu.memory_space<hbm>>) dst(%dma_wait3A_189 : memref<40x128xf32, #tpu.memory_space<vmem>>)
      %ge3A = arith.constant 2 : i32
      %ge3A_198 = arith.cmpi sge, %scan3A_156, %ge3A : i32
      %convert_element_type3A_199 = arith.extui %ge3A_198 : i1 to i32
      %cond3A_200 = arith.constant 0 : i32
      %cond3A_201 = arith.cmpi ne, %convert_element_type3A_199, %cond3A_200 : i32
      scf.if %cond3A_201 {
        %sub3A_226 = arith.constant 2 : i32
        %sub3A_227 = arith.subi %scan3A_156, %sub3A_226 : i32
        %rem3A_228 = arith.constant 2 : i32
        %rem3A_229 = arith.remsi %sub3A_227, %rem3A_228 : i32
        %dma_wait3A_230 = arith.constant 0 : i32
        %dma_wait3A_231 = arith.constant 0 : i32
        %dma_wait3A_232 = tpu.memref_slice %arg10[%rem3A_229, %dma_wait3A_230, %dma_wait3A_231] : memref<2x40x128xf32, #tpu.memory_space<vmem>> -> memref<1x40x128xf32, #tpu.memory_space<vmem>>
        %dma_wait3A_233 = tpu.memref_squeeze %dma_wait3A_232 : memref<1x40x128xf32, #tpu.memory_space<vmem>> -> memref<40x128xf32, #tpu.memory_space<vmem>>
        %dma_wait3A_234 = arith.constant 0 : i32
        %dma_wait3A_235 = arith.constant 0 : i32
        %dma_wait3A_236 = tpu.memref_slice %arg5[%dma_wait3A_234, %dma_wait3A_235] : memref<160000x128xf32, #tpu.memory_space<hbm>> -> memref<40x128xf32, #tpu.memory_space<hbm>>
        %dma_wait3A_237 = tpu.memref_slice %arg13[%rem3A_229] : memref<2x!tpu.dma_semaphore, #tpu.memory_space<semaphore_mem>> -> memref<1x!tpu.dma_semaphore, #tpu.memory_space<semaphore_mem>>
        %dma_wait3A_238 = tpu.memref_squeeze %dma_wait3A_237 : memref<1x!tpu.dma_semaphore, #tpu.memory_space<semaphore_mem>> -> memref<!tpu.dma_semaphore, #tpu.memory_space<semaphore_mem>>
        %dma_wait3A_239 = arith.constant 0 : i32
        %dma_wait3A_240 = arith.constant 0 : i32
        %dma_wait3A_241 = tpu.memref_slice %arg5[%dma_wait3A_239, %dma_wait3A_240] : memref<160000x128xf32, #tpu.memory_space<hbm>> -> memref<40x128xf32, #tpu.memory_space<hbm>>
        %dma_wait3A_242 = arith.constant 0 : i32
        %dma_wait3A_243 = arith.constant 0 : i32
        %dma_wait3A_244 = tpu.memref_slice %arg10[%rem3A_229, %dma_wait3A_242, %dma_wait3A_243] : memref<2x40x128xf32, #tpu.memory_space<vmem>> -> memref<1x40x128xf32, #tpu.memory_space<vmem>>
        %dma_wait3A_245 = tpu.memref_squeeze %dma_wait3A_244 : memref<1x40x128xf32, #tpu.memory_space<vmem>> -> memref<40x128xf32, #tpu.memory_space<vmem>>
        tpu.wait_dma2 semaphore(%dma_wait3A_238 : memref<!tpu.dma_semaphore, #tpu.memory_space<semaphore_mem>>) src(%dma_wait3A_245 : memref<40x128xf32, #tpu.memory_space<vmem>>) dst(%dma_wait3A_241 : memref<40x128xf32, #tpu.memory_space<hbm>>)
      } else {
      }
      %scan3A_202 = arith.constant 0 : i32
      %scan3A_203 = arith.constant 0 : i32
      %scan3A_204 = arith.constant 10 : i32
      %scan3A_205 = arith.addi %scan3A_203, %scan3A_204 : i32
      %scan3A_206 = arith.constant 1 : i32
      scf.for %scan3A_226 = %scan3A_203 to %scan3A_205 step %scan3A_206  : i32 {
        %mul3A_227 = arith.constant 4 : i32
        %mul3A_228 = arith.muli %scan3A_226, %mul3A_227 : i32
        %add3A_229 = arith.constant 0 : i32
        %add3A_230 = arith.addi %mul3A_228, %add3A_229 : i32
        %get3A = arith.index_cast %rem3A_158 : i32 to index
        %get3A_231 = arith.index_cast %add3A_230 : i32 to index
        %get3A_232 = arith.constant 0 : index
        %get3A_233 = tpu.vector_load %arg8[%get3A, %get3A_231, %get3A_232] {strides = array<i32>} : memref<3x40x128xf32, #tpu.memory_space<vmem>>, vector<1x1x16xf32>,
        %get3A_234 = vector.shape_cast %get3A_233 : vector<1x1x16xf32> to vector<16xf32>
        %get3A_235 = arith.index_cast %rem3A_158 : i32 to index
        %get3A_236 = arith.index_cast %add3A_230 : i32 to index
        %get3A_237 = arith.constant 32 : index
        %get3A_238 = tpu.vector_load %arg9[%get3A_235, %get3A_236, %get3A_237] {strides = array<i32>} : memref<3x40x128xf32, #tpu.memory_space<vmem>>, vector<1x1x16xf32>,
        %get3A_239 = vector.shape_cast %get3A_238 : vector<1x1x16xf32> to vector<16xf32>
        %add3A_240 = arith.addf %get3A_234, %get3A_239 : vector<16xf32>
        %swap3A = arith.index_cast %rem3A_160 : i32 to index
        %swap3A_241 = arith.index_cast %add3A_230 : i32 to index
        %swap3A_242 = arith.constant 0 : index
        %swap3A_243 = tpu.vector_load %arg10[%swap3A, %swap3A_241, %swap3A_242] {strides = array<i32>} : memref<2x40x128xf32, #tpu.memory_space<vmem>>, vector<1x1x16xf32>,
        %swap3A_244 = vector.shape_cast %swap3A_243 : vector<1x1x16xf32> to vector<16xf32>
        %swap3A_245 = vector.shape_cast %add3A_240 : vector<16xf32> to vector<1x1x16xf32>
        tpu.vector_store %arg10[%swap3A, %swap3A_241, %swap3A_242], %swap3A_245 {strides = array<i32>} : memref<2x40x128xf32, #tpu.memory_space<vmem>>, vector<1x1x16xf32>,
        %get3A_246 = arith.index_cast %rem3A_158 : i32 to index
        %get3A_247 = arith.index_cast %add3A_230 : i32 to index
        %get3A_248 = arith.constant 16 : index
        %get3A_249 = tpu.vector_load %arg8[%get3A_246, %get3A_247, %get3A_248] {strides = array<i32>} : memref<3x40x128xf32, #tpu.memory_space<vmem>>, vector<1x1x16xf32>,
        %get3A_250 = vector.shape_cast %get3A_249 : vector<1x1x16xf32> to vector<16xf32>
        %get3A_251 = arith.index_cast %rem3A_158 : i32 to index
        %get3A_252 = arith.index_cast %add3A_230 : i32 to index
        %get3A_253 = arith.constant 48 : index
        %get3A_254 = tpu.vector_load %arg9[%get3A_251, %get3A_252, %get3A_253] {strides = array<i32>} : memref<3x40x128xf32, #tpu.memory_space<vmem>>, vector<1x1x16xf32>,
        %get3A_255 = vector.shape_cast %get3A_254 : vector<1x1x16xf32> to vector<16xf32>
        %add3A_256 = arith.addf %get3A_250, %get3A_255 : vector<16xf32>
        %swap3A_257 = arith.index_cast %rem3A_160 : i32 to index
        %swap3A_258 = arith.index_cast %add3A_230 : i32 to index
        %swap3A_259 = arith.constant 16 : index
        %swap3A_260 = tpu.vector_load %arg10[%swap3A_257, %swap3A_258, %swap3A_259] {strides = array<i32>} : memref<2x40x128xf32, #tpu.memory_space<vmem>>, vector<1x1x16xf32>,
        %swap3A_261 = vector.shape_cast %swap3A_260 : vector<1x1x16xf32> to vector<16xf32>
        %swap3A_262 = vector.shape_cast %add3A_256 : vector<16xf32> to vector<1x1x16xf32>
        tpu.vector_store %arg10[%swap3A_257, %swap3A_258, %swap3A_259], %swap3A_262 {strides = array<i32>} : memref<2x40x128xf32, #tpu.memory_space<vmem>>, vector<1x1x16xf32>,
        %get3A_263 = arith.index_cast %rem3A_158 : i32 to index
        %get3A_264 = arith.index_cast %add3A_230 : i32 to index
        %get3A_265 = arith.constant 64 : index
        %get3A_266 = tpu.vector_load %arg8[%get3A_263, %get3A_264, %get3A_265] {strides = array<i32>} : memref<3x40x128xf32, #tpu.memory_space<vmem>>, vector<1x1x16xf32>,
        %get3A_267 = vector.shape_cast %get3A_266 : vector<1x1x16xf32> to vector<16xf32>
        %get3A_268 = arith.index_cast %rem3A_158 : i32 to index
        %get3A_269 = arith.index_cast %add3A_230 : i32 to index
        %get3A_270 = arith.constant 64 : index
        %get3A_271 = tpu.vector_load %arg9[%get3A_268, %get3A_269, %get3A_270] {strides = array<i32>} : memref<3x40x128xf32, #tpu.memory_space<vmem>>, vector<1x1x16xf32>,
        %get3A_272 = vector.shape_cast %get3A_271 : vector<1x1x16xf32> to vector<16xf32>
        %sub3A_273 = arith.subf %get3A_267, %get3A_272 : vector<16xf32>
        %swap3A_274 = arith.index_cast %rem3A_160 : i32 to index
        %swap3A_275 = arith.index_cast %add3A_230 : i32 to index
        %swap3A_276 = arith.constant 32 : index
        %swap3A_277 = tpu.vector_load %arg10[%swap3A_274, %swap3A_275, %swap3A_276] {strides = array<i32>} : memref<2x40x128xf32, #tpu.memory_space<vmem>>, vector<1x1x16xf32>,
        %swap3A_278 = vector.shape_cast %swap3A_277 : vector<1x1x16xf32> to vector<16xf32>
        %swap3A_279 = vector.shape_cast %sub3A_273 : vector<16xf32> to vector<1x1x16xf32>
        tpu.vector_store %arg10[%swap3A_274, %swap3A_275, %swap3A_276], %swap3A_279 {strides = array<i32>} : memref<2x40x128xf32, #tpu.memory_space<vmem>>, vector<1x1x16xf32>,
        %mul3A_280 = arith.constant 4 : i32
        %mul3A_281 = arith.muli %scan3A_226, %mul3A_280 : i32
        %add3A_282 = arith.constant 1 : i32
        %add3A_283 = arith.addi %mul3A_281, %add3A_282 : i32
        %get3A_284 = arith.index_cast %rem3A_158 : i32 to index
        %get3A_285 = arith.index_cast %add3A_283 : i32 to index
        %get3A_286 = arith.constant 0 : index
        %get3A_287 = tpu.vector_load %arg8[%get3A_284, %get3A_285, %get3A_286] {strides = array<i32>} : memref<3x40x128xf32, #tpu.memory_space<vmem>>, vector<1x1x16xf32>,
        %get3A_288 = vector.shape_cast %get3A_287 : vector<1x1x16xf32> to vector<16xf32>
        %get3A_289 = arith.index_cast %rem3A_158 : i32 to index
        %get3A_290 = arith.index_cast %add3A_283 : i32 to index
        %get3A_291 = arith.constant 32 : index
        %get3A_292 = tpu.vector_load %arg9[%get3A_289, %get3A_290, %get3A_291] {strides = array<i32>} : memref<3x40x128xf32, #tpu.memory_space<vmem>>, vector<1x1x16xf32>,
        %get3A_293 = vector.shape_cast %get3A_292 : vector<1x1x16xf32> to vector<16xf32>
        %add3A_294 = arith.addf %get3A_288, %get3A_293 : vector<16xf32>
        %swap3A_295 = arith.index_cast %rem3A_160 : i32 to index
        %swap3A_296 = arith.index_cast %add3A_283 : i32 to index
        %swap3A_297 = arith.constant 0 : index
        %swap3A_298 = tpu.vector_load %arg10[%swap3A_295, %swap3A_296, %swap3A_297] {strides = array<i32>} : memref<2x40x128xf32, #tpu.memory_space<vmem>>, vector<1x1x16xf32>,
        %swap3A_299 = vector.shape_cast %swap3A_298 : vector<1x1x16xf32> to vector<16xf32>
        %swap3A_300 = vector.shape_cast %add3A_294 : vector<16xf32> to vector<1x1x16xf32>
        tpu.vector_store %arg10[%swap3A_295, %swap3A_296, %swap3A_297], %swap3A_300 {strides = array<i32>} : memref<2x40x128xf32, #tpu.memory_space<vmem>>, vector<1x1x16xf32>,
        %get3A_301 = arith.index_cast %rem3A_158 : i32 to index
        %get3A_302 = arith.index_cast %add3A_283 : i32 to index
        %get3A_303 = arith.constant 16 : index
        %get3A_304 = tpu.vector_load %arg8[%get3A_301, %get3A_302, %get3A_303] {strides = array<i32>} : memref<3x40x128xf32, #tpu.memory_space<vmem>>, vector<1x1x16xf32>,
        %get3A_305 = vector.shape_cast %get3A_304 : vector<1x1x16xf32> to vector<16xf32>
        %get3A_306 = arith.index_cast %rem3A_158 : i32 to index
        %get3A_307 = arith.index_cast %add3A_283 : i32 to index
        %get3A_308 = arith.constant 48 : index
        %get3A_309 = tpu.vector_load %arg9[%get3A_306, %get3A_307, %get3A_308] {strides = array<i32>} : memref<3x40x128xf32, #tpu.memory_space<vmem>>, vector<1x1x16xf32>,
        %get3A_310 = vector.shape_cast %get3A_309 : vector<1x1x16xf32> to vector<16xf32>
        %add3A_311 = arith.addf %get3A_305, %get3A_310 : vector<16xf32>
        %swap3A_312 = arith.index_cast %rem3A_160 : i32 to index
        %swap3A_313 = arith.index_cast %add3A_283 : i32 to index
        %swap3A_314 = arith.constant 16 : index
        %swap3A_315 = tpu.vector_load %arg10[%swap3A_312, %swap3A_313, %swap3A_314] {strides = array<i32>} : memref<2x40x128xf32, #tpu.memory_space<vmem>>, vector<1x1x16xf32>,
        %swap3A_316 = vector.shape_cast %swap3A_315 : vector<1x1x16xf32> to vector<16xf32>
        %swap3A_317 = vector.shape_cast %add3A_311 : vector<16xf32> to vector<1x1x16xf32>
        tpu.vector_store %arg10[%swap3A_312, %swap3A_313, %swap3A_314], %swap3A_317 {strides = array<i32>} : memref<2x40x128xf32, #tpu.memory_space<vmem>>, vector<1x1x16xf32>,
        %get3A_318 = arith.index_cast %rem3A_158 : i32 to index
        %get3A_319 = arith.index_cast %add3A_283 : i32 to index
        %get3A_320 = arith.constant 64 : index
        %get3A_321 = tpu.vector_load %arg8[%get3A_318, %get3A_319, %get3A_320] {strides = array<i32>} : memref<3x40x128xf32, #tpu.memory_space<vmem>>, vector<1x1x16xf32>,
        %get3A_322 = vector.shape_cast %get3A_321 : vector<1x1x16xf32> to vector<16xf32>
        %get3A_323 = arith.index_cast %rem3A_158 : i32 to index
        %get3A_324 = arith.index_cast %add3A_283 : i32 to index
        %get3A_325 = arith.constant 64 : index
        %get3A_326 = tpu.vector_load %arg9[%get3A_323, %get3A_324, %get3A_325] {strides = array<i32>} : memref<3x40x128xf32, #tpu.memory_space<vmem>>, vector<1x1x16xf32>,
        %get3A_327 = vector.shape_cast %get3A_326 : vector<1x1x16xf32> to vector<16xf32>
        %sub3A_328 = arith.subf %get3A_322, %get3A_327 : vector<16xf32>
        %swap3A_329 = arith.index_cast %rem3A_160 : i32 to index
        %swap3A_330 = arith.index_cast %add3A_283 : i32 to index
        %swap3A_331 = arith.constant 32 : index
        %swap3A_332 = tpu.vector_load %arg10[%swap3A_329, %swap3A_330, %swap3A_331] {strides = array<i32>} : memref<2x40x128xf32, #tpu.memory_space<vmem>>, vector<1x1x16xf32>,
        %swap3A_333 = vector.shape_cast %swap3A_332 : vector<1x1x16xf32> to vector<16xf32>
        %swap3A_334 = vector.shape_cast %sub3A_328 : vector<16xf32> to vector<1x1x16xf32>
        tpu.vector_store %arg10[%swap3A_329, %swap3A_330, %swap3A_331], %swap3A_334 {strides = array<i32>} : memref<2x40x128xf32, #tpu.memory_space<vmem>>, vector<1x1x16xf32>,
        %mul3A_335 = arith.constant 4 : i32
        %mul3A_336 = arith.muli %scan3A_226, %mul3A_335 : i32
        %add3A_337 = arith.constant 2 : i32
        %add3A_338 = arith.addi %mul3A_336, %add3A_337 : i32
        %get3A_339 = arith.index_cast %rem3A_158 : i32 to index
        %get3A_340 = arith.index_cast %add3A_338 : i32 to index
        %get3A_341 = arith.constant 0 : index
        %get3A_342 = tpu.vector_load %arg8[%get3A_339, %get3A_340, %get3A_341] {strides = array<i32>} : memref<3x40x128xf32, #tpu.memory_space<vmem>>, vector<1x1x16xf32>,
        %get3A_343 = vector.shape_cast %get3A_342 : vector<1x1x16xf32> to vector<16xf32>
        %get3A_344 = arith.index_cast %rem3A_158 : i32 to index
        %get3A_345 = arith.index_cast %add3A_338 : i32 to index
        %get3A_346 = arith.constant 32 : index
        %get3A_347 = tpu.vector_load %arg9[%get3A_344, %get3A_345, %get3A_346] {strides = array<i32>} : memref<3x40x128xf32, #tpu.memory_space<vmem>>, vector<1x1x16xf32>,
        %get3A_348 = vector.shape_cast %get3A_347 : vector<1x1x16xf32> to vector<16xf32>
        %add3A_349 = arith.addf %get3A_343, %get3A_348 : vector<16xf32>
        %swap3A_350 = arith.index_cast %rem3A_160 : i32 to index
        %swap3A_351 = arith.index_cast %add3A_338 : i32 to index
        %swap3A_352 = arith.constant 0 : index
        %swap3A_353 = tpu.vector_load %arg10[%swap3A_350, %swap3A_351, %swap3A_352] {strides = array<i32>} : memref<2x40x128xf32, #tpu.memory_space<vmem>>, vector<1x1x16xf32>,
        %swap3A_354 = vector.shape_cast %swap3A_353 : vector<1x1x16xf32> to vector<16xf32>
        %swap3A_355 = vector.shape_cast %add3A_349 : vector<16xf32> to vector<1x1x16xf32>
        tpu.vector_store %arg10[%swap3A_350, %swap3A_351, %swap3A_352], %swap3A_355 {strides = array<i32>} : memref<2x40x128xf32, #tpu.memory_space<vmem>>, vector<1x1x16xf32>,
        %get3A_356 = arith.index_cast %rem3A_158 : i32 to index
        %get3A_357 = arith.index_cast %add3A_338 : i32 to index
        %get3A_358 = arith.constant 16 : index
        %get3A_359 = tpu.vector_load %arg8[%get3A_356, %get3A_357, %get3A_358] {strides = array<i32>} : memref<3x40x128xf32, #tpu.memory_space<vmem>>, vector<1x1x16xf32>,
        %get3A_360 = vector.shape_cast %get3A_359 : vector<1x1x16xf32> to vector<16xf32>
        %get3A_361 = arith.index_cast %rem3A_158 : i32 to index
        %get3A_362 = arith.index_cast %add3A_338 : i32 to index
        %get3A_363 = arith.constant 48 : index
        %get3A_364 = tpu.vector_load %arg9[%get3A_361, %get3A_362, %get3A_363] {strides = array<i32>} : memref<3x40x128xf32, #tpu.memory_space<vmem>>, vector<1x1x16xf32>,
        %get3A_365 = vector.shape_cast %get3A_364 : vector<1x1x16xf32> to vector<16xf32>
        %add3A_366 = arith.addf %get3A_360, %get3A_365 : vector<16xf32>
        %swap3A_367 = arith.index_cast %rem3A_160 : i32 to index
        %swap3A_368 = arith.index_cast %add3A_338 : i32 to index
        %swap3A_369 = arith.constant 16 : index
        %swap3A_370 = tpu.vector_load %arg10[%swap3A_367, %swap3A_368, %swap3A_369] {strides = array<i32>} : memref<2x40x128xf32, #tpu.memory_space<vmem>>, vector<1x1x16xf32>,
        %swap3A_371 = vector.shape_cast %swap3A_370 : vector<1x1x16xf32> to vector<16xf32>
        %swap3A_372 = vector.shape_cast %add3A_366 : vector<16xf32> to vector<1x1x16xf32>
        tpu.vector_store %arg10[%swap3A_367, %swap3A_368, %swap3A_369], %swap3A_372 {strides = array<i32>} : memref<2x40x128xf32, #tpu.memory_space<vmem>>, vector<1x1x16xf32>,
        %get3A_373 = arith.index_cast %rem3A_158 : i32 to index
        %get3A_374 = arith.index_cast %add3A_338 : i32 to index
        %get3A_375 = arith.constant 64 : index
        %get3A_376 = tpu.vector_load %arg8[%get3A_373, %get3A_374, %get3A_375] {strides = array<i32>} : memref<3x40x128xf32, #tpu.memory_space<vmem>>, vector<1x1x16xf32>,
        %get3A_377 = vector.shape_cast %get3A_376 : vector<1x1x16xf32> to vector<16xf32>
        %get3A_378 = arith.index_cast %rem3A_158 : i32 to index
        %get3A_379 = arith.index_cast %add3A_338 : i32 to index
        %get3A_380 = arith.constant 64 : index
        %get3A_381 = tpu.vector_load %arg9[%get3A_378, %get3A_379, %get3A_380] {strides = array<i32>} : memref<3x40x128xf32, #tpu.memory_space<vmem>>, vector<1x1x16xf32>,
        %get3A_382 = vector.shape_cast %get3A_381 : vector<1x1x16xf32> to vector<16xf32>
        %sub3A_383 = arith.subf %get3A_377, %get3A_382 : vector<16xf32>
        %swap3A_384 = arith.index_cast %rem3A_160 : i32 to index
        %swap3A_385 = arith.index_cast %add3A_338 : i32 to index
        %swap3A_386 = arith.constant 32 : index
        %swap3A_387 = tpu.vector_load %arg10[%swap3A_384, %swap3A_385, %swap3A_386] {strides = array<i32>} : memref<2x40x128xf32, #tpu.memory_space<vmem>>, vector<1x1x16xf32>,
        %swap3A_388 = vector.shape_cast %swap3A_387 : vector<1x1x16xf32> to vector<16xf32>
        %swap3A_389 = vector.shape_cast %sub3A_383 : vector<16xf32> to vector<1x1x16xf32>
        tpu.vector_store %arg10[%swap3A_384, %swap3A_385, %swap3A_386], %swap3A_389 {strides = array<i32>} : memref<2x40x128xf32, #tpu.memory_space<vmem>>, vector<1x1x16xf32>,
        %mul3A_390 = arith.constant 4 : i32
        %mul3A_391 = arith.muli %scan3A_226, %mul3A_390 : i32
        %add3A_392 = arith.constant 3 : i32
        %add3A_393 = arith.addi %mul3A_391, %add3A_392 : i32
        %get3A_394 = arith.index_cast %rem3A_158 : i32 to index
        %get3A_395 = arith.index_cast %add3A_393 : i32 to index
        %get3A_396 = arith.constant 0 : index
        %get3A_397 = tpu.vector_load %arg8[%get3A_394, %get3A_395, %get3A_396] {strides = array<i32>} : memref<3x40x128xf32, #tpu.memory_space<vmem>>, vector<1x1x16xf32>,
        %get3A_398 = vector.shape_cast %get3A_397 : vector<1x1x16xf32> to vector<16xf32>
        %get3A_399 = arith.index_cast %rem3A_158 : i32 to index
        %get3A_400 = arith.index_cast %add3A_393 : i32 to index
        %get3A_401 = arith.constant 32 : index
        %get3A_402 = tpu.vector_load %arg9[%get3A_399, %get3A_400, %get3A_401] {strides = array<i32>} : memref<3x40x128xf32, #tpu.memory_space<vmem>>, vector<1x1x16xf32>,
        %get3A_403 = vector.shape_cast %get3A_402 : vector<1x1x16xf32> to vector<16xf32>
        %add3A_404 = arith.addf %get3A_398, %get3A_403 : vector<16xf32>
        %swap3A_405 = arith.index_cast %rem3A_160 : i32 to index
        %swap3A_406 = arith.index_cast %add3A_393 : i32 to index
        %swap3A_407 = arith.constant 0 : index
        %swap3A_408 = tpu.vector_load %arg10[%swap3A_405, %swap3A_406, %swap3A_407] {strides = array<i32>} : memref<2x40x128xf32, #tpu.memory_space<vmem>>, vector<1x1x16xf32>,
        %swap3A_409 = vector.shape_cast %swap3A_408 : vector<1x1x16xf32> to vector<16xf32>
        %swap3A_410 = vector.shape_cast %add3A_404 : vector<16xf32> to vector<1x1x16xf32>
        tpu.vector_store %arg10[%swap3A_405, %swap3A_406, %swap3A_407], %swap3A_410 {strides = array<i32>} : memref<2x40x128xf32, #tpu.memory_space<vmem>>, vector<1x1x16xf32>,
        %get3A_411 = arith.index_cast %rem3A_158 : i32 to index
        %get3A_412 = arith.index_cast %add3A_393 : i32 to index
        %get3A_413 = arith.constant 16 : index
        %get3A_414 = tpu.vector_load %arg8[%get3A_411, %get3A_412, %get3A_413] {strides = array<i32>} : memref<3x40x128xf32, #tpu.memory_space<vmem>>, vector<1x1x16xf32>,
        %get3A_415 = vector.shape_cast %get3A_414 : vector<1x1x16xf32> to vector<16xf32>
        %get3A_416 = arith.index_cast %rem3A_158 : i32 to index
        %get3A_417 = arith.index_cast %add3A_393 : i32 to index
        %get3A_418 = arith.constant 48 : index
        %get3A_419 = tpu.vector_load %arg9[%get3A_416, %get3A_417, %get3A_418] {strides = array<i32>} : memref<3x40x128xf32, #tpu.memory_space<vmem>>, vector<1x1x16xf32>,
        %get3A_420 = vector.shape_cast %get3A_419 : vector<1x1x16xf32> to vector<16xf32>
        %add3A_421 = arith.addf %get3A_415, %get3A_420 : vector<16xf32>
        %swap3A_422 = arith.index_cast %rem3A_160 : i32 to index
        %swap3A_423 = arith.index_cast %add3A_393 : i32 to index
        %swap3A_424 = arith.constant 16 : index
        %swap3A_425 = tpu.vector_load %arg10[%swap3A_422, %swap3A_423, %swap3A_424] {strides = array<i32>} : memref<2x40x128xf32, #tpu.memory_space<vmem>>, vector<1x1x16xf32>,
        %swap3A_426 = vector.shape_cast %swap3A_425 : vector<1x1x16xf32> to vector<16xf32>
        %swap3A_427 = vector.shape_cast %add3A_421 : vector<16xf32> to vector<1x1x16xf32>
        tpu.vector_store %arg10[%swap3A_422, %swap3A_423, %swap3A_424], %swap3A_427 {strides = array<i32>} : memref<2x40x128xf32, #tpu.memory_space<vmem>>, vector<1x1x16xf32>,
        %get3A_428 = arith.index_cast %rem3A_158 : i32 to index
        %get3A_429 = arith.index_cast %add3A_393 : i32 to index
        %get3A_430 = arith.constant 64 : index
        %get3A_431 = tpu.vector_load %arg8[%get3A_428, %get3A_429, %get3A_430] {strides = array<i32>} : memref<3x40x128xf32, #tpu.memory_space<vmem>>, vector<1x1x16xf32>,
        %get3A_432 = vector.shape_cast %get3A_431 : vector<1x1x16xf32> to vector<16xf32>
        %get3A_433 = arith.index_cast %rem3A_158 : i32 to index
        %get3A_434 = arith.index_cast %add3A_393 : i32 to index
        %get3A_435 = arith.constant 64 : index
        %get3A_436 = tpu.vector_load %arg9[%get3A_433, %get3A_434, %get3A_435] {strides = array<i32>} : memref<3x40x128xf32, #tpu.memory_space<vmem>>, vector<1x1x16xf32>,
        %get3A_437 = vector.shape_cast %get3A_436 : vector<1x1x16xf32> to vector<16xf32>
        %sub3A_438 = arith.subf %get3A_432, %get3A_437 : vector<16xf32>
        %swap3A_439 = arith.index_cast %rem3A_160 : i32 to index
        %swap3A_440 = arith.index_cast %add3A_393 : i32 to index
        %swap3A_441 = arith.constant 32 : index
        %swap3A_442 = tpu.vector_load %arg10[%swap3A_439, %swap3A_440, %swap3A_441] {strides = array<i32>} : memref<2x40x128xf32, #tpu.memory_space<vmem>>, vector<1x1x16xf32>,
        %swap3A_443 = vector.shape_cast %swap3A_442 : vector<1x1x16xf32> to vector<16xf32>
        %swap3A_444 = vector.shape_cast %sub3A_438 : vector<16xf32> to vector<1x1x16xf32>
        tpu.vector_store %arg10[%swap3A_439, %swap3A_440, %swap3A_441], %swap3A_444 {strides = array<i32>} : memref<2x40x128xf32, #tpu.memory_space<vmem>>, vector<1x1x16xf32>,
      }
      %scan3A_207 = arith.constant 10 : i32
      %sub3A = arith.constant 160000 : i32
      %sub3A_208 = arith.subi %add3A_4, %sub3A : i32
      %mul3A_209 = arith.constant 40 : i32
      %mul3A_210 = arith.muli %scan3A_156, %mul3A_209 : i32
      %add3A_211 = arith.addi %sub3A_208, %mul3A_210 : i32
      %dma_start3A_212 = arith.constant 0 : i32
      %dma_start3A_213 = arith.constant 0 : i32
      %dma_start3A_214 = tpu.memref_slice %arg10[%rem3A_160, %dma_start3A_212, %dma_start3A_213] : memref<2x40x128xf32, #tpu.memory_space<vmem>> -> memref<1x40x128xf32, #tpu.memory_space<vmem>>
      %dma_start3A_215 = tpu.memref_squeeze %dma_start3A_214 : memref<1x40x128xf32, #tpu.memory_space<vmem>> -> memref<40x128xf32, #tpu.memory_space<vmem>>
      %dma_start3A_216 = arith.constant 0 : i32
      %dma_start3A_217 = tpu.memref_slice %arg5[%add3A_211, %dma_start3A_216] : memref<160000x128xf32, #tpu.memory_space<hbm>> -> memref<40x128xf32, #tpu.memory_space<hbm>>
      %dma_start3A_218 = tpu.memref_slice %arg13[%rem3A_160] : memref<2x!tpu.dma_semaphore, #tpu.memory_space<semaphore_mem>> -> memref<1x!tpu.dma_semaphore, #tpu.memory_space<semaphore_mem>>
      %dma_start3A_219 = tpu.memref_squeeze %dma_start3A_218 : memref<1x!tpu.dma_semaphore, #tpu.memory_space<semaphore_mem>> -> memref<!tpu.dma_semaphore, #tpu.memory_space<semaphore_mem>>
      %dma_start3A_220 = arith.constant 0 : i32
      %dma_start3A_221 = tpu.memref_slice %arg5[%add3A_211, %dma_start3A_220] : memref<160000x128xf32, #tpu.memory_space<hbm>> -> memref<40x128xf32, #tpu.memory_space<hbm>>
      %dma_start3A_222 = arith.constant 0 : i32
      %dma_start3A_223 = arith.constant 0 : i32
      %dma_start3A_224 = tpu.memref_slice %arg10[%rem3A_160, %dma_start3A_222, %dma_start3A_223] : memref<2x40x128xf32, #tpu.memory_space<vmem>> -> memref<1x40x128xf32, #tpu.memory_space<vmem>>
      %dma_start3A_225 = tpu.memref_squeeze %dma_start3A_224 : memref<1x40x128xf32, #tpu.memory_space<vmem>> -> memref<40x128xf32, #tpu.memory_space<vmem>>
      tpu.enqueue_dma source(%dma_start3A_225 : memref<40x128xf32, #tpu.memory_space<vmem>>) target(%dma_start3A_221 : memref<40x128xf32, #tpu.memory_space<hbm>>) target_semaphore(%dma_start3A_219 : memref<!tpu.dma_semaphore, #tpu.memory_space<semaphore_mem>>)
    }
    %scan3A_117 = arith.constant 125 : i32
    %rem3A_118 = arith.constant 123 : i32
    %rem3A_119 = arith.constant 2 : i32
    %rem3A_120 = arith.remsi %rem3A_118, %rem3A_119 : i32
    %dma_wait3A_121 = arith.constant 0 : i32
    %dma_wait3A_122 = arith.constant 0 : i32
    %dma_wait3A_123 = tpu.memref_slice %arg10[%rem3A_120, %dma_wait3A_121, %dma_wait3A_122] : memref<2x40x128xf32, #tpu.memory_space<vmem>> -> memref<1x40x128xf32, #tpu.memory_space<vmem>>
    %dma_wait3A_124 = tpu.memref_squeeze %dma_wait3A_123 : memref<1x40x128xf32, #tpu.memory_space<vmem>> -> memref<40x128xf32, #tpu.memory_space<vmem>>
    %dma_wait3A_125 = arith.constant 0 : i32
    %dma_wait3A_126 = arith.constant 0 : i32
    %dma_wait3A_127 = tpu.memref_slice %arg5[%dma_wait3A_125, %dma_wait3A_126] : memref<160000x128xf32, #tpu.memory_space<hbm>> -> memref<40x128xf32, #tpu.memory_space<hbm>>
    %dma_wait3A_128 = tpu.memref_slice %arg13[%rem3A_120] : memref<2x!tpu.dma_semaphore, #tpu.memory_space<semaphore_mem>> -> memref<1x!tpu.dma_semaphore, #tpu.memory_space<semaphore_mem>>
    %dma_wait3A_129 = tpu.memref_squeeze %dma_wait3A_128 : memref<1x!tpu.dma_semaphore, #tpu.memory_space<semaphore_mem>> -> memref<!tpu.dma_semaphore, #tpu.memory_space<semaphore_mem>>
    %dma_wait3A_130 = arith.constant 0 : i32
    %dma_wait3A_131 = arith.constant 0 : i32
    %dma_wait3A_132 = tpu.memref_slice %arg5[%dma_wait3A_130, %dma_wait3A_131] : memref<160000x128xf32, #tpu.memory_space<hbm>> -> memref<40x128xf32, #tpu.memory_space<hbm>>
    %dma_wait3A_133 = arith.constant 0 : i32
    %dma_wait3A_134 = arith.constant 0 : i32
    %dma_wait3A_135 = tpu.memref_slice %arg10[%rem3A_120, %dma_wait3A_133, %dma_wait3A_134] : memref<2x40x128xf32, #tpu.memory_space<vmem>> -> memref<1x40x128xf32, #tpu.memory_space<vmem>>
    %dma_wait3A_136 = tpu.memref_squeeze %dma_wait3A_135 : memref<1x40x128xf32, #tpu.memory_space<vmem>> -> memref<40x128xf32, #tpu.memory_space<vmem>>
    tpu.wait_dma2 semaphore(%dma_wait3A_129 : memref<!tpu.dma_semaphore, #tpu.memory_space<semaphore_mem>>) src(%dma_wait3A_136 : memref<40x128xf32, #tpu.memory_space<vmem>>) dst(%dma_wait3A_132 : memref<40x128xf32, #tpu.memory_space<hbm>>)
    %rem3A_137 = arith.constant 124 : i32
    %rem3A_138 = arith.constant 2 : i32
    %rem3A_139 = arith.remsi %rem3A_137, %rem3A_138 : i32
    %dma_wait3A_140 = arith.constant 0 : i32
    %dma_wait3A_141 = arith.constant 0 : i32
    %dma_wait3A_142 = tpu.memref_slice %arg10[%rem3A_139, %dma_wait3A_140, %dma_wait3A_141] : memref<2x40x128xf32, #tpu.memory_space<vmem>> -> memref<1x40x128xf32, #tpu.memory_space<vmem>>
    %dma_wait3A_143 = tpu.memref_squeeze %dma_wait3A_142 : memref<1x40x128xf32, #tpu.memory_space<vmem>> -> memref<40x128xf32, #tpu.memory_space<vmem>>
    %dma_wait3A_144 = arith.constant 0 : i32
    %dma_wait3A_145 = arith.constant 0 : i32
    %dma_wait3A_146 = tpu.memref_slice %arg5[%dma_wait3A_144, %dma_wait3A_145] : memref<160000x128xf32, #tpu.memory_space<hbm>> -> memref<40x128xf32, #tpu.memory_space<hbm>>
    %dma_wait3A_147 = tpu.memref_slice %arg13[%rem3A_139] : memref<2x!tpu.dma_semaphore, #tpu.memory_space<semaphore_mem>> -> memref<1x!tpu.dma_semaphore, #tpu.memory_space<semaphore_mem>>
    %dma_wait3A_148 = tpu.memref_squeeze %dma_wait3A_147 : memref<1x!tpu.dma_semaphore, #tpu.memory_space<semaphore_mem>> -> memref<!tpu.dma_semaphore, #tpu.memory_space<semaphore_mem>>
    %dma_wait3A_149 = arith.constant 0 : i32
    %dma_wait3A_150 = arith.constant 0 : i32
    %dma_wait3A_151 = tpu.memref_slice %arg5[%dma_wait3A_149, %dma_wait3A_150] : memref<160000x128xf32, #tpu.memory_space<hbm>> -> memref<40x128xf32, #tpu.memory_space<hbm>>
    %dma_wait3A_152 = arith.constant 0 : i32
    %dma_wait3A_153 = arith.constant 0 : i32
    %dma_wait3A_154 = tpu.memref_slice %arg10[%rem3A_139, %dma_wait3A_152, %dma_wait3A_153] : memref<2x40x128xf32, #tpu.memory_space<vmem>> -> memref<1x40x128xf32, #tpu.memory_space<vmem>>
    %dma_wait3A_155 = tpu.memref_squeeze %dma_wait3A_154 : memref<1x40x128xf32, #tpu.memory_space<vmem>> -> memref<40x128xf32, #tpu.memory_space<vmem>>
    tpu.wait_dma2 semaphore(%dma_wait3A_148 : memref<!tpu.dma_semaphore, #tpu.memory_space<semaphore_mem>>) src(%dma_wait3A_155 : memref<40x128xf32, #tpu.memory_space<vmem>>) dst(%dma_wait3A_151 : memref<40x128xf32, #tpu.memory_space<hbm>>)
    return
  }
}

#map = affine_map<(d0, d1) -> (0, 0)>
#map1 = affine_map<(d0, d1) -> (0)>
#map2 = affine_map<(d0, d1) -> (0, 0, 0)>
module attributes {stable_mosaic.version = 14 : i64} {
  func.func @kern(%arg0: i32, %arg1: i32, %arg2: memref<160000x128xf32, #tpu.memory_space<hbm>>, %arg3: memref<160000x128xf32, #tpu.memory_space<hbm>>, %arg4: memref<320000xi32, #tpu.memory_space<hbm>>, %arg5: memref<2x10000x128xf32, #tpu.memory_space<hbm>>, %arg6: memref<3x80xi32, #tpu.memory_space<vmem>>, %arg7: memref<3x80x128xf32, #tpu.memory_space<vmem>>, %arg8: memref<80x128xf32, #tpu.memory_space<vmem>>, %arg9: memref<10000x128xf32, #tpu.memory_space<vmem_shared>>, %arg10: memref<3x!tpu.dma_semaphore, #tpu.memory_space<semaphore_mem>>, %arg11: memref<3x!tpu.dma_semaphore, #tpu.memory_space<semaphore_mem>>) attributes {dimension_semantics = [#tpu.dimension_semantics<core_parallel>, #tpu.dimension_semantics<subcore_parallel>], iteration_bounds = array<i64: 2, 16>, scalar_prefetch = 0 : i64, scratch_operands = 6 : i64, tpu.core_type = #tpu.core_type<sc_vector_subcore>, window_params = [{transform_indices = #map}, {transform_indices = #map}, {transform_indices = #map1}, {transform_indices = #map2}]} {
    %mul3A = arith.constant 2 : i32
    %mul3A_0 = arith.muli %arg1, %mul3A : i32
    %add3A = arith.addi %mul3A_0, %arg0 : i32
    %broadcast_in_dim3A = arith.constant 0.000000e+00 : f32
    %broadcast_in_dim3A_1 = vector.broadcast %broadcast_in_dim3A : f32 to vector<16xf32>
    %scan3A = arith.constant 0 : i32
    %scan3A_2 = arith.constant 0 : i32
    %scan3A_3 = arith.constant 80 : i32
    %scan3A_4 = arith.addi %scan3A_2, %scan3A_3 : i32
    %scan3A_5 = arith.constant 1 : i32
    scf.for %scan3A_84 = %scan3A_2 to %scan3A_4 step %scan3A_5  : i32 {
      %swap3A = arith.index_cast %scan3A_84 : i32 to index
      %swap3A_85 = arith.constant 0 : index
      %swap3A_86 = tpu.vector_load %arg8[%swap3A, %swap3A_85] {strides = array<i32>} : memref<80x128xf32, #tpu.memory_space<vmem>>, vector<1x16xf32>,
      %swap3A_87 = vector.shape_cast %swap3A_86 : vector<1x16xf32> to vector<16xf32>
      %swap3A_88 = vector.shape_cast %broadcast_in_dim3A_1 : vector<16xf32> to vector<1x16xf32>
      tpu.vector_store %arg8[%swap3A, %swap3A_85], %swap3A_88 {strides = array<i32>} : memref<80x128xf32, #tpu.memory_space<vmem>>, vector<1x16xf32>,
      %swap3A_89 = arith.index_cast %scan3A_84 : i32 to index
      %swap3A_90 = arith.constant 16 : index
      %swap3A_91 = tpu.vector_load %arg8[%swap3A_89, %swap3A_90] {strides = array<i32>} : memref<80x128xf32, #tpu.memory_space<vmem>>, vector<1x16xf32>,
      %swap3A_92 = vector.shape_cast %swap3A_91 : vector<1x16xf32> to vector<16xf32>
      %swap3A_93 = vector.shape_cast %broadcast_in_dim3A_1 : vector<16xf32> to vector<1x16xf32>
      tpu.vector_store %arg8[%swap3A_89, %swap3A_90], %swap3A_93 {strides = array<i32>} : memref<80x128xf32, #tpu.memory_space<vmem>>, vector<1x16xf32>,
      %swap3A_94 = arith.index_cast %scan3A_84 : i32 to index
      %swap3A_95 = arith.constant 32 : index
      %swap3A_96 = tpu.vector_load %arg8[%swap3A_94, %swap3A_95] {strides = array<i32>} : memref<80x128xf32, #tpu.memory_space<vmem>>, vector<1x16xf32>,
      %swap3A_97 = vector.shape_cast %swap3A_96 : vector<1x16xf32> to vector<16xf32>
      %swap3A_98 = vector.shape_cast %broadcast_in_dim3A_1 : vector<16xf32> to vector<1x16xf32>
      tpu.vector_store %arg8[%swap3A_94, %swap3A_95], %swap3A_98 {strides = array<i32>} : memref<80x128xf32, #tpu.memory_space<vmem>>, vector<1x16xf32>,
      %swap3A_99 = arith.index_cast %scan3A_84 : i32 to index
      %swap3A_100 = arith.constant 48 : index
      %swap3A_101 = tpu.vector_load %arg8[%swap3A_99, %swap3A_100] {strides = array<i32>} : memref<80x128xf32, #tpu.memory_space<vmem>>, vector<1x16xf32>,
      %swap3A_102 = vector.shape_cast %swap3A_101 : vector<1x16xf32> to vector<16xf32>
      %swap3A_103 = vector.shape_cast %broadcast_in_dim3A_1 : vector<16xf32> to vector<1x16xf32>
      tpu.vector_store %arg8[%swap3A_99, %swap3A_100], %swap3A_103 {strides = array<i32>} : memref<80x128xf32, #tpu.memory_space<vmem>>, vector<1x16xf32>,
      %swap3A_104 = arith.index_cast %scan3A_84 : i32 to index
      %swap3A_105 = arith.constant 64 : index
      %swap3A_106 = tpu.vector_load %arg8[%swap3A_104, %swap3A_105] {strides = array<i32>} : memref<80x128xf32, #tpu.memory_space<vmem>>, vector<1x16xf32>,
      %swap3A_107 = vector.shape_cast %swap3A_106 : vector<1x16xf32> to vector<16xf32>
      %swap3A_108 = vector.shape_cast %broadcast_in_dim3A_1 : vector<16xf32> to vector<1x16xf32>
      tpu.vector_store %arg8[%swap3A_104, %swap3A_105], %swap3A_108 {strides = array<i32>} : memref<80x128xf32, #tpu.memory_space<vmem>>, vector<1x16xf32>,
      %swap3A_109 = arith.index_cast %scan3A_84 : i32 to index
      %swap3A_110 = arith.constant 80 : index
      %swap3A_111 = tpu.vector_load %arg8[%swap3A_109, %swap3A_110] {strides = array<i32>} : memref<80x128xf32, #tpu.memory_space<vmem>>, vector<1x16xf32>,
      %swap3A_112 = vector.shape_cast %swap3A_111 : vector<1x16xf32> to vector<16xf32>
      %swap3A_113 = vector.shape_cast %broadcast_in_dim3A_1 : vector<16xf32> to vector<1x16xf32>
      tpu.vector_store %arg8[%swap3A_109, %swap3A_110], %swap3A_113 {strides = array<i32>} : memref<80x128xf32, #tpu.memory_space<vmem>>, vector<1x16xf32>,
      %swap3A_114 = arith.index_cast %scan3A_84 : i32 to index
      %swap3A_115 = arith.constant 96 : index
      %swap3A_116 = tpu.vector_load %arg8[%swap3A_114, %swap3A_115] {strides = array<i32>} : memref<80x128xf32, #tpu.memory_space<vmem>>, vector<1x16xf32>,
      %swap3A_117 = vector.shape_cast %swap3A_116 : vector<1x16xf32> to vector<16xf32>
      %swap3A_118 = vector.shape_cast %broadcast_in_dim3A_1 : vector<16xf32> to vector<1x16xf32>
      tpu.vector_store %arg8[%swap3A_114, %swap3A_115], %swap3A_118 {strides = array<i32>} : memref<80x128xf32, #tpu.memory_space<vmem>>, vector<1x16xf32>,
      %swap3A_119 = arith.index_cast %scan3A_84 : i32 to index
      %swap3A_120 = arith.constant 112 : index
      %swap3A_121 = tpu.vector_load %arg8[%swap3A_119, %swap3A_120] {strides = array<i32>} : memref<80x128xf32, #tpu.memory_space<vmem>>, vector<1x16xf32>,
      %swap3A_122 = vector.shape_cast %swap3A_121 : vector<1x16xf32> to vector<16xf32>
      %swap3A_123 = vector.shape_cast %broadcast_in_dim3A_1 : vector<16xf32> to vector<1x16xf32>
      tpu.vector_store %arg8[%swap3A_119, %swap3A_120], %swap3A_123 {strides = array<i32>} : memref<80x128xf32, #tpu.memory_space<vmem>>, vector<1x16xf32>,
    }
    %scan3A_6 = arith.constant 80 : i32
    %scan3A_7 = arith.constant 0 : i32
    %scan3A_8 = arith.constant 0 : i32
    %scan3A_9 = arith.constant 8 : i32
    %scan3A_10 = arith.addi %scan3A_8, %scan3A_9 : i32
    %scan3A_11 = arith.constant 1 : i32
    scf.for %scan3A_84 = %scan3A_8 to %scan3A_10 step %scan3A_11  : i32 {
      %mul3A_85 = arith.constant 16 : i32
      %mul3A_86 = arith.muli %scan3A_84, %mul3A_85 : i32
      %add3A_87 = arith.addi %mul3A_86, %arg1 : i32
      %lt3A_88 = arith.constant 125 : i32
      %lt3A_89 = arith.cmpi slt, %add3A_87, %lt3A_88 : i32
      %convert_element_type3A_90 = arith.extui %lt3A_89 : i1 to i32
      %cond3A_91 = arith.constant 0 : i32
      %cond3A_92 = arith.cmpi ne, %convert_element_type3A_90, %cond3A_91 : i32
      scf.if %cond3A_92 {
        %mul3A_93 = arith.constant 80 : i32
        %mul3A_94 = arith.muli %add3A_87, %mul3A_93 : i32
        "tpu.region"() ({
          %run_scoped3A = tpu.sem_alloc : memref<!tpu.dma_semaphore, #tpu.memory_space<semaphore_mem>>
          %dma_start3A_95 = arith.constant 0 : i32
          %dma_start3A_96 = tpu.memref_slice %arg9[%mul3A_94, %dma_start3A_95] : memref<10000x128xf32, #tpu.memory_space<vmem_shared>> -> memref<80x128xf32, #tpu.memory_space<vmem_shared>>
          %dma_start3A_97 = arith.constant 0 : i32
          %dma_start3A_98 = tpu.memref_slice %arg9[%mul3A_94, %dma_start3A_97] : memref<10000x128xf32, #tpu.memory_space<vmem_shared>> -> memref<80x128xf32, #tpu.memory_space<vmem_shared>>
          tpu.enqueue_dma source(%arg8 : memref<80x128xf32, #tpu.memory_space<vmem>>) target(%dma_start3A_98 : memref<80x128xf32, #tpu.memory_space<vmem_shared>>) target_semaphore(%run_scoped3A : memref<!tpu.dma_semaphore, #tpu.memory_space<semaphore_mem>>)
          %dma_wait3A_99 = arith.constant 0 : i32
          %dma_wait3A_100 = tpu.memref_slice %arg9[%mul3A_94, %dma_wait3A_99] : memref<10000x128xf32, #tpu.memory_space<vmem_shared>> -> memref<80x128xf32, #tpu.memory_space<vmem_shared>>
          %dma_wait3A_101 = arith.constant 0 : i32
          %dma_wait3A_102 = tpu.memref_slice %arg9[%mul3A_94, %dma_wait3A_101] : memref<10000x128xf32, #tpu.memory_space<vmem_shared>> -> memref<80x128xf32, #tpu.memory_space<vmem_shared>>
          tpu.wait_dma2 semaphore(%run_scoped3A : memref<!tpu.dma_semaphore, #tpu.memory_space<semaphore_mem>>) src(%arg8 : memref<80x128xf32, #tpu.memory_space<vmem>>) dst(%dma_wait3A_102 : memref<80x128xf32, #tpu.memory_space<vmem_shared>>)
          tpu.yield
        }) : () -> ()
      } else {
      }
    }
    %scan3A_12 = arith.constant 8 : i32
    %barrier3A = arith.constant 0 : index
    tpu.barrier barrier_id(%barrier3A)
    %mul3A_13 = arith.constant 10000 : i32
    %mul3A_14 = arith.muli %add3A, %mul3A_13 : i32
    %lt3A = arith.constant 16 : i32
    %lt3A_15 = arith.cmpi slt, %add3A, %lt3A : i32
    %rem3A = arith.constant 0 : i32
    %rem3A_16 = arith.constant 3 : i32
    %rem3A_17 = arith.remsi %rem3A, %rem3A_16 : i32
    %add3A_18 = arith.constant 0 : i32
    %add3A_19 = arith.addi %mul3A_14, %add3A_18 : i32
    %dma_start3A = arith.constant 0 : i32
    %dma_start3A_20 = tpu.memref_slice %arg6[%rem3A_17, %dma_start3A] : memref<3x80xi32, #tpu.memory_space<vmem>> -> memref<1x80xi32, #tpu.memory_space<vmem>>
    %dma_start3A_21 = tpu.memref_squeeze %dma_start3A_20 : memref<1x80xi32, #tpu.memory_space<vmem>> -> memref<80xi32, #tpu.memory_space<vmem>>
    %dma_start3A_22 = tpu.memref_slice %arg4[%add3A_19] : memref<320000xi32, #tpu.memory_space<hbm>> -> memref<80xi32, #tpu.memory_space<hbm>>
    %dma_start3A_23 = tpu.memref_slice %arg10[%rem3A_17] : memref<3x!tpu.dma_semaphore, #tpu.memory_space<semaphore_mem>> -> memref<1x!tpu.dma_semaphore, #tpu.memory_space<semaphore_mem>>
    %dma_start3A_24 = tpu.memref_squeeze %dma_start3A_23 : memref<1x!tpu.dma_semaphore, #tpu.memory_space<semaphore_mem>> -> memref<!tpu.dma_semaphore, #tpu.memory_space<semaphore_mem>>
    %dma_start3A_25 = arith.constant 0 : i32
    %dma_start3A_26 = tpu.memref_slice %arg6[%rem3A_17, %dma_start3A_25] : memref<3x80xi32, #tpu.memory_space<vmem>> -> memref<1x80xi32, #tpu.memory_space<vmem>>
    %dma_start3A_27 = tpu.memref_squeeze %dma_start3A_26 : memref<1x80xi32, #tpu.memory_space<vmem>> -> memref<80xi32, #tpu.memory_space<vmem>>
    %dma_start3A_28 = tpu.memref_slice %arg4[%add3A_19] : memref<320000xi32, #tpu.memory_space<hbm>> -> memref<80xi32, #tpu.memory_space<hbm>>
    tpu.enqueue_dma source(%dma_start3A_28 : memref<80xi32, #tpu.memory_space<hbm>>) target(%dma_start3A_27 : memref<80xi32, #tpu.memory_space<vmem>>) target_semaphore(%dma_start3A_24 : memref<!tpu.dma_semaphore, #tpu.memory_space<semaphore_mem>>)
    %convert_element_type3A = arith.extui %lt3A_15 : i1 to i32
    %cond3A = arith.constant 0 : i32
    %cond3A_29 = arith.cmpi ne, %convert_element_type3A, %cond3A : i32
    scf.if %cond3A_29 {
      %dma_start3A_84 = arith.constant 0 : i32
      %dma_start3A_85 = arith.constant 0 : i32
      %dma_start3A_86 = tpu.memref_slice %arg7[%rem3A_17, %dma_start3A_84, %dma_start3A_85] : memref<3x80x128xf32, #tpu.memory_space<vmem>> -> memref<1x80x128xf32, #tpu.memory_space<vmem>>
      %dma_start3A_87 = tpu.memref_squeeze %dma_start3A_86 : memref<1x80x128xf32, #tpu.memory_space<vmem>> -> memref<80x128xf32, #tpu.memory_space<vmem>>
      %dma_start3A_88 = arith.constant 0 : i32
      %dma_start3A_89 = tpu.memref_slice %arg2[%add3A_19, %dma_start3A_88] : memref<160000x128xf32, #tpu.memory_space<hbm>> -> memref<80x128xf32, #tpu.memory_space<hbm>>
      %dma_start3A_90 = tpu.memref_slice %arg10[%rem3A_17] : memref<3x!tpu.dma_semaphore, #tpu.memory_space<semaphore_mem>> -> memref<1x!tpu.dma_semaphore, #tpu.memory_space<semaphore_mem>>
      %dma_start3A_91 = tpu.memref_squeeze %dma_start3A_90 : memref<1x!tpu.dma_semaphore, #tpu.memory_space<semaphore_mem>> -> memref<!tpu.dma_semaphore, #tpu.memory_space<semaphore_mem>>
      %dma_start3A_92 = arith.constant 0 : i32
      %dma_start3A_93 = arith.constant 0 : i32
      %dma_start3A_94 = tpu.memref_slice %arg7[%rem3A_17, %dma_start3A_92, %dma_start3A_93] : memref<3x80x128xf32, #tpu.memory_space<vmem>> -> memref<1x80x128xf32, #tpu.memory_space<vmem>>
      %dma_start3A_95 = tpu.memref_squeeze %dma_start3A_94 : memref<1x80x128xf32, #tpu.memory_space<vmem>> -> memref<80x128xf32, #tpu.memory_space<vmem>>
      %dma_start3A_96 = arith.constant 0 : i32
      %dma_start3A_97 = tpu.memref_slice %arg2[%add3A_19, %dma_start3A_96] : memref<160000x128xf32, #tpu.memory_space<hbm>> -> memref<80x128xf32, #tpu.memory_space<hbm>>
      tpu.enqueue_dma source(%dma_start3A_97 : memref<80x128xf32, #tpu.memory_space<hbm>>) target(%dma_start3A_95 : memref<80x128xf32, #tpu.memory_space<vmem>>) target_semaphore(%dma_start3A_91 : memref<!tpu.dma_semaphore, #tpu.memory_space<semaphore_mem>>)
    } else {
    }
    %not3A = arith.constant true
    %not3A_30 = arith.xori %lt3A_15, %not3A : i1
    %convert_element_type3A_31 = arith.extui %not3A_30 : i1 to i32
    %cond3A_32 = arith.constant 0 : i32
    %cond3A_33 = arith.cmpi ne, %convert_element_type3A_31, %cond3A_32 : i32
    scf.if %cond3A_33 {
      %sub3A = arith.constant 160000 : i32
      %sub3A_84 = arith.subi %add3A_19, %sub3A : i32
      %dma_start3A_85 = arith.constant 0 : i32
      %dma_start3A_86 = arith.constant 0 : i32
      %dma_start3A_87 = tpu.memref_slice %arg7[%rem3A_17, %dma_start3A_85, %dma_start3A_86] : memref<3x80x128xf32, #tpu.memory_space<vmem>> -> memref<1x80x128xf32, #tpu.memory_space<vmem>>
      %dma_start3A_88 = tpu.memref_squeeze %dma_start3A_87 : memref<1x80x128xf32, #tpu.memory_space<vmem>> -> memref<80x128xf32, #tpu.memory_space<vmem>>
      %dma_start3A_89 = arith.constant 0 : i32
      %dma_start3A_90 = tpu.memref_slice %arg3[%sub3A_84, %dma_start3A_89] : memref<160000x128xf32, #tpu.memory_space<hbm>> -> memref<80x128xf32, #tpu.memory_space<hbm>>
      %dma_start3A_91 = tpu.memref_slice %arg10[%rem3A_17] : memref<3x!tpu.dma_semaphore, #tpu.memory_space<semaphore_mem>> -> memref<1x!tpu.dma_semaphore, #tpu.memory_space<semaphore_mem>>
      %dma_start3A_92 = tpu.memref_squeeze %dma_start3A_91 : memref<1x!tpu.dma_semaphore, #tpu.memory_space<semaphore_mem>> -> memref<!tpu.dma_semaphore, #tpu.memory_space<semaphore_mem>>
      %dma_start3A_93 = arith.constant 0 : i32
      %dma_start3A_94 = arith.constant 0 : i32
      %dma_start3A_95 = tpu.memref_slice %arg7[%rem3A_17, %dma_start3A_93, %dma_start3A_94] : memref<3x80x128xf32, #tpu.memory_space<vmem>> -> memref<1x80x128xf32, #tpu.memory_space<vmem>>
      %dma_start3A_96 = tpu.memref_squeeze %dma_start3A_95 : memref<1x80x128xf32, #tpu.memory_space<vmem>> -> memref<80x128xf32, #tpu.memory_space<vmem>>
      %dma_start3A_97 = arith.constant 0 : i32
      %dma_start3A_98 = tpu.memref_slice %arg3[%sub3A_84, %dma_start3A_97] : memref<160000x128xf32, #tpu.memory_space<hbm>> -> memref<80x128xf32, #tpu.memory_space<hbm>>
      tpu.enqueue_dma source(%dma_start3A_98 : memref<80x128xf32, #tpu.memory_space<hbm>>) target(%dma_start3A_96 : memref<80x128xf32, #tpu.memory_space<vmem>>) target_semaphore(%dma_start3A_92 : memref<!tpu.dma_semaphore, #tpu.memory_space<semaphore_mem>>)
    } else {
    }
    %rem3A_34 = arith.constant 1 : i32
    %rem3A_35 = arith.constant 3 : i32
    %rem3A_36 = arith.remsi %rem3A_34, %rem3A_35 : i32
    %add3A_37 = arith.constant 80 : i32
    %add3A_38 = arith.addi %mul3A_14, %add3A_37 : i32
    %dma_start3A_39 = arith.constant 0 : i32
    %dma_start3A_40 = tpu.memref_slice %arg6[%rem3A_36, %dma_start3A_39] : memref<3x80xi32, #tpu.memory_space<vmem>> -> memref<1x80xi32, #tpu.memory_space<vmem>>
    %dma_start3A_41 = tpu.memref_squeeze %dma_start3A_40 : memref<1x80xi32, #tpu.memory_space<vmem>> -> memref<80xi32, #tpu.memory_space<vmem>>
    %dma_start3A_42 = tpu.memref_slice %arg4[%add3A_38] : memref<320000xi32, #tpu.memory_space<hbm>> -> memref<80xi32, #tpu.memory_space<hbm>>
    %dma_start3A_43 = tpu.memref_slice %arg10[%rem3A_36] : memref<3x!tpu.dma_semaphore, #tpu.memory_space<semaphore_mem>> -> memref<1x!tpu.dma_semaphore, #tpu.memory_space<semaphore_mem>>
    %dma_start3A_44 = tpu.memref_squeeze %dma_start3A_43 : memref<1x!tpu.dma_semaphore, #tpu.memory_space<semaphore_mem>> -> memref<!tpu.dma_semaphore, #tpu.memory_space<semaphore_mem>>
    %dma_start3A_45 = arith.constant 0 : i32
    %dma_start3A_46 = tpu.memref_slice %arg6[%rem3A_36, %dma_start3A_45] : memref<3x80xi32, #tpu.memory_space<vmem>> -> memref<1x80xi32, #tpu.memory_space<vmem>>
    %dma_start3A_47 = tpu.memref_squeeze %dma_start3A_46 : memref<1x80xi32, #tpu.memory_space<vmem>> -> memref<80xi32, #tpu.memory_space<vmem>>
    %dma_start3A_48 = tpu.memref_slice %arg4[%add3A_38] : memref<320000xi32, #tpu.memory_space<hbm>> -> memref<80xi32, #tpu.memory_space<hbm>>
    tpu.enqueue_dma source(%dma_start3A_48 : memref<80xi32, #tpu.memory_space<hbm>>) target(%dma_start3A_47 : memref<80xi32, #tpu.memory_space<vmem>>) target_semaphore(%dma_start3A_44 : memref<!tpu.dma_semaphore, #tpu.memory_space<semaphore_mem>>)
    %convert_element_type3A_49 = arith.extui %lt3A_15 : i1 to i32
    %cond3A_50 = arith.constant 0 : i32
    %cond3A_51 = arith.cmpi ne, %convert_element_type3A_49, %cond3A_50 : i32
    scf.if %cond3A_51 {
      %dma_start3A_84 = arith.constant 0 : i32
      %dma_start3A_85 = arith.constant 0 : i32
      %dma_start3A_86 = tpu.memref_slice %arg7[%rem3A_36, %dma_start3A_84, %dma_start3A_85] : memref<3x80x128xf32, #tpu.memory_space<vmem>> -> memref<1x80x128xf32, #tpu.memory_space<vmem>>
      %dma_start3A_87 = tpu.memref_squeeze %dma_start3A_86 : memref<1x80x128xf32, #tpu.memory_space<vmem>> -> memref<80x128xf32, #tpu.memory_space<vmem>>
      %dma_start3A_88 = arith.constant 0 : i32
      %dma_start3A_89 = tpu.memref_slice %arg2[%add3A_38, %dma_start3A_88] : memref<160000x128xf32, #tpu.memory_space<hbm>> -> memref<80x128xf32, #tpu.memory_space<hbm>>
      %dma_start3A_90 = tpu.memref_slice %arg10[%rem3A_36] : memref<3x!tpu.dma_semaphore, #tpu.memory_space<semaphore_mem>> -> memref<1x!tpu.dma_semaphore, #tpu.memory_space<semaphore_mem>>
      %dma_start3A_91 = tpu.memref_squeeze %dma_start3A_90 : memref<1x!tpu.dma_semaphore, #tpu.memory_space<semaphore_mem>> -> memref<!tpu.dma_semaphore, #tpu.memory_space<semaphore_mem>>
      %dma_start3A_92 = arith.constant 0 : i32
      %dma_start3A_93 = arith.constant 0 : i32
      %dma_start3A_94 = tpu.memref_slice %arg7[%rem3A_36, %dma_start3A_92, %dma_start3A_93] : memref<3x80x128xf32, #tpu.memory_space<vmem>> -> memref<1x80x128xf32, #tpu.memory_space<vmem>>
      %dma_start3A_95 = tpu.memref_squeeze %dma_start3A_94 : memref<1x80x128xf32, #tpu.memory_space<vmem>> -> memref<80x128xf32, #tpu.memory_space<vmem>>
      %dma_start3A_96 = arith.constant 0 : i32
      %dma_start3A_97 = tpu.memref_slice %arg2[%add3A_38, %dma_start3A_96] : memref<160000x128xf32, #tpu.memory_space<hbm>> -> memref<80x128xf32, #tpu.memory_space<hbm>>
      tpu.enqueue_dma source(%dma_start3A_97 : memref<80x128xf32, #tpu.memory_space<hbm>>) target(%dma_start3A_95 : memref<80x128xf32, #tpu.memory_space<vmem>>) target_semaphore(%dma_start3A_91 : memref<!tpu.dma_semaphore, #tpu.memory_space<semaphore_mem>>)
    } else {
    }
    %not3A_52 = arith.constant true
    %not3A_53 = arith.xori %lt3A_15, %not3A_52 : i1
    %convert_element_type3A_54 = arith.extui %not3A_53 : i1 to i32
    %cond3A_55 = arith.constant 0 : i32
    %cond3A_56 = arith.cmpi ne, %convert_element_type3A_54, %cond3A_55 : i32
    scf.if %cond3A_56 {
      %sub3A = arith.constant 160000 : i32
      %sub3A_84 = arith.subi %add3A_38, %sub3A : i32
      %dma_start3A_85 = arith.constant 0 : i32
      %dma_start3A_86 = arith.constant 0 : i32
      %dma_start3A_87 = tpu.memref_slice %arg7[%rem3A_36, %dma_start3A_85, %dma_start3A_86] : memref<3x80x128xf32, #tpu.memory_space<vmem>> -> memref<1x80x128xf32, #tpu.memory_space<vmem>>
      %dma_start3A_88 = tpu.memref_squeeze %dma_start3A_87 : memref<1x80x128xf32, #tpu.memory_space<vmem>> -> memref<80x128xf32, #tpu.memory_space<vmem>>
      %dma_start3A_89 = arith.constant 0 : i32
      %dma_start3A_90 = tpu.memref_slice %arg3[%sub3A_84, %dma_start3A_89] : memref<160000x128xf32, #tpu.memory_space<hbm>> -> memref<80x128xf32, #tpu.memory_space<hbm>>
      %dma_start3A_91 = tpu.memref_slice %arg10[%rem3A_36] : memref<3x!tpu.dma_semaphore, #tpu.memory_space<semaphore_mem>> -> memref<1x!tpu.dma_semaphore, #tpu.memory_space<semaphore_mem>>
      %dma_start3A_92 = tpu.memref_squeeze %dma_start3A_91 : memref<1x!tpu.dma_semaphore, #tpu.memory_space<semaphore_mem>> -> memref<!tpu.dma_semaphore, #tpu.memory_space<semaphore_mem>>
      %dma_start3A_93 = arith.constant 0 : i32
      %dma_start3A_94 = arith.constant 0 : i32
      %dma_start3A_95 = tpu.memref_slice %arg7[%rem3A_36, %dma_start3A_93, %dma_start3A_94] : memref<3x80x128xf32, #tpu.memory_space<vmem>> -> memref<1x80x128xf32, #tpu.memory_space<vmem>>
      %dma_start3A_96 = tpu.memref_squeeze %dma_start3A_95 : memref<1x80x128xf32, #tpu.memory_space<vmem>> -> memref<80x128xf32, #tpu.memory_space<vmem>>
      %dma_start3A_97 = arith.constant 0 : i32
      %dma_start3A_98 = tpu.memref_slice %arg3[%sub3A_84, %dma_start3A_97] : memref<160000x128xf32, #tpu.memory_space<hbm>> -> memref<80x128xf32, #tpu.memory_space<hbm>>
      tpu.enqueue_dma source(%dma_start3A_98 : memref<80x128xf32, #tpu.memory_space<hbm>>) target(%dma_start3A_96 : memref<80x128xf32, #tpu.memory_space<vmem>>) target_semaphore(%dma_start3A_92 : memref<!tpu.dma_semaphore, #tpu.memory_space<semaphore_mem>>)
    } else {
    }
    %scan3A_57 = arith.constant 0 : i32
    %scan3A_58 = arith.constant 0 : i32
    %scan3A_59 = arith.constant 125 : i32
    %scan3A_60 = arith.addi %scan3A_58, %scan3A_59 : i32
    %scan3A_61 = arith.constant 1 : i32
    scf.for %scan3A_84 = %scan3A_58 to %scan3A_60 step %scan3A_61  : i32 {
      %ge3A = arith.constant 1 : i32
      %ge3A_85 = arith.cmpi sge, %scan3A_84, %ge3A : i32
      %convert_element_type3A_86 = arith.extui %ge3A_85 : i1 to i32
      %cond3A_87 = arith.constant 0 : i32
      %cond3A_88 = arith.cmpi ne, %convert_element_type3A_86, %cond3A_87 : i32
      scf.if %cond3A_88 {
        %sub3A = arith.constant 1 : i32
        %sub3A_140 = arith.subi %scan3A_84, %sub3A : i32
        %rem3A_141 = arith.constant 3 : i32
        %rem3A_142 = arith.remsi %sub3A_140, %rem3A_141 : i32
        %dma_wait3A_143 = arith.constant 0 : i32
        %dma_wait3A_144 = arith.constant 0 : i32
        %dma_wait3A_145 = tpu.memref_slice %arg7[%rem3A_142, %dma_wait3A_143, %dma_wait3A_144] : memref<3x80x128xf32, #tpu.memory_space<vmem>> -> memref<1x80x128xf32, #tpu.memory_space<vmem>>
        %dma_wait3A_146 = tpu.memref_squeeze %dma_wait3A_145 : memref<1x80x128xf32, #tpu.memory_space<vmem>> -> memref<80x128xf32, #tpu.memory_space<vmem>>
        %dma_wait3A_147 = arith.constant 0 : i32
        %dma_wait3A_148 = tpu.memref_slice %arg6[%rem3A_142, %dma_wait3A_147] : memref<3x80xi32, #tpu.memory_space<vmem>> -> memref<1x80xi32, #tpu.memory_space<vmem>>
        %dma_wait3A_149 = tpu.memref_squeeze %dma_wait3A_148 : memref<1x80xi32, #tpu.memory_space<vmem>> -> memref<80xi32, #tpu.memory_space<vmem>>
        %dma_wait3A_150 = arith.constant 0 : i32
        %dma_wait3A_151 = arith.constant 0 : i32
        %dma_wait3A_152 = tpu.memref_slice %arg9[%dma_wait3A_150, %dma_wait3A_151] : memref<10000x128xf32, #tpu.memory_space<vmem_shared>> -> memref<10000x128xf32, #tpu.memory_space<vmem_shared>>
        %dma_wait3A_153 = tpu.memref_slice %arg11[%rem3A_142] : memref<3x!tpu.dma_semaphore, #tpu.memory_space<semaphore_mem>> -> memref<1x!tpu.dma_semaphore, #tpu.memory_space<semaphore_mem>>
        %dma_wait3A_154 = tpu.memref_squeeze %dma_wait3A_153 : memref<1x!tpu.dma_semaphore, #tpu.memory_space<semaphore_mem>> -> memref<!tpu.dma_semaphore, #tpu.memory_space<semaphore_mem>>
        tpu.wait_indirect_dma semaphore(%dma_wait3A_154 : memref<!tpu.dma_semaphore, #tpu.memory_space<semaphore_mem>>) src(%dma_wait3A_146 : memref<80x128xf32, #tpu.memory_space<vmem>>) dst(%dma_wait3A_152 : memref<10000x128xf32, #tpu.memory_space<vmem_shared>>)
      } else {
      }
      %add3A_89 = arith.constant 2 : i32
      %add3A_90 = arith.addi %scan3A_84, %add3A_89 : i32
      %lt3A_91 = arith.constant 125 : i32
      %lt3A_92 = arith.cmpi slt, %add3A_90, %lt3A_91 : i32
      %convert_element_type3A_93 = arith.extui %lt3A_92 : i1 to i32
      %cond3A_94 = arith.constant 0 : i32
      %cond3A_95 = arith.cmpi ne, %convert_element_type3A_93, %cond3A_94 : i32
      scf.if %cond3A_95 {
        %add3A_140 = arith.constant 2 : i32
        %add3A_141 = arith.addi %scan3A_84, %add3A_140 : i32
        %rem3A_142 = arith.constant 3 : i32
        %rem3A_143 = arith.remsi %add3A_141, %rem3A_142 : i32
        %mul3A_144 = arith.constant 80 : i32
        %mul3A_145 = arith.muli %add3A_141, %mul3A_144 : i32
        %add3A_146 = arith.addi %mul3A_14, %mul3A_145 : i32
        %dma_start3A_147 = arith.constant 0 : i32
        %dma_start3A_148 = tpu.memref_slice %arg6[%rem3A_143, %dma_start3A_147] : memref<3x80xi32, #tpu.memory_space<vmem>> -> memref<1x80xi32, #tpu.memory_space<vmem>>
        %dma_start3A_149 = tpu.memref_squeeze %dma_start3A_148 : memref<1x80xi32, #tpu.memory_space<vmem>> -> memref<80xi32, #tpu.memory_space<vmem>>
        %dma_start3A_150 = tpu.memref_slice %arg4[%add3A_146] : memref<320000xi32, #tpu.memory_space<hbm>> -> memref<80xi32, #tpu.memory_space<hbm>>
        %dma_start3A_151 = tpu.memref_slice %arg10[%rem3A_143] : memref<3x!tpu.dma_semaphore, #tpu.memory_space<semaphore_mem>> -> memref<1x!tpu.dma_semaphore, #tpu.memory_space<semaphore_mem>>
        %dma_start3A_152 = tpu.memref_squeeze %dma_start3A_151 : memref<1x!tpu.dma_semaphore, #tpu.memory_space<semaphore_mem>> -> memref<!tpu.dma_semaphore, #tpu.memory_space<semaphore_mem>>
        %dma_start3A_153 = arith.constant 0 : i32
        %dma_start3A_154 = tpu.memref_slice %arg6[%rem3A_143, %dma_start3A_153] : memref<3x80xi32, #tpu.memory_space<vmem>> -> memref<1x80xi32, #tpu.memory_space<vmem>>
        %dma_start3A_155 = tpu.memref_squeeze %dma_start3A_154 : memref<1x80xi32, #tpu.memory_space<vmem>> -> memref<80xi32, #tpu.memory_space<vmem>>
        %dma_start3A_156 = tpu.memref_slice %arg4[%add3A_146] : memref<320000xi32, #tpu.memory_space<hbm>> -> memref<80xi32, #tpu.memory_space<hbm>>
        tpu.enqueue_dma source(%dma_start3A_156 : memref<80xi32, #tpu.memory_space<hbm>>) target(%dma_start3A_155 : memref<80xi32, #tpu.memory_space<vmem>>) target_semaphore(%dma_start3A_152 : memref<!tpu.dma_semaphore, #tpu.memory_space<semaphore_mem>>)
        %convert_element_type3A_157 = arith.extui %lt3A_15 : i1 to i32
        %cond3A_158 = arith.constant 0 : i32
        %cond3A_159 = arith.cmpi ne, %convert_element_type3A_157, %cond3A_158 : i32
        scf.if %cond3A_159 {
          %dma_start3A_165 = arith.constant 0 : i32
          %dma_start3A_166 = arith.constant 0 : i32
          %dma_start3A_167 = tpu.memref_slice %arg7[%rem3A_143, %dma_start3A_165, %dma_start3A_166] : memref<3x80x128xf32, #tpu.memory_space<vmem>> -> memref<1x80x128xf32, #tpu.memory_space<vmem>>
          %dma_start3A_168 = tpu.memref_squeeze %dma_start3A_167 : memref<1x80x128xf32, #tpu.memory_space<vmem>> -> memref<80x128xf32, #tpu.memory_space<vmem>>
          %dma_start3A_169 = arith.constant 0 : i32
          %dma_start3A_170 = tpu.memref_slice %arg2[%add3A_146, %dma_start3A_169] : memref<160000x128xf32, #tpu.memory_space<hbm>> -> memref<80x128xf32, #tpu.memory_space<hbm>>
          %dma_start3A_171 = tpu.memref_slice %arg10[%rem3A_143] : memref<3x!tpu.dma_semaphore, #tpu.memory_space<semaphore_mem>> -> memref<1x!tpu.dma_semaphore, #tpu.memory_space<semaphore_mem>>
          %dma_start3A_172 = tpu.memref_squeeze %dma_start3A_171 : memref<1x!tpu.dma_semaphore, #tpu.memory_space<semaphore_mem>> -> memref<!tpu.dma_semaphore, #tpu.memory_space<semaphore_mem>>
          %dma_start3A_173 = arith.constant 0 : i32
          %dma_start3A_174 = arith.constant 0 : i32
          %dma_start3A_175 = tpu.memref_slice %arg7[%rem3A_143, %dma_start3A_173, %dma_start3A_174] : memref<3x80x128xf32, #tpu.memory_space<vmem>> -> memref<1x80x128xf32, #tpu.memory_space<vmem>>
          %dma_start3A_176 = tpu.memref_squeeze %dma_start3A_175 : memref<1x80x128xf32, #tpu.memory_space<vmem>> -> memref<80x128xf32, #tpu.memory_space<vmem>>
          %dma_start3A_177 = arith.constant 0 : i32
          %dma_start3A_178 = tpu.memref_slice %arg2[%add3A_146, %dma_start3A_177] : memref<160000x128xf32, #tpu.memory_space<hbm>> -> memref<80x128xf32, #tpu.memory_space<hbm>>
          tpu.enqueue_dma source(%dma_start3A_178 : memref<80x128xf32, #tpu.memory_space<hbm>>) target(%dma_start3A_176 : memref<80x128xf32, #tpu.memory_space<vmem>>) target_semaphore(%dma_start3A_172 : memref<!tpu.dma_semaphore, #tpu.memory_space<semaphore_mem>>)
        } else {
        }
        %not3A_160 = arith.constant true
        %not3A_161 = arith.xori %lt3A_15, %not3A_160 : i1
        %convert_element_type3A_162 = arith.extui %not3A_161 : i1 to i32
        %cond3A_163 = arith.constant 0 : i32
        %cond3A_164 = arith.cmpi ne, %convert_element_type3A_162, %cond3A_163 : i32
        scf.if %cond3A_164 {
          %sub3A = arith.constant 160000 : i32
          %sub3A_165 = arith.subi %add3A_146, %sub3A : i32
          %dma_start3A_166 = arith.constant 0 : i32
          %dma_start3A_167 = arith.constant 0 : i32
          %dma_start3A_168 = tpu.memref_slice %arg7[%rem3A_143, %dma_start3A_166, %dma_start3A_167] : memref<3x80x128xf32, #tpu.memory_space<vmem>> -> memref<1x80x128xf32, #tpu.memory_space<vmem>>
          %dma_start3A_169 = tpu.memref_squeeze %dma_start3A_168 : memref<1x80x128xf32, #tpu.memory_space<vmem>> -> memref<80x128xf32, #tpu.memory_space<vmem>>
          %dma_start3A_170 = arith.constant 0 : i32
          %dma_start3A_171 = tpu.memref_slice %arg3[%sub3A_165, %dma_start3A_170] : memref<160000x128xf32, #tpu.memory_space<hbm>> -> memref<80x128xf32, #tpu.memory_space<hbm>>
          %dma_start3A_172 = tpu.memref_slice %arg10[%rem3A_143] : memref<3x!tpu.dma_semaphore, #tpu.memory_space<semaphore_mem>> -> memref<1x!tpu.dma_semaphore, #tpu.memory_space<semaphore_mem>>
          %dma_start3A_173 = tpu.memref_squeeze %dma_start3A_172 : memref<1x!tpu.dma_semaphore, #tpu.memory_space<semaphore_mem>> -> memref<!tpu.dma_semaphore, #tpu.memory_space<semaphore_mem>>
          %dma_start3A_174 = arith.constant 0 : i32
          %dma_start3A_175 = arith.constant 0 : i32
          %dma_start3A_176 = tpu.memref_slice %arg7[%rem3A_143, %dma_start3A_174, %dma_start3A_175] : memref<3x80x128xf32, #tpu.memory_space<vmem>> -> memref<1x80x128xf32, #tpu.memory_space<vmem>>
          %dma_start3A_177 = tpu.memref_squeeze %dma_start3A_176 : memref<1x80x128xf32, #tpu.memory_space<vmem>> -> memref<80x128xf32, #tpu.memory_space<vmem>>
          %dma_start3A_178 = arith.constant 0 : i32
          %dma_start3A_179 = tpu.memref_slice %arg3[%sub3A_165, %dma_start3A_178] : memref<160000x128xf32, #tpu.memory_space<hbm>> -> memref<80x128xf32, #tpu.memory_space<hbm>>
          tpu.enqueue_dma source(%dma_start3A_179 : memref<80x128xf32, #tpu.memory_space<hbm>>) target(%dma_start3A_177 : memref<80x128xf32, #tpu.memory_space<vmem>>) target_semaphore(%dma_start3A_173 : memref<!tpu.dma_semaphore, #tpu.memory_space<semaphore_mem>>)
        } else {
        }
      } else {
      }
      %rem3A_96 = arith.constant 3 : i32
      %rem3A_97 = arith.remsi %scan3A_84, %rem3A_96 : i32
      %dma_wait3A_98 = arith.constant 0 : i32
      %dma_wait3A_99 = tpu.memref_slice %arg6[%rem3A_97, %dma_wait3A_98] : memref<3x80xi32, #tpu.memory_space<vmem>> -> memref<1x80xi32, #tpu.memory_space<vmem>>
      %dma_wait3A_100 = tpu.memref_squeeze %dma_wait3A_99 : memref<1x80xi32, #tpu.memory_space<vmem>> -> memref<80xi32, #tpu.memory_space<vmem>>
      %dma_wait3A_101 = arith.constant 0 : i32
      %dma_wait3A_102 = tpu.memref_slice %arg4[%dma_wait3A_101] : memref<320000xi32, #tpu.memory_space<hbm>> -> memref<80xi32, #tpu.memory_space<hbm>>
      %dma_wait3A_103 = tpu.memref_slice %arg10[%rem3A_97] : memref<3x!tpu.dma_semaphore, #tpu.memory_space<semaphore_mem>> -> memref<1x!tpu.dma_semaphore, #tpu.memory_space<semaphore_mem>>
      %dma_wait3A_104 = tpu.memref_squeeze %dma_wait3A_103 : memref<1x!tpu.dma_semaphore, #tpu.memory_space<semaphore_mem>> -> memref<!tpu.dma_semaphore, #tpu.memory_space<semaphore_mem>>
      %dma_wait3A_105 = arith.constant 0 : i32
      %dma_wait3A_106 = tpu.memref_slice %arg6[%rem3A_97, %dma_wait3A_105] : memref<3x80xi32, #tpu.memory_space<vmem>> -> memref<1x80xi32, #tpu.memory_space<vmem>>
      %dma_wait3A_107 = tpu.memref_squeeze %dma_wait3A_106 : memref<1x80xi32, #tpu.memory_space<vmem>> -> memref<80xi32, #tpu.memory_space<vmem>>
      %dma_wait3A_108 = arith.constant 0 : i32
      %dma_wait3A_109 = tpu.memref_slice %arg4[%dma_wait3A_108] : memref<320000xi32, #tpu.memory_space<hbm>> -> memref<80xi32, #tpu.memory_space<hbm>>
      tpu.wait_dma2 semaphore(%dma_wait3A_104 : memref<!tpu.dma_semaphore, #tpu.memory_space<semaphore_mem>>) src(%dma_wait3A_109 : memref<80xi32, #tpu.memory_space<hbm>>) dst(%dma_wait3A_107 : memref<80xi32, #tpu.memory_space<vmem>>)
      %dma_wait3A_110 = arith.constant 0 : i32
      %dma_wait3A_111 = arith.constant 0 : i32
      %dma_wait3A_112 = tpu.memref_slice %arg7[%rem3A_97, %dma_wait3A_110, %dma_wait3A_111] : memref<3x80x128xf32, #tpu.memory_space<vmem>> -> memref<1x80x128xf32, #tpu.memory_space<vmem>>
      %dma_wait3A_113 = tpu.memref_squeeze %dma_wait3A_112 : memref<1x80x128xf32, #tpu.memory_space<vmem>> -> memref<80x128xf32, #tpu.memory_space<vmem>>
      %dma_wait3A_114 = arith.constant 0 : i32
      %dma_wait3A_115 = arith.constant 0 : i32
      %dma_wait3A_116 = tpu.memref_slice %arg2[%dma_wait3A_114, %dma_wait3A_115] : memref<160000x128xf32, #tpu.memory_space<hbm>> -> memref<80x128xf32, #tpu.memory_space<hbm>>
      %dma_wait3A_117 = tpu.memref_slice %arg10[%rem3A_97] : memref<3x!tpu.dma_semaphore, #tpu.memory_space<semaphore_mem>> -> memref<1x!tpu.dma_semaphore, #tpu.memory_space<semaphore_mem>>
      %dma_wait3A_118 = tpu.memref_squeeze %dma_wait3A_117 : memref<1x!tpu.dma_semaphore, #tpu.memory_space<semaphore_mem>> -> memref<!tpu.dma_semaphore, #tpu.memory_space<semaphore_mem>>
      %dma_wait3A_119 = arith.constant 0 : i32
      %dma_wait3A_120 = arith.constant 0 : i32
      %dma_wait3A_121 = tpu.memref_slice %arg7[%rem3A_97, %dma_wait3A_119, %dma_wait3A_120] : memref<3x80x128xf32, #tpu.memory_space<vmem>> -> memref<1x80x128xf32, #tpu.memory_space<vmem>>
      %dma_wait3A_122 = tpu.memref_squeeze %dma_wait3A_121 : memref<1x80x128xf32, #tpu.memory_space<vmem>> -> memref<80x128xf32, #tpu.memory_space<vmem>>
      %dma_wait3A_123 = arith.constant 0 : i32
      %dma_wait3A_124 = arith.constant 0 : i32
      %dma_wait3A_125 = tpu.memref_slice %arg2[%dma_wait3A_123, %dma_wait3A_124] : memref<160000x128xf32, #tpu.memory_space<hbm>> -> memref<80x128xf32, #tpu.memory_space<hbm>>
      tpu.wait_dma2 semaphore(%dma_wait3A_118 : memref<!tpu.dma_semaphore, #tpu.memory_space<semaphore_mem>>) src(%dma_wait3A_125 : memref<80x128xf32, #tpu.memory_space<hbm>>) dst(%dma_wait3A_122 : memref<80x128xf32, #tpu.memory_space<vmem>>)
      %rem3A_126 = arith.constant 3 : i32
      %rem3A_127 = arith.remsi %scan3A_84, %rem3A_126 : i32
      %dma_start3A_128 = arith.constant 0 : i32
      %dma_start3A_129 = arith.constant 0 : i32
      %dma_start3A_130 = tpu.memref_slice %arg7[%rem3A_127, %dma_start3A_128, %dma_start3A_129] : memref<3x80x128xf32, #tpu.memory_space<vmem>> -> memref<1x80x128xf32, #tpu.memory_space<vmem>>
      %dma_start3A_131 = tpu.memref_squeeze %dma_start3A_130 : memref<1x80x128xf32, #tpu.memory_space<vmem>> -> memref<80x128xf32, #tpu.memory_space<vmem>>
      %dma_start3A_132 = arith.constant 0 : i32
      %dma_start3A_133 = tpu.memref_slice %arg6[%rem3A_127, %dma_start3A_132] : memref<3x80xi32, #tpu.memory_space<vmem>> -> memref<1x80xi32, #tpu.memory_space<vmem>>
      %dma_start3A_134 = tpu.memref_squeeze %dma_start3A_133 : memref<1x80xi32, #tpu.memory_space<vmem>> -> memref<80xi32, #tpu.memory_space<vmem>>
      %dma_start3A_135 = arith.constant 0 : i32
      %dma_start3A_136 = arith.constant 0 : i32
      %dma_start3A_137 = tpu.memref_slice %arg9[%dma_start3A_135, %dma_start3A_136] : memref<10000x128xf32, #tpu.memory_space<vmem_shared>> -> memref<10000x128xf32, #tpu.memory_space<vmem_shared>>
      %dma_start3A_138 = tpu.memref_slice %arg11[%rem3A_127] : memref<3x!tpu.dma_semaphore, #tpu.memory_space<semaphore_mem>> -> memref<1x!tpu.dma_semaphore, #tpu.memory_space<semaphore_mem>>
      %dma_start3A_139 = tpu.memref_squeeze %dma_start3A_138 : memref<1x!tpu.dma_semaphore, #tpu.memory_space<semaphore_mem>> -> memref<!tpu.dma_semaphore, #tpu.memory_space<semaphore_mem>>
      tpu.enqueue_indirect_dma source(%dma_start3A_131 : memref<80x128xf32, #tpu.memory_space<vmem>>) target(%dma_start3A_137 : memref<10000x128xf32, #tpu.memory_space<vmem_shared>>) offsets(%dma_start3A_134 : memref<80xi32, #tpu.memory_space<vmem>>) semaphore(%dma_start3A_139 : memref<!tpu.dma_semaphore, #tpu.memory_space<semaphore_mem>>) {add = true}
    }
    %scan3A_62 = arith.constant 125 : i32
    %rem3A_63 = arith.constant 124 : i32
    %rem3A_64 = arith.constant 3 : i32
    %rem3A_65 = arith.remsi %rem3A_63, %rem3A_64 : i32
    %dma_wait3A = arith.constant 0 : i32
    %dma_wait3A_66 = arith.constant 0 : i32
    %dma_wait3A_67 = tpu.memref_slice %arg7[%rem3A_65, %dma_wait3A, %dma_wait3A_66] : memref<3x80x128xf32, #tpu.memory_space<vmem>> -> memref<1x80x128xf32, #tpu.memory_space<vmem>>
    %dma_wait3A_68 = tpu.memref_squeeze %dma_wait3A_67 : memref<1x80x128xf32, #tpu.memory_space<vmem>> -> memref<80x128xf32, #tpu.memory_space<vmem>>
    %dma_wait3A_69 = arith.constant 0 : i32
    %dma_wait3A_70 = tpu.memref_slice %arg6[%rem3A_65, %dma_wait3A_69] : memref<3x80xi32, #tpu.memory_space<vmem>> -> memref<1x80xi32, #tpu.memory_space<vmem>>
    %dma_wait3A_71 = tpu.memref_squeeze %dma_wait3A_70 : memref<1x80xi32, #tpu.memory_space<vmem>> -> memref<80xi32, #tpu.memory_space<vmem>>
    %dma_wait3A_72 = arith.constant 0 : i32
    %dma_wait3A_73 = arith.constant 0 : i32
    %dma_wait3A_74 = tpu.memref_slice %arg9[%dma_wait3A_72, %dma_wait3A_73] : memref<10000x128xf32, #tpu.memory_space<vmem_shared>> -> memref<10000x128xf32, #tpu.memory_space<vmem_shared>>
    %dma_wait3A_75 = tpu.memref_slice %arg11[%rem3A_65] : memref<3x!tpu.dma_semaphore, #tpu.memory_space<semaphore_mem>> -> memref<1x!tpu.dma_semaphore, #tpu.memory_space<semaphore_mem>>
    %dma_wait3A_76 = tpu.memref_squeeze %dma_wait3A_75 : memref<1x!tpu.dma_semaphore, #tpu.memory_space<semaphore_mem>> -> memref<!tpu.dma_semaphore, #tpu.memory_space<semaphore_mem>>
    tpu.wait_indirect_dma semaphore(%dma_wait3A_76 : memref<!tpu.dma_semaphore, #tpu.memory_space<semaphore_mem>>) src(%dma_wait3A_68 : memref<80x128xf32, #tpu.memory_space<vmem>>) dst(%dma_wait3A_74 : memref<10000x128xf32, #tpu.memory_space<vmem_shared>>)
    %barrier3A_77 = arith.constant 0 : index
    tpu.barrier barrier_id(%barrier3A_77)
    %scan3A_78 = arith.constant 0 : i32
    %scan3A_79 = arith.constant 0 : i32
    %scan3A_80 = arith.constant 8 : i32
    %scan3A_81 = arith.addi %scan3A_79, %scan3A_80 : i32
    %scan3A_82 = arith.constant 1 : i32
    scf.for %scan3A_84 = %scan3A_79 to %scan3A_81 step %scan3A_82  : i32 {
      %mul3A_85 = arith.constant 16 : i32
      %mul3A_86 = arith.muli %scan3A_84, %mul3A_85 : i32
      %add3A_87 = arith.addi %mul3A_86, %arg1 : i32
      %lt3A_88 = arith.constant 125 : i32
      %lt3A_89 = arith.cmpi slt, %add3A_87, %lt3A_88 : i32
      %convert_element_type3A_90 = arith.extui %lt3A_89 : i1 to i32
      %cond3A_91 = arith.constant 0 : i32
      %cond3A_92 = arith.cmpi ne, %convert_element_type3A_90, %cond3A_91 : i32
      scf.if %cond3A_92 {
        %mul3A_93 = arith.constant 80 : i32
        %mul3A_94 = arith.muli %add3A_87, %mul3A_93 : i32
        %mul3A_95 = arith.constant 80 : i32
        %mul3A_96 = arith.muli %add3A_87, %mul3A_95 : i32
        "tpu.region"() ({
          %run_scoped3A = tpu.sem_alloc : memref<!tpu.dma_semaphore, #tpu.memory_space<semaphore_mem>>
          %dma_start3A_97 = arith.constant 0 : i32
          %dma_start3A_98 = arith.constant 0 : i32
          %dma_start3A_99 = tpu.memref_slice %arg5[%arg0, %dma_start3A_97, %dma_start3A_98] : memref<2x10000x128xf32, #tpu.memory_space<hbm>> -> memref<1x10000x128xf32, #tpu.memory_space<hbm>>
          %dma_start3A_100 = tpu.memref_squeeze %dma_start3A_99 : memref<1x10000x128xf32, #tpu.memory_space<hbm>> -> memref<10000x128xf32, #tpu.memory_space<hbm>>
          %dma_start3A_101 = arith.constant 0 : i32
          %dma_start3A_102 = tpu.memref_slice %dma_start3A_100[%mul3A_96, %dma_start3A_101] : memref<10000x128xf32, #tpu.memory_space<hbm>> -> memref<80x128xf32, #tpu.memory_space<hbm>>
          %dma_start3A_103 = arith.constant 0 : i32
          %dma_start3A_104 = tpu.memref_slice %arg9[%mul3A_94, %dma_start3A_103] : memref<10000x128xf32, #tpu.memory_space<vmem_shared>> -> memref<80x128xf32, #tpu.memory_space<vmem_shared>>
          tpu.enqueue_dma source(%dma_start3A_104 : memref<80x128xf32, #tpu.memory_space<vmem_shared>>) target(%dma_start3A_102 : memref<80x128xf32, #tpu.memory_space<hbm>>) target_semaphore(%run_scoped3A : memref<!tpu.dma_semaphore, #tpu.memory_space<semaphore_mem>>)
          %dma_wait3A_105 = arith.constant 0 : i32
          %dma_wait3A_106 = arith.constant 0 : i32
          %dma_wait3A_107 = tpu.memref_slice %arg5[%arg0, %dma_wait3A_105, %dma_wait3A_106] : memref<2x10000x128xf32, #tpu.memory_space<hbm>> -> memref<1x10000x128xf32, #tpu.memory_space<hbm>>
          %dma_wait3A_108 = tpu.memref_squeeze %dma_wait3A_107 : memref<1x10000x128xf32, #tpu.memory_space<hbm>> -> memref<10000x128xf32, #tpu.memory_space<hbm>>
          %dma_wait3A_109 = arith.constant 0 : i32
          %dma_wait3A_110 = tpu.memref_slice %dma_wait3A_108[%mul3A_96, %dma_wait3A_109] : memref<10000x128xf32, #tpu.memory_space<hbm>> -> memref<80x128xf32, #tpu.memory_space<hbm>>
          %dma_wait3A_111 = arith.constant 0 : i32
          %dma_wait3A_112 = tpu.memref_slice %arg9[%mul3A_94, %dma_wait3A_111] : memref<10000x128xf32, #tpu.memory_space<vmem_shared>> -> memref<80x128xf32, #tpu.memory_space<vmem_shared>>
          tpu.wait_dma2 semaphore(%run_scoped3A : memref<!tpu.dma_semaphore, #tpu.memory_space<semaphore_mem>>) src(%dma_wait3A_112 : memref<80x128xf32, #tpu.memory_space<vmem_shared>>) dst(%dma_wait3A_110 : memref<80x128xf32, #tpu.memory_space<hbm>>)
          tpu.yield
        }) : () -> ()
      } else {
      }
    }
    %scan3A_83 = arith.constant 8 : i32
    return
  }
}

module attributes {stable_mosaic.version = 14 : i64} {
  func.func @_proj_body(%arg0: i32, %arg1: memref<2000x128xf32, #tpu.memory_space<vmem>>, %arg2: memref<2000x4xf32, #tpu.memory_space<vmem>>, %arg3: memref<128x32xf32, #tpu.memory_space<vmem>>, %arg4: memref<128x32xf32, #tpu.memory_space<vmem>>, %arg5: memref<2000x128xf32, #tpu.memory_space<vmem>>) attributes {dimension_semantics = [#tpu.dimension_semantics<arbitrary>], iteration_bounds = array<i64: 5>, scalar_prefetch = 0 : i64, scratch_operands = 0 : i64, tpu.core_type = #tpu.core_type<tc>, window_params = [{transform_indices = @transform_0, window_bounds = array<i64: 2000, 128>}, {transform_indices = @transform_1, window_bounds = array<i64: 2000, 4>}, {pipeline_mode = #tpu.pipeline_mode<synchronous>, transform_indices = @transform_2, window_bounds = array<i64: 128, 32>}, {pipeline_mode = #tpu.pipeline_mode<synchronous>, transform_indices = @transform_3, window_bounds = array<i64: 128, 32>}, {transform_indices = @transform_4, window_bounds = array<i64: 2000, 128>}]} {
    %get3A = arith.constant 0 : index
    %get3A_0 = arith.constant 0 : index
    %get3A_1 = vector.load %arg1[%get3A, %get3A_0] : memref<2000x128xf32, #tpu.memory_space<vmem>>, vector<2000x128xf32>
    %get3A_2 = arith.constant 0 : index
    %get3A_3 = arith.constant 0 : index
    %get3A_4 = vector.load %arg2[%get3A_2, %get3A_3] : memref<2000x4xf32, #tpu.memory_space<vmem>>, vector<2000x4xf32>
    %get3A_5 = arith.constant 0 : index
    %get3A_6 = arith.constant 0 : index
    %get3A_7 = vector.load %arg3[%get3A_5, %get3A_6] : memref<128x32xf32, #tpu.memory_space<vmem>>, vector<128x32xf32>
    %dot_general3A = arith.constant dense<0.000000e+00> : vector<2000x32xf32>
    %dot_general3A_8 = tpu.matmul %get3A_1, %get3A_7, %dot_general3A {dimension_numbers = #tpu.dot_dimension_numbers<[1], [0], [0], [1], [0, 0, 1, 1], [], []>, transpose_lhs_hint = false} : vector<2000x128xf32>, vector<128x32xf32>, vector<2000x32xf32> -> vector<2000x32xf32>
    %get3A_9 = arith.constant 0 : index
    %get3A_10 = arith.constant 0 : index
    %get3A_11 = vector.load %arg4[%get3A_9, %get3A_10] : memref<128x32xf32, #tpu.memory_space<vmem>>, vector<128x32xf32>
    %dot_general3A_12 = arith.constant dense<0.000000e+00> : vector<2000x32xf32>
    %dot_general3A_13 = tpu.matmul %get3A_1, %get3A_11, %dot_general3A_12 {dimension_numbers = #tpu.dot_dimension_numbers<[1], [0], [0], [1], [0, 0, 1, 1], [], []>, transpose_lhs_hint = false} : vector<2000x128xf32>, vector<128x32xf32>, vector<2000x32xf32> -> vector<2000x32xf32>
    %broadcast_in_dim3A = arith.constant 0.000000e+00 : f32
    %broadcast_in_dim3A_14 = vector.broadcast %broadcast_in_dim3A : f32 to vector<2000x60xf32>
    %concatenate3A = tpu.concatenate %dot_general3A_8, %dot_general3A_13, %get3A_4, %broadcast_in_dim3A_14 in 1 : vector<2000x32xf32>, vector<2000x32xf32>, vector<2000x4xf32>, vector<2000x60xf32> -> vector<2000x128xf32>
    %swap3A = arith.constant 0 : index
    %swap3A_15 = arith.constant 0 : index
    %swap3A_16 = vector.load %arg5[%swap3A, %swap3A_15] : memref<2000x128xf32, #tpu.memory_space<vmem>>, vector<2000x128xf32>
    tpu.vector_store %arg5[%swap3A, %swap3A_15], %concatenate3A {strides = array<i32>} : memref<2000x128xf32, #tpu.memory_space<vmem>>, vector<2000x128xf32>,
    return
  }
  func.func @transform_0(%arg0: i32) -> (i32, i32) {
    %c0_i32 = arith.constant 0 : i32
    %c0_i32_0 = arith.constant 0 : i32
    return %arg0, %c0_i32 : i32, i32
  }
  func.func @transform_1(%arg0: i32) -> (i32, i32) {
    %c0_i32 = arith.constant 0 : i32
    %c0_i32_0 = arith.constant 0 : i32
    return %arg0, %c0_i32 : i32, i32
  }
  func.func @transform_2(%arg0: i32) -> (i32, i32) {
    %c0_i32 = arith.constant 0 : i32
    %c0_i32_0 = arith.constant 0 : i32
    %c0_i32_1 = arith.constant 0 : i32
    return %c0_i32, %c0_i32_0 : i32, i32
  }
  func.func @transform_3(%arg0: i32) -> (i32, i32) {
    %c0_i32 = arith.constant 0 : i32
    %c0_i32_0 = arith.constant 0 : i32
    %c0_i32_1 = arith.constant 0 : i32
    return %c0_i32, %c0_i32_0 : i32, i32
  }
  func.func @transform_4(%arg0: i32) -> (i32, i32) {
    %c0_i32 = arith.constant 0 : i32
    %c0_i32_0 = arith.constant 0 : i32
    return %arg0, %c0_i32 : i32, i32
  }
}

module attributes {stable_mosaic.version = 14 : i64} {
  func.func @_edge_body(%arg0: i32, %arg1: memref<8000x128xf32, #tpu.memory_space<vmem>>, %arg2: memref<8000x16xf32, #tpu.memory_space<vmem>>, %arg3: memref<32x32xf32, #tpu.memory_space<vmem>>, %arg4: memref<16x32xf32, #tpu.memory_space<vmem>>, %arg5: memref<1x32xf32, #tpu.memory_space<vmem>>, %arg6: memref<32x32xf32, #tpu.memory_space<vmem>>, %arg7: memref<1x32xf32, #tpu.memory_space<vmem>>, %arg8: memref<32x128xf32, #tpu.memory_space<vmem>>, %arg9: memref<1x128xf32, #tpu.memory_space<vmem>>, %arg10: memref<128x1xf32, #tpu.memory_space<vmem>>, %arg11: memref<1x1xf32, #tpu.memory_space<vmem>>, %arg12: memref<1x32xf32, #tpu.memory_space<vmem>>, %arg13: memref<1x1xf32, #tpu.memory_space<vmem>>, %arg14: memref<4x32xf32, #tpu.memory_space<vmem>>, %arg15: memref<128x32xf32, #tpu.memory_space<vmem>>, %arg16: memref<1x4xf32, #tpu.memory_space<vmem>>, %arg17: memref<8000x128xf32, #tpu.memory_space<vmem>>) attributes {dimension_semantics = [#tpu.dimension_semantics<arbitrary>], iteration_bounds = array<i64: 20>, scalar_prefetch = 0 : i64, scratch_operands = 0 : i64, tpu.core_type = #tpu.core_type<tc>, window_params = [{transform_indices = @transform_0, window_bounds = array<i64: 8000, 128>}, {transform_indices = @transform_1, window_bounds = array<i64: 8000, 16>}, {pipeline_mode = #tpu.pipeline_mode<synchronous>, transform_indices = @transform_2, window_bounds = array<i64: 32, 32>}, {pipeline_mode = #tpu.pipeline_mode<synchronous>, transform_indices = @transform_3, window_bounds = array<i64: 16, 32>}, {pipeline_mode = #tpu.pipeline_mode<synchronous>, transform_indices = @transform_4, window_bounds = array<i64: 1, 32>}, {pipeline_mode = #tpu.pipeline_mode<synchronous>, transform_indices = @transform_5, window_bounds = array<i64: 32, 32>}, {pipeline_mode = #tpu.pipeline_mode<synchronous>, transform_indices = @transform_6, window_bounds = array<i64: 1, 32>}, {pipeline_mode = #tpu.pipeline_mode<synchronous>, transform_indices = @transform_7, window_bounds = array<i64: 32, 128>}, {pipeline_mode = #tpu.pipeline_mode<synchronous>, transform_indices = @transform_8, window_bounds = array<i64: 1, 128>}, {pipeline_mode = #tpu.pipeline_mode<synchronous>, transform_indices = @transform_9, window_bounds = array<i64: 128, 1>}, {pipeline_mode = #tpu.pipeline_mode<synchronous>, transform_indices = @transform_10, window_bounds = array<i64: 1, 1>}, {pipeline_mode = #tpu.pipeline_mode<synchronous>, transform_indices = @transform_11, window_bounds = array<i64: 1, 32>}, {pipeline_mode = #tpu.pipeline_mode<synchronous>, transform_indices = @transform_12, window_bounds = array<i64: 1, 1>}, {pipeline_mode = #tpu.pipeline_mode<synchronous>, transform_indices = @transform_13, window_bounds = array<i64: 4, 32>}, {pipeline_mode = #tpu.pipeline_mode<synchronous>, transform_indices = @transform_14, window_bounds = array<i64: 128, 32>}, {pipeline_mode = #tpu.pipeline_mode<synchronous>, transform_indices = @transform_15, window_bounds = array<i64: 1, 4>}, {transform_indices = @transform_16, window_bounds = array<i64: 8000, 128>}]} {
    %get3A = arith.constant 0 : index
    %get3A_0 = arith.constant 0 : index
    %get3A_1 = vector.load %arg1[%get3A, %get3A_0] : memref<8000x128xf32, #tpu.memory_space<vmem>>, vector<8000x128xf32>
    %slice3A = vector.extract_strided_slice %get3A_1 {offsets = [0, 32], sizes = [8000, 4], strides = [1, 1]} : vector<8000x128xf32> to vector<8000x4xf32>
    %mul3A = arith.mulf %slice3A, %slice3A : vector<8000x4xf32>
    %get3A_2 = arith.constant 0 : index
    %get3A_3 = arith.constant 0 : index
    %get3A_4 = vector.load %arg14[%get3A_2, %get3A_3] : memref<4x32xf32, #tpu.memory_space<vmem>>, vector<4x32xf32>
    %dot_general3A = arith.constant dense<0.000000e+00> : vector<8000x32xf32>
    %dot_general3A_5 = tpu.matmul %mul3A, %get3A_4, %dot_general3A {dimension_numbers = #tpu.dot_dimension_numbers<[1], [0], [0], [1], [0, 0, 1, 1], [], []>, transpose_lhs_hint = false} : vector<8000x4xf32>, vector<4x32xf32>, vector<8000x32xf32> -> vector<8000x32xf32>
    %add3A = arith.constant 1.000000e-30 : f32
    %add3A_6 = vector.broadcast %add3A : f32 to vector<8000x32xf32>
    %add3A_7 = arith.addf %dot_general3A_5, %add3A_6 : vector<8000x32xf32>
    %rsqrt3A = math.rsqrt %add3A_7 : vector<8000x32xf32>
    %mul3A_8 = arith.mulf %dot_general3A_5, %rsqrt3A : vector<8000x32xf32>
    %get3A_9 = arith.constant 0 : index
    %get3A_10 = arith.constant 0 : index
    %get3A_11 = vector.load %arg13[%get3A_9, %get3A_10] : memref<1x1xf32, #tpu.memory_space<vmem>>, vector<1x1xf32>
    %get3A_12 = vector.extract %get3A_11[0, 0] : f32 from vector<1x1xf32>
    %mul3A_13 = vector.broadcast %get3A_12 : f32 to vector<8000x32xf32>
    %mul3A_14 = arith.mulf %mul3A_8, %mul3A_13 : vector<8000x32xf32>
    %get3A_15 = arith.constant 0 : index
    %get3A_16 = arith.constant 0 : index
    %get3A_17 = vector.load %arg12[%get3A_15, %get3A_16] : memref<1x32xf32, #tpu.memory_space<vmem>>, vector<1x32xf32>
    %sub3A = vector.broadcast %get3A_17 : vector<1x32xf32> to vector<8000x32xf32>
    %sub3A_18 = arith.subf %mul3A_14, %sub3A : vector<8000x32xf32>
    %mul3A_19 = arith.mulf %sub3A_18, %sub3A_18 : vector<8000x32xf32>
    %neg3A = arith.constant 0.000000e+00 : f32
    %neg3A_20 = vector.broadcast %neg3A : f32 to vector<8000x32xf32>
    %neg3A_21 = arith.subf %neg3A_20, %mul3A_19 : vector<8000x32xf32>
    %exp3A = math.exp %neg3A_21 : vector<8000x32xf32>
    %slice3A_22 = vector.extract_strided_slice %get3A_1 {offsets = [0, 0], sizes = [8000, 32], strides = [1, 1]} : vector<8000x128xf32> to vector<8000x32xf32>
    %get3A_23 = arith.constant 0 : index
    %get3A_24 = arith.constant 0 : index
    %get3A_25 = vector.load %arg3[%get3A_23, %get3A_24] : memref<32x32xf32, #tpu.memory_space<vmem>>, vector<32x32xf32>
    %dot_general3A_26 = arith.constant dense<0.000000e+00> : vector<8000x32xf32>
    %dot_general3A_27 = tpu.matmul %exp3A, %get3A_25, %dot_general3A_26 {dimension_numbers = #tpu.dot_dimension_numbers<[1], [0], [0], [1], [0, 0, 1, 1], [], []>, transpose_lhs_hint = false} : vector<8000x32xf32>, vector<32x32xf32>, vector<8000x32xf32> -> vector<8000x32xf32>
    %add3A_28 = arith.addf %slice3A_22, %dot_general3A_27 : vector<8000x32xf32>
    %get3A_29 = arith.constant 0 : index
    %get3A_30 = arith.constant 0 : index
    %get3A_31 = vector.load %arg2[%get3A_29, %get3A_30] : memref<8000x16xf32, #tpu.memory_space<vmem>>, vector<8000x16xf32>
    %get3A_32 = arith.constant 0 : index
    %get3A_33 = arith.constant 0 : index
    %get3A_34 = vector.load %arg4[%get3A_32, %get3A_33] : memref<16x32xf32, #tpu.memory_space<vmem>>, vector<16x32xf32>
    %dot_general3A_35 = arith.constant dense<0.000000e+00> : vector<8000x32xf32>
    %dot_general3A_36 = tpu.matmul %get3A_31, %get3A_34, %dot_general3A_35 {dimension_numbers = #tpu.dot_dimension_numbers<[1], [0], [0], [1], [0, 0, 1, 1], [], []>, transpose_lhs_hint = false} : vector<8000x16xf32>, vector<16x32xf32>, vector<8000x32xf32> -> vector<8000x32xf32>
    %add3A_37 = arith.addf %add3A_28, %dot_general3A_36 : vector<8000x32xf32>
    %get3A_38 = arith.constant 0 : index
    %get3A_39 = arith.constant 0 : index
    %get3A_40 = vector.load %arg5[%get3A_38, %get3A_39] : memref<1x32xf32, #tpu.memory_space<vmem>>, vector<1x32xf32>
    %add3A_41 = vector.broadcast %get3A_40 : vector<1x32xf32> to vector<8000x32xf32>
    %add3A_42 = arith.addf %add3A_37, %add3A_41 : vector<8000x32xf32>
    %jit3A = arith.constant 2.000000e-01 : f32
    %ge3A = arith.constant 0.000000e+00 : f32
    %ge3A_43 = vector.broadcast %ge3A : f32 to vector<8000x32xf32>
    %ge3A_44 = arith.cmpf oge, %add3A_42, %ge3A_43 : vector<8000x32xf32>
    %mul3A_45 = vector.broadcast %jit3A : f32 to vector<8000x32xf32>
    %mul3A_46 = arith.mulf %mul3A_45, %add3A_42 : vector<8000x32xf32>
    %select_n3A = arith.select %ge3A_44, %add3A_42, %mul3A_46 : vector<8000x32xi1>, vector<8000x32xf32>
    %get3A_47 = arith.constant 0 : index
    %get3A_48 = arith.constant 0 : index
    %get3A_49 = vector.load %arg6[%get3A_47, %get3A_48] : memref<32x32xf32, #tpu.memory_space<vmem>>, vector<32x32xf32>
    %dot_general3A_50 = arith.constant dense<0.000000e+00> : vector<8000x32xf32>
    %dot_general3A_51 = tpu.matmul %select_n3A, %get3A_49, %dot_general3A_50 {dimension_numbers = #tpu.dot_dimension_numbers<[1], [0], [0], [1], [0, 0, 1, 1], [], []>, transpose_lhs_hint = false} : vector<8000x32xf32>, vector<32x32xf32>, vector<8000x32xf32> -> vector<8000x32xf32>
    %get3A_52 = arith.constant 0 : index
    %get3A_53 = arith.constant 0 : index
    %get3A_54 = vector.load %arg7[%get3A_52, %get3A_53] : memref<1x32xf32, #tpu.memory_space<vmem>>, vector<1x32xf32>
    %add3A_55 = vector.broadcast %get3A_54 : vector<1x32xf32> to vector<8000x32xf32>
    %add3A_56 = arith.addf %dot_general3A_51, %add3A_55 : vector<8000x32xf32>
    %jit3A_57 = arith.constant 2.000000e-01 : f32
    %ge3A_58 = arith.constant 0.000000e+00 : f32
    %ge3A_59 = vector.broadcast %ge3A_58 : f32 to vector<8000x32xf32>
    %ge3A_60 = arith.cmpf oge, %add3A_56, %ge3A_59 : vector<8000x32xf32>
    %mul3A_61 = vector.broadcast %jit3A_57 : f32 to vector<8000x32xf32>
    %mul3A_62 = arith.mulf %mul3A_61, %add3A_56 : vector<8000x32xf32>
    %select_n3A_63 = arith.select %ge3A_60, %add3A_56, %mul3A_62 : vector<8000x32xi1>, vector<8000x32xf32>
    %get3A_64 = arith.constant 0 : index
    %get3A_65 = arith.constant 0 : index
    %get3A_66 = vector.load %arg8[%get3A_64, %get3A_65] : memref<32x128xf32, #tpu.memory_space<vmem>>, vector<32x128xf32>
    %dot_general3A_67 = arith.constant dense<0.000000e+00> : vector<8000x128xf32>
    %dot_general3A_68 = tpu.matmul %select_n3A_63, %get3A_66, %dot_general3A_67 {dimension_numbers = #tpu.dot_dimension_numbers<[1], [0], [0], [1], [0, 0, 1, 1], [], []>, transpose_lhs_hint = false} : vector<8000x32xf32>, vector<32x128xf32>, vector<8000x128xf32> -> vector<8000x128xf32>
    %get3A_69 = arith.constant 0 : index
    %get3A_70 = arith.constant 0 : index
    %get3A_71 = vector.load %arg9[%get3A_69, %get3A_70] : memref<1x128xf32, #tpu.memory_space<vmem>>, vector<1x128xf32>
    %add3A_72 = vector.broadcast %get3A_71 : vector<1x128xf32> to vector<8000x128xf32>
    %add3A_73 = arith.addf %dot_general3A_68, %add3A_72 : vector<8000x128xf32>
    %jit3A_74 = arith.constant 2.000000e-01 : f32
    %ge3A_75 = arith.constant 0.000000e+00 : f32
    %ge3A_76 = vector.broadcast %ge3A_75 : f32 to vector<8000x128xf32>
    %ge3A_77 = arith.cmpf oge, %add3A_73, %ge3A_76 : vector<8000x128xf32>
    %mul3A_78 = vector.broadcast %jit3A_74 : f32 to vector<8000x128xf32>
    %mul3A_79 = arith.mulf %mul3A_78, %add3A_73 : vector<8000x128xf32>
    %select_n3A_80 = arith.select %ge3A_77, %add3A_73, %mul3A_79 : vector<8000x128xi1>, vector<8000x128xf32>
    %get3A_81 = arith.constant 0 : index
    %get3A_82 = arith.constant 0 : index
    %get3A_83 = vector.load %arg15[%get3A_81, %get3A_82] : memref<128x32xf32, #tpu.memory_space<vmem>>, vector<128x32xf32>
    %dot_general3A_84 = arith.constant dense<0.000000e+00> : vector<8000x32xf32>
    %dot_general3A_85 = tpu.matmul %select_n3A_80, %get3A_83, %dot_general3A_84 {dimension_numbers = #tpu.dot_dimension_numbers<[1], [0], [0], [1], [0, 0, 1, 1], [], []>, transpose_lhs_hint = false} : vector<8000x128xf32>, vector<128x32xf32>, vector<8000x32xf32> -> vector<8000x32xf32>
    %get3A_86 = arith.constant 0 : index
    %get3A_87 = arith.constant 0 : index
    %get3A_88 = vector.load %arg10[%get3A_86, %get3A_87] : memref<128x1xf32, #tpu.memory_space<vmem>>, vector<128x1xf32>
    %dot_general3A_89 = arith.constant dense<0.000000e+00> : vector<8000x1xf32>
    %dot_general3A_90 = tpu.matmul %select_n3A_80, %get3A_88, %dot_general3A_89 {dimension_numbers = #tpu.dot_dimension_numbers<[1], [0], [0], [1], [0, 0, 1, 1], [], []>, transpose_lhs_hint = false} : vector<8000x128xf32>, vector<128x1xf32>, vector<8000x1xf32> -> vector<8000x1xf32>
    %get3A_91 = arith.constant 0 : index
    %get3A_92 = arith.constant 0 : index
    %get3A_93 = vector.load %arg11[%get3A_91, %get3A_92] : memref<1x1xf32, #tpu.memory_space<vmem>>, vector<1x1xf32>
    %get3A_94 = vector.extract %get3A_93[0, 0] : f32 from vector<1x1xf32>
    %add3A_95 = vector.broadcast %get3A_94 : f32 to vector<8000x1xf32>
    %add3A_96 = arith.addf %dot_general3A_90, %add3A_95 : vector<8000x1xf32>
    %slice3A_97 = vector.extract_strided_slice %mul3A_8 {offsets = [0, 0], sizes = [8000, 1], strides = [1, 1]} : vector<8000x32xf32> to vector<8000x1xf32>
    %add3A_98 = arith.constant 9.99999997E-7 : f32
    %add3A_99 = vector.broadcast %add3A_98 : f32 to vector<8000x1xf32>
    %add3A_100 = arith.addf %slice3A_97, %add3A_99 : vector<8000x1xf32>
    %div3A = arith.divf %add3A_96, %add3A_100 : vector<8000x1xf32>
    %swap3A = arith.constant 0 : index
    %swap3A_101 = arith.constant 0 : index
    %swap3A_102 = vector.load %arg17[%swap3A, %swap3A_101] : memref<8000x128xf32, #tpu.memory_space<vmem>>, vector<8000x32xf32>
    tpu.vector_store %arg17[%swap3A, %swap3A_101], %dot_general3A_85 {strides = array<i32>} : memref<8000x128xf32, #tpu.memory_space<vmem>>, vector<8000x32xf32>,
    %mul3A_103 = vector.broadcast %div3A : vector<8000x1xf32> to vector<8000x4xf32>
    %mul3A_104 = arith.mulf %slice3A, %mul3A_103 : vector<8000x4xf32>
    %get3A_105 = arith.constant 0 : index
    %get3A_106 = arith.constant 0 : index
    %get3A_107 = vector.load %arg16[%get3A_105, %get3A_106] : memref<1x4xf32, #tpu.memory_space<vmem>>, vector<1x4xf32>
    %add3A_108 = vector.broadcast %get3A_107 : vector<1x4xf32> to vector<8000x4xf32>
    %add3A_109 = arith.addf %mul3A_104, %add3A_108 : vector<8000x4xf32>
    %swap3A_110 = arith.constant 0 : index
    %swap3A_111 = arith.constant 32 : index
    %swap3A_112 = vector.load %arg17[%swap3A_110, %swap3A_111] : memref<8000x128xf32, #tpu.memory_space<vmem>>, vector<8000x4xf32>
    tpu.vector_store %arg17[%swap3A_110, %swap3A_111], %add3A_109 {strides = array<i32>} : memref<8000x128xf32, #tpu.memory_space<vmem>>, vector<8000x4xf32>,
    return
  }
  func.func @transform_0(%arg0: i32) -> (i32, i32) {
    %c0_i32 = arith.constant 0 : i32
    %c0_i32_0 = arith.constant 0 : i32
    return %arg0, %c0_i32 : i32, i32
  }
  func.func @transform_1(%arg0: i32) -> (i32, i32) {
    %c0_i32 = arith.constant 0 : i32
    %c0_i32_0 = arith.constant 0 : i32
    return %arg0, %c0_i32 : i32, i32
  }
  func.func @transform_2(%arg0: i32) -> (i32, i32) {
    %c0_i32 = arith.constant 0 : i32
    %c0_i32_0 = arith.constant 0 : i32
    %c0_i32_1 = arith.constant 0 : i32
    return %c0_i32, %c0_i32_0 : i32, i32
  }
  func.func @transform_3(%arg0: i32) -> (i32, i32) {
    %c0_i32 = arith.constant 0 : i32
    %c0_i32_0 = arith.constant 0 : i32
    %c0_i32_1 = arith.constant 0 : i32
    return %c0_i32, %c0_i32_0 : i32, i32
  }
  func.func @transform_4(%arg0: i32) -> (i32, i32) {
    %c0_i32 = arith.constant 0 : i32
    %c0_i32_0 = arith.constant 0 : i32
    %c0_i32_1 = arith.constant 0 : i32
    return %c0_i32, %c0_i32_0 : i32, i32
  }
  func.func @transform_5(%arg0: i32) -> (i32, i32) {
    %c0_i32 = arith.constant 0 : i32
    %c0_i32_0 = arith.constant 0 : i32
    %c0_i32_1 = arith.constant 0 : i32
    return %c0_i32, %c0_i32_0 : i32, i32
  }
  func.func @transform_6(%arg0: i32) -> (i32, i32) {
    %c0_i32 = arith.constant 0 : i32
    %c0_i32_0 = arith.constant 0 : i32
    %c0_i32_1 = arith.constant 0 : i32
    return %c0_i32, %c0_i32_0 : i32, i32
  }
  func.func @transform_7(%arg0: i32) -> (i32, i32) {
    %c0_i32 = arith.constant 0 : i32
    %c0_i32_0 = arith.constant 0 : i32
    %c0_i32_1 = arith.constant 0 : i32
    return %c0_i32, %c0_i32_0 : i32, i32
  }
  func.func @transform_8(%arg0: i32) -> (i32, i32) {
    %c0_i32 = arith.constant 0 : i32
    %c0_i32_0 = arith.constant 0 : i32
    %c0_i32_1 = arith.constant 0 : i32
    return %c0_i32, %c0_i32_0 : i32, i32
  }
  func.func @transform_9(%arg0: i32) -> (i32, i32) {
    %c0_i32 = arith.constant 0 : i32
    %c0_i32_0 = arith.constant 0 : i32
    %c0_i32_1 = arith.constant 0 : i32
    return %c0_i32, %c0_i32_0 : i32, i32
  }
  func.func @transform_10(%arg0: i32) -> (i32, i32) {
    %c0_i32 = arith.constant 0 : i32
    %c0_i32_0 = arith.constant 0 : i32
    %c0_i32_1 = arith.constant 0 : i32
    return %c0_i32, %c0_i32_0 : i32, i32
  }
  func.func @transform_11(%arg0: i32) -> (i32, i32) {
    %c0_i32 = arith.constant 0 : i32
    %c0_i32_0 = arith.constant 0 : i32
    %c0_i32_1 = arith.constant 0 : i32
    return %c0_i32, %c0_i32_0 : i32, i32
  }
  func.func @transform_12(%arg0: i32) -> (i32, i32) {
    %c0_i32 = arith.constant 0 : i32
    %c0_i32_0 = arith.constant 0 : i32
    %c0_i32_1 = arith.constant 0 : i32
    return %c0_i32, %c0_i32_0 : i32, i32
  }
  func.func @transform_13(%arg0: i32) -> (i32, i32) {
    %c0_i32 = arith.constant 0 : i32
    %c0_i32_0 = arith.constant 0 : i32
    %c0_i32_1 = arith.constant 0 : i32
    return %c0_i32, %c0_i32_0 : i32, i32
  }
  func.func @transform_14(%arg0: i32) -> (i32, i32) {
    %c0_i32 = arith.constant 0 : i32
    %c0_i32_0 = arith.constant 0 : i32
    %c0_i32_1 = arith.constant 0 : i32
    return %c0_i32, %c0_i32_0 : i32, i32
  }
  func.func @transform_15(%arg0: i32) -> (i32, i32) {
    %c0_i32 = arith.constant 0 : i32
    %c0_i32_0 = arith.constant 0 : i32
    %c0_i32_1 = arith.constant 0 : i32
    return %c0_i32, %c0_i32_0 : i32, i32
  }
  func.func @transform_16(%arg0: i32) -> (i32, i32) {
    %c0_i32 = arith.constant 0 : i32
    %c0_i32_0 = arith.constant 0 : i32
    return %arg0, %c0_i32 : i32, i32
  }
}

module attributes {stable_mosaic.version = 14 : i64} {
  func.func @_final_body(%arg0: i32, %arg1: memref<2000x128xf32, #tpu.memory_space<vmem>>, %arg2: memref<2x2000x128xf32, #tpu.memory_space<vmem>>, %arg3: memref<128x32xf32, #tpu.memory_space<vmem>>, %arg4: memref<1x32xf32, #tpu.memory_space<vmem>>, %arg5: memref<32x32xf32, #tpu.memory_space<vmem>>, %arg6: memref<1x32xf32, #tpu.memory_space<vmem>>, %arg7: memref<32x128xf32, #tpu.memory_space<vmem>>, %arg8: memref<1x128xf32, #tpu.memory_space<vmem>>, %arg9: memref<128x128xf32, #tpu.memory_space<vmem>>, %arg10: memref<1x128xf32, #tpu.memory_space<vmem>>, %arg11: memref<2000x128xf32, #tpu.memory_space<vmem>>, %arg12: memref<2000x3xf32, #tpu.memory_space<vmem>>) attributes {dimension_semantics = [#tpu.dimension_semantics<arbitrary>], iteration_bounds = array<i64: 5>, scalar_prefetch = 0 : i64, scratch_operands = 0 : i64, tpu.core_type = #tpu.core_type<tc>, window_params = [{transform_indices = @transform_0, window_bounds = array<i64: 2000, 128>}, {transform_indices = @transform_1, window_bounds = array<i64: 2, 2000, 128>}, {pipeline_mode = #tpu.pipeline_mode<synchronous>, transform_indices = @transform_2, window_bounds = array<i64: 128, 32>}, {pipeline_mode = #tpu.pipeline_mode<synchronous>, transform_indices = @transform_3, window_bounds = array<i64: 1, 32>}, {pipeline_mode = #tpu.pipeline_mode<synchronous>, transform_indices = @transform_4, window_bounds = array<i64: 32, 32>}, {pipeline_mode = #tpu.pipeline_mode<synchronous>, transform_indices = @transform_5, window_bounds = array<i64: 1, 32>}, {pipeline_mode = #tpu.pipeline_mode<synchronous>, transform_indices = @transform_6, window_bounds = array<i64: 32, 128>}, {pipeline_mode = #tpu.pipeline_mode<synchronous>, transform_indices = @transform_7, window_bounds = array<i64: 1, 128>}, {pipeline_mode = #tpu.pipeline_mode<synchronous>, transform_indices = @transform_8, window_bounds = array<i64: 128, 128>}, {pipeline_mode = #tpu.pipeline_mode<synchronous>, transform_indices = @transform_9, window_bounds = array<i64: 1, 128>}, {transform_indices = @transform_10, window_bounds = array<i64: 2000, 128>}, {transform_indices = @transform_11, window_bounds = array<i64: 2000, 3>}]} {
    %get3A = arith.constant 0 : index
    %get3A_0 = arith.constant 0 : index
    %get3A_1 = arith.constant 0 : index
    %get3A_2 = vector.load %arg2[%get3A, %get3A_0, %get3A_1] : memref<2x2000x128xf32, #tpu.memory_space<vmem>>, vector<1x2000x128xf32>
    %get3A_3 = vector.shape_cast %get3A_2 : vector<1x2000x128xf32> to vector<2000x128xf32>
    %get3A_4 = arith.constant 1 : index
    %get3A_5 = arith.constant 0 : index
    %get3A_6 = arith.constant 0 : index
    %get3A_7 = vector.load %arg2[%get3A_4, %get3A_5, %get3A_6] : memref<2x2000x128xf32, #tpu.memory_space<vmem>>, vector<1x2000x128xf32>
    %get3A_8 = vector.shape_cast %get3A_7 : vector<1x2000x128xf32> to vector<2000x128xf32>
    %add3A = arith.addf %get3A_3, %get3A_8 : vector<2000x128xf32>
    %slice3A = vector.extract_strided_slice %add3A {offsets = [0, 0], sizes = [2000, 32], strides = [1, 1]} : vector<2000x128xf32> to vector<2000x32xf32>
    %slice3A_9 = vector.extract_strided_slice %add3A {offsets = [0, 32], sizes = [2000, 3], strides = [1, 1]} : vector<2000x128xf32> to vector<2000x3xf32>
    %slice3A_10 = vector.extract_strided_slice %add3A {offsets = [0, 35], sizes = [2000, 1], strides = [1, 1]} : vector<2000x128xf32> to vector<2000x1xf32>
    %max3A = arith.constant 1.000000e+00 : f32
    %max3A_11 = vector.broadcast %max3A : f32 to vector<2000x1xf32>
    %max3A_12 = arith.maximumf %slice3A_10, %max3A_11 : vector<2000x1xf32>
    %div3A = vector.broadcast %max3A_12 : vector<2000x1xf32> to vector<2000x3xf32>
    %div3A_13 = arith.divf %slice3A_9, %div3A : vector<2000x3xf32>
    %swap3A = arith.constant 0 : index
    %swap3A_14 = arith.constant 0 : index
    %swap3A_15 = vector.load %arg12[%swap3A, %swap3A_14] : memref<2000x3xf32, #tpu.memory_space<vmem>>, vector<2000x3xf32>
    tpu.vector_store %arg12[%swap3A, %swap3A_14], %div3A_13 {strides = array<i32>} : memref<2000x3xf32, #tpu.memory_space<vmem>>, vector<2000x3xf32>,
    %get3A_16 = arith.constant 0 : index
    %get3A_17 = arith.constant 0 : index
    %get3A_18 = vector.load %arg1[%get3A_16, %get3A_17] : memref<2000x128xf32, #tpu.memory_space<vmem>>, vector<2000x128xf32>
    %get3A_19 = arith.constant 0 : index
    %get3A_20 = arith.constant 0 : index
    %get3A_21 = vector.load %arg3[%get3A_19, %get3A_20] : memref<128x32xf32, #tpu.memory_space<vmem>>, vector<128x32xf32>
    %dot_general3A = arith.constant dense<0.000000e+00> : vector<2000x32xf32>
    %dot_general3A_22 = tpu.matmul %get3A_18, %get3A_21, %dot_general3A {dimension_numbers = #tpu.dot_dimension_numbers<[1], [0], [0], [1], [0, 0, 1, 1], [], []>, transpose_lhs_hint = false} : vector<2000x128xf32>, vector<128x32xf32>, vector<2000x32xf32> -> vector<2000x32xf32>
    %add3A_23 = arith.addf %dot_general3A_22, %slice3A : vector<2000x32xf32>
    %get3A_24 = arith.constant 0 : index
    %get3A_25 = arith.constant 0 : index
    %get3A_26 = vector.load %arg4[%get3A_24, %get3A_25] : memref<1x32xf32, #tpu.memory_space<vmem>>, vector<1x32xf32>
    %add3A_27 = vector.broadcast %get3A_26 : vector<1x32xf32> to vector<2000x32xf32>
    %add3A_28 = arith.addf %add3A_23, %add3A_27 : vector<2000x32xf32>
    %jit3A = arith.constant 2.000000e-01 : f32
    %ge3A = arith.constant 0.000000e+00 : f32
    %ge3A_29 = vector.broadcast %ge3A : f32 to vector<2000x32xf32>
    %ge3A_30 = arith.cmpf oge, %add3A_28, %ge3A_29 : vector<2000x32xf32>
    %mul3A = vector.broadcast %jit3A : f32 to vector<2000x32xf32>
    %mul3A_31 = arith.mulf %mul3A, %add3A_28 : vector<2000x32xf32>
    %select_n3A = arith.select %ge3A_30, %add3A_28, %mul3A_31 : vector<2000x32xi1>, vector<2000x32xf32>
    %get3A_32 = arith.constant 0 : index
    %get3A_33 = arith.constant 0 : index
    %get3A_34 = vector.load %arg5[%get3A_32, %get3A_33] : memref<32x32xf32, #tpu.memory_space<vmem>>, vector<32x32xf32>
    %dot_general3A_35 = arith.constant dense<0.000000e+00> : vector<2000x32xf32>
    %dot_general3A_36 = tpu.matmul %select_n3A, %get3A_34, %dot_general3A_35 {dimension_numbers = #tpu.dot_dimension_numbers<[1], [0], [0], [1], [0, 0, 1, 1], [], []>, transpose_lhs_hint = false} : vector<2000x32xf32>, vector<32x32xf32>, vector<2000x32xf32> -> vector<2000x32xf32>
    %get3A_37 = arith.constant 0 : index
    %get3A_38 = arith.constant 0 : index
    %get3A_39 = vector.load %arg6[%get3A_37, %get3A_38] : memref<1x32xf32, #tpu.memory_space<vmem>>, vector<1x32xf32>
    %add3A_40 = vector.broadcast %get3A_39 : vector<1x32xf32> to vector<2000x32xf32>
    %add3A_41 = arith.addf %dot_general3A_36, %add3A_40 : vector<2000x32xf32>
    %jit3A_42 = arith.constant 2.000000e-01 : f32
    %ge3A_43 = arith.constant 0.000000e+00 : f32
    %ge3A_44 = vector.broadcast %ge3A_43 : f32 to vector<2000x32xf32>
    %ge3A_45 = arith.cmpf oge, %add3A_41, %ge3A_44 : vector<2000x32xf32>
    %mul3A_46 = vector.broadcast %jit3A_42 : f32 to vector<2000x32xf32>
    %mul3A_47 = arith.mulf %mul3A_46, %add3A_41 : vector<2000x32xf32>
    %select_n3A_48 = arith.select %ge3A_45, %add3A_41, %mul3A_47 : vector<2000x32xi1>, vector<2000x32xf32>
    %get3A_49 = arith.constant 0 : index
    %get3A_50 = arith.constant 0 : index
    %get3A_51 = vector.load %arg7[%get3A_49, %get3A_50] : memref<32x128xf32, #tpu.memory_space<vmem>>, vector<32x128xf32>
    %dot_general3A_52 = arith.constant dense<0.000000e+00> : vector<2000x128xf32>
    %dot_general3A_53 = tpu.matmul %select_n3A_48, %get3A_51, %dot_general3A_52 {dimension_numbers = #tpu.dot_dimension_numbers<[1], [0], [0], [1], [0, 0, 1, 1], [], []>, transpose_lhs_hint = false} : vector<2000x32xf32>, vector<32x128xf32>, vector<2000x128xf32> -> vector<2000x128xf32>
    %get3A_54 = arith.constant 0 : index
    %get3A_55 = arith.constant 0 : index
    %get3A_56 = vector.load %arg8[%get3A_54, %get3A_55] : memref<1x128xf32, #tpu.memory_space<vmem>>, vector<1x128xf32>
    %add3A_57 = vector.broadcast %get3A_56 : vector<1x128xf32> to vector<2000x128xf32>
    %add3A_58 = arith.addf %dot_general3A_53, %add3A_57 : vector<2000x128xf32>
    %jit3A_59 = arith.constant 2.000000e-01 : f32
    %ge3A_60 = arith.constant 0.000000e+00 : f32
    %ge3A_61 = vector.broadcast %ge3A_60 : f32 to vector<2000x128xf32>
    %ge3A_62 = arith.cmpf oge, %add3A_58, %ge3A_61 : vector<2000x128xf32>
    %mul3A_63 = vector.broadcast %jit3A_59 : f32 to vector<2000x128xf32>
    %mul3A_64 = arith.mulf %mul3A_63, %add3A_58 : vector<2000x128xf32>
    %select_n3A_65 = arith.select %ge3A_62, %add3A_58, %mul3A_64 : vector<2000x128xi1>, vector<2000x128xf32>
    %get3A_66 = arith.constant 0 : index
    %get3A_67 = arith.constant 0 : index
    %get3A_68 = vector.load %arg9[%get3A_66, %get3A_67] : memref<128x128xf32, #tpu.memory_space<vmem>>, vector<128x128xf32>
    %dot_general3A_69 = arith.constant dense<0.000000e+00> : vector<2000x128xf32>
    %dot_general3A_70 = tpu.matmul %select_n3A_65, %get3A_68, %dot_general3A_69 {dimension_numbers = #tpu.dot_dimension_numbers<[1], [0], [0], [1], [0, 0, 1, 1], [], []>, transpose_lhs_hint = false} : vector<2000x128xf32>, vector<128x128xf32>, vector<2000x128xf32> -> vector<2000x128xf32>
    %get3A_71 = arith.constant 0 : index
    %get3A_72 = arith.constant 0 : index
    %get3A_73 = vector.load %arg10[%get3A_71, %get3A_72] : memref<1x128xf32, #tpu.memory_space<vmem>>, vector<1x128xf32>
    %add3A_74 = vector.broadcast %get3A_73 : vector<1x128xf32> to vector<2000x128xf32>
    %add3A_75 = arith.addf %dot_general3A_70, %add3A_74 : vector<2000x128xf32>
    %swap3A_76 = arith.constant 0 : index
    %swap3A_77 = arith.constant 0 : index
    %swap3A_78 = vector.load %arg11[%swap3A_76, %swap3A_77] : memref<2000x128xf32, #tpu.memory_space<vmem>>, vector<2000x128xf32>
    tpu.vector_store %arg11[%swap3A_76, %swap3A_77], %add3A_75 {strides = array<i32>} : memref<2000x128xf32, #tpu.memory_space<vmem>>, vector<2000x128xf32>,
    return
  }
  func.func @transform_0(%arg0: i32) -> (i32, i32) {
    %c0_i32 = arith.constant 0 : i32
    %c0_i32_0 = arith.constant 0 : i32
    return %arg0, %c0_i32 : i32, i32
  }
  func.func @transform_1(%arg0: i32) -> (i32, i32, i32) {
    %c0_i32 = arith.constant 0 : i32
    %c0_i32_0 = arith.constant 0 : i32
    %c0_i32_1 = arith.constant 0 : i32
    return %c0_i32, %arg0, %c0_i32_0 : i32, i32, i32
  }
  func.func @transform_2(%arg0: i32) -> (i32, i32) {
    %c0_i32 = arith.constant 0 : i32
    %c0_i32_0 = arith.constant 0 : i32
    %c0_i32_1 = arith.constant 0 : i32
    return %c0_i32, %c0_i32_0 : i32, i32
  }
  func.func @transform_3(%arg0: i32) -> (i32, i32) {
    %c0_i32 = arith.constant 0 : i32
    %c0_i32_0 = arith.constant 0 : i32
    %c0_i32_1 = arith.constant 0 : i32
    return %c0_i32, %c0_i32_0 : i32, i32
  }
  func.func @transform_4(%arg0: i32) -> (i32, i32) {
    %c0_i32 = arith.constant 0 : i32
    %c0_i32_0 = arith.constant 0 : i32
    %c0_i32_1 = arith.constant 0 : i32
    return %c0_i32, %c0_i32_0 : i32, i32
  }
  func.func @transform_5(%arg0: i32) -> (i32, i32) {
    %c0_i32 = arith.constant 0 : i32
    %c0_i32_0 = arith.constant 0 : i32
    %c0_i32_1 = arith.constant 0 : i32
    return %c0_i32, %c0_i32_0 : i32, i32
  }
  func.func @transform_6(%arg0: i32) -> (i32, i32) {
    %c0_i32 = arith.constant 0 : i32
    %c0_i32_0 = arith.constant 0 : i32
    %c0_i32_1 = arith.constant 0 : i32
    return %c0_i32, %c0_i32_0 : i32, i32
  }
  func.func @transform_7(%arg0: i32) -> (i32, i32) {
    %c0_i32 = arith.constant 0 : i32
    %c0_i32_0 = arith.constant 0 : i32
    %c0_i32_1 = arith.constant 0 : i32
    return %c0_i32, %c0_i32_0 : i32, i32
  }
  func.func @transform_8(%arg0: i32) -> (i32, i32) {
    %c0_i32 = arith.constant 0 : i32
    %c0_i32_0 = arith.constant 0 : i32
    %c0_i32_1 = arith.constant 0 : i32
    return %c0_i32, %c0_i32_0 : i32, i32
  }
  func.func @transform_9(%arg0: i32) -> (i32, i32) {
    %c0_i32 = arith.constant 0 : i32
    %c0_i32_0 = arith.constant 0 : i32
    %c0_i32_1 = arith.constant 0 : i32
    return %c0_i32, %c0_i32_0 : i32, i32
  }
  func.func @transform_10(%arg0: i32) -> (i32, i32) {
    %c0_i32 = arith.constant 0 : i32
    %c0_i32_0 = arith.constant 0 : i32
    return %arg0, %c0_i32 : i32, i32
  }
  func.func @transform_11(%arg0: i32) -> (i32, i32) {
    %c0_i32 = arith.constant 0 : i32
    %c0_i32_0 = arith.constant 0 : i32
    return %arg0, %c0_i32 : i32, i32
  }
}

</mosaic_0001>

<sc_bundles>
// kernel: kernel.12.cloned.1.call-start
scs
__scs_entry_jumppad:
0x0: {  	(pc) =	sbr.rel $0x88, $3  }
0x1: {  	(tag) =	ssettag $0x0;
	lr =	simm.s32 $0x1  }
0x2: {  	[smem:$0x3F8D] =	sst lr;
	_ =	strace $0xD0000000  }
0x3: {  	_ = 	snop  }
0x4: {  	_ = 	snop  }
0x5: {  	_ = 	snop  }
0x6: {  	_ = 	snop  }
0x7: {  	_ = 	snop  }
__scs_overlays_trampoline_lowered:
0x8: {  	[smem:$0x3F9C] =	sst s0  }
0x9: {  	[smem:$0x3F9D] =	sst s1  }
0xa: {  	[smem:$0x3F9E] =	sst s2  }
0xb: {  	[smem:$0x3F9F] =	sst s3  }
0xc: {  	[smem:$0x3FA0] =	sst s4  }
0xd: {  	[smem:$0x3FA1] =	sst s5  }
0xe: {  	[smem:$0x3FA2] =	sst s6  }
0xf: {  	[smem:$0x3FA3] =	sst s7  }
0x10: {  	[smem:$0x3FA4] =	sst s8  }
0x11: {  	[smem:$0x3FA5] =	sst s9;
	s0 =	simm.s32 @!p0 $0x0  }
0x12: {  	s1 =	sld [smem:$0x3F8B];
	s0 =	simm.s32 @p0 $0x1  }
0x13: {  	[smem:$0x3FA6] =	sst s0;
	s0 =	simm.s32 @!p1 $0x0  }
0x14: {  	s2 =	sld [smem:$0x3F8A];
	s0 =	simm.s32 @p1 $0x1  }
0x15: {  	[smem:$0x3FA7] =	sst s0;
	s0 =	simm.s32 @!p2 $0x0  }
0x16: {  	s3 =	sld [smem:$0x3FDB];
	s0 =	simm.s32 @p2 $0x1  }
0x17: {  	s4 =	simm.s32 $0x1BF5;
	[smem:$0x3FA9] =	sst s0  }
0x18: {  	s0 =	sld [smem:$0x3F8C];
	_ =	swait.ge [sflag:s4], $0x0  }
0x19: {  	s7 =	sld [smem:$0x3F8D]  }
0x1a: {  	s8 =	sadd.s32 $0xFFFFE003, lr  }
0x1b: {  	s9 =	sadd.s32 $0xFFFFFEF7, lr;
	s5 =	simm.s32 $0xFFFFFFFF;
	p2 =	slt.u32 s8, $0xFFFFF086  }
0x1c: {  	p1 =	slt.u32 s9, $0xF7A;
	s5 =	simm.s32 @!p2 $0x0  }
0x1d: {  	s5 =	simm.s32 @p1 $0x1;
	p0 =	seq.s32 s7, s2  }
0x1e: {  	s7 =	smul.u32 @!p0 $0xF7A, s2;
	p2 =	seq.s32 @!p0 s5, $0x0  }
0x1f: {  	s9 =	smul.u32 $0xF7A, s1;
	s8 =	simm.s32 @!p0 $0x1BF5;
	p2 =	por !p2, p0  }
0x20: {  	[sflag:s8] =	ssyncset.s32 @!p0 $0xFFFFF086;
	s6 =	sadd.s32 @!p0 s3, s7;
	s7 =	simm.s32 @!p0 $0x108  }
0x21: {  	s3 =	sadd.s32 s3, s9;
	s6 =	sadd.s32 @!p0 $0x88, s6;
	s7 =	simm.s32 @p2 $0x1082  }
0x22: {  	[simem:s7], [sflag:s8] =	dma.local @!p0 [hbm:s6], $0xF7A  }
0x23: {  	s9 =	sor.u32 $0xD0000000, s2;
	s6 =	simm.s32 $0x108;
	_ =	swait.ge @!p0 [sflag:s8], $0x0  }
0x24: {  	s3 =	sadd.s32 $0x88, s3;
	s6 =	simm.s32 @!p1 $0x1082;
	[sflag:s4] =	ssyncset.s32 $0xFFFFF086  }
0x25: {  	[simem:s6], [sflag:s4] =	dma.local [hbm:s3], $0xF7A  }
0x26: {  	[smem:$0x3F8D] =	sst s1;
	(tag) =	ssettag s2;
	_ =	strace s9  }
0x27: {  	s1 =	sld [smem:$0x3F9D]  }
0x28: {  	s2 =	sld [smem:$0x3F9E]  }
0x29: {  	s4 =	sld [smem:$0x3FA0]  }
0x2a: {  	p0 =	seq.s32 s5, $0x0;
	s5 =	sld [smem:$0x3FA1]  }
0x2b: {  	s6 =	sld [smem:$0x3FA2]  }
0x2c: {  	s7 =	sld [smem:$0x3FA3]  }
0x2d: {  	s3 =	simm.s32 $0x108;
	s8 =	sld [smem:$0x3FA4]  }
0x2e: {  	s3 =	simm.s32 @!p0 $0x1082;
	s9 =	sld [smem:$0x3FA5]  }
0x2f: {  	lr =	sadd.s32 s0, s3;
	s0 =	sld [smem:$0x3F9C]  }
0x30: {  	s3 =	sld [smem:$0x3F9F]  }
0x31: {  	[smem:$0x3FA8] =	sst s10  }
0x32: {  	s10 =	sld [smem:$0x3FA6];
	_ =	sdelay $0x3  }
0x33: {  	p0 =	seq.s32 s10, $0x1;
	s10 =	sld [smem:$0x3FA8];
	_ =	sdelay $0x3  }
0x34: {  	[smem:$0x3FA8] =	sst s10  }
0x35: {  	s10 =	sld [smem:$0x3FA7];
	_ =	sdelay $0x3  }
0x36: {  	p1 =	seq.s32 s10, $0x1;
	s10 =	sld [smem:$0x3FA8];
	_ =	sdelay $0x3  }
0x37: {  	[smem:$0x3FA8] =	sst s10  }
0x38: {  	s10 =	sld [smem:$0x3FA9]  }
0x39: {  	_ = 	snop;
	(pc) =	sbr.ind lr, $3  }
0x3a: {  	_ = 	snop  }
0x3b: {  	_ = 	snop  }
0x3c: {  	p2 =	seq.s32 s10, $0x1;
	s10 =	sld [smem:$0x3FA8]  }
0x3d: {  	_ =	shalt  }
0x3e: {  	_ =	shalt  }
0x3f: {  	_ =	shalt  }
0x40: {  	_ =	shalt  }
0x41: {  	_ =	shalt  }
0x42: {  	_ =	shalt  }
0x43: {  	_ =	shalt  }
0x44: {  	_ =	shalt  }
0x45: {  	_ =	shalt  }
0x46: {  	_ =	shalt  }
0x47: {  	_ =	shalt  }
0x48: {  	_ =	shalt  }
0x49: {  	_ =	shalt  }
0x4a: {  	_ =	shalt  }
0x4b: {  	_ =	shalt  }
0x4c: {  	_ =	shalt  }
0x4d: {  	_ =	shalt  }
0x4e: {  	_ =	shalt  }
0x4f: {  	_ =	shalt  }
0x50: {  	_ =	shalt  }
0x51: {  	_ =	shalt  }
0x52: {  	_ =	shalt  }
0x53: {  	_ =	shalt  }
0x54: {  	_ =	shalt  }
0x55: {  	_ =	shalt  }
0x56: {  	_ =	shalt  }
0x57: {  	_ =	shalt  }
0x58: {  	_ =	shalt  }
0x59: {  	_ =	shalt  }
0x5a: {  	_ =	shalt  }
0x5b: {  	_ =	shalt  }
0x5c: {  	_ =	shalt  }
0x5d: {  	_ =	shalt  }
0x5e: {  	_ =	shalt  }
0x5f: {  	_ =	shalt  }
0x60: {  	_ =	shalt  }
0x61: {  	_ =	shalt  }
0x62: {  	_ =	shalt  }
0x63: {  	_ =	shalt  }
0x64: {  	_ =	shalt  }
0x65: {  	_ =	shalt  }
0x66: {  	_ =	shalt  }
0x67: {  	_ =	shalt  }
0x68: {  	_ =	shalt  }
0x69: {  	_ =	shalt  }
0x6a: {  	_ =	shalt  }
0x6b: {  	_ =	shalt  }
0x6c: {  	_ =	shalt  }
0x6d: {  	_ =	shalt  }
0x6e: {  	_ =	shalt  }
0x6f: {  	_ =	shalt  }
0x70: {  	_ =	shalt  }
0x71: {  	_ =	shalt  }
0x72: {  	_ =	shalt  }
0x73: {  	_ =	shalt  }
0x74: {  	_ =	shalt  }
0x75: {  	_ =	shalt  }
0x76: {  	_ =	shalt  }
0x77: {  	_ =	shalt  }
0x78: {  	_ =	shalt  }
0x79: {  	_ =	shalt  }
0x7a: {  	_ =	shalt  }
0x7b: {  	_ =	shalt  }
0x7c: {  	_ =	shalt  }
0x7d: {  	_ =	shalt  }
0x7e: {  	_ =	shalt  }
0x7f: {  	_ =	shalt  }
0x80: {  	_ =	shalt  }
0x81: {  	_ =	shalt  }
0x82: {  	_ =	shalt  }
0x83: {  	_ =	shalt  }
0x84: {  	_ =	shalt  }
0x85: {  	_ =	shalt  }
0x86: {  	_ =	shalt  }
0x87: {  	_ =	shalt  }
.Lfunc_end0:
.L_simem_size_0:
called_computation.1_lowered:
.L_overlay_start_0:
0x88: {  	s2 =	sld [smem:$0x3FD9]  }
0x89: {  	s3 =	sld [smem:$0x3FFE];
	_ =	sdelay $0x1  }
0x8a: {  	s1 =	srdreg.scid  }
0x8b: {  	s0 =	sand.u32 $0x1, s1  }
0x8c: {  	s14 =	sshll.u32 s0, $0xA;
	s2 =	sadd.s32 s3, s2  }
0x8d: {  	s2 =	sadd.s32 s2, s14  }
0x8e: {  	[smem:$0x3FB4] =	sst s2  }
0x8f: {  	_ = 	snop  }
0x90: {  	s2 =	sld [smem:$0x3FD0];
	_ =	sdelay $0x2  }
0x91: {  	s15 =	simm.s32 $0xB;
	s4 =	simm.s32 $0x10  }
0x92: {  	[smem:s4], [sflag:s15] =	dma.local [hbm:s2], $0x1  }
0x93: {  	_ =	swait.eq [sflag:s15], $0x1  }
0x94: {  	[sflag:s15] =	ssyncset.done $0x0  }
0x95: {  	[sflag:s15] =	ssyncadd.s32 $0xFFFFFFFF  }
0x96: {  	s16 =	sld [smem:$0x10];
	(tm) =	ssettm $0x1  }
0x97: {  	s17 =	sld [smem:$0x3FFB];
	_ =	sdelay $0x3  }
0x98: {  	_ =	strace s17  }
0x99: {  	s3 =	sld [smem:$0x3FFC];
	_ =	sdelay $0x3  }
0x9a: {  	_ =	strace s3  }
0x9b: {  	s3 =	sld [smem:$0x3FFD];
	_ =	sdelay $0x3  }
0x9c: {  	_ =	strace s3  }
0x9d: {  	_ =	strace $0x8FFFFFFF  }
0x9e: {  	s18 =	sld [smem:$0x3FDB];
	_ =	sdelay $0x1  }
0x9f: {  	s19 =	simm.s32 $_scs_section_size  }
0xa0: {  	s5 =	simm.s32 $_size__tile_overlayer_lowered;
	s6 =	simm.s32 $_tile_overlayer_lowered  }
0xa1: {  	s22 =	simm.s32 $0x1BFF;
	s21 =	sshll.u32 s6, $0x1;
	s3 =	sadd.s32 s19, s18  }
0xa2: {  	s7 =	simm.s32 $0x0;
	s20 =	sshll.u32 s5, $0x1;
	s5 =	sadd.s32 s21, s3  }
0xa3: {  	[timem:s7], [sflag:s22] =	dma.local [hbm:s5], s20  }
0xa4: {  	_ =	swait.ge [sflag:s22], s20  }
0xa5: {  	s4 =	ssub.s32 $0x0, s20;
	[sflag:s22] =	ssyncset.done $0x0  }
0xa6: {  	[sflag:s22] =	ssyncadd.s32 s4;
	_ =	sdelay $0x1  }
0xa7: {  	s23 =	simm.s32 $0x1B8B  }
0xa8: {  	_ =	swait.ge [sflag:s23], $0x1  }
0xa9: {  	[sflag:s23] =	ssyncset.done $0x0  }
0xaa: {  	s25 =	simm.s32 $0x1B8E;
	s24 =	sld [smem:$0x3FFE];
	[sflag:s23] =	ssyncadd.s32 $0xFFFFFFFF  }
0xab: {  	s26 =	simm.s32 $execute0_lowered;
	[smem:$0x3FD2] =	sst s25  }
0xac: {  	s5 =	sshll.u32 s26, $0x1;
	_ =	strace $0x80000046;
	[dreg:$0x1] =	wrdreg $0xFFFFFFFF  }
0xad: {  	s28 =	simm.s32 $_size_execute0_lowered;
	s3 =	sadd.s32 s3, s5;
	[dreg:$0x0] =	wrdreg $0x0  }
0xae: {  	s5 =	sshll.u32 s28, $0x1;
	[dreg:$0x2] =	wrdreg s3  }
0xaf: {  	[dreg:$0x3] =	wrdreg s5  }
0xb0: {  	[dreg:$0x4] =	wrdreg $0xC0  }
0xb1: {  	_ =	task [dreg:s7], $0x5FFFF  }
0xb2: {  	[dreg:$0x1] =	wrdreg $0xFFFFFFFF  }
0xb3: {  	[dreg:$0x0] =	wrdreg $0x60  }
0xb4: {  	[dreg:$0x2] =	wrdreg s16  }
0xb5: {  	[dreg:$0x3] =	wrdreg s24  }
0xb6: {  	[dreg:$0x4] =	wrdreg $0xA  }
0xb7: {  	_ =	task.clear_ibuf [dreg:s7], $0x5FFFF;
	_ =	strace $0x90000046  }
0xb8: {  	s29 =	simm.s32 $0xA;
	_ =	strace $0x80000048  }
0xb9: {  	_ =	swait.ge [sflag:s29], $0x1  }
0xba: {  	[sflag:s29] =	ssyncadd.s32 $0xFFFFFFFF  }
0xbb: {  	_ =	strace $0x90000048  }
0xbc: {  	_ =	sfence  }
0xbd: {  	s30 =	sld [smem:$0x0];
	_ =	sdelay $0x2  }
0xbe: {  	s31 =	sshll.u32 s1, $0xD;
	s1 =	sshrl.u32 s1, $0x2  }
0xbf: {  	s3 =	sand.u32 $0x4000, s31;
	s1 =	sadd.s32 s1, s30  }
0xc0: {  	s0 =	sor.u32 s3, s0;
	s1 =	sshll.u32 s1, $0x11  }
0xc1: {  	s0 =	sor.u32 s1, s0  }
0xc2: {  	s0 =	sadd.s32 $0x8F2B, s0  }
0xc3: {  	[sflag:s0] =	ssyncadd.remote.s32 $0x1  }
0xc4: {  	_ =	sfence.sel $0xFFFF  }
0xc5: {  	[dreg:$0x0] =	wrdreg $0xFFFFFFFF;
	(pc) =	sbr.abs _section_cstart, $3  }
0xc6: {  	[dreg:$0x1] =	wrdreg $0xFFFFFFFF  }
0xc7: {  	_ =	task.clear_ibuf [dreg:s7], $0x2FFFF;
	_ =	strace $0x9FFFFFFF  }
0xc8: {  	(tm) =	ssettm $0x7FFFFFFF  }
0xc9: {  	_ =	shalt  }
tec
execute0_lowered:
.L_overlay_start_1:
0x0: {  	(tag) =	ssettag $0x1  }
0x1: {  	s2 =	rddreg [dreg:$0x0]  }
0x2: {  	s7 =	rddreg [dreg:$0x1]  }
0x3: {  	s0 =	rddreg [dreg:$0x2];
	s4 =	srdreg.scid  }
0x4: {  	s1 =	stileid.u32;
	s3 =	simm.s32 $0x0;
	s14 =	simm.s32 $0x200  }
0x5: {  	s15 =	simm.s32 $0x280;
	s16 =	simm.s32 $0x80;
	s17 =	simm.s32 $0x1  }
0x6: {  	s18 =	simm.s32 $0x28;
	s19 =	simm.s32 $0x400;
	s20 =	simm.s32 $0x4000  }
0x7: {  	s21 =	simm.s32 $0x8;
	s8 =	sand.u32 $0x1, s4;
	s30 =	sshll.u32 s1, $0x1  }
0x8: {  	s22 =	simm.s32 $0x7;
	s23 =	simm.s32 $0x0;
	s5 =	sor.u32 s8, s30  }
0x9: {  	[smem:$0x7FF] =	sst s3;
	s4 =	sadd.s32 $0x4200, s7;
	s5 =	smul.u32 $0x1388, s5  }
0xa: {  	s6 =	sadd.s32 $0xE000, s7;
	s7 =	sadd.s32 $0x17E00, s7;
	s9 =	ssub.s32 $0x2, s8  }
0xb: {  	_ =	strace $0x80000047;
	s10 =	sshrl.u32 s9, $0x1;
	s8 =	sadd.s32 $0x27100, s5  }
0xc: {  	s13 =	ssub.s32 s9, s10;
	s11 =	sadd.s32 $0x27128, s5;
	s31 =	sshrl.u32 s8, $0x3  }
0xd: {  	s13 =	smax.u32 s13, $0x1;
	s12 =	sshrl.u32 s11, $0x3;
	s9 =	sadd.s32 s6, s31  }
0xe: {  	v0 =	vimm.f32 $0.0e+00;
	s10 =	sadd.s32 s4, s31;
	s11 =	sadd.s32 s6, s12;
	s12 =	sadd.s32 s4, s12  }
.LBB2_1:
0xf: {  	s24 =	simm.s32 $0x0;
	s25 =	simm.s32 $0x200  }
.LBB2_2:
0x10: {  	p0 =	sne.s32 s25, $0x4E00;
	[tilespmem:s24+$0x9070] =	vst v0  }
0x11: {  	[tilespmem:s24+$0x7C30] =	vst v0  }
0x12: {  	[tilespmem:s24+$0x7C40] =	vst v0  }
0x13: {  	[tilespmem:s24+$0x7C50] =	vst v0  }
0x14: {  	[tilespmem:s24+$0x7C60] =	vst v0  }
.Ltmp0:
0x15: {  	[tilespmem:s24+$0x7C70] =	vst v0;
	(pc) =	sbr.rel @p0 .LBB2_2-.Ltmp0, $4  }
0x16: {  	[tilespmem:s24+$0x9030] =	vst v0  }
0x17: {  	[tilespmem:s24+$0x9040] =	vst v0  }
0x18: {  	[tilespmem:s24+$0x9050] =	vst v0  }
0x19: {  	[tilespmem:s24+$0x9060] =	vst v0;
	s24 =	sshra.s32 s25, $0x2;
	s25 =	sadd.s32 $0x200, s25  }
0x1a: {  	[tilespmem:s24+$0x9070] =	vst v0  }
0x1b: {  	[tilespmem:s24+$0x7C30] =	vst v0  }
0x1c: {  	[tilespmem:s24+$0x7C40] =	vst v0  }
0x1d: {  	[tilespmem:s24+$0x7C50] =	vst v0  }
0x1e: {  	[tilespmem:s24+$0x7C60] =	vst v0  }
0x1f: {  	[tilespmem:s24+$0x7C70] =	vst v0  }
0x20: {  	[tilespmem:s24+$0x9030] =	vst v0  }
0x21: {  	[tilespmem:s24+$0x9040] =	vst v0  }
0x22: {  	[tilespmem:s24+$0x9050] =	vst v0  }
0x23: {  	[tilespmem:s24+$0x9060] =	vst v0;
	s24 =	simm.s32 $0x0  }
0x24: {  	[tilespmem:s14], [sflag:$0x1] =	stream.linear.gather [hbm4b:s9+s24], $0x28, $0x38;
	[tilespmem:$0xA400] =	vst v63  }
0x25: {  	_ = 	snop  }
0x26: {  	[tilespmem:s24], [sflag:$0x1] =	stream.linear.gather [hbm4b:s10+s24], $0x28, $0x38;
	[tilespmem:$0xA400] =	vst v63  }
0x27: {  	_ = 	snop  }
0x28: {  	[tilespmem:s15], [sflag:$0x2] =	stream.linear.gather [hbm4b:s11+s24], $0x28, $0x38;
	[tilespmem:$0xA400] =	vst v63  }
0x29: {  	_ = 	snop  }
0x2a: {  	[tilespmem:s16], [sflag:$0x2] =	stream.linear.gather [hbm4b:s12+s24], $0x28, $0x38;
	[tilespmem:$0xA400] =	vst v63  }
0x2b: {  	_ =	swait.ge [sflag:s17], $0x28  }
0x2c: {  	[sflag:s17] =	ssyncset.done $0x0  }
0x2d: {  	[sflag:s17] =	ssyncadd.s32 $0xFFFFFFD8  }
0x2e: {  	_ =	swait.ge [sflag:s17], $0x28  }
0x2f: {  	[sflag:s17] =	ssyncset.done $0x0  }
0x30: {  	[sflag:s17] =	ssyncadd.s32 $0xFFFFFFD8  }
0x31: {  	[tilespmem:s19], [sflag:$0x4] =	stream.indirect.gather [hbm4b:s2+s18], $0x80, s14, s18, $0xb8;
	[tilespmem:$0xA400] =	vst v63  }
0x32: {  	_ = 	snop  }
0x33: {  	[tilespmem:s20], [sflag:$0x4] =	stream.indirect.gather [hbm4b:s2+s18], $0x80, s24, s18, $0xb8;
	[tilespmem:$0xA400] =	vst v63  }
.LBB2_4:
0x34: {  	p0 =	sgt.u32 s24, $0x7A  }
.Ltmp1:
0x35: {  	_ = 	snop;
	(pc) =	sbr.rel @p0 .LBB2_6-.Ltmp1, $1  }
0x36: {  	_ =	sdelay $0x3  }
0x37: {  	s25 =	sadd.s32 $0x2, s24  }
0x38: {  	s26 =	smul.u32 $0xAB, s25;
	_ =	sdelay $0x1  }
0x39: {  	s26 =	sshrl.u32 s26, $0x9  }
0x3a: {  	s28 =	smul.u32 $0x28, s25;
	s26 =	sand.u32 $0x7F, s26  }
0x3b: {  	s26 =	smul.u32 $0x3, s26;
	_ =	sdelay $0x1  }
0x3c: {  	s30 =	sadd.s32 s8, s28;
	s25 =	ssub.s32 s25, s26  }
0x3d: {  	s26 =	sshrl.u32 s30, $0x3;
	s25 =	sand.u32 $0xFF, s25  }
0x3e: {  	s30 =	sadd.s32 s6, s26;
	s31 =	sshll.u32 s25, $0x7  }
.Ltmp2:
0x3f: {  	s25 =	sadd.s32 $0x1, s25;
	s29 =	sor.u32 $0x200, s31;
	(pc) =	sbr.rel .LBB2_7-.Ltmp2, $4  }
0x40: {  	[tilespmem:s29], [sflag:s25] =	stream.linear.gather [hbm4b:s30+s3], $0x28, $0x38;
	[tilespmem:$0xA400] =	vst v63  }
0x41: {  	s26 =	sadd.s32 s4, s26  }
0x42: {  	[tilespmem:s31], [sflag:s25] =	stream.linear.gather [hbm4b:s26+s3], $0x28, $0x38;
	[tilespmem:$0xA400] =	vst v63  }
0x43: {  	s26 =	sadd.s32 $0x1, s24  }
.LBB2_6:
0x44: {  	p0 =	seq.s32 s24, $0x7C  }
.Ltmp3:
0x45: {  	_ = 	snop;
	(pc) =	sbr.rel @p0 .LBB2_8-.Ltmp3, $2  }
0x46: {  	_ =	sdelay $0x2  }
0x47: {  	s26 =	simm.s32 $0x7C;
	s25 =	simm.s32 $0x7D  }
.LBB2_7:
0x48: {  	s25 =	smul.u32 $0xAB, s26;
	_ =	sdelay $0x1  }
0x49: {  	s25 =	sshrl.u32 s25, $0x9  }
0x4a: {  	s25 =	sand.u32 $0x7F, s25  }
0x4b: {  	s25 =	smul.u32 $0x3, s25;
	_ =	sdelay $0x1  }
0x4c: {  	s25 =	ssub.s32 s26, s25  }
0x4d: {  	s25 =	sand.u32 $0xFF, s25  }
0x4e: {  	s28 =	sadd.s32 $0x1, s25  }
0x4f: {  	_ =	swait.ge [sflag:s28], $0x28  }
0x50: {  	[sflag:s28] =	ssyncset.done $0x0  }
0x51: {  	[sflag:s28] =	ssyncadd.s32 $0xFFFFFFD8  }
0x52: {  	s30 =	smul.u32 $0x1400, s25;
	_ =	swait.ge [sflag:s28], $0x28  }
0x53: {  	s29 =	sshll.u32 s25, $0x7;
	s25 =	sor.u32 $0x4, s25;
	[sflag:s28] =	ssyncset.done $0x0  }
0x54: {  	s31 =	sor.u32 $0x200, s29;
	[sflag:s28] =	ssyncadd.s32 $0xFFFFFFD8;
	s28 =	sadd.s32 $0x400, s30  }
0x55: {  	[tilespmem:s28], [sflag:s25] =	stream.indirect.gather [hbm4b:s2+s18], $0x80, s31, s18, $0xb8;
	[tilespmem:$0xA400] =	vst v63  }
0x56: {  	s31 =	sor.u32 $0x4000, s30  }
0x57: {  	[tilespmem:s31], [sflag:s25] =	stream.indirect.gather [hbm4b:s2+s18], $0x80, s29, s18, $0xb8;
	[tilespmem:$0xA400] =	vst v63  }
0x58: {  	s25 =	smov.u32 s26  }
.LBB2_8:
0x59: {  	s26 =	sand.u32 $0xFF, s24  }
0x5a: {  	s26 =	smul.u32 $0xAB, s26;
	_ =	sdelay $0x1  }
0x5b: {  	s26 =	sshrl.u32 s26, $0x9  }
0x5c: {  	s26 =	smul.u32 $0x3, s26;
	_ =	sdelay $0x1  }
0x5d: {  	s26 =	ssub.s32 s24, s26  }
0x5e: {  	s26 =	sand.u32 $0xFF, s26  }
0x5f: {  	s28 =	sadd.s32 $0x4, s26  }
0x60: {  	s26 =	smul.u32 $0x5000, s26;
	_ =	swait.ge [sflag:s28], $0x1400  }
0x61: {  	[sflag:s28] =	ssyncset.done $0x0  }
0x62: {  	s29 =	sshrl.u32 s26, $0x2;
	[sflag:s28] =	ssyncadd.s32 $0xFFFFEC00  }
0x63: {  	p0 =	slt.u32 s24, $0x2;
	s30 =	sadd.s32 $0x500, s29;
	_ =	swait.ge [sflag:s28], $0x1400  }
0x64: {  	s26 =	sand.u32 $0x1, s24;
	s29 =	sadd.s32 $0x4120, s29;
	v1 =	vmov s30;
	[sflag:s28] =	ssyncset.done $0x0  }
0x65: {  	v2 =	vmov s29;
	[sflag:s28] =	ssyncadd.s32 $0xFFFFEC00;
	s28 =	sadd.s32 @!p0 $0x7, s26  }
0x66: {  	_ =	swait.ge @!p0 [sflag:s28], $0x1400  }
0x67: {  	[sflag:s28] =	ssyncset.done @!p0 $0x0  }
0x68: {  	s29 =	smul.u32 $0x5000, s26;
	[sflag:s28] =	ssyncadd.s32 @!p0 $0xFFFFEC00;
	s28 =	simm.s32 $0x0  }
0x69: {  	v4 =	vld.idx.msk [tilespmem:v1+s28+$0xFFFFFF00 ss:$0x1], $0xffff  }
0x6a: {  	s29 =	sshrl.u32 s29, $0x2;
	v5 =	vld.idx.msk [tilespmem:v2+s28+$0xFFFFFF00 ss:$0x1], $0xffff  }
0x6b: {  	s30 =	sadd.s32 $0x7D00, s29  }
0x6c: {  	v3 =	vmov s30;
	_ =	sdelay $0x2  }
0x6d: {  	v4 =	vadd.f32 v5, v4;
	_ =	sdelay $0x1  }
0x6e: {  	[tilespmem:v3+s28+$0xFFFFFF00 ss:$0x1] =	vst.idx.msk $0xffff, v4  }
0x6f: {  	v4 =	vld.idx.msk [tilespmem:v1+s28+$0xFFFFFF10 ss:$0x1], $0xffff  }
0x70: {  	v5 =	vld.idx.msk [tilespmem:v2+s28+$0xFFFFFF10 ss:$0x1], $0xffff;
	_ =	sdelay $0x4  }
0x71: {  	v4 =	vadd.f32 v5, v4;
	_ =	sdelay $0x1  }
0x72: {  	[tilespmem:v3+s28+$0xFFFFFF10 ss:$0x1] =	vst.idx.msk $0xffff, v4  }
0x73: {  	v4 =	vld.idx.msk [tilespmem:v1+s28+$0xFFFFFF40 ss:$0x1], $0xffff  }
0x74: {  	v5 =	vld.idx.msk [tilespmem:v2+s28+$0xFFFFFF20 ss:$0x1], $0xffff;
	_ =	sdelay $0x4  }
0x75: {  	v4 =	vsub.f32 v4, v5;
	_ =	sdelay $0x1  }
0x76: {  	[tilespmem:v3+s28+$0xFFFFFF20 ss:$0x1] =	vst.idx.msk $0xffff, v4  }
0x77: {  	v4 =	vld.idx.msk [tilespmem:v1+s28+$0xFFFFFF80 ss:$0x1], $0xffff  }
0x78: {  	v5 =	vld.idx.msk [tilespmem:v2+s28+$0xFFFFFF80 ss:$0x1], $0xffff;
	_ =	sdelay $0x4  }
0x79: {  	v4 =	vadd.f32 v5, v4;
	_ =	sdelay $0x1  }
0x7a: {  	[tilespmem:v3+s28+$0xFFFFFF80 ss:$0x1] =	vst.idx.msk $0xffff, v4  }
0x7b: {  	v4 =	vld.idx.msk [tilespmem:v1+s28+$0xFFFFFF90 ss:$0x1], $0xffff  }
0x7c: {  	v5 =	vld.idx.msk [tilespmem:v2+s28+$0xFFFFFF90 ss:$0x1], $0xffff;
	_ =	sdelay $0x4  }
0x7d: {  	v4 =	vadd.f32 v5, v4;
	_ =	sdelay $0x1  }
0x7e: {  	[tilespmem:v3+s28+$0xFFFFFF90 ss:$0x1] =	vst.idx.msk $0xffff, v4  }
0x7f: {  	v4 =	vld.idx.msk [tilespmem:v1+s28+$0xFFFFFFC0 ss:$0x1], $0xffff  }
0x80: {  	v5 =	vld.idx.msk [tilespmem:v2+s28+$0xFFFFFFA0 ss:$0x1], $0xffff;
	_ =	sdelay $0x4  }
0x81: {  	v4 =	vsub.f32 v4, v5;
	_ =	sdelay $0x1  }
0x82: {  	[tilespmem:v3+s28+$0xFFFFFFA0 ss:$0x1] =	vst.idx.msk $0xffff, v4  }
0x83: {  	v4 =	vld.idx.msk [tilespmem:v1+s28+$0x0 ss:$0x1], $0xffff  }
0x84: {  	v5 =	vld.idx.msk [tilespmem:v2+s28+$0x0 ss:$0x1], $0xffff;
	_ =	sdelay $0x4  }
0x85: {  	v4 =	vadd.f32 v5, v4;
	_ =	sdelay $0x1  }
0x86: {  	[tilespmem:v3+s28+$0x0 ss:$0x1] =	vst.idx.msk $0xffff, v4  }
0x87: {  	v4 =	vld.idx.msk [tilespmem:v1+s28+$0x10 ss:$0x1], $0xffff  }
0x88: {  	v5 =	vld.idx.msk [tilespmem:v2+s28+$0x10 ss:$0x1], $0xffff;
	_ =	sdelay $0x4  }
0x89: {  	v4 =	vadd.f32 v5, v4;
	_ =	sdelay $0x1  }
0x8a: {  	[tilespmem:v3+s28+$0x10 ss:$0x1] =	vst.idx.msk $0xffff, v4  }
0x8b: {  	v4 =	vld.idx.msk [tilespmem:v1+s28+$0x40 ss:$0x1], $0xffff  }
0x8c: {  	v5 =	vld.idx.msk [tilespmem:v2+s28+$0x20 ss:$0x1], $0xffff;
	_ =	sdelay $0x4  }
0x8d: {  	v4 =	vsub.f32 v4, v5;
	_ =	sdelay $0x1  }
0x8e: {  	[tilespmem:v3+s28+$0x20 ss:$0x1] =	vst.idx.msk $0xffff, v4  }
0x8f: {  	v4 =	vld.idx.msk [tilespmem:v1+s28+$0x80 ss:$0x1], $0xffff  }
0x90: {  	v5 =	vld.idx.msk [tilespmem:v2+s28+$0x80 ss:$0x1], $0xffff;
	_ =	sdelay $0x4  }
0x91: {  	v4 =	vadd.f32 v5, v4;
	_ =	sdelay $0x1  }
0x92: {  	[tilespmem:v3+s28+$0x80 ss:$0x1] =	vst.idx.msk $0xffff, v4  }
0x93: {  	v4 =	vld.idx.msk [tilespmem:v1+s28+$0x90 ss:$0x1], $0xffff  }
0x94: {  	s29 =	sadd.s32 $0x7C00, s29;
	s30 =	simm.s32 $0x800;
	v5 =	vld.idx.msk [tilespmem:v2+s28+$0x90 ss:$0x1], $0xffff  }
.LBB2_9:
0x95: {  	_ =	sdelay $0x3  }
0x96: {  	p0 =	sne.s32 s30, $0x4800;
	s31 =	smov.u32 s30;
	s30 =	sadd.s32 $0x800, s30;
	v4 =	vadd.f32 v5, v4  }
0x97: {  	_ = 	snop  }
0x98: {  	[tilespmem:v3+s28+$0x90 ss:$0x1] =	vst.idx.msk $0xffff, v4  }
0x99: {  	v4 =	vld.idx.msk [tilespmem:v1+s28+$0xC0 ss:$0x1], $0xffff  }
0x9a: {  	v5 =	vld.idx.msk [tilespmem:v2+s28+$0xA0 ss:$0x1], $0xffff;
	_ =	sdelay $0x5  }
0x9b: {  	v4 =	vsub.f32 v4, v5;
	_ =	sdelay $0x1  }
0x9c: {  	[tilespmem:v3+s28+$0xA0 ss:$0x1] =	vst.idx.msk $0xffff, v4;
	s28 =	sshra.s32 s31, $0x2  }
0x9d: {  	v4 =	vld.idx.msk [tilespmem:v1+s28+$0xFFFFFF00 ss:$0x1], $0xffff  }
0x9e: {  	v5 =	vld.idx.msk [tilespmem:v2+s28+$0xFFFFFF00 ss:$0x1], $0xffff;
	_ =	sdelay $0x5  }
0x9f: {  	v4 =	vadd.f32 v5, v4;
	_ =	sdelay $0x1  }
0xa0: {  	[tilespmem:v3+s28+$0xFFFFFF00 ss:$0x1] =	vst.idx.msk $0xffff, v4  }
0xa1: {  	v4 =	vld.idx.msk [tilespmem:v1+s28+$0xFFFFFF10 ss:$0x1], $0xffff  }
0xa2: {  	v5 =	vld.idx.msk [tilespmem:v2+s28+$0xFFFFFF10 ss:$0x1], $0xffff;
	_ =	sdelay $0x5  }
0xa3: {  	v4 =	vadd.f32 v5, v4;
	_ =	sdelay $0x1  }
0xa4: {  	[tilespmem:v3+s28+$0xFFFFFF10 ss:$0x1] =	vst.idx.msk $0xffff, v4  }
0xa5: {  	v4 =	vld.idx.msk [tilespmem:v1+s28+$0xFFFFFF40 ss:$0x1], $0xffff  }
0xa6: {  	v5 =	vld.idx.msk [tilespmem:v2+s28+$0xFFFFFF20 ss:$0x1], $0xffff;
	_ =	sdelay $0x5  }
0xa7: {  	v4 =	vsub.f32 v4, v5;
	_ =	sdelay $0x1  }
0xa8: {  	[tilespmem:v3+s28+$0xFFFFFF20 ss:$0x1] =	vst.idx.msk $0xffff, v4  }
0xa9: {  	v4 =	vld.idx.msk [tilespmem:v1+s28+$0xFFFFFF80 ss:$0x1], $0xffff  }
0xaa: {  	v5 =	vld.idx.msk [tilespmem:v2+s28+$0xFFFFFF80 ss:$0x1], $0xffff;
	_ =	sdelay $0x5  }
0xab: {  	v4 =	vadd.f32 v5, v4;
	_ =	sdelay $0x1  }
0xac: {  	[tilespmem:v3+s28+$0xFFFFFF80 ss:$0x1] =	vst.idx.msk $0xffff, v4  }
0xad: {  	v4 =	vld.idx.msk [tilespmem:v1+s28+$0xFFFFFF90 ss:$0x1], $0xffff  }
0xae: {  	v5 =	vld.idx.msk [tilespmem:v2+s28+$0xFFFFFF90 ss:$0x1], $0xffff;
	_ =	sdelay $0x5  }
0xaf: {  	v4 =	vadd.f32 v5, v4;
	_ =	sdelay $0x1  }
0xb0: {  	[tilespmem:v3+s28+$0xFFFFFF90 ss:$0x1] =	vst.idx.msk $0xffff, v4  }
0xb1: {  	v4 =	vld.idx.msk [tilespmem:v1+s28+$0xFFFFFFC0 ss:$0x1], $0xffff  }
0xb2: {  	v5 =	vld.idx.msk [tilespmem:v2+s28+$0xFFFFFFA0 ss:$0x1], $0xffff;
	_ =	sdelay $0x5  }
0xb3: {  	v4 =	vsub.f32 v4, v5;
	_ =	sdelay $0x1  }
0xb4: {  	[tilespmem:v3+s28+$0xFFFFFFA0 ss:$0x1] =	vst.idx.msk $0xffff, v4  }
0xb5: {  	v4 =	vld.idx.msk [tilespmem:v1+s28+$0x0 ss:$0x1], $0xffff  }
0xb6: {  	v5 =	vld.idx.msk [tilespmem:v2+s28+$0x0 ss:$0x1], $0xffff;
	_ =	sdelay $0x5  }
0xb7: {  	v4 =	vadd.f32 v5, v4;
	_ =	sdelay $0x1  }
0xb8: {  	[tilespmem:v3+s28+$0x0 ss:$0x1] =	vst.idx.msk $0xffff, v4  }
0xb9: {  	v4 =	vld.idx.msk [tilespmem:v1+s28+$0x10 ss:$0x1], $0xffff  }
0xba: {  	v5 =	vld.idx.msk [tilespmem:v2+s28+$0x10 ss:$0x1], $0xffff;
	_ =	sdelay $0x5  }
0xbb: {  	v4 =	vadd.f32 v5, v4;
	_ =	sdelay $0x1  }
0xbc: {  	[tilespmem:v3+s28+$0x10 ss:$0x1] =	vst.idx.msk $0xffff, v4  }
0xbd: {  	v4 =	vld.idx.msk [tilespmem:v1+s28+$0x40 ss:$0x1], $0xffff  }
0xbe: {  	v5 =	vld.idx.msk [tilespmem:v2+s28+$0x20 ss:$0x1], $0xffff;
	_ =	sdelay $0x5  }
0xbf: {  	v4 =	vsub.f32 v4, v5;
	_ =	sdelay $0x1  }
0xc0: {  	[tilespmem:v3+s28+$0x20 ss:$0x1] =	vst.idx.msk $0xffff, v4  }
0xc1: {  	v4 =	vld.idx.msk [tilespmem:v1+s28+$0x80 ss:$0x1], $0xffff  }
0xc2: {  	v5 =	vld.idx.msk [tilespmem:v2+s28+$0x80 ss:$0x1], $0xffff;
	_ =	sdelay $0x5  }
.Ltmp4:
0xc3: {  	v4 =	vadd.f32 v5, v4;
	(pc) =	sbr.rel @p0 .LBB2_9-.Ltmp4, $4  }
0xc4: {  	_ = 	snop  }
0xc5: {  	[tilespmem:v3+s28+$0x80 ss:$0x1] =	vst.idx.msk $0xffff, v4  }
0xc6: {  	v4 =	vld.idx.msk [tilespmem:v1+s28+$0x90 ss:$0x1], $0xffff  }
0xc7: {  	v5 =	vld.idx.msk [tilespmem:v2+s28+$0x90 ss:$0x1], $0xffff  }
0xc8: {  	_ =	sdelay $0x3  }
0xc9: {  	v4 =	vadd.f32 v5, v4;
	_ =	sdelay $0x1  }
0xca: {  	[tilespmem:v3+s28+$0x90 ss:$0x1] =	vst.idx.msk $0xffff, v4  }
0xcb: {  	v1 =	vld.idx.msk [tilespmem:v1+s28+$0xC0 ss:$0x1], $0xffff  }
0xcc: {  	v2 =	vld.idx.msk [tilespmem:v2+s28+$0xA0 ss:$0x1], $0xffff;
	_ =	sdelay $0x2  }
0xcd: {  	s24 =	smul.u32 $0x28, s24  }
0xce: {  	p0 =	slt.u32 s25, $0x7D  }
.Ltmp5:
0xcf: {  	s24 =	sadd.s32 s5, s24;
	v1 =	vsub.f32 v1, v2;
	(pc) =	sbr.rel @p0 .LBB2_4-.Ltmp5, $4  }
0xd0: {  	s24 =	sshll.u32 s24, $0x4  }
0xd1: {  	s26 =	sadd.s32 $0x7, s26;
	s24 =	sadd.s32 s7, s24;
	[tilespmem:v3+s28+$0xA0 ss:$0x1] =	vst.idx.msk $0xffff, v1  }
0xd2: {  	[hbm4b:s24+s3] =	stream.linear.scatter [tilespmem:s29], [sflag:s26], $0x1400, $0x38;
	[tilespmem:$0xA400] =	vst v63  }
0xd3: {  	s24 =	smov.u32 s25  }
0xd4: {  	s23 =	sadd.s32 $0x1, s23  }
0xd5: {  	_ =	swait.ge [sflag:s21], $0x1400;
	p0 =	sne.s32 s23, s13  }
.Ltmp6:
0xd6: {  	[sflag:s21] =	ssyncset.done $0x0;
	(pc) =	sbr.rel @p0 .LBB2_1-.Ltmp6, $4  }
0xd7: {  	[sflag:s21] =	ssyncadd.s32 $0xFFFFEC00  }
0xd8: {  	_ =	swait.ge [sflag:s22], $0x1400  }
0xd9: {  	[sflag:s22] =	ssyncset.done $0x0  }
0xda: {  	[sflag:s22] =	ssyncadd.s32 $0xFFFFEC00  }
0xdb: {  	_ =	sfence.sel $0x180000  }
0xdc: {  	[bflag:$0x0] =	sbarrier.arrive $0xFFFF  }
0xdd: {  	p0 =	sne.s32 s1, $0x0;
	_ =	strace $0x90000047  }
0xde: {  	s0 =	sadd.s32 @!p0 $0x100000, s0;
	[bflag:$0x2] =	sbarrier.arrive $0xFFFF  }
0xdf: {  	[sflag:s0] =	ssyncadd.tile.s32 @!p0 $0x1;
	_ =	shalt  }
.Lfunc_end2:
_tile_overlayer_lowered:
.L_overlay_start_2:
0xe0: {  	(tag) =	ssettag $0x2  }
0xe1: {  	s0 =	rddreg [dreg:$0x0];
	s2 =	stileid.u32  }
0xe2: {  	s1 =	rddreg [dreg:$0x1];
	p0 =	sne.s32 s2, $0x0  }
0xe3: {  	s3 =	rddreg [dreg:$0x2];
	[bflag:$0x3] =	sbarrier.arrive $0xFFFF;
	s2 =	simm.s32 @!p0 $0x1C09  }
0xe4: {  	[timem:s3], [sflag:s2] =	dma.local @!p0 [hbm:s0], s1  }
0xe5: {  	s0 =	simm.s32 @!p0 $0x9  }
0xe6: {  	_ =	swait.ge @!p0 [sflag:s0], s1  }
0xe7: {  	s1 =	ssub.s32 @!p0 $0x0, s1;
	[sflag:s0] =	ssyncset.done @!p0 $0x0  }
0xe8: {  	[sflag:s0] =	ssyncadd.s32 @!p0 s1  }
0xe9: {  	[bflag:$0x3] =	sbarrier.arrive $0xFFFF  }
0xea: {  	_ =	shalt  }

// kernel: kernel.15.cloned.1.call-start
scs
__scs_entry_jumppad:
0x0: {  	(pc) =	sbr.rel $0x88, $3  }
0x1: {  	(tag) =	ssettag $0x0;
	lr =	simm.s32 $0x1  }
0x2: {  	[smem:$0x3F8D] =	sst lr;
	_ =	strace $0xD0000000  }
0x3: {  	_ = 	snop  }
0x4: {  	_ = 	snop  }
0x5: {  	_ = 	snop  }
0x6: {  	_ = 	snop  }
0x7: {  	_ = 	snop  }
__scs_overlays_trampoline_lowered:
0x8: {  	[smem:$0x3F9C] =	sst s0  }
0x9: {  	[smem:$0x3F9D] =	sst s1  }
0xa: {  	[smem:$0x3F9E] =	sst s2  }
0xb: {  	[smem:$0x3F9F] =	sst s3  }
0xc: {  	[smem:$0x3FA0] =	sst s4  }
0xd: {  	[smem:$0x3FA1] =	sst s5  }
0xe: {  	[smem:$0x3FA2] =	sst s6  }
0xf: {  	[smem:$0x3FA3] =	sst s7  }
0x10: {  	[smem:$0x3FA4] =	sst s8  }
0x11: {  	[smem:$0x3FA5] =	sst s9;
	s0 =	simm.s32 @!p0 $0x0  }
0x12: {  	s1 =	sld [smem:$0x3F8B];
	s0 =	simm.s32 @p0 $0x1  }
0x13: {  	[smem:$0x3FA6] =	sst s0;
	s0 =	simm.s32 @!p1 $0x0  }
0x14: {  	s2 =	sld [smem:$0x3F8A];
	s0 =	simm.s32 @p1 $0x1  }
0x15: {  	[smem:$0x3FA7] =	sst s0;
	s0 =	simm.s32 @!p2 $0x0  }
0x16: {  	s3 =	sld [smem:$0x3FDB];
	s0 =	simm.s32 @p2 $0x1  }
0x17: {  	s4 =	simm.s32 $0x1BF5;
	[smem:$0x3FA9] =	sst s0  }
0x18: {  	s0 =	sld [smem:$0x3F8C];
	_ =	swait.ge [sflag:s4], $0x0  }
0x19: {  	s7 =	sld [smem:$0x3F8D]  }
0x1a: {  	s8 =	sadd.s32 $0xFFFFE003, lr  }
0x1b: {  	s9 =	sadd.s32 $0xFFFFFEF7, lr;
	s5 =	simm.s32 $0xFFFFFFFF;
	p2 =	slt.u32 s8, $0xFFFFF086  }
0x1c: {  	p1 =	slt.u32 s9, $0xF7A;
	s5 =	simm.s32 @!p2 $0x0  }
0x1d: {  	s5 =	simm.s32 @p1 $0x1;
	p0 =	seq.s32 s7, s2  }
0x1e: {  	s7 =	smul.u32 @!p0 $0xF7A, s2;
	p2 =	seq.s32 @!p0 s5, $0x0  }
0x1f: {  	s9 =	smul.u32 $0xF7A, s1;
	s8 =	simm.s32 @!p0 $0x1BF5;
	p2 =	por !p2, p0  }
0x20: {  	[sflag:s8] =	ssyncset.s32 @!p0 $0xFFFFF086;
	s6 =	sadd.s32 @!p0 s3, s7;
	s7 =	simm.s32 @!p0 $0x108  }
0x21: {  	s3 =	sadd.s32 s3, s9;
	s6 =	sadd.s32 @!p0 $0x88, s6;
	s7 =	simm.s32 @p2 $0x1082  }
0x22: {  	[simem:s7], [sflag:s8] =	dma.local @!p0 [hbm:s6], $0xF7A  }
0x23: {  	s9 =	sor.u32 $0xD0000000, s2;
	s6 =	simm.s32 $0x108;
	_ =	swait.ge @!p0 [sflag:s8], $0x0  }
0x24: {  	s3 =	sadd.s32 $0x88, s3;
	s6 =	simm.s32 @!p1 $0x1082;
	[sflag:s4] =	ssyncset.s32 $0xFFFFF086  }
0x25: {  	[simem:s6], [sflag:s4] =	dma.local [hbm:s3], $0xF7A  }
0x26: {  	[smem:$0x3F8D] =	sst s1;
	(tag) =	ssettag s2;
	_ =	strace s9  }
0x27: {  	s1 =	sld [smem:$0x3F9D]  }
0x28: {  	s2 =	sld [smem:$0x3F9E]  }
0x29: {  	s4 =	sld [smem:$0x3FA0]  }
0x2a: {  	p0 =	seq.s32 s5, $0x0;
	s5 =	sld [smem:$0x3FA1]  }
0x2b: {  	s6 =	sld [smem:$0x3FA2]  }
0x2c: {  	s7 =	sld [smem:$0x3FA3]  }
0x2d: {  	s3 =	simm.s32 $0x108;
	s8 =	sld [smem:$0x3FA4]  }
0x2e: {  	s3 =	simm.s32 @!p0 $0x1082;
	s9 =	sld [smem:$0x3FA5]  }
0x2f: {  	lr =	sadd.s32 s0, s3;
	s0 =	sld [smem:$0x3F9C]  }
0x30: {  	s3 =	sld [smem:$0x3F9F]  }
0x31: {  	[smem:$0x3FA8] =	sst s10  }
0x32: {  	s10 =	sld [smem:$0x3FA6];
	_ =	sdelay $0x3  }
0x33: {  	p0 =	seq.s32 s10, $0x1;
	s10 =	sld [smem:$0x3FA8];
	_ =	sdelay $0x3  }
0x34: {  	[smem:$0x3FA8] =	sst s10  }
0x35: {  	s10 =	sld [smem:$0x3FA7];
	_ =	sdelay $0x3  }
0x36: {  	p1 =	seq.s32 s10, $0x1;
	s10 =	sld [smem:$0x3FA8];
	_ =	sdelay $0x3  }
0x37: {  	[smem:$0x3FA8] =	sst s10  }
0x38: {  	s10 =	sld [smem:$0x3FA9]  }
0x39: {  	_ = 	snop;
	(pc) =	sbr.ind lr, $3  }
0x3a: {  	_ = 	snop  }
0x3b: {  	_ = 	snop  }
0x3c: {  	p2 =	seq.s32 s10, $0x1;
	s10 =	sld [smem:$0x3FA8]  }
0x3d: {  	_ =	shalt  }
0x3e: {  	_ =	shalt  }
0x3f: {  	_ =	shalt  }
0x40: {  	_ =	shalt  }
0x41: {  	_ =	shalt  }
0x42: {  	_ =	shalt  }
0x43: {  	_ =	shalt  }
0x44: {  	_ =	shalt  }
0x45: {  	_ =	shalt  }
0x46: {  	_ =	shalt  }
0x47: {  	_ =	shalt  }
0x48: {  	_ =	shalt  }
0x49: {  	_ =	shalt  }
0x4a: {  	_ =	shalt  }
0x4b: {  	_ =	shalt  }
0x4c: {  	_ =	shalt  }
0x4d: {  	_ =	shalt  }
0x4e: {  	_ =	shalt  }
0x4f: {  	_ =	shalt  }
0x50: {  	_ =	shalt  }
0x51: {  	_ =	shalt  }
0x52: {  	_ =	shalt  }
0x53: {  	_ =	shalt  }
0x54: {  	_ =	shalt  }
0x55: {  	_ =	shalt  }
0x56: {  	_ =	shalt  }
0x57: {  	_ =	shalt  }
0x58: {  	_ =	shalt  }
0x59: {  	_ =	shalt  }
0x5a: {  	_ =	shalt  }
0x5b: {  	_ =	shalt  }
0x5c: {  	_ =	shalt  }
0x5d: {  	_ =	shalt  }
0x5e: {  	_ =	shalt  }
0x5f: {  	_ =	shalt  }
0x60: {  	_ =	shalt  }
0x61: {  	_ =	shalt  }
0x62: {  	_ =	shalt  }
0x63: {  	_ =	shalt  }
0x64: {  	_ =	shalt  }
0x65: {  	_ =	shalt  }
0x66: {  	_ =	shalt  }
0x67: {  	_ =	shalt  }
0x68: {  	_ =	shalt  }
0x69: {  	_ =	shalt  }
0x6a: {  	_ =	shalt  }
0x6b: {  	_ =	shalt  }
0x6c: {  	_ =	shalt  }
0x6d: {  	_ =	shalt  }
0x6e: {  	_ =	shalt  }
0x6f: {  	_ =	shalt  }
0x70: {  	_ =	shalt  }
0x71: {  	_ =	shalt  }
0x72: {  	_ =	shalt  }
0x73: {  	_ =	shalt  }
0x74: {  	_ =	shalt  }
0x75: {  	_ =	shalt  }
0x76: {  	_ =	shalt  }
0x77: {  	_ =	shalt  }
0x78: {  	_ =	shalt  }
0x79: {  	_ =	shalt  }
0x7a: {  	_ =	shalt  }
0x7b: {  	_ =	shalt  }
0x7c: {  	_ =	shalt  }
0x7d: {  	_ =	shalt  }
0x7e: {  	_ =	shalt  }
0x7f: {  	_ =	shalt  }
0x80: {  	_ =	shalt  }
0x81: {  	_ =	shalt  }
0x82: {  	_ =	shalt  }
0x83: {  	_ =	shalt  }
0x84: {  	_ =	shalt  }
0x85: {  	_ =	shalt  }
0x86: {  	_ =	shalt  }
0x87: {  	_ =	shalt  }
.Lfunc_end0:
.L_simem_size_0:
called_computation.2_lowered:
.L_overlay_start_0:
0x88: {  	s2 =	sld [smem:$0x3FD9]  }
0x89: {  	s3 =	sld [smem:$0x3FFE];
	_ =	sdelay $0x1  }
0x8a: {  	s1 =	srdreg.scid  }
0x8b: {  	s0 =	sand.u32 $0x1, s1  }
0x8c: {  	s16 =	sshll.u32 s0, $0xA;
	s2 =	sadd.s32 s3, s2  }
0x8d: {  	s2 =	sadd.s32 s2, s16  }
0x8e: {  	[smem:$0x3FB4] =	sst s2  }
0x8f: {  	_ = 	snop  }
0x90: {  	(tm) =	ssettm $0x1  }
0x91: {  	s17 =	sld [smem:$0x3FFB];
	_ =	sdelay $0x3  }
0x92: {  	_ =	strace s17  }
0x93: {  	s2 =	sld [smem:$0x3FFC];
	_ =	sdelay $0x3  }
0x94: {  	_ =	strace s2  }
0x95: {  	s2 =	sld [smem:$0x3FFD];
	_ =	sdelay $0x3  }
0x96: {  	_ =	strace s2  }
0x97: {  	_ =	strace $0x8FFFFFFF  }
0x98: {  	s18 =	sld [smem:$0x3FDB];
	_ =	sdelay $0x1  }
0x99: {  	s19 =	simm.s32 $_scs_section_size  }
0x9a: {  	s4 =	simm.s32 $_size__tile_overlayer_lowered;
	s5 =	simm.s32 $_tile_overlayer_lowered  }
0x9b: {  	s22 =	simm.s32 $0x1BFF;
	s21 =	sshll.u32 s5, $0x1;
	s2 =	sadd.s32 s19, s18  }
0x9c: {  	s6 =	simm.s32 $0x0;
	s20 =	sshll.u32 s4, $0x1;
	s4 =	sadd.s32 s21, s2  }
0x9d: {  	[timem:s6], [sflag:s22] =	dma.local [hbm:s4], s20  }
0x9e: {  	_ =	swait.ge [sflag:s22], s20  }
0x9f: {  	s3 =	ssub.s32 $0x0, s20;
	[sflag:s22] =	ssyncset.done $0x0  }
0xa0: {  	[sflag:s22] =	ssyncadd.s32 s3;
	_ =	sdelay $0x1  }
0xa1: {  	s23 =	simm.s32 $0x1B8B  }
0xa2: {  	_ =	swait.ge [sflag:s23], $0x1  }
0xa3: {  	[sflag:s23] =	ssyncset.done $0x0  }
0xa4: {  	s25 =	simm.s32 $0x1B8E;
	s24 =	sld [smem:$0x3FFE];
	[sflag:s23] =	ssyncadd.s32 $0xFFFFFFFF  }
0xa5: {  	s26 =	simm.s32 $execute0_lowered;
	[smem:$0x3FD2] =	sst s25  }
0xa6: {  	s4 =	sshll.u32 s26, $0x1;
	_ =	strace $0x8000004C;
	[dreg:$0x1] =	wrdreg $0xFFFFFFFF  }
0xa7: {  	s28 =	simm.s32 $_size_execute0_lowered;
	s2 =	sadd.s32 s2, s4;
	[dreg:$0x0] =	wrdreg $0x0  }
0xa8: {  	s4 =	sshll.u32 s28, $0x1;
	[dreg:$0x2] =	wrdreg s2  }
0xa9: {  	[dreg:$0x3] =	wrdreg s4  }
0xaa: {  	[dreg:$0x4] =	wrdreg $0xC0  }
0xab: {  	_ =	task [dreg:s6], $0x5FFFF  }
0xac: {  	[dreg:$0x1] =	wrdreg $0xFFFFFFFF  }
0xad: {  	[dreg:$0x0] =	wrdreg $0x60  }
0xae: {  	[dreg:$0x2] =	wrdreg s24  }
0xaf: {  	[dreg:$0x3] =	wrdreg $0xA2000  }
0xb0: {  	[dreg:$0x4] =	wrdreg $0x9  }
0xb1: {  	_ =	task.clear_ibuf [dreg:s6], $0x5FFFF;
	_ =	strace $0x9000004C  }
0xb2: {  	s29 =	simm.s32 $0x9;
	_ =	strace $0x8000004E  }
0xb3: {  	_ =	swait.ge [sflag:s29], $0x1  }
0xb4: {  	[sflag:s29] =	ssyncadd.s32 $0xFFFFFFFF  }
0xb5: {  	_ =	strace $0x9000004E  }
0xb6: {  	_ =	sfence  }
0xb7: {  	s30 =	sld [smem:$0x0];
	_ =	sdelay $0x2  }
0xb8: {  	s31 =	sshll.u32 s1, $0xD;
	s1 =	sshrl.u32 s1, $0x2  }
0xb9: {  	s3 =	sand.u32 $0x4000, s31;
	s1 =	sadd.s32 s1, s30  }
0xba: {  	s0 =	sor.u32 s3, s0;
	s1 =	sshll.u32 s1, $0x11  }
0xbb: {  	s0 =	sor.u32 s1, s0  }
0xbc: {  	s0 =	sadd.s32 $0x8F2B, s0  }
0xbd: {  	[sflag:s0] =	ssyncadd.remote.s32 $0x1  }
0xbe: {  	_ =	sfence.sel $0xFFFF  }
0xbf: {  	[dreg:$0x0] =	wrdreg $0xFFFFFFFF;
	(pc) =	sbr.abs _section_cstart, $3  }
0xc0: {  	[dreg:$0x1] =	wrdreg $0xFFFFFFFF  }
0xc1: {  	_ =	task.clear_ibuf [dreg:s6], $0x2FFFF;
	_ =	strace $0x9FFFFFFF  }
0xc2: {  	(tm) =	ssettm $0x7FFFFFFF  }
0xc3: {  	_ =	shalt  }
tec
execute0_lowered:
.L_overlay_start_1:
0x0: {  	(tag) =	ssettag $0x1  }
0x1: {  	s0 =	rddreg [dreg:$0x0]  }
0x2: {  	s2 =	srdreg.scid;
	s23 =	stileid.u32  }
0x3: {  	s1 =	simm.s32 $0x0;
	s30 =	simm.s32 $0x7A00;
	s31 =	simm.s32 $0x7  }
0x4: {  	s3 =	sand.u32 $0x1, s2;
	s22 =	sshll.u32 s23, $0x1;
	s29 =	smul.u32 $0x271000, s23  }
0x5: {  	[smem:$0x7FF] =	sst s1;
	s6 =	sadd.s32 $0x17E00, s0;
	s13 =	smul.u32 $0x4E20, s23  }
0x6: {  	s2 =	sadd.s32 $0x9DC000, s0;
	s28 =	sor.u32 $0x10, s23;
	s4 =	smul.u32 $0x27100, s3  }
0x7: {  	s8 =	sadd.s32 $0xE000, s0;
	s5 =	sor.u32 s3, s22;
	s14 =	smul.u32 $0xA000, s28  }
0x8: {  	p0 =	sgt.u32 s23, $0x7;
	s18 =	sor.u32 $0x20, s23;
	s7 =	smul.u32 $0x2710, s5  }
0x9: {  	s19 =	sor.u32 $0x30, s23;
	s9 =	ssub.s32 $0x2, s3;
	s10 =	smul.u32 $0x27100, s5  }
0xa: {  	s20 =	sor.u32 $0x40, s23;
	s24 =	sshrl.u32 s9, $0x1;
	s5 =	smul.u32 $0x138800, s5  }
0xb: {  	s11 =	sadd.s32 s4, s0;
	s0 =	ssub.s32 s9, s24;
	s24 =	smul.u32 $0x2710, s3  }
0xc: {  	s21 =	sor.u32 $0x50, s23;
	s22 =	sor.u32 $0x60, s23;
	s3 =	smul.u32 $0x138800, s3  }
0xd: {  	s25 =	sshrl.u32 s7, $0x3;
	s15 =	sadd.s32 s6, s10;
	s10 =	smul.u32 $0x500, s28  }
0xe: {  	s26 =	sadd.s32 $0xFEC78000, s5;
	s5 =	sadd.s32 $0xFEC7A800, s5;
	s28 =	smul.u32 $0x500, s20  }
0xf: {  	s7 =	sadd.s32 $0x50, s7;
	s17 =	sadd.s32 $0x288E00, s11;
	s11 =	smul.u32 $0xA000, s22  }
0x10: {  	s9 =	sadd.s32 s8, s25;
	s12 =	sshrl.u32 s7, $0x3;
	s7 =	sshll.u32 s7, $0x4  }
0x11: {  	s5 =	sshrl.u32 s5, $0x3;
	s25 =	smul.u32 $0x4E200, s23;
	s3 =	sadd.s32 s3, s29  }
0x12: {  	s29 =	smul.u32 $0x500, s21;
	[dreg:$0x3] =	wrdreg s9;
	s9 =	sshrl.u32 s26, $0x3  }
0x13: {  	s12 =	sadd.s32 s8, s12;
	s16 =	sadd.s32 s6, s7;
	s7 =	smul.u32 $0x500, s18  }
0x14: {  	s5 =	sadd.s32 s2, s5;
	s26 =	smul.u32 $0x500, s19;
	s9 =	sadd.s32 s2, s9  }
0x15: {  	[dreg:$0x5] =	wrdreg s12;
	s12 =	smul.u32 $0x500, s23;
	s16 =	smov.u32 @p0 s5  }
0x16: {  	s5 =	sor.u32 $0x70, s23;
	s6 =	sadd.s32 s25, s6;
	s15 =	smov.u32 @p0 s9  }
0x17: {  	[dreg:$0x6] =	wrdreg s16;
	s6 =	sadd.s32 s4, s6;
	s4 =	smul.u32 $0x500, s5  }
0x18: {  	s9 =	sadd.s32 s24, s13;
	s25 =	sadd.s32 s26, s17;
	s26 =	smul.u32 $0xA000, s23  }
0x19: {  	p1 =	sgt.u32 s5, $0x7C;
	s13 =	sadd.s32 s29, s17;
	s29 =	smul.u32 $0xA000, s19  }
0x1a: {  	s24 =	sadd.s32 s10, s17;
	s10 =	smul.u32 $0xA000, s21;
	[dreg:$0x4] =	wrdreg s15  }
0x1b: {  	s7 =	sadd.s32 s7, s17;
	s5 =	smul.u32 $0xA000, s5;
	[dreg:$0x9] =	wrdreg s24  }
0x1c: {  	s9 =	sadd.s32 $0xA0, s9;
	s16 =	sadd.s32 s12, s17;
	[dreg:$0xa] =	wrdreg s7  }
0x1d: {  	[dreg:$0xb] =	wrdreg s25;
	s12 =	sadd.s32 s28, s17;
	s28 =	smul.u32 $0xA000, s18  }
0x1e: {  	s18 =	smax.u32 s0, $0x1;
	s6 =	sadd.s32 $0xA00, s6;
	[dreg:$0x8] =	wrdreg s16  }
0x1f: {  	s9 =	sshrl.u32 s9, $0x3;
	s16 =	rddreg [dreg:$0x1];
	s7 =	sshrl.u32 s26, $0x2  }
0x20: {  	s25 =	sshrl.u32 s29, $0x2;
	s26 =	sshrl.u32 s10, $0x2;
	s29 =	sshrl.u32 s5, $0x2  }
0x21: {  	s8 =	sadd.s32 s9, s8;
	s9 =	smul.u32 $0x500, s22;
	s19 =	sadd.s32 s7, s16  }
0x22: {  	s22 =	sadd.s32 s25, s16;
	s24 =	sadd.s32 s26, s16;
	s26 =	sadd.s32 s29, s16  }
0x23: {  	[dreg:$0x7] =	wrdreg s8;
	s8 =	smul.u32 $0xA000, s20;
	s15 =	sadd.s32 s9, s17  }
.Ltmp0:
0x24: {  	s17 =	sadd.s32 @!p1 s4, s17;
	_ =	strace $0x8000004D;
	(pc) =	sbr.rel .LBB2_1-.Ltmp0, $4  }
0x25: {  	s9 =	sshrl.u32 s14, $0x2;
	s4 =	sshrl.u32 s28, $0x2;
	s28 =	sshrl.u32 s11, $0x2  }
0x26: {  	s14 =	simm.s32 $0x5;
	s20 =	sadd.s32 s9, s16;
	s21 =	sadd.s32 s4, s16  }
0x27: {  	s0 =	sshrl.u32 s8, $0x2;
	s25 =	sadd.s32 s28, s16;
	s4 =	sadd.s32 $0xFEC7D000, s3  }
0x28: {  	v0 =	vimm.f32 $0.0e+00;
	s3 =	simm.s32 $0x0;
	s23 =	sadd.s32 s0, s16;
	s0 =	simm.s32 $0x50  }
.LBB2_7:
0x29: {  	_ =	swait.ge [sflag:s14], $0x2800  }
0x2a: {  	[sflag:s14] =	ssyncset.done $0x0  }
0x2b: {  	s5 =	stileid.u32;
	[sflag:s14] =	ssyncadd.s32 $0xFFFFD800  }
0x2c: {  	s5 =	sshll.u32 s5, $0x6;
	[bflag:$0x0] =	sbarrier.arrive $0xFFFF  }
0x2d: {  	s7 =	sshrl.u32 s19, $0x3;
	s5 =	sor.u32 $0x1C07, s5;
	s8 =	rddreg [dreg:$0x8]  }
0x2e: {  	[hbm:s8], [sflag:s5] =	dma.local [spmem:s7], $0x500  }
0x2f: {  	_ =	swait.ge [sflag:s31], $0x500  }
0x30: {  	[sflag:s31] =	ssyncset.done $0x0  }
0x31: {  	s10 =	sshrl.u32 s20, $0x3;
	s11 =	rddreg [dreg:$0x9];
	[sflag:s31] =	ssyncadd.s32 $0xFFFFFB00  }
0x32: {  	[hbm:s11], [sflag:s5] =	dma.local [spmem:s10], $0x500  }
0x33: {  	_ =	swait.ge [sflag:s31], $0x500  }
0x34: {  	[sflag:s31] =	ssyncset.done $0x0  }
0x35: {  	s28 =	sshrl.u32 s21, $0x3;
	s29 =	rddreg [dreg:$0xa];
	[sflag:s31] =	ssyncadd.s32 $0xFFFFFB00  }
0x36: {  	[hbm:s29], [sflag:s5] =	dma.local [spmem:s28], $0x500  }
0x37: {  	_ =	swait.ge [sflag:s31], $0x500  }
0x38: {  	[sflag:s31] =	ssyncset.done $0x0  }
0x39: {  	s9 =	sshrl.u32 s22, $0x3;
	s10 =	rddreg [dreg:$0xb];
	[sflag:s31] =	ssyncadd.s32 $0xFFFFFB00  }
0x3a: {  	[hbm:s10], [sflag:s5] =	dma.local [spmem:s9], $0x500  }
0x3b: {  	_ =	swait.ge [sflag:s31], $0x500  }
0x3c: {  	[sflag:s31] =	ssyncset.done $0x0  }
0x3d: {  	s11 =	sshrl.u32 s23, $0x3;
	[sflag:s31] =	ssyncadd.s32 $0xFFFFFB00  }
0x3e: {  	[hbm:s12], [sflag:s5] =	dma.local [spmem:s11], $0x500  }
0x3f: {  	_ =	swait.ge [sflag:s31], $0x500  }
0x40: {  	[sflag:s31] =	ssyncset.done $0x0  }
0x41: {  	s28 =	sshrl.u32 s24, $0x3;
	[sflag:s31] =	ssyncadd.s32 $0xFFFFFB00  }
0x42: {  	[hbm:s13], [sflag:s5] =	dma.local [spmem:s28], $0x500  }
0x43: {  	_ =	swait.ge [sflag:s31], $0x500  }
0x44: {  	[sflag:s31] =	ssyncset.done $0x0  }
0x45: {  	s29 =	sshrl.u32 s25, $0x3;
	[sflag:s31] =	ssyncadd.s32 $0xFFFFFB00  }
0x46: {  	[hbm:s15], [sflag:s5] =	dma.local [spmem:s29], $0x500  }
0x47: {  	_ =	swait.ge [sflag:s31], $0x500  }
0x48: {  	s3 =	sadd.s32 $0x1, s3;
	[sflag:s31] =	ssyncset.done $0x0  }
0x49: {  	p2 =	sne.s32 s3, s18;
	s7 =	sshrl.u32 @!p1 s26, $0x3;
	[sflag:s31] =	ssyncadd.s32 $0xFFFFFB00  }
0x4a: {  	[hbm:s17], [sflag:s5] =	dma.local @!p1 [spmem:s7], $0x500  }
.Ltmp1:
0x4b: {  	_ = 	snop;
	(pc) =	sbr.rel @!p2 .LBB2_8-.Ltmp1, $4  }
0x4c: {  	s5 =	simm.s32 @!p1 $0x7  }
0x4d: {  	_ =	swait.ge @!p1 [sflag:s5], $0x500  }
0x4e: {  	[sflag:s5] =	ssyncset.done @!p1 $0x0  }
0x4f: {  	[sflag:s5] =	ssyncadd.s32 @!p1 $0xFFFFFB00  }
.LBB2_1:
0x50: {  	s5 =	simm.s32 $0x0;
	s7 =	simm.s32 $0x200  }
.LBB2_2:
0x51: {  	p2 =	sne.s32 s7, $0x9E00;
	[tilespmem:s5+$0x7A70] =	vst v0  }
0x52: {  	[tilespmem:s5+$0x7A00] =	vst v0  }
0x53: {  	[tilespmem:s5+$0x7A10] =	vst v0  }
.Ltmp2:
0x54: {  	[tilespmem:s5+$0x7A20] =	vst v0;
	(pc) =	sbr.rel @p2 .LBB2_2-.Ltmp2, $4  }
0x55: {  	[tilespmem:s5+$0x7A30] =	vst v0  }
0x56: {  	[tilespmem:s5+$0x7A40] =	vst v0  }
0x57: {  	[tilespmem:s5+$0x7A50] =	vst v0  }
0x58: {  	[tilespmem:s5+$0x7A60] =	vst v0;
	s5 =	sshra.s32 s7, $0x2;
	s7 =	sadd.s32 $0x200, s7  }
0x59: {  	[tilespmem:s5+$0x7A70] =	vst v0  }
0x5a: {  	[tilespmem:s5+$0x7A00] =	vst v0  }
0x5b: {  	[tilespmem:s5+$0x7A10] =	vst v0  }
0x5c: {  	[tilespmem:s5+$0x7A20] =	vst v0  }
0x5d: {  	[tilespmem:s5+$0x7A30] =	vst v0  }
0x5e: {  	[tilespmem:s5+$0x7A40] =	vst v0  }
0x5f: {  	[tilespmem:s5+$0x7A50] =	vst v0  }
0x60: {  	[tilespmem:s5+$0x7A60] =	vst v0  }
0x61: {  	[spmem:s19] =	stream.linear.scatter [tilespmem:s30], [sflag:$0x7], $0x2800, $0x38;
	[tilespmem:$0x1DA80] =	vst v63  }
0x62: {  	_ =	swait.ge [sflag:s31], $0x2800  }
0x63: {  	[sflag:s31] =	ssyncset.done $0x0  }
0x64: {  	[sflag:s31] =	ssyncadd.s32 $0xFFFFD800  }
0x65: {  	[spmem:s20] =	stream.linear.scatter [tilespmem:s30], [sflag:$0x7], $0x2800, $0x38;
	[tilespmem:$0x1DA80] =	vst v63  }
0x66: {  	_ =	swait.ge [sflag:s31], $0x2800  }
0x67: {  	[sflag:s31] =	ssyncset.done $0x0  }
0x68: {  	[sflag:s31] =	ssyncadd.s32 $0xFFFFD800  }
0x69: {  	[spmem:s21] =	stream.linear.scatter [tilespmem:s30], [sflag:$0x7], $0x2800, $0x38;
	[tilespmem:$0x1DA80] =	vst v63  }
0x6a: {  	_ =	swait.ge [sflag:s31], $0x2800  }
0x6b: {  	[sflag:s31] =	ssyncset.done $0x0  }
0x6c: {  	[sflag:s31] =	ssyncadd.s32 $0xFFFFD800  }
0x6d: {  	[spmem:s22] =	stream.linear.scatter [tilespmem:s30], [sflag:$0x7], $0x2800, $0x38;
	[tilespmem:$0x1DA80] =	vst v63  }
0x6e: {  	_ =	swait.ge [sflag:s31], $0x2800  }
0x6f: {  	[sflag:s31] =	ssyncset.done $0x0  }
0x70: {  	[sflag:s31] =	ssyncadd.s32 $0xFFFFD800  }
0x71: {  	[spmem:s23] =	stream.linear.scatter [tilespmem:s30], [sflag:$0x7], $0x2800, $0x38;
	[tilespmem:$0x1DA80] =	vst v63  }
0x72: {  	_ =	swait.ge [sflag:s31], $0x2800  }
0x73: {  	[sflag:s31] =	ssyncset.done $0x0  }
0x74: {  	[sflag:s31] =	ssyncadd.s32 $0xFFFFD800  }
0x75: {  	[spmem:s24] =	stream.linear.scatter [tilespmem:s30], [sflag:$0x7], $0x2800, $0x38;
	[tilespmem:$0x1DA80] =	vst v63  }
0x76: {  	_ =	swait.ge [sflag:s31], $0x2800  }
0x77: {  	[sflag:s31] =	ssyncset.done $0x0  }
0x78: {  	[sflag:s31] =	ssyncadd.s32 $0xFFFFD800  }
0x79: {  	[spmem:s25] =	stream.linear.scatter [tilespmem:s30], [sflag:$0x7], $0x2800, $0x38;
	[tilespmem:$0x1DA80] =	vst v63  }
0x7a: {  	_ =	swait.ge [sflag:s31], $0x2800  }
0x7b: {  	[sflag:s31] =	ssyncset.done $0x0  }
0x7c: {  	s5 =	simm.s32 @!p1 $0x7A00;
	[sflag:s31] =	ssyncadd.s32 $0xFFFFD800  }
0x7d: {  	[spmem:s26] =	stream.linear.scatter @!p1 [tilespmem:s5], [sflag:$0x7], $0x2800, $0x38;
	[tilespmem:$0x1DA80] =	vst v63  }
0x7e: {  	s5 =	simm.s32 @!p1 $0x7  }
0x7f: {  	_ =	swait.ge @!p1 [sflag:s5], $0x2800  }
0x80: {  	[sflag:s5] =	ssyncset.done @!p1 $0x0  }
0x81: {  	[sflag:s5] =	ssyncadd.s32 @!p1 $0xFFFFD800  }
0x82: {  	[bflag:$0x0] =	sbarrier.arrive $0xFFFF  }
0x83: {  	s5 =	simm.s32 $0x0;
	s7 =	rddreg [dreg:$0x3]  }
0x84: {  	[tilespmem:s5], [sflag:$0x1] =	stream.linear.gather [hbm4b:s7+s5], $0x50, $0x38;
	[tilespmem:$0x1DA80] =	vst v63  }
0x85: {  	s8 =	simm.s32 $0x200;
	s11 =	rddreg [dreg:$0x4]  }
0x86: {  	[tilespmem:s8], [sflag:$0x1] =	stream.linear.gather [hbm4b:s11+s5], $0x2800, $0x38;
	[tilespmem:$0x1DA80] =	vst v63  }
.Ltmp3:
0x87: {  	s10 =	rddreg [dreg:$0x6];
	(pc) =	sbr.rel .LBB2_4-.Ltmp3, $4  }
0x88: {  	s9 =	simm.s32 $0x80;
	s29 =	smov.u32 s6;
	s8 =	rddreg [dreg:$0x5]  }
0x89: {  	[tilespmem:s9], [sflag:$0x2] =	stream.linear.gather [hbm4b:s8+s5], $0x50, $0x38;
	[tilespmem:$0x1DA80] =	vst v63  }
0x8a: {  	s28 =	smov.u32 s4;
	s7 =	rddreg [dreg:$0x7];
	s11 =	simm.s32 $0x2A00  }
0x8b: {  	[tilespmem:s11], [sflag:$0x2] =	stream.linear.gather [hbm4b:s10+s5], $0x2800, $0x38;
	[tilespmem:$0x1DA80] =	vst v63  }
.LBB2_6:
0x8c: {  	s8 =	smul.u32 $0xAB, s5;
	_ =	sdelay $0x1  }
0x8d: {  	s8 =	sshrl.u32 s8, $0x9  }
0x8e: {  	s8 =	sand.u32 $0x7F, s8  }
0x8f: {  	s8 =	smul.u32 $0x3, s8;
	_ =	sdelay $0x1  }
0x90: {  	s8 =	ssub.s32 s5, s8  }
0x91: {  	s8 =	sand.u32 $0xFF, s8  }
0x92: {  	s9 =	sadd.s32 $0x1, s8  }
0x93: {  	s5 =	sadd.s32 $0x1, s5;
	_ =	swait.ge [sflag:s9], $0x50  }
0x94: {  	p2 =	sne.s32 s5, $0x7D;
	s10 =	smul.u32 $0xA000, s8;
	[sflag:s9] =	ssyncset.done $0x0  }
.Ltmp4:
0x95: {  	s28 =	sadd.s32 $0x2800, s28;
	[sflag:s9] =	ssyncadd.s32 $0xFFFFFFB0;
	(pc) =	sbr.rel @!p2 .LBB2_7-.Ltmp4, $4  }
0x96: {  	s29 =	sadd.s32 $0x500, s29;
	s7 =	sadd.s32 $0xA, s7;
	_ =	swait.ge [sflag:s9], $0x2800  }
0x97: {  	s11 =	sshll.u32 s8, $0x7;
	s10 =	sshrl.u32 s10, $0x2;
	[sflag:s9] =	ssyncset.done $0x0  }
0x98: {  	s8 =	sor.u32 $0x4, s8;
	s10 =	sor.u32 $0x200, s10;
	[sflag:s9] =	ssyncadd.s32 $0xFFFFD800  }
0x99: {  	[spmem:s16] =	stream.indirect.scatter.add.f32 [tilespmem:s10], [sflag:s8], $0x80, s11, s0, $0xb8;
	[tilespmem:$0x1DA80] =	vst v63  }
.LBB2_4:
0x9a: {  	p2 =	seq.s32 s5, $0x0  }
0x9b: {  	s8 =	sadd.s32 @!p2 $0xFFFFFFFF, s5  }
0x9c: {  	s9 =	sand.u32 @!p2 $0xFF, s8  }
0x9d: {  	s9 =	smul.u32 @!p2 $0xAB, s9;
	_ =	sdelay $0x1  }
0x9e: {  	s9 =	sshrl.u32 @!p2 s9, $0x9  }
0x9f: {  	s9 =	smul.u32 @!p2 $0x3, s9  }
0xa0: {  	p3 =	sgt.u32 @!p2 s5, $0x7A  }
0xa1: {  	p3 =	por p2, !p3;
	s8 =	ssub.s32 @!p2 s8, s9  }
.Ltmp5:
0xa2: {  	s8 =	sor.u32 @!p2 $0x4, s8;
	(pc) =	sbr.rel @!p3 .LBB2_6-.Ltmp5, $4  }
0xa3: {  	s8 =	sand.u32 @!p2 $0xFF, s8  }
0xa4: {  	_ =	swait.ge @!p2 [sflag:s8], $0x2800  }
0xa5: {  	[sflag:s8] =	ssyncset.done @!p2 $0x0  }
0xa6: {  	[sflag:s8] =	ssyncadd.s32 @!p2 $0xFFFFD800  }
0xa7: {  	s8 =	sadd.s32 $0x2, s5  }
0xa8: {  	s9 =	smul.u32 $0xAB, s8;
	_ =	sdelay $0x1  }
0xa9: {  	s9 =	sshrl.u32 s9, $0x9  }
0xaa: {  	s9 =	sand.u32 $0x7F, s9  }
0xab: {  	s9 =	smul.u32 $0x3, s9;
	_ =	sdelay $0x1  }
0xac: {  	s8 =	ssub.s32 s8, s9  }
0xad: {  	s8 =	sand.u32 $0xFF, s8  }
0xae: {  	s9 =	sadd.s32 $0x1, s8;
	s10 =	sshll.u32 s8, $0x7;
	s8 =	smul.u32 $0xA000, s8  }
.Ltmp6:
0xaf: {  	s11 =	sshrl.u32 s28, $0x3;
	(pc) =	sbr.rel .LBB2_6-.Ltmp6, $4  }
0xb0: {  	[tilespmem:s10], [sflag:s9] =	stream.linear.gather [hbm4b:s7+s1], $0x50, $0x38;
	[tilespmem:$0x1DA80] =	vst v63  }
0xb1: {  	s10 =	sadd.s32 s2, s11;
	s11 =	smov.u32 s29;
	s8 =	sshrl.u32 s8, $0x2  }
0xb2: {  	s11 =	smov.u32 @p0 s10;
	s8 =	sor.u32 $0x200, s8  }
0xb3: {  	[tilespmem:s8], [sflag:s9] =	stream.linear.gather [hbm4b:s11+s1], $0x2800, $0x38;
	[tilespmem:$0x1DA80] =	vst v63  }
.LBB2_8:
0xb4: {  	_ =	sfence.sel $0x180000  }
0xb5: {  	[bflag:$0x0] =	sbarrier.arrive $0xFFFF  }
0xb6: {  	_ =	strace $0x9000004D  }
0xb7: {  	s0 =	stileid.u32;
	[bflag:$0x2] =	sbarrier.arrive $0xFFFF  }
0xb8: {  	p0 =	sne.s32 s0, $0x0;
	s0 =	rddreg [dreg:$0x2]  }
0xb9: {  	s0 =	sadd.s32 @!p0 $0x100000, s0  }
0xba: {  	[sflag:s0] =	ssyncadd.tile.s32 @!p0 $0x1;
	_ =	shalt  }
.Lfunc_end2:
_tile_overlayer_lowered:
.L_overlay_start_2:
0xbb: {  	(tag) =	ssettag $0x2  }
0xbc: {  	s0 =	rddreg [dreg:$0x0];
	s2 =	stileid.u32  }
0xbd: {  	s1 =	rddreg [dreg:$0x1];
	p0 =	sne.s32 s2, $0x0  }
0xbe: {  	s3 =	rddreg [dreg:$0x2];
	[bflag:$0x3] =	sbarrier.arrive $0xFFFF;
	s2 =	simm.s32 @!p0 $0x1C07  }
0xbf: {  	[timem:s3], [sflag:s2] =	dma.local @!p0 [hbm:s0], s1  }
0xc0: {  	s0 =	simm.s32 @!p0 $0x7  }
0xc1: {  	_ =	swait.ge @!p0 [sflag:s0], s1  }
0xc2: {  	s1 =	ssub.s32 @!p0 $0x0, s1;
	[sflag:s0] =	ssyncset.done @!p0 $0x0  }
0xc3: {  	[sflag:s0] =	ssyncadd.s32 @!p0 s1  }
0xc4: {  	[bflag:$0x3] =	sbarrier.arrive $0xFFFF  }
0xc5: {  	_ =	shalt  }

// kernel: kernel.9.cloned.1.call-start
scs
__scs_entry_jumppad:
0x0: {  	(pc) =	sbr.rel $0x88, $3  }
0x1: {  	(tag) =	ssettag $0x0;
	lr =	simm.s32 $0x1  }
0x2: {  	[smem:$0x3F8D] =	sst lr;
	_ =	strace $0xD0000000  }
0x3: {  	_ = 	snop  }
0x4: {  	_ = 	snop  }
0x5: {  	_ = 	snop  }
0x6: {  	_ = 	snop  }
0x7: {  	_ = 	snop  }
__scs_overlays_trampoline_lowered:
0x8: {  	[smem:$0x3F9C] =	sst s0  }
0x9: {  	[smem:$0x3F9D] =	sst s1  }
0xa: {  	[smem:$0x3F9E] =	sst s2  }
0xb: {  	[smem:$0x3F9F] =	sst s3  }
0xc: {  	[smem:$0x3FA0] =	sst s4  }
0xd: {  	[smem:$0x3FA1] =	sst s5  }
0xe: {  	[smem:$0x3FA2] =	sst s6  }
0xf: {  	[smem:$0x3FA3] =	sst s7  }
0x10: {  	[smem:$0x3FA4] =	sst s8  }
0x11: {  	[smem:$0x3FA5] =	sst s9;
	s0 =	simm.s32 @!p0 $0x0  }
0x12: {  	s1 =	sld [smem:$0x3F8B];
	s0 =	simm.s32 @p0 $0x1  }
0x13: {  	[smem:$0x3FA6] =	sst s0;
	s0 =	simm.s32 @!p1 $0x0  }
0x14: {  	s2 =	sld [smem:$0x3F8A];
	s0 =	simm.s32 @p1 $0x1  }
0x15: {  	[smem:$0x3FA7] =	sst s0;
	s0 =	simm.s32 @!p2 $0x0  }
0x16: {  	s3 =	sld [smem:$0x3FDB];
	s0 =	simm.s32 @p2 $0x1  }
0x17: {  	s4 =	simm.s32 $0x1BF5;
	[smem:$0x3FA9] =	sst s0  }
0x18: {  	s0 =	sld [smem:$0x3F8C];
	_ =	swait.ge [sflag:s4], $0x0  }
0x19: {  	s7 =	sld [smem:$0x3F8D]  }
0x1a: {  	s8 =	sadd.s32 $0xFFFFE003, lr  }
0x1b: {  	s9 =	sadd.s32 $0xFFFFFEF7, lr;
	s5 =	simm.s32 $0xFFFFFFFF;
	p2 =	slt.u32 s8, $0xFFFFF086  }
0x1c: {  	p1 =	slt.u32 s9, $0xF7A;
	s5 =	simm.s32 @!p2 $0x0  }
0x1d: {  	s5 =	simm.s32 @p1 $0x1;
	p0 =	seq.s32 s7, s2  }
0x1e: {  	s7 =	smul.u32 @!p0 $0xF7A, s2;
	p2 =	seq.s32 @!p0 s5, $0x0  }
0x1f: {  	s9 =	smul.u32 $0xF7A, s1;
	s8 =	simm.s32 @!p0 $0x1BF5;
	p2 =	por !p2, p0  }
0x20: {  	[sflag:s8] =	ssyncset.s32 @!p0 $0xFFFFF086;
	s6 =	sadd.s32 @!p0 s3, s7;
	s7 =	simm.s32 @!p0 $0x108  }
0x21: {  	s3 =	sadd.s32 s3, s9;
	s6 =	sadd.s32 @!p0 $0x88, s6;
	s7 =	simm.s32 @p2 $0x1082  }
0x22: {  	[simem:s7], [sflag:s8] =	dma.local @!p0 [hbm:s6], $0xF7A  }
0x23: {  	s9 =	sor.u32 $0xD0000000, s2;
	s6 =	simm.s32 $0x108;
	_ =	swait.ge @!p0 [sflag:s8], $0x0  }
0x24: {  	s3 =	sadd.s32 $0x88, s3;
	s6 =	simm.s32 @!p1 $0x1082;
	[sflag:s4] =	ssyncset.s32 $0xFFFFF086  }
0x25: {  	[simem:s6], [sflag:s4] =	dma.local [hbm:s3], $0xF7A  }
0x26: {  	[smem:$0x3F8D] =	sst s1;
	(tag) =	ssettag s2;
	_ =	strace s9  }
0x27: {  	s1 =	sld [smem:$0x3F9D]  }
0x28: {  	s2 =	sld [smem:$0x3F9E]  }
0x29: {  	s4 =	sld [smem:$0x3FA0]  }
0x2a: {  	p0 =	seq.s32 s5, $0x0;
	s5 =	sld [smem:$0x3FA1]  }
0x2b: {  	s6 =	sld [smem:$0x3FA2]  }
0x2c: {  	s7 =	sld [smem:$0x3FA3]  }
0x2d: {  	s3 =	simm.s32 $0x108;
	s8 =	sld [smem:$0x3FA4]  }
0x2e: {  	s3 =	simm.s32 @!p0 $0x1082;
	s9 =	sld [smem:$0x3FA5]  }
0x2f: {  	lr =	sadd.s32 s0, s3;
	s0 =	sld [smem:$0x3F9C]  }
0x30: {  	s3 =	sld [smem:$0x3F9F]  }
0x31: {  	[smem:$0x3FA8] =	sst s10  }
0x32: {  	s10 =	sld [smem:$0x3FA6];
	_ =	sdelay $0x3  }
0x33: {  	p0 =	seq.s32 s10, $0x1;
	s10 =	sld [smem:$0x3FA8];
	_ =	sdelay $0x3  }
0x34: {  	[smem:$0x3FA8] =	sst s10  }
0x35: {  	s10 =	sld [smem:$0x3FA7];
	_ =	sdelay $0x3  }
0x36: {  	p1 =	seq.s32 s10, $0x1;
	s10 =	sld [smem:$0x3FA8];
	_ =	sdelay $0x3  }
0x37: {  	[smem:$0x3FA8] =	sst s10  }
0x38: {  	s10 =	sld [smem:$0x3FA9]  }
0x39: {  	_ = 	snop;
	(pc) =	sbr.ind lr, $3  }
0x3a: {  	_ = 	snop  }
0x3b: {  	_ = 	snop  }
0x3c: {  	p2 =	seq.s32 s10, $0x1;
	s10 =	sld [smem:$0x3FA8]  }
0x3d: {  	_ =	shalt  }
0x3e: {  	_ =	shalt  }
0x3f: {  	_ =	shalt  }
0x40: {  	_ =	shalt  }
0x41: {  	_ =	shalt  }
0x42: {  	_ =	shalt  }
0x43: {  	_ =	shalt  }
0x44: {  	_ =	shalt  }
0x45: {  	_ =	shalt  }
0x46: {  	_ =	shalt  }
0x47: {  	_ =	shalt  }
0x48: {  	_ =	shalt  }
0x49: {  	_ =	shalt  }
0x4a: {  	_ =	shalt  }
0x4b: {  	_ =	shalt  }
0x4c: {  	_ =	shalt  }
0x4d: {  	_ =	shalt  }
0x4e: {  	_ =	shalt  }
0x4f: {  	_ =	shalt  }
0x50: {  	_ =	shalt  }
0x51: {  	_ =	shalt  }
0x52: {  	_ =	shalt  }
0x53: {  	_ =	shalt  }
0x54: {  	_ =	shalt  }
0x55: {  	_ =	shalt  }
0x56: {  	_ =	shalt  }
0x57: {  	_ =	shalt  }
0x58: {  	_ =	shalt  }
0x59: {  	_ =	shalt  }
0x5a: {  	_ =	shalt  }
0x5b: {  	_ =	shalt  }
0x5c: {  	_ =	shalt  }
0x5d: {  	_ =	shalt  }
0x5e: {  	_ =	shalt  }
0x5f: {  	_ =	shalt  }
0x60: {  	_ =	shalt  }
0x61: {  	_ =	shalt  }
0x62: {  	_ =	shalt  }
0x63: {  	_ =	shalt  }
0x64: {  	_ =	shalt  }
0x65: {  	_ =	shalt  }
0x66: {  	_ =	shalt  }
0x67: {  	_ =	shalt  }
0x68: {  	_ =	shalt  }
0x69: {  	_ =	shalt  }
0x6a: {  	_ =	shalt  }
0x6b: {  	_ =	shalt  }
0x6c: {  	_ =	shalt  }
0x6d: {  	_ =	shalt  }
0x6e: {  	_ =	shalt  }
0x6f: {  	_ =	shalt  }
0x70: {  	_ =	shalt  }
0x71: {  	_ =	shalt  }
0x72: {  	_ =	shalt  }
0x73: {  	_ =	shalt  }
0x74: {  	_ =	shalt  }
0x75: {  	_ =	shalt  }
0x76: {  	_ =	shalt  }
0x77: {  	_ =	shalt  }
0x78: {  	_ =	shalt  }
0x79: {  	_ =	shalt  }
0x7a: {  	_ =	shalt  }
0x7b: {  	_ =	shalt  }
0x7c: {  	_ =	shalt  }
0x7d: {  	_ =	shalt  }
0x7e: {  	_ =	shalt  }
0x7f: {  	_ =	shalt  }
0x80: {  	_ =	shalt  }
0x81: {  	_ =	shalt  }
0x82: {  	_ =	shalt  }
0x83: {  	_ =	shalt  }
0x84: {  	_ =	shalt  }
0x85: {  	_ =	shalt  }
0x86: {  	_ =	shalt  }
0x87: {  	_ =	shalt  }
.Lfunc_end0:
.L_simem_size_0:
called_computation_lowered:
.L_overlay_start_0:
0x88: {  	s2 =	sld [smem:$0x3FD9]  }
0x89: {  	s3 =	sld [smem:$0x3FFE];
	_ =	sdelay $0x1  }
0x8a: {  	s1 =	srdreg.scid  }
0x8b: {  	s0 =	sand.u32 $0x1, s1  }
0x8c: {  	s15 =	sshll.u32 s0, $0xA;
	s2 =	sadd.s32 s3, s2  }
0x8d: {  	s2 =	sadd.s32 s2, s15  }
0x8e: {  	[smem:$0x3FB4] =	sst s2  }
0x8f: {  	_ = 	snop  }
0x90: {  	s2 =	sld [smem:$0x3FD0];
	_ =	sdelay $0x2  }
0x91: {  	s16 =	simm.s32 $0xB;
	s4 =	simm.s32 $0x10  }
0x92: {  	[smem:s4], [sflag:s16] =	dma.local [hbm:s2], $0x1  }
0x93: {  	_ =	swait.eq [sflag:s16], $0x1  }
0x94: {  	[sflag:s16] =	ssyncset.done $0x0  }
0x95: {  	[sflag:s16] =	ssyncadd.s32 $0xFFFFFFFF  }
0x96: {  	s17 =	sld [smem:$0x10];
	(tm) =	ssettm $0x1  }
0x97: {  	s18 =	sld [smem:$0x3FFB];
	_ =	sdelay $0x3  }
0x98: {  	_ =	strace s18  }
0x99: {  	s2 =	sld [smem:$0x3FFC];
	_ =	sdelay $0x3  }
0x9a: {  	_ =	strace s2  }
0x9b: {  	s2 =	sld [smem:$0x3FFD];
	_ =	sdelay $0x3  }
0x9c: {  	_ =	strace s2  }
0x9d: {  	_ =	strace $0x8FFFFFFF  }
0x9e: {  	s19 =	sld [smem:$0x3FDB];
	_ =	sdelay $0x1  }
0x9f: {  	s20 =	simm.s32 $_scs_section_size  }
0xa0: {  	s5 =	simm.s32 $_size__tile_overlayer_lowered;
	s6 =	simm.s32 $_tile_overlayer_lowered  }
0xa1: {  	s7 =	simm.s32 $0x1BFF;
	s21 =	sshll.u32 s6, $0x1;
	s4 =	sadd.s32 s20, s19  }
0xa2: {  	s22 =	simm.s32 $0x0;
	s5 =	sshll.u32 s5, $0x1;
	s6 =	sadd.s32 s21, s4  }
0xa3: {  	[timem:s22], [sflag:s7] =	dma.local [hbm:s6], s5  }
0xa4: {  	_ =	swait.ge [sflag:s7], s5  }
0xa5: {  	s5 =	ssub.s32 $0x0, s5;
	[sflag:s7] =	ssyncset.done $0x0  }
0xa6: {  	[sflag:s7] =	ssyncadd.s32 s5;
	_ =	sdelay $0x1  }
0xa7: {  	s23 =	simm.s32 $0x1B8B  }
0xa8: {  	_ =	swait.ge [sflag:s23], $0x1  }
0xa9: {  	[sflag:s23] =	ssyncset.done $0x0  }
0xaa: {  	[sflag:s23] =	ssyncadd.s32 $0xFFFFFFFF  }
0xab: {  	s5 =	sld [smem:$0x0]  }
0xac: {  	s6 =	sand.u32 $0xFFFFFFFE, s1  }
0xad: {  	p0 =	sne.s32 s1, s6  }
0xae: {  	s6 =	sshll.u32 @p0 s6, $0xE  }
0xaf: {  	s6 =	sadd.s32 @p0 $0x11B8D, s6;
	s7 =	sshll.u32 @p0 s5, $0x11  }
0xb0: {  	s6 =	sor.u32 @p0 s7, s6  }
0xb1: {  	[sflag:s6] =	ssyncadd.remote.s32 @p0 $0x1;
	_ =	sdelay $0x1  }
0xb2: {  	s6 =	simm.s32 @p0 $0x1B8D  }
0xb3: {  	_ =	swait.eq @p0 [sflag:s6], $0x1  }
0xb4: {  	[sflag:s6] =	ssyncadd.s32 @p0 $0xFFFFFFFF  }
0xb5: {  	s7 =	sshll.u32 @!p0 s1, $0xE  }
0xb6: {  	s7 =	sor.u32 @!p0 $0x4000, s7;
	s6 =	simm.s32 @!p0 $0x1B8D  }
0xb7: {  	s5 =	sshll.u32 @!p0 s5, $0x11;
	s7 =	sadd.s32 @!p0 $0x11B8D, s7;
	_ =	swait.eq @!p0 [sflag:s6], $0x1  }
0xb8: {  	s5 =	sor.u32 @!p0 s5, s7;
	[sflag:s6] =	ssyncadd.s32 @!p0 $0xFFFFFFFF  }
0xb9: {  	s25 =	simm.s32 $0x1B8E;
	s24 =	sld [smem:$0x3FFE];
	[sflag:s5] =	ssyncadd.remote.s32 @!p0 $0x1  }
0xba: {  	s26 =	simm.s32 $execute0_lowered;
	[smem:$0x3FD2] =	sst s25  }
0xbb: {  	s6 =	sshll.u32 s26, $0x1;
	_ =	strace $0x80000049;
	[dreg:$0x1] =	wrdreg $0xFFFFFFFF  }
0xbc: {  	s28 =	simm.s32 $_size_execute0_lowered;
	s4 =	sadd.s32 s4, s6;
	[dreg:$0x0] =	wrdreg $0x0  }
0xbd: {  	s6 =	sshll.u32 s28, $0x1;
	[dreg:$0x2] =	wrdreg s4  }
0xbe: {  	[dreg:$0x3] =	wrdreg s6  }
0xbf: {  	[dreg:$0x4] =	wrdreg $0xC0  }
0xc0: {  	_ =	task [dreg:s22], $0x5FFFF  }
0xc1: {  	[dreg:$0x1] =	wrdreg $0xFFFFFFFF  }
0xc2: {  	[dreg:$0x0] =	wrdreg $0x60  }
0xc3: {  	[dreg:$0x2] =	wrdreg s17  }
0xc4: {  	[dreg:$0x3] =	wrdreg s24  }
0xc5: {  	[dreg:$0x4] =	wrdreg $0x9  }
0xc6: {  	_ =	task.clear_ibuf [dreg:s22], $0x5FFFF;
	_ =	strace $0x90000049  }
0xc7: {  	s29 =	simm.s32 $0x9;
	_ =	strace $0x8000004B  }
0xc8: {  	_ =	swait.ge [sflag:s29], $0x1  }
0xc9: {  	[sflag:s29] =	ssyncadd.s32 $0xFFFFFFFF  }
0xca: {  	_ =	strace $0x9000004B  }
0xcb: {  	_ =	sfence  }
0xcc: {  	s30 =	sld [smem:$0x0];
	_ =	sdelay $0x2  }
0xcd: {  	s31 =	sshll.u32 s1, $0xD;
	s1 =	sshrl.u32 s1, $0x2  }
0xce: {  	s4 =	sand.u32 $0x4000, s31;
	s1 =	sadd.s32 s1, s30  }
0xcf: {  	s0 =	sor.u32 s4, s0;
	s1 =	sshll.u32 s1, $0x11  }
0xd0: {  	s0 =	sor.u32 s1, s0  }
0xd1: {  	s0 =	sadd.s32 $0x8F2B, s0  }
0xd2: {  	[sflag:s0] =	ssyncadd.remote.s32 $0x1  }
0xd3: {  	_ =	sfence.sel $0xFFFF  }
0xd4: {  	[dreg:$0x0] =	wrdreg $0xFFFFFFFF;
	(pc) =	sbr.abs _section_cstart, $3  }
0xd5: {  	[dreg:$0x1] =	wrdreg $0xFFFFFFFF  }
0xd6: {  	_ =	task.clear_ibuf [dreg:s22], $0x2FFFF;
	_ =	strace $0x9FFFFFFF  }
0xd7: {  	(tm) =	ssettm $0x7FFFFFFF  }
tec
execute0_lowered:
.L_overlay_start_1:
0x0: {  	(tag) =	ssettag $0x1  }
0x1: {  	s2 =	rddreg [dreg:$0x0]  }
0x2: {  	s7 =	rddreg [dreg:$0x1]  }
0x3: {  	s0 =	rddreg [dreg:$0x2]  }
0x4: {  	s4 =	srdreg.scid;
	s1 =	stileid.u32;
	s3 =	simm.s32 $0x0  }
0x5: {  	s13 =	simm.s32 $0x200;
	s14 =	simm.s32 $0x280;
	s15 =	simm.s32 $0x80  }
0x6: {  	s16 =	simm.s32 $0x1;
	s17 =	simm.s32 $0x28;
	s18 =	simm.s32 $0x400  }
0x7: {  	s19 =	simm.s32 $0x4000;
	s20 =	simm.s32 $0x8;
	s21 =	simm.s32 $0x7  }
0x8: {  	s22 =	simm.s32 $0x0;
	s8 =	sand.u32 $0x1, s4;
	s30 =	sshll.u32 s1, $0x1  }
0x9: {  	[smem:$0x7FF] =	sst s3;
	s5 =	sadd.s32 $0x4200, s7;
	s4 =	sor.u32 s8, s30  }
0xa: {  	s6 =	sadd.s32 $0xE000, s7;
	s8 =	ssub.s32 $0x2, s8;
	s4 =	smul.u32 $0x1388, s4  }
0xb: {  	s7 =	sadd.s32 $0x288E00, s7;
	_ =	strace $0x8000004A;
	s9 =	sshrl.u32 s8, $0x1  }
0xc: {  	s12 =	ssub.s32 s8, s9;
	s10 =	sadd.s32 $0x28, s4;
	s31 =	sshrl.u32 s4, $0x3  }
0xd: {  	s12 =	smax.u32 s12, $0x1;
	s11 =	sshrl.u32 s10, $0x3;
	s8 =	sadd.s32 s6, s31  }
0xe: {  	v0 =	vimm.f32 $0.0e+00;
	s9 =	sadd.s32 s5, s31;
	s10 =	sadd.s32 s6, s11;
	s11 =	sadd.s32 s5, s11  }
.LBB2_1:
0xf: {  	s23 =	simm.s32 $0x0;
	s24 =	simm.s32 $0x200  }
.LBB2_2:
0x10: {  	p0 =	sne.s32 s24, $0x4E00;
	[tilespmem:s23+$0x9070] =	vst v0  }
0x11: {  	[tilespmem:s23+$0x7C30] =	vst v0  }
0x12: {  	[tilespmem:s23+$0x7C40] =	vst v0  }
0x13: {  	[tilespmem:s23+$0x7C50] =	vst v0  }
0x14: {  	[tilespmem:s23+$0x7C60] =	vst v0  }
.Ltmp0:
0x15: {  	[tilespmem:s23+$0x7C70] =	vst v0;
	(pc) =	sbr.rel @p0 .LBB2_2-.Ltmp0, $4  }
0x16: {  	[tilespmem:s23+$0x9030] =	vst v0  }
0x17: {  	[tilespmem:s23+$0x9040] =	vst v0  }
0x18: {  	[tilespmem:s23+$0x9050] =	vst v0  }
0x19: {  	[tilespmem:s23+$0x9060] =	vst v0;
	s23 =	sshra.s32 s24, $0x2;
	s24 =	sadd.s32 $0x200, s24  }
0x1a: {  	[tilespmem:s23+$0x9070] =	vst v0  }
0x1b: {  	[tilespmem:s23+$0x7C30] =	vst v0  }
0x1c: {  	[tilespmem:s23+$0x7C40] =	vst v0  }
0x1d: {  	[tilespmem:s23+$0x7C50] =	vst v0  }
0x1e: {  	[tilespmem:s23+$0x7C60] =	vst v0  }
0x1f: {  	[tilespmem:s23+$0x7C70] =	vst v0  }
0x20: {  	[tilespmem:s23+$0x9030] =	vst v0  }
0x21: {  	[tilespmem:s23+$0x9040] =	vst v0  }
0x22: {  	[tilespmem:s23+$0x9050] =	vst v0  }
0x23: {  	[tilespmem:s23+$0x9060] =	vst v0;
	s23 =	simm.s32 $0x0  }
0x24: {  	[tilespmem:s13], [sflag:$0x1] =	stream.linear.gather [hbm4b:s8+s23], $0x28, $0x38;
	[tilespmem:$0xA400] =	vst v63  }
0x25: {  	_ = 	snop  }
0x26: {  	[tilespmem:s23], [sflag:$0x1] =	stream.linear.gather [hbm4b:s9+s23], $0x28, $0x38;
	[tilespmem:$0xA400] =	vst v63  }
0x27: {  	_ = 	snop  }
0x28: {  	[tilespmem:s14], [sflag:$0x2] =	stream.linear.gather [hbm4b:s10+s23], $0x28, $0x38;
	[tilespmem:$0xA400] =	vst v63  }
0x29: {  	_ = 	snop  }
0x2a: {  	[tilespmem:s15], [sflag:$0x2] =	stream.linear.gather [hbm4b:s11+s23], $0x28, $0x38;
	[tilespmem:$0xA400] =	vst v63  }
0x2b: {  	_ =	swait.ge [sflag:s16], $0x28  }
0x2c: {  	[sflag:s16] =	ssyncset.done $0x0  }
0x2d: {  	[sflag:s16] =	ssyncadd.s32 $0xFFFFFFD8  }
0x2e: {  	_ =	swait.ge [sflag:s16], $0x28  }
0x2f: {  	[sflag:s16] =	ssyncset.done $0x0  }
0x30: {  	[sflag:s16] =	ssyncadd.s32 $0xFFFFFFD8  }
0x31: {  	[tilespmem:s18], [sflag:$0x4] =	stream.indirect.gather [hbm4b:s2+s17], $0x80, s13, s17, $0xb8;
	[tilespmem:$0xA400] =	vst v63  }
0x32: {  	_ = 	snop  }
0x33: {  	[tilespmem:s19], [sflag:$0x4] =	stream.indirect.gather [hbm4b:s2+s17], $0x80, s23, s17, $0xb8;
	[tilespmem:$0xA400] =	vst v63  }
.LBB2_4:
0x34: {  	p0 =	sgt.u32 s23, $0x7A  }
.Ltmp1:
0x35: {  	_ = 	snop;
	(pc) =	sbr.rel @p0 .LBB2_6-.Ltmp1, $1  }
0x36: {  	_ =	sdelay $0x3  }
0x37: {  	s24 =	sadd.s32 $0x2, s23  }
0x38: {  	s25 =	smul.u32 $0xAB, s24;
	_ =	sdelay $0x1  }
0x39: {  	s25 =	sshrl.u32 s25, $0x9  }
0x3a: {  	s26 =	smul.u32 $0x28, s24;
	s25 =	sand.u32 $0x7F, s25  }
0x3b: {  	s25 =	smul.u32 $0x3, s25;
	_ =	sdelay $0x1  }
0x3c: {  	s30 =	sadd.s32 s4, s26;
	s24 =	ssub.s32 s24, s25  }
0x3d: {  	s25 =	sshrl.u32 s30, $0x3;
	s24 =	sand.u32 $0xFF, s24  }
0x3e: {  	s29 =	sadd.s32 s6, s25;
	s31 =	sshll.u32 s24, $0x7  }
.Ltmp2:
0x3f: {  	s24 =	sadd.s32 $0x1, s24;
	s28 =	sor.u32 $0x200, s31;
	(pc) =	sbr.rel .LBB2_7-.Ltmp2, $4  }
0x40: {  	[tilespmem:s28], [sflag:s24] =	stream.linear.gather [hbm4b:s29+s3], $0x28, $0x38;
	[tilespmem:$0xA400] =	vst v63  }
0x41: {  	s25 =	sadd.s32 s5, s25  }
0x42: {  	[tilespmem:s31], [sflag:s24] =	stream.linear.gather [hbm4b:s25+s3], $0x28, $0x38;
	[tilespmem:$0xA400] =	vst v63  }
0x43: {  	s25 =	sadd.s32 $0x1, s23  }
.LBB2_6:
0x44: {  	p0 =	seq.s32 s23, $0x7C  }
.Ltmp3:
0x45: {  	_ = 	snop;
	(pc) =	sbr.rel @p0 .LBB2_8-.Ltmp3, $2  }
0x46: {  	_ =	sdelay $0x2  }
0x47: {  	s25 =	simm.s32 $0x7C;
	s24 =	simm.s32 $0x7D  }
.LBB2_7:
0x48: {  	s24 =	smul.u32 $0xAB, s25;
	_ =	sdelay $0x1  }
0x49: {  	s24 =	sshrl.u32 s24, $0x9  }
0x4a: {  	s24 =	sand.u32 $0x7F, s24  }
0x4b: {  	s24 =	smul.u32 $0x3, s24;
	_ =	sdelay $0x1  }
0x4c: {  	s24 =	ssub.s32 s25, s24  }
0x4d: {  	s24 =	sand.u32 $0xFF, s24  }
0x4e: {  	s26 =	sadd.s32 $0x1, s24  }
0x4f: {  	_ =	swait.ge [sflag:s26], $0x28  }
0x50: {  	[sflag:s26] =	ssyncset.done $0x0  }
0x51: {  	[sflag:s26] =	ssyncadd.s32 $0xFFFFFFD8  }
0x52: {  	s29 =	smul.u32 $0x1400, s24;
	_ =	swait.ge [sflag:s26], $0x28  }
0x53: {  	s28 =	sshll.u32 s24, $0x7;
	s24 =	sor.u32 $0x4, s24;
	[sflag:s26] =	ssyncset.done $0x0  }
0x54: {  	s30 =	sor.u32 $0x200, s28;
	s31 =	sadd.s32 $0x400, s29;
	[sflag:s26] =	ssyncadd.s32 $0xFFFFFFD8  }
0x55: {  	[tilespmem:s31], [sflag:s24] =	stream.indirect.gather [hbm4b:s2+s17], $0x80, s30, s17, $0xb8;
	[tilespmem:$0xA400] =	vst v63  }
0x56: {  	s31 =	sor.u32 $0x4000, s29  }
0x57: {  	[tilespmem:s31], [sflag:s24] =	stream.indirect.gather [hbm4b:s2+s17], $0x80, s28, s17, $0xb8;
	[tilespmem:$0xA400] =	vst v63  }
0x58: {  	s24 =	smov.u32 s25  }
.LBB2_8:
0x59: {  	s25 =	sand.u32 $0xFF, s23  }
0x5a: {  	s25 =	smul.u32 $0xAB, s25;
	_ =	sdelay $0x1  }
0x5b: {  	s25 =	sshrl.u32 s25, $0x9  }
0x5c: {  	s25 =	smul.u32 $0x3, s25;
	_ =	sdelay $0x1  }
0x5d: {  	s25 =	ssub.s32 s23, s25  }
0x5e: {  	s25 =	sand.u32 $0xFF, s25  }
0x5f: {  	s26 =	sadd.s32 $0x4, s25  }
0x60: {  	s25 =	smul.u32 $0x5000, s25;
	_ =	swait.ge [sflag:s26], $0x1400  }
0x61: {  	[sflag:s26] =	ssyncset.done $0x0  }
0x62: {  	s28 =	sshrl.u32 s25, $0x2;
	[sflag:s26] =	ssyncadd.s32 $0xFFFFEC00  }
0x63: {  	p0 =	slt.u32 s23, $0x2;
	s29 =	sadd.s32 $0x500, s28;
	_ =	swait.ge [sflag:s26], $0x1400  }
0x64: {  	s25 =	sand.u32 $0x1, s23;
	s28 =	sadd.s32 $0x4120, s28;
	v1 =	vmov s29;
	[sflag:s26] =	ssyncset.done $0x0  }
0x65: {  	v2 =	vmov s28;
	[sflag:s26] =	ssyncadd.s32 $0xFFFFEC00;
	s26 =	sadd.s32 @!p0 $0x7, s25  }
0x66: {  	_ =	swait.ge @!p0 [sflag:s26], $0x1400  }
0x67: {  	[sflag:s26] =	ssyncset.done @!p0 $0x0  }
0x68: {  	s28 =	smul.u32 $0x5000, s25;
	[sflag:s26] =	ssyncadd.s32 @!p0 $0xFFFFEC00;
	s26 =	simm.s32 $0x0  }
0x69: {  	v4 =	vld.idx.msk [tilespmem:v1+s26+$0xFFFFFF00 ss:$0x1], $0xffff  }
0x6a: {  	s28 =	sshrl.u32 s28, $0x2;
	v5 =	vld.idx.msk [tilespmem:v2+s26+$0xFFFFFF00 ss:$0x1], $0xffff  }
0x6b: {  	s29 =	sadd.s32 $0x7D00, s28  }
0x6c: {  	v3 =	vmov s29;
	_ =	sdelay $0x2  }
0x6d: {  	v4 =	vadd.f32 v5, v4;
	_ =	sdelay $0x1  }
0x6e: {  	[tilespmem:v3+s26+$0xFFFFFF00 ss:$0x1] =	vst.idx.msk $0xffff, v4  }
0x6f: {  	v4 =	vld.idx.msk [tilespmem:v1+s26+$0xFFFFFF10 ss:$0x1], $0xffff  }
0x70: {  	v5 =	vld.idx.msk [tilespmem:v2+s26+$0xFFFFFF10 ss:$0x1], $0xffff;
	_ =	sdelay $0x4  }
0x71: {  	v4 =	vadd.f32 v5, v4;
	_ =	sdelay $0x1  }
0x72: {  	[tilespmem:v3+s26+$0xFFFFFF10 ss:$0x1] =	vst.idx.msk $0xffff, v4  }
0x73: {  	v4 =	vld.idx.msk [tilespmem:v1+s26+$0xFFFFFF40 ss:$0x1], $0xffff  }
0x74: {  	v5 =	vld.idx.msk [tilespmem:v2+s26+$0xFFFFFF20 ss:$0x1], $0xffff;
	_ =	sdelay $0x4  }
0x75: {  	v4 =	vsub.f32 v4, v5;
	_ =	sdelay $0x1  }
0x76: {  	[tilespmem:v3+s26+$0xFFFFFF20 ss:$0x1] =	vst.idx.msk $0xffff, v4  }
0x77: {  	v4 =	vld.idx.msk [tilespmem:v1+s26+$0xFFFFFF80 ss:$0x1], $0xffff  }
0x78: {  	v5 =	vld.idx.msk [tilespmem:v2+s26+$0xFFFFFF80 ss:$0x1], $0xffff;
	_ =	sdelay $0x4  }
0x79: {  	v4 =	vadd.f32 v5, v4;
	_ =	sdelay $0x1  }
0x7a: {  	[tilespmem:v3+s26+$0xFFFFFF80 ss:$0x1] =	vst.idx.msk $0xffff, v4  }
0x7b: {  	v4 =	vld.idx.msk [tilespmem:v1+s26+$0xFFFFFF90 ss:$0x1], $0xffff  }
0x7c: {  	v5 =	vld.idx.msk [tilespmem:v2+s26+$0xFFFFFF90 ss:$0x1], $0xffff;
	_ =	sdelay $0x4  }
0x7d: {  	v4 =	vadd.f32 v5, v4;
	_ =	sdelay $0x1  }
0x7e: {  	[tilespmem:v3+s26+$0xFFFFFF90 ss:$0x1] =	vst.idx.msk $0xffff, v4  }
0x7f: {  	v4 =	vld.idx.msk [tilespmem:v1+s26+$0xFFFFFFC0 ss:$0x1], $0xffff  }
0x80: {  	v5 =	vld.idx.msk [tilespmem:v2+s26+$0xFFFFFFA0 ss:$0x1], $0xffff;
	_ =	sdelay $0x4  }
0x81: {  	v4 =	vsub.f32 v4, v5;
	_ =	sdelay $0x1  }
0x82: {  	[tilespmem:v3+s26+$0xFFFFFFA0 ss:$0x1] =	vst.idx.msk $0xffff, v4  }
0x83: {  	v4 =	vld.idx.msk [tilespmem:v1+s26+$0x0 ss:$0x1], $0xffff  }
0x84: {  	v5 =	vld.idx.msk [tilespmem:v2+s26+$0x0 ss:$0x1], $0xffff;
	_ =	sdelay $0x4  }
0x85: {  	v4 =	vadd.f32 v5, v4;
	_ =	sdelay $0x1  }
0x86: {  	[tilespmem:v3+s26+$0x0 ss:$0x1] =	vst.idx.msk $0xffff, v4  }
0x87: {  	v4 =	vld.idx.msk [tilespmem:v1+s26+$0x10 ss:$0x1], $0xffff  }
0x88: {  	v5 =	vld.idx.msk [tilespmem:v2+s26+$0x10 ss:$0x1], $0xffff;
	_ =	sdelay $0x4  }
0x89: {  	v4 =	vadd.f32 v5, v4;
	_ =	sdelay $0x1  }
0x8a: {  	[tilespmem:v3+s26+$0x10 ss:$0x1] =	vst.idx.msk $0xffff, v4  }
0x8b: {  	v4 =	vld.idx.msk [tilespmem:v1+s26+$0x40 ss:$0x1], $0xffff  }
0x8c: {  	v5 =	vld.idx.msk [tilespmem:v2+s26+$0x20 ss:$0x1], $0xffff;
	_ =	sdelay $0x4  }
0x8d: {  	v4 =	vsub.f32 v4, v5;
	_ =	sdelay $0x1  }
0x8e: {  	[tilespmem:v3+s26+$0x20 ss:$0x1] =	vst.idx.msk $0xffff, v4  }
0x8f: {  	v4 =	vld.idx.msk [tilespmem:v1+s26+$0x80 ss:$0x1], $0xffff  }
0x90: {  	v5 =	vld.idx.msk [tilespmem:v2+s26+$0x80 ss:$0x1], $0xffff;
	_ =	sdelay $0x4  }
0x91: {  	v4 =	vadd.f32 v5, v4;
	_ =	sdelay $0x1  }
0x92: {  	[tilespmem:v3+s26+$0x80 ss:$0x1] =	vst.idx.msk $0xffff, v4  }
0x93: {  	v4 =	vld.idx.msk [tilespmem:v1+s26+$0x90 ss:$0x1], $0xffff  }
0x94: {  	s28 =	sadd.s32 $0x7C00, s28;
	s29 =	simm.s32 $0x800;
	v5 =	vld.idx.msk [tilespmem:v2+s26+$0x90 ss:$0x1], $0xffff  }
.LBB2_9:
0x95: {  	_ =	sdelay $0x3  }
0x96: {  	p0 =	sne.s32 s29, $0x4800;
	s30 =	smov.u32 s29;
	s29 =	sadd.s32 $0x800, s29;
	v4 =	vadd.f32 v5, v4  }
0x97: {  	_ = 	snop  }
0x98: {  	[tilespmem:v3+s26+$0x90 ss:$0x1] =	vst.idx.msk $0xffff, v4  }
0x99: {  	v4 =	vld.idx.msk [tilespmem:v1+s26+$0xC0 ss:$0x1], $0xffff  }
0x9a: {  	v5 =	vld.idx.msk [tilespmem:v2+s26+$0xA0 ss:$0x1], $0xffff;
	_ =	sdelay $0x5  }
0x9b: {  	v4 =	vsub.f32 v4, v5;
	_ =	sdelay $0x1  }
0x9c: {  	[tilespmem:v3+s26+$0xA0 ss:$0x1] =	vst.idx.msk $0xffff, v4;
	s26 =	sshra.s32 s30, $0x2  }
0x9d: {  	v4 =	vld.idx.msk [tilespmem:v1+s26+$0xFFFFFF00 ss:$0x1], $0xffff  }
0x9e: {  	v5 =	vld.idx.msk [tilespmem:v2+s26+$0xFFFFFF00 ss:$0x1], $0xffff;
	_ =	sdelay $0x5  }
0x9f: {  	v4 =	vadd.f32 v5, v4;
	_ =	sdelay $0x1  }
0xa0: {  	[tilespmem:v3+s26+$0xFFFFFF00 ss:$0x1] =	vst.idx.msk $0xffff, v4  }
0xa1: {  	v4 =	vld.idx.msk [tilespmem:v1+s26+$0xFFFFFF10 ss:$0x1], $0xffff  }
0xa2: {  	v5 =	vld.idx.msk [tilespmem:v2+s26+$0xFFFFFF10 ss:$0x1], $0xffff;
	_ =	sdelay $0x5  }
0xa3: {  	v4 =	vadd.f32 v5, v4;
	_ =	sdelay $0x1  }
0xa4: {  	[tilespmem:v3+s26+$0xFFFFFF10 ss:$0x1] =	vst.idx.msk $0xffff, v4  }
0xa5: {  	v4 =	vld.idx.msk [tilespmem:v1+s26+$0xFFFFFF40 ss:$0x1], $0xffff  }
0xa6: {  	v5 =	vld.idx.msk [tilespmem:v2+s26+$0xFFFFFF20 ss:$0x1], $0xffff;
	_ =	sdelay $0x5  }
0xa7: {  	v4 =	vsub.f32 v4, v5;
	_ =	sdelay $0x1  }
0xa8: {  	[tilespmem:v3+s26+$0xFFFFFF20 ss:$0x1] =	vst.idx.msk $0xffff, v4  }
0xa9: {  	v4 =	vld.idx.msk [tilespmem:v1+s26+$0xFFFFFF80 ss:$0x1], $0xffff  }
0xaa: {  	v5 =	vld.idx.msk [tilespmem:v2+s26+$0xFFFFFF80 ss:$0x1], $0xffff;
	_ =	sdelay $0x5  }
0xab: {  	v4 =	vadd.f32 v5, v4;
	_ =	sdelay $0x1  }
0xac: {  	[tilespmem:v3+s26+$0xFFFFFF80 ss:$0x1] =	vst.idx.msk $0xffff, v4  }
0xad: {  	v4 =	vld.idx.msk [tilespmem:v1+s26+$0xFFFFFF90 ss:$0x1], $0xffff  }
0xae: {  	v5 =	vld.idx.msk [tilespmem:v2+s26+$0xFFFFFF90 ss:$0x1], $0xffff;
	_ =	sdelay $0x5  }
0xaf: {  	v4 =	vadd.f32 v5, v4;
	_ =	sdelay $0x1  }
0xb0: {  	[tilespmem:v3+s26+$0xFFFFFF90 ss:$0x1] =	vst.idx.msk $0xffff, v4  }
0xb1: {  	v4 =	vld.idx.msk [tilespmem:v1+s26+$0xFFFFFFC0 ss:$0x1], $0xffff  }
0xb2: {  	v5 =	vld.idx.msk [tilespmem:v2+s26+$0xFFFFFFA0 ss:$0x1], $0xffff;
	_ =	sdelay $0x5  }
0xb3: {  	v4 =	vsub.f32 v4, v5;
	_ =	sdelay $0x1  }
0xb4: {  	[tilespmem:v3+s26+$0xFFFFFFA0 ss:$0x1] =	vst.idx.msk $0xffff, v4  }
0xb5: {  	v4 =	vld.idx.msk [tilespmem:v1+s26+$0x0 ss:$0x1], $0xffff  }
0xb6: {  	v5 =	vld.idx.msk [tilespmem:v2+s26+$0x0 ss:$0x1], $0xffff;
	_ =	sdelay $0x5  }
0xb7: {  	v4 =	vadd.f32 v5, v4;
	_ =	sdelay $0x1  }
0xb8: {  	[tilespmem:v3+s26+$0x0 ss:$0x1] =	vst.idx.msk $0xffff, v4  }
0xb9: {  	v4 =	vld.idx.msk [tilespmem:v1+s26+$0x10 ss:$0x1], $0xffff  }
0xba: {  	v5 =	vld.idx.msk [tilespmem:v2+s26+$0x10 ss:$0x1], $0xffff;
	_ =	sdelay $0x5  }
0xbb: {  	v4 =	vadd.f32 v5, v4;
	_ =	sdelay $0x1  }
0xbc: {  	[tilespmem:v3+s26+$0x10 ss:$0x1] =	vst.idx.msk $0xffff, v4  }
0xbd: {  	v4 =	vld.idx.msk [tilespmem:v1+s26+$0x40 ss:$0x1], $0xffff  }
0xbe: {  	v5 =	vld.idx.msk [tilespmem:v2+s26+$0x20 ss:$0x1], $0xffff;
	_ =	sdelay $0x5  }
0xbf: {  	v4 =	vsub.f32 v4, v5;
	_ =	sdelay $0x1  }
0xc0: {  	[tilespmem:v3+s26+$0x20 ss:$0x1] =	vst.idx.msk $0xffff, v4  }
0xc1: {  	v4 =	vld.idx.msk [tilespmem:v1+s26+$0x80 ss:$0x1], $0xffff  }
0xc2: {  	v5 =	vld.idx.msk [tilespmem:v2+s26+$0x80 ss:$0x1], $0xffff;
	_ =	sdelay $0x5  }
.Ltmp4:
0xc3: {  	v4 =	vadd.f32 v5, v4;
	(pc) =	sbr.rel @p0 .LBB2_9-.Ltmp4, $4  }
0xc4: {  	_ = 	snop  }
0xc5: {  	[tilespmem:v3+s26+$0x80 ss:$0x1] =	vst.idx.msk $0xffff, v4  }
0xc6: {  	v4 =	vld.idx.msk [tilespmem:v1+s26+$0x90 ss:$0x1], $0xffff  }
0xc7: {  	v5 =	vld.idx.msk [tilespmem:v2+s26+$0x90 ss:$0x1], $0xffff  }
0xc8: {  	_ =	sdelay $0x3  }
0xc9: {  	v4 =	vadd.f32 v5, v4;
	_ =	sdelay $0x1  }
0xca: {  	[tilespmem:v3+s26+$0x90 ss:$0x1] =	vst.idx.msk $0xffff, v4  }
0xcb: {  	v1 =	vld.idx.msk [tilespmem:v1+s26+$0xC0 ss:$0x1], $0xffff  }
0xcc: {  	v2 =	vld.idx.msk [tilespmem:v2+s26+$0xA0 ss:$0x1], $0xffff;
	_ =	sdelay $0x2  }
0xcd: {  	s23 =	smul.u32 $0x28, s23  }
0xce: {  	p0 =	slt.u32 s24, $0x7D  }
.Ltmp5:
0xcf: {  	s23 =	sadd.s32 s4, s23;
	v1 =	vsub.f32 v1, v2;
	(pc) =	sbr.rel @p0 .LBB2_4-.Ltmp5, $4  }
0xd0: {  	s23 =	sshll.u32 s23, $0x4  }
0xd1: {  	s25 =	sadd.s32 $0x7, s25;
	s23 =	sadd.s32 s7, s23;
	[tilespmem:v3+s26+$0xA0 ss:$0x1] =	vst.idx.msk $0xffff, v1  }
0xd2: {  	[hbm4b:s23+s3] =	stream.linear.scatter [tilespmem:s28], [sflag:s25], $0x1400, $0x38;
	[tilespmem:$0xA400] =	vst v63  }
0xd3: {  	s23 =	smov.u32 s24  }
0xd4: {  	s22 =	sadd.s32 $0x1, s22  }
0xd5: {  	_ =	swait.ge [sflag:s20], $0x1400;
	p0 =	sne.s32 s22, s12  }
.Ltmp6:
0xd6: {  	[sflag:s20] =	ssyncset.done $0x0;
	(pc) =	sbr.rel @p0 .LBB2_1-.Ltmp6, $4  }
0xd7: {  	[sflag:s20] =	ssyncadd.s32 $0xFFFFEC00  }
0xd8: {  	_ =	swait.ge [sflag:s21], $0x1400  }
0xd9: {  	[sflag:s21] =	ssyncset.done $0x0  }
0xda: {  	[sflag:s21] =	ssyncadd.s32 $0xFFFFEC00  }
0xdb: {  	_ =	sfence.sel $0x180000  }
0xdc: {  	[bflag:$0x0] =	sbarrier.arrive $0xFFFF  }
0xdd: {  	p0 =	sne.s32 s1, $0x0;
	_ =	strace $0x9000004A  }
0xde: {  	s0 =	sadd.s32 @!p0 $0x100000, s0;
	[bflag:$0x2] =	sbarrier.arrive $0xFFFF  }
0xdf: {  	[sflag:s0] =	ssyncadd.tile.s32 @!p0 $0x1;
	_ =	shalt  }
.Lfunc_end2:
_tile_overlayer_lowered:
.L_overlay_start_2:
0xe0: {  	(tag) =	ssettag $0x2  }
0xe1: {  	s0 =	rddreg [dreg:$0x0];
	s2 =	stileid.u32  }
0xe2: {  	s1 =	rddreg [dreg:$0x1];
	p0 =	sne.s32 s2, $0x0  }
0xe3: {  	s3 =	rddreg [dreg:$0x2];
	[bflag:$0x3] =	sbarrier.arrive $0xFFFF;
	s2 =	simm.s32 @!p0 $0x1C09  }
0xe4: {  	[timem:s3], [sflag:s2] =	dma.local @!p0 [hbm:s0], s1  }
0xe5: {  	s0 =	simm.s32 @!p0 $0x9  }
0xe6: {  	_ =	swait.ge @!p0 [sflag:s0], s1  }
0xe7: {  	s1 =	ssub.s32 @!p0 $0x0, s1;
	[sflag:s0] =	ssyncset.done @!p0 $0x0  }
0xe8: {  	[sflag:s0] =	ssyncadd.s32 @!p0 s1  }
0xe9: {  	[bflag:$0x3] =	sbarrier.arrive $0xFFFF  }
0xea: {  	_ =	shalt  }

</sc_bundles>
